<compile_context>
chip_gen: v7x
topology: tpu7x:2x2x1
jax: 0.10.2.dev20260603
libtpu: 0.0.44.dev20260713+nightly
codegen_flags: <defaults>
</compile_context>

<pallas_src>
import functools

import jax
import jax.numpy as jnp
from jax import lax
from jax.experimental import pallas as pl
from jax.experimental.pallas import tpu as pltpu
from jax.experimental.pallas import tpu_sc as plsc

B = 4096
L = 200
EMB = 32
HID = 512
NLAB = 50
VEFF = 1000000
VTILE = 2048
NQ = 123
VPAD = NQ * 4 * VTILE

NC = 2
NS = 16
NW = NC * NS
B_PER_W = B // NW
CH = 2
LC0, LC1 = 96, 104
NCHUNK = B_PER_W * CH
N_ACC = 4

_mesh = plsc.VectorSubcoreMesh(core_axis_name="c", subcore_axis_name="s")


@functools.partial(
    pl.kernel,
    mesh=_mesh,
    compiler_params=pltpu.CompilerParams(use_tc_tiling_on_sc=False),
    out_type=jax.ShapeDtypeStruct((B, EMB), jnp.float32),
    scratch_types=[
        pltpu.VMEM((B_PER_W, L), jnp.int32),
        pltpu.VMEM((B_PER_W, L), jnp.int32),
        pltpu.VMEM((LC0, EMB), jnp.float32),
        pltpu.VMEM((LC1, EMB), jnp.float32),
        pltpu.VMEM((B_PER_W, EMB), jnp.float32),
        pltpu.SemaphoreType.DMA,
        pltpu.SemaphoreType.DMA,
    ],
)
def _pool(msgs_hbm, table_hbm, out_hbm, idx_v, pidx_v, buf0, buf1, acc_v,
          sem0, sem1):
    wid = lax.axis_index("s") * NC + lax.axis_index("c")
    bufs = (buf0, buf1)
    sems = (sem0, sem1)

    pltpu.sync_copy(msgs_hbm.at[pl.ds(wid * B_PER_W, B_PER_W)], idx_v)

    def tx_row(r, carry):
        for c in list(range(0, L - 15, 16)) + [L - 16]:
            v = idx_v[r, pl.ds(c, 16)]
            pidx_v[r, pl.ds(c, 16)] = (
                (v & -512) + ((v & 127) << 2) + ((v >> 7) & 3))
        return carry

    lax.fori_loop(0, B_PER_W, tx_row, 0)

    def copy_desc(j, which):
        if which == 0:
            sl = pl.ds(0, LC0)
        else:
            sl = pl.ds(LC0, LC1)
        return pltpu.make_async_copy(
            table_hbm.at[pidx_v.at[j // CH, sl]],
            bufs[which], sems[which],
        )

    def gather(j, which):
        copy_desc(j, which).start()

    def accum(buf, nrows):
        zero = jnp.zeros((16,), jnp.float32)
        parts = [[zero] * N_ACC, [zero] * N_ACC]
        for l in range(nrows):
            k = l % N_ACC
            parts[0][k] = parts[0][k] + buf[l, pl.ds(0, 16)]
            parts[1][k] = parts[1][k] + buf[l, pl.ds(16, 16)]
        lo = (parts[0][0] + parts[0][1]) + (parts[0][2] + parts[0][3])
        hi = (parts[1][0] + parts[1][1]) + (parts[1][2] + parts[1][3])
        return lo, hi

    gather(0, 0)

    def body(m, carry):
        j = m * CH
        gather(j + 1, 1)
        copy_desc(j, 0).wait()
        lo0, hi0 = accum(buf0, LC0)

        @pl.when(j + 2 < NCHUNK)
        def _():
            gather(j + 2, 0)

        copy_desc(j + 1, 1).wait()
        lo1, hi1 = accum(buf1, LC1)

        acc_v[m, pl.ds(0, 16)] = lo0 + lo1
        acc_v[m, pl.ds(16, 16)] = hi0 + hi1
        return carry

    lax.fori_loop(0, B_PER_W, body, 0)

    pltpu.sync_copy(acc_v, out_hbm.at[pl.ds(wid * B_PER_W, B_PER_W)])


def _tr_body(src_ref, out_ref):
    for g in range(16):
        blk = jnp.concatenate(
            [src_ref[:, pl.ds(512 * g + 128 * i, 128)] for i in range(4)],
            axis=0)
        out_ref[pl.ds(128 * g, 128), :] = blk.T


_transpose = pl.pallas_call(
    _tr_body,
    grid=(NQ,),
    in_specs=[pl.BlockSpec((EMB, 4 * VTILE), lambda q: (0, q))],
    out_specs=pl.BlockSpec((VTILE, 4 * EMB), lambda q: (q, 0)),
    out_shape=jax.ShapeDtypeStruct((NQ * VTILE, 4 * EMB), jnp.float32),
)


BLK = 512


def _mlp_body(pooled_ref, len_ref, w1_ref, b1_ref, w2_ref, b2_ref, w3_ref,
              b3_ref, out_ref):
    avg = pooled_ref[...] / len_ref[...]
    h = jnp.dot(avg, w1_ref[...], precision=lax.Precision.HIGHEST) + b1_ref[...]
    h = jnp.maximum(h, 0.0)
    h = jnp.dot(h, w2_ref[...], precision=lax.Precision.HIGHEST) + b2_ref[...]
    h = jnp.maximum(h, 0.0)
    logits = (jnp.dot(h, w3_ref[...], precision=lax.Precision.HIGHEST)
              + b3_ref[...])
    m = jnp.max(logits, axis=1, keepdims=True)
    e = jnp.exp(logits - m)
    out_ref[...] = e / jnp.sum(e, axis=1, keepdims=True)


_mlp = pl.pallas_call(
    _mlp_body,
    grid=(B // BLK,),
    in_specs=[
        pl.BlockSpec((BLK, EMB), lambda i: (i, 0)),
        pl.BlockSpec((BLK, 1), lambda i: (i, 0)),
        pl.BlockSpec((EMB, HID), lambda i: (0, 0)),
        pl.BlockSpec((1, HID), lambda i: (0, 0)),
        pl.BlockSpec((HID, HID), lambda i: (0, 0)),
        pl.BlockSpec((1, HID), lambda i: (0, 0)),
        pl.BlockSpec((HID, NLAB), lambda i: (0, 0)),
        pl.BlockSpec((1, NLAB), lambda i: (0, 0)),
    ],
    out_specs=pl.BlockSpec((BLK, NLAB), lambda i: (i, 0)),
    out_shape=jax.ShapeDtypeStruct((B, NLAB), jnp.float32),
)


def kernel(msgs, msg_len, embed, W1, b1, W2, b2, W3, b3):
    table = _transpose(embed.T).reshape(VPAD, EMB)
    pooled = _pool(msgs, table)
    len_f = msg_len.astype(jnp.float32).reshape(B, 1)
    return _mlp(pooled, len_f, W1.T, b1.reshape(1, HID), W2.T,
                b2.reshape(1, HID), W3.T, b3.reshape(1, NLAB))

# --- scband reference (transcript-rebuilt; emitter-appended) ---
"""Pipeline reference for scband-dan-48782238548414 (READ-ONLY COPY).

The authoritative reference and input builder live on the scoring server;
editing this copy changes nothing except your own understanding.
"""

import jax, jax.numpy as jnp
import numpy as np

B = 4096
L = 200
VOCAB = 1000001  # max_idx + 1 rows; padding_idx = 0
EMB = 32
HID = 512
NLAB = 50


def setup_inputs(seed: int = 0) -> dict:
    key = jax.random.key(seed)
    ks = jax.random.split(key, 8)
    msgs = jax.random.randint(ks[0], (B, L), 0, 1000000).astype(jnp.int32)
    msg_len = jnp.ones((B,), dtype=jnp.int32)
    embed = jax.random.normal(ks[1], (VOCAB, EMB), dtype=jnp.float32) * 0.02
    embed = embed.at[0].set(0.0)  # padding_idx row zeroed like nn.Embedding
    W1 = jax.random.normal(ks[2], (HID, EMB), dtype=jnp.float32) * (1.0 / np.sqrt(EMB))
    b1 = jnp.zeros((HID,), dtype=jnp.float32)
    W2 = jax.random.normal(ks[3], (HID, HID), dtype=jnp.float32) * (1.0 / np.sqrt(HID))
    b2 = jnp.zeros((HID,), dtype=jnp.float32)
    W3 = jax.random.normal(ks[4], (NLAB, HID), dtype=jnp.float32) * (1.0 / np.sqrt(HID))
    b3 = jnp.zeros((NLAB,), dtype=jnp.float32)
    return {"msgs": msgs, "msg_len": msg_len, "embed": embed,
            "W1": W1, "b1": b1, "W2": W2, "b2": b2, "W3": W3, "b3": b3}


def reference(msgs, msg_len, embed, W1, b1, W2, b2, W3, b3):
    # embedding gather
    embeds = jnp.take(embed, msgs, axis=0)            # [B, L, EMB]
    # embeds[msgs == pad] = 0
    pad_mask = (msgs == 0)
    embeds = jnp.where(pad_mask[..., None], 0.0, embeds)
    # average pooling by provided lengths
    avg = embeds.sum(axis=1) / msg_len[:, None].astype(jnp.float32)  # [B, EMB]
    # hidden MLP: Linear -> ReLU -> Linear -> ReLU -> Linear
    h = avg @ W1.T + b1
    h = jax.nn.relu(h)
    h = h @ W2.T + b2
    h = jax.nn.relu(h)
    h = h @ W3.T + b3                                  # [B, NLAB]
    out = jax.nn.softmax(h, axis=1)
    return out

if __name__ == "__main__":
    import jax
    _d = setup_inputs()
    print(jax.jit(kernel)(*tuple(_d.values())))

</pallas_src>

<mosaic_0001>
#map = affine_map<(d0, d1) -> (0, 0)>
module attributes {stable_mosaic.version = 14 : i64} {
  func.func @_pool(%arg0: i32, %arg1: i32, %arg2: memref<4096x200xi32, #tpu.memory_space<hbm>>, %arg3: memref<1007616x32xf32, #tpu.memory_space<hbm>>, %arg4: memref<4096x32xf32, #tpu.memory_space<hbm>>, %arg5: memref<128x200xi32, #tpu.memory_space<vmem>>, %arg6: memref<128x200xi32, #tpu.memory_space<vmem>>, %arg7: memref<96x32xf32, #tpu.memory_space<vmem>>, %arg8: memref<104x32xf32, #tpu.memory_space<vmem>>, %arg9: memref<128x32xf32, #tpu.memory_space<vmem>>, %arg10: memref<!tpu.dma_semaphore, #tpu.memory_space<semaphore_mem>>, %arg11: memref<!tpu.dma_semaphore, #tpu.memory_space<semaphore_mem>>) attributes {dimension_semantics = [#tpu.dimension_semantics<core_parallel>, #tpu.dimension_semantics<subcore_parallel>], iteration_bounds = array<i64: 2, 16>, scalar_prefetch = 0 : i64, scratch_operands = 7 : i64, tpu.core_type = #tpu.core_type<sc_vector_subcore>, window_params = [{transform_indices = #map}, {transform_indices = #map}, {transform_indices = #map}]} {
    %mul3A = arith.constant 2 : i32
    %mul3A_0 = arith.muli %arg1, %mul3A : i32
    %add3A = arith.addi %mul3A_0, %arg0 : i32
    %mul3A_1 = arith.constant 128 : i32
    %mul3A_2 = arith.muli %add3A, %mul3A_1 : i32
    "tpu.region"() ({
      %run_scoped3A = tpu.sem_alloc : memref<!tpu.dma_semaphore, #tpu.memory_space<semaphore_mem>>
      %dma_start3A_22 = arith.constant 0 : i32
      %dma_start3A_23 = tpu.memref_slice %arg2[%mul3A_2, %dma_start3A_22] : memref<4096x200xi32, #tpu.memory_space<hbm>> -> memref<128x200xi32, #tpu.memory_space<hbm>>
      %dma_start3A_24 = arith.constant 0 : i32
      %dma_start3A_25 = tpu.memref_slice %arg2[%mul3A_2, %dma_start3A_24] : memref<4096x200xi32, #tpu.memory_space<hbm>> -> memref<128x200xi32, #tpu.memory_space<hbm>>
      tpu.enqueue_dma source(%dma_start3A_25 : memref<128x200xi32, #tpu.memory_space<hbm>>) target(%arg5 : memref<128x200xi32, #tpu.memory_space<vmem>>) target_semaphore(%run_scoped3A : memref<!tpu.dma_semaphore, #tpu.memory_space<semaphore_mem>>)
      %dma_wait3A = arith.constant 0 : i32
      %dma_wait3A_26 = tpu.memref_slice %arg2[%mul3A_2, %dma_wait3A] : memref<4096x200xi32, #tpu.memory_space<hbm>> -> memref<128x200xi32, #tpu.memory_space<hbm>>
      %dma_wait3A_27 = arith.constant 0 : i32
      %dma_wait3A_28 = tpu.memref_slice %arg2[%mul3A_2, %dma_wait3A_27] : memref<4096x200xi32, #tpu.memory_space<hbm>> -> memref<128x200xi32, #tpu.memory_space<hbm>>
      tpu.wait_dma2 semaphore(%run_scoped3A : memref<!tpu.dma_semaphore, #tpu.memory_space<semaphore_mem>>) src(%dma_wait3A_28 : memref<128x200xi32, #tpu.memory_space<hbm>>) dst(%arg5 : memref<128x200xi32, #tpu.memory_space<vmem>>)
      tpu.yield
    }) : () -> ()
    %scan3A = arith.constant 0 : i32
    %scan3A_3 = arith.constant 0 : i32
    %scan3A_4 = arith.constant 128 : i32
    %scan3A_5 = arith.addi %scan3A_3, %scan3A_4 : i32
    %scan3A_6 = arith.constant 1 : i32
    scf.for %scan3A_22 = %scan3A_3 to %scan3A_5 step %scan3A_6  : i32 {
      %get3A = arith.index_cast %scan3A_22 : i32 to index
      %get3A_23 = arith.constant 0 : index
      %get3A_24 = tpu.vector_load %arg5[%get3A, %get3A_23] {strides = array<i32>} : memref<128x200xi32, #tpu.memory_space<vmem>>, vector<1x16xi32>,
      %get3A_25 = vector.shape_cast %get3A_24 : vector<1x16xi32> to vector<16xi32>
      %and3A = arith.constant -512 : i32
      %and3A_26 = vector.broadcast %and3A : i32 to vector<16xi32>
      %and3A_27 = arith.andi %get3A_25, %and3A_26 : vector<16xi32>
      %and3A_28 = arith.constant 127 : i32
      %and3A_29 = vector.broadcast %and3A_28 : i32 to vector<16xi32>
      %and3A_30 = arith.andi %get3A_25, %and3A_29 : vector<16xi32>
      %shift_left3A = arith.constant 2 : i32
      %shift_left3A_31 = vector.broadcast %shift_left3A : i32 to vector<16xi32>
      %shift_left3A_32 = arith.shli %and3A_30, %shift_left3A_31 : vector<16xi32>
      %add3A_33 = arith.addi %and3A_27, %shift_left3A_32 : vector<16xi32>
      %shift_right_arithmetic3A = arith.constant 7 : i32
      %shift_right_arithmetic3A_34 = vector.broadcast %shift_right_arithmetic3A : i32 to vector<16xi32>
      %shift_right_arithmetic3A_35 = arith.shrsi %get3A_25, %shift_right_arithmetic3A_34 : vector<16xi32>
      %and3A_36 = arith.constant 3 : i32
      %and3A_37 = vector.broadcast %and3A_36 : i32 to vector<16xi32>
      %and3A_38 = arith.andi %shift_right_arithmetic3A_35, %and3A_37 : vector<16xi32>
      %add3A_39 = arith.addi %add3A_33, %and3A_38 : vector<16xi32>
      %swap3A = arith.index_cast %scan3A_22 : i32 to index
      %swap3A_40 = arith.constant 0 : index
      %swap3A_41 = tpu.vector_load %arg6[%swap3A, %swap3A_40] {strides = array<i32>} : memref<128x200xi32, #tpu.memory_space<vmem>>, vector<1x16xi32>,
      %swap3A_42 = vector.shape_cast %swap3A_41 : vector<1x16xi32> to vector<16xi32>
      %swap3A_43 = vector.shape_cast %add3A_39 : vector<16xi32> to vector<1x16xi32>
      tpu.vector_store %arg6[%swap3A, %swap3A_40], %swap3A_43 {strides = array<i32>} : memref<128x200xi32, #tpu.memory_space<vmem>>, vector<1x16xi32>,
      %get3A_44 = arith.index_cast %scan3A_22 : i32 to index
      %get3A_45 = arith.constant 16 : index
      %get3A_46 = tpu.vector_load %arg5[%get3A_44, %get3A_45] {strides = array<i32>} : memref<128x200xi32, #tpu.memory_space<vmem>>, vector<1x16xi32>,
      %get3A_47 = vector.shape_cast %get3A_46 : vector<1x16xi32> to vector<16xi32>
      %and3A_48 = arith.constant -512 : i32
      %and3A_49 = vector.broadcast %and3A_48 : i32 to vector<16xi32>
      %and3A_50 = arith.andi %get3A_47, %and3A_49 : vector<16xi32>
      %and3A_51 = arith.constant 127 : i32
      %and3A_52 = vector.broadcast %and3A_51 : i32 to vector<16xi32>
      %and3A_53 = arith.andi %get3A_47, %and3A_52 : vector<16xi32>
      %shift_left3A_54 = arith.constant 2 : i32
      %shift_left3A_55 = vector.broadcast %shift_left3A_54 : i32 to vector<16xi32>
      %shift_left3A_56 = arith.shli %and3A_53, %shift_left3A_55 : vector<16xi32>
      %add3A_57 = arith.addi %and3A_50, %shift_left3A_56 : vector<16xi32>
      %shift_right_arithmetic3A_58 = arith.constant 7 : i32
      %shift_right_arithmetic3A_59 = vector.broadcast %shift_right_arithmetic3A_58 : i32 to vector<16xi32>
      %shift_right_arithmetic3A_60 = arith.shrsi %get3A_47, %shift_right_arithmetic3A_59 : vector<16xi32>
      %and3A_61 = arith.constant 3 : i32
      %and3A_62 = vector.broadcast %and3A_61 : i32 to vector<16xi32>
      %and3A_63 = arith.andi %shift_right_arithmetic3A_60, %and3A_62 : vector<16xi32>
      %add3A_64 = arith.addi %add3A_57, %and3A_63 : vector<16xi32>
      %swap3A_65 = arith.index_cast %scan3A_22 : i32 to index
      %swap3A_66 = arith.constant 16 : index
      %swap3A_67 = tpu.vector_load %arg6[%swap3A_65, %swap3A_66] {strides = array<i32>} : memref<128x200xi32, #tpu.memory_space<vmem>>, vector<1x16xi32>,
      %swap3A_68 = vector.shape_cast %swap3A_67 : vector<1x16xi32> to vector<16xi32>
      %swap3A_69 = vector.shape_cast %add3A_64 : vector<16xi32> to vector<1x16xi32>
      tpu.vector_store %arg6[%swap3A_65, %swap3A_66], %swap3A_69 {strides = array<i32>} : memref<128x200xi32, #tpu.memory_space<vmem>>, vector<1x16xi32>,
      %get3A_70 = arith.index_cast %scan3A_22 : i32 to index
      %get3A_71 = arith.constant 32 : index
      %get3A_72 = tpu.vector_load %arg5[%get3A_70, %get3A_71] {strides = array<i32>} : memref<128x200xi32, #tpu.memory_space<vmem>>, vector<1x16xi32>,
      %get3A_73 = vector.shape_cast %get3A_72 : vector<1x16xi32> to vector<16xi32>
      %and3A_74 = arith.constant -512 : i32
      %and3A_75 = vector.broadcast %and3A_74 : i32 to vector<16xi32>
      %and3A_76 = arith.andi %get3A_73, %and3A_75 : vector<16xi32>
      %and3A_77 = arith.constant 127 : i32
      %and3A_78 = vector.broadcast %and3A_77 : i32 to vector<16xi32>
      %and3A_79 = arith.andi %get3A_73, %and3A_78 : vector<16xi32>
      %shift_left3A_80 = arith.constant 2 : i32
      %shift_left3A_81 = vector.broadcast %shift_left3A_80 : i32 to vector<16xi32>
      %shift_left3A_82 = arith.shli %and3A_79, %shift_left3A_81 : vector<16xi32>
      %add3A_83 = arith.addi %and3A_76, %shift_left3A_82 : vector<16xi32>
      %shift_right_arithmetic3A_84 = arith.constant 7 : i32
      %shift_right_arithmetic3A_85 = vector.broadcast %shift_right_arithmetic3A_84 : i32 to vector<16xi32>
      %shift_right_arithmetic3A_86 = arith.shrsi %get3A_73, %shift_right_arithmetic3A_85 : vector<16xi32>
      %and3A_87 = arith.constant 3 : i32
      %and3A_88 = vector.broadcast %and3A_87 : i32 to vector<16xi32>
      %and3A_89 = arith.andi %shift_right_arithmetic3A_86, %and3A_88 : vector<16xi32>
      %add3A_90 = arith.addi %add3A_83, %and3A_89 : vector<16xi32>
      %swap3A_91 = arith.index_cast %scan3A_22 : i32 to index
      %swap3A_92 = arith.constant 32 : index
      %swap3A_93 = tpu.vector_load %arg6[%swap3A_91, %swap3A_92] {strides = array<i32>} : memref<128x200xi32, #tpu.memory_space<vmem>>, vector<1x16xi32>,
      %swap3A_94 = vector.shape_cast %swap3A_93 : vector<1x16xi32> to vector<16xi32>
      %swap3A_95 = vector.shape_cast %add3A_90 : vector<16xi32> to vector<1x16xi32>
      tpu.vector_store %arg6[%swap3A_91, %swap3A_92], %swap3A_95 {strides = array<i32>} : memref<128x200xi32, #tpu.memory_space<vmem>>, vector<1x16xi32>,
      %get3A_96 = arith.index_cast %scan3A_22 : i32 to index
      %get3A_97 = arith.constant 48 : index
      %get3A_98 = tpu.vector_load %arg5[%get3A_96, %get3A_97] {strides = array<i32>} : memref<128x200xi32, #tpu.memory_space<vmem>>, vector<1x16xi32>,
      %get3A_99 = vector.shape_cast %get3A_98 : vector<1x16xi32> to vector<16xi32>
      %and3A_100 = arith.constant -512 : i32
      %and3A_101 = vector.broadcast %and3A_100 : i32 to vector<16xi32>
      %and3A_102 = arith.andi %get3A_99, %and3A_101 : vector<16xi32>
      %and3A_103 = arith.constant 127 : i32
      %and3A_104 = vector.broadcast %and3A_103 : i32 to vector<16xi32>
      %and3A_105 = arith.andi %get3A_99, %and3A_104 : vector<16xi32>
      %shift_left3A_106 = arith.constant 2 : i32
      %shift_left3A_107 = vector.broadcast %shift_left3A_106 : i32 to vector<16xi32>
      %shift_left3A_108 = arith.shli %and3A_105, %shift_left3A_107 : vector<16xi32>
      %add3A_109 = arith.addi %and3A_102, %shift_left3A_108 : vector<16xi32>
      %shift_right_arithmetic3A_110 = arith.constant 7 : i32
      %shift_right_arithmetic3A_111 = vector.broadcast %shift_right_arithmetic3A_110 : i32 to vector<16xi32>
      %shift_right_arithmetic3A_112 = arith.shrsi %get3A_99, %shift_right_arithmetic3A_111 : vector<16xi32>
      %and3A_113 = arith.constant 3 : i32
      %and3A_114 = vector.broadcast %and3A_113 : i32 to vector<16xi32>
      %and3A_115 = arith.andi %shift_right_arithmetic3A_112, %and3A_114 : vector<16xi32>
      %add3A_116 = arith.addi %add3A_109, %and3A_115 : vector<16xi32>
      %swap3A_117 = arith.index_cast %scan3A_22 : i32 to index
      %swap3A_118 = arith.constant 48 : index
      %swap3A_119 = tpu.vector_load %arg6[%swap3A_117, %swap3A_118] {strides = array<i32>} : memref<128x200xi32, #tpu.memory_space<vmem>>, vector<1x16xi32>,
      %swap3A_120 = vector.shape_cast %swap3A_119 : vector<1x16xi32> to vector<16xi32>
      %swap3A_121 = vector.shape_cast %add3A_116 : vector<16xi32> to vector<1x16xi32>
      tpu.vector_store %arg6[%swap3A_117, %swap3A_118], %swap3A_121 {strides = array<i32>} : memref<128x200xi32, #tpu.memory_space<vmem>>, vector<1x16xi32>,
      %get3A_122 = arith.index_cast %scan3A_22 : i32 to index
      %get3A_123 = arith.constant 64 : index
      %get3A_124 = tpu.vector_load %arg5[%get3A_122, %get3A_123] {strides = array<i32>} : memref<128x200xi32, #tpu.memory_space<vmem>>, vector<1x16xi32>,
      %get3A_125 = vector.shape_cast %get3A_124 : vector<1x16xi32> to vector<16xi32>
      %and3A_126 = arith.constant -512 : i32
      %and3A_127 = vector.broadcast %and3A_126 : i32 to vector<16xi32>
      %and3A_128 = arith.andi %get3A_125, %and3A_127 : vector<16xi32>
      %and3A_129 = arith.constant 127 : i32
      %and3A_130 = vector.broadcast %and3A_129 : i32 to vector<16xi32>
      %and3A_131 = arith.andi %get3A_125, %and3A_130 : vector<16xi32>
      %shift_left3A_132 = arith.constant 2 : i32
      %shift_left3A_133 = vector.broadcast %shift_left3A_132 : i32 to vector<16xi32>
      %shift_left3A_134 = arith.shli %and3A_131, %shift_left3A_133 : vector<16xi32>
      %add3A_135 = arith.addi %and3A_128, %shift_left3A_134 : vector<16xi32>
      %shift_right_arithmetic3A_136 = arith.constant 7 : i32
      %shift_right_arithmetic3A_137 = vector.broadcast %shift_right_arithmetic3A_136 : i32 to vector<16xi32>
      %shift_right_arithmetic3A_138 = arith.shrsi %get3A_125, %shift_right_arithmetic3A_137 : vector<16xi32>
      %and3A_139 = arith.constant 3 : i32
      %and3A_140 = vector.broadcast %and3A_139 : i32 to vector<16xi32>
      %and3A_141 = arith.andi %shift_right_arithmetic3A_138, %and3A_140 : vector<16xi32>
      %add3A_142 = arith.addi %add3A_135, %and3A_141 : vector<16xi32>
      %swap3A_143 = arith.index_cast %scan3A_22 : i32 to index
      %swap3A_144 = arith.constant 64 : index
      %swap3A_145 = tpu.vector_load %arg6[%swap3A_143, %swap3A_144] {strides = array<i32>} : memref<128x200xi32, #tpu.memory_space<vmem>>, vector<1x16xi32>,
      %swap3A_146 = vector.shape_cast %swap3A_145 : vector<1x16xi32> to vector<16xi32>
      %swap3A_147 = vector.shape_cast %add3A_142 : vector<16xi32> to vector<1x16xi32>
      tpu.vector_store %arg6[%swap3A_143, %swap3A_144], %swap3A_147 {strides = array<i32>} : memref<128x200xi32, #tpu.memory_space<vmem>>, vector<1x16xi32>,
      %get3A_148 = arith.index_cast %scan3A_22 : i32 to index
      %get3A_149 = arith.constant 80 : index
      %get3A_150 = tpu.vector_load %arg5[%get3A_148, %get3A_149] {strides = array<i32>} : memref<128x200xi32, #tpu.memory_space<vmem>>, vector<1x16xi32>,
      %get3A_151 = vector.shape_cast %get3A_150 : vector<1x16xi32> to vector<16xi32>
      %and3A_152 = arith.constant -512 : i32
      %and3A_153 = vector.broadcast %and3A_152 : i32 to vector<16xi32>
      %and3A_154 = arith.andi %get3A_151, %and3A_153 : vector<16xi32>
      %and3A_155 = arith.constant 127 : i32
      %and3A_156 = vector.broadcast %and3A_155 : i32 to vector<16xi32>
      %and3A_157 = arith.andi %get3A_151, %and3A_156 : vector<16xi32>
      %shift_left3A_158 = arith.constant 2 : i32
      %shift_left3A_159 = vector.broadcast %shift_left3A_158 : i32 to vector<16xi32>
      %shift_left3A_160 = arith.shli %and3A_157, %shift_left3A_159 : vector<16xi32>
      %add3A_161 = arith.addi %and3A_154, %shift_left3A_160 : vector<16xi32>
      %shift_right_arithmetic3A_162 = arith.constant 7 : i32
      %shift_right_arithmetic3A_163 = vector.broadcast %shift_right_arithmetic3A_162 : i32 to vector<16xi32>
      %shift_right_arithmetic3A_164 = arith.shrsi %get3A_151, %shift_right_arithmetic3A_163 : vector<16xi32>
      %and3A_165 = arith.constant 3 : i32
      %and3A_166 = vector.broadcast %and3A_165 : i32 to vector<16xi32>
      %and3A_167 = arith.andi %shift_right_arithmetic3A_164, %and3A_166 : vector<16xi32>
      %add3A_168 = arith.addi %add3A_161, %and3A_167 : vector<16xi32>
      %swap3A_169 = arith.index_cast %scan3A_22 : i32 to index
      %swap3A_170 = arith.constant 80 : index
      %swap3A_171 = tpu.vector_load %arg6[%swap3A_169, %swap3A_170] {strides = array<i32>} : memref<128x200xi32, #tpu.memory_space<vmem>>, vector<1x16xi32>,
      %swap3A_172 = vector.shape_cast %swap3A_171 : vector<1x16xi32> to vector<16xi32>
      %swap3A_173 = vector.shape_cast %add3A_168 : vector<16xi32> to vector<1x16xi32>
      tpu.vector_store %arg6[%swap3A_169, %swap3A_170], %swap3A_173 {strides = array<i32>} : memref<128x200xi32, #tpu.memory_space<vmem>>, vector<1x16xi32>,
      %get3A_174 = arith.index_cast %scan3A_22 : i32 to index
      %get3A_175 = arith.constant 96 : index
      %get3A_176 = tpu.vector_load %arg5[%get3A_174, %get3A_175] {strides = array<i32>} : memref<128x200xi32, #tpu.memory_space<vmem>>, vector<1x16xi32>,
      %get3A_177 = vector.shape_cast %get3A_176 : vector<1x16xi32> to vector<16xi32>
      %and3A_178 = arith.constant -512 : i32
      %and3A_179 = vector.broadcast %and3A_178 : i32 to vector<16xi32>
      %and3A_180 = arith.andi %get3A_177, %and3A_179 : vector<16xi32>
      %and3A_181 = arith.constant 127 : i32
      %and3A_182 = vector.broadcast %and3A_181 : i32 to vector<16xi32>
      %and3A_183 = arith.andi %get3A_177, %and3A_182 : vector<16xi32>
      %shift_left3A_184 = arith.constant 2 : i32
      %shift_left3A_185 = vector.broadcast %shift_left3A_184 : i32 to vector<16xi32>
      %shift_left3A_186 = arith.shli %and3A_183, %shift_left3A_185 : vector<16xi32>
      %add3A_187 = arith.addi %and3A_180, %shift_left3A_186 : vector<16xi32>
      %shift_right_arithmetic3A_188 = arith.constant 7 : i32
      %shift_right_arithmetic3A_189 = vector.broadcast %shift_right_arithmetic3A_188 : i32 to vector<16xi32>
      %shift_right_arithmetic3A_190 = arith.shrsi %get3A_177, %shift_right_arithmetic3A_189 : vector<16xi32>
      %and3A_191 = arith.constant 3 : i32
      %and3A_192 = vector.broadcast %and3A_191 : i32 to vector<16xi32>
      %and3A_193 = arith.andi %shift_right_arithmetic3A_190, %and3A_192 : vector<16xi32>
      %add3A_194 = arith.addi %add3A_187, %and3A_193 : vector<16xi32>
      %swap3A_195 = arith.index_cast %scan3A_22 : i32 to index
      %swap3A_196 = arith.constant 96 : index
      %swap3A_197 = tpu.vector_load %arg6[%swap3A_195, %swap3A_196] {strides = array<i32>} : memref<128x200xi32, #tpu.memory_space<vmem>>, vector<1x16xi32>,
      %swap3A_198 = vector.shape_cast %swap3A_197 : vector<1x16xi32> to vector<16xi32>
      %swap3A_199 = vector.shape_cast %add3A_194 : vector<16xi32> to vector<1x16xi32>
      tpu.vector_store %arg6[%swap3A_195, %swap3A_196], %swap3A_199 {strides = array<i32>} : memref<128x200xi32, #tpu.memory_space<vmem>>, vector<1x16xi32>,
      %get3A_200 = arith.index_cast %scan3A_22 : i32 to index
      %get3A_201 = arith.constant 112 : index
      %get3A_202 = tpu.vector_load %arg5[%get3A_200, %get3A_201] {strides = array<i32>} : memref<128x200xi32, #tpu.memory_space<vmem>>, vector<1x16xi32>,
      %get3A_203 = vector.shape_cast %get3A_202 : vector<1x16xi32> to vector<16xi32>
      %and3A_204 = arith.constant -512 : i32
      %and3A_205 = vector.broadcast %and3A_204 : i32 to vector<16xi32>
      %and3A_206 = arith.andi %get3A_203, %and3A_205 : vector<16xi32>
      %and3A_207 = arith.constant 127 : i32
      %and3A_208 = vector.broadcast %and3A_207 : i32 to vector<16xi32>
      %and3A_209 = arith.andi %get3A_203, %and3A_208 : vector<16xi32>
      %shift_left3A_210 = arith.constant 2 : i32
      %shift_left3A_211 = vector.broadcast %shift_left3A_210 : i32 to vector<16xi32>
      %shift_left3A_212 = arith.shli %and3A_209, %shift_left3A_211 : vector<16xi32>
      %add3A_213 = arith.addi %and3A_206, %shift_left3A_212 : vector<16xi32>
      %shift_right_arithmetic3A_214 = arith.constant 7 : i32
      %shift_right_arithmetic3A_215 = vector.broadcast %shift_right_arithmetic3A_214 : i32 to vector<16xi32>
      %shift_right_arithmetic3A_216 = arith.shrsi %get3A_203, %shift_right_arithmetic3A_215 : vector<16xi32>
      %and3A_217 = arith.constant 3 : i32
      %and3A_218 = vector.broadcast %and3A_217 : i32 to vector<16xi32>
      %and3A_219 = arith.andi %shift_right_arithmetic3A_216, %and3A_218 : vector<16xi32>
      %add3A_220 = arith.addi %add3A_213, %and3A_219 : vector<16xi32>
      %swap3A_221 = arith.index_cast %scan3A_22 : i32 to index
      %swap3A_222 = arith.constant 112 : index
      %swap3A_223 = tpu.vector_load %arg6[%swap3A_221, %swap3A_222] {strides = array<i32>} : memref<128x200xi32, #tpu.memory_space<vmem>>, vector<1x16xi32>,
      %swap3A_224 = vector.shape_cast %swap3A_223 : vector<1x16xi32> to vector<16xi32>
      %swap3A_225 = vector.shape_cast %add3A_220 : vector<16xi32> to vector<1x16xi32>
      tpu.vector_store %arg6[%swap3A_221, %swap3A_222], %swap3A_225 {strides = array<i32>} : memref<128x200xi32, #tpu.memory_space<vmem>>, vector<1x16xi32>,
      %get3A_226 = arith.index_cast %scan3A_22 : i32 to index
      %get3A_227 = arith.constant 128 : index
      %get3A_228 = tpu.vector_load %arg5[%get3A_226, %get3A_227] {strides = array<i32>} : memref<128x200xi32, #tpu.memory_space<vmem>>, vector<1x16xi32>,
      %get3A_229 = vector.shape_cast %get3A_228 : vector<1x16xi32> to vector<16xi32>
      %and3A_230 = arith.constant -512 : i32
      %and3A_231 = vector.broadcast %and3A_230 : i32 to vector<16xi32>
      %and3A_232 = arith.andi %get3A_229, %and3A_231 : vector<16xi32>
      %and3A_233 = arith.constant 127 : i32
      %and3A_234 = vector.broadcast %and3A_233 : i32 to vector<16xi32>
      %and3A_235 = arith.andi %get3A_229, %and3A_234 : vector<16xi32>
      %shift_left3A_236 = arith.constant 2 : i32
      %shift_left3A_237 = vector.broadcast %shift_left3A_236 : i32 to vector<16xi32>
      %shift_left3A_238 = arith.shli %and3A_235, %shift_left3A_237 : vector<16xi32>
      %add3A_239 = arith.addi %and3A_232, %shift_left3A_238 : vector<16xi32>
      %shift_right_arithmetic3A_240 = arith.constant 7 : i32
      %shift_right_arithmetic3A_241 = vector.broadcast %shift_right_arithmetic3A_240 : i32 to vector<16xi32>
      %shift_right_arithmetic3A_242 = arith.shrsi %get3A_229, %shift_right_arithmetic3A_241 : vector<16xi32>
      %and3A_243 = arith.constant 3 : i32
      %and3A_244 = vector.broadcast %and3A_243 : i32 to vector<16xi32>
      %and3A_245 = arith.andi %shift_right_arithmetic3A_242, %and3A_244 : vector<16xi32>
      %add3A_246 = arith.addi %add3A_239, %and3A_245 : vector<16xi32>
      %swap3A_247 = arith.index_cast %scan3A_22 : i32 to index
      %swap3A_248 = arith.constant 128 : index
      %swap3A_249 = tpu.vector_load %arg6[%swap3A_247, %swap3A_248] {strides = array<i32>} : memref<128x200xi32, #tpu.memory_space<vmem>>, vector<1x16xi32>,
      %swap3A_250 = vector.shape_cast %swap3A_249 : vector<1x16xi32> to vector<16xi32>
      %swap3A_251 = vector.shape_cast %add3A_246 : vector<16xi32> to vector<1x16xi32>
      tpu.vector_store %arg6[%swap3A_247, %swap3A_248], %swap3A_251 {strides = array<i32>} : memref<128x200xi32, #tpu.memory_space<vmem>>, vector<1x16xi32>,
      %get3A_252 = arith.index_cast %scan3A_22 : i32 to index
      %get3A_253 = arith.constant 144 : index
      %get3A_254 = tpu.vector_load %arg5[%get3A_252, %get3A_253] {strides = array<i32>} : memref<128x200xi32, #tpu.memory_space<vmem>>, vector<1x16xi32>,
      %get3A_255 = vector.shape_cast %get3A_254 : vector<1x16xi32> to vector<16xi32>
      %and3A_256 = arith.constant -512 : i32
      %and3A_257 = vector.broadcast %and3A_256 : i32 to vector<16xi32>
      %and3A_258 = arith.andi %get3A_255, %and3A_257 : vector<16xi32>
      %and3A_259 = arith.constant 127 : i32
      %and3A_260 = vector.broadcast %and3A_259 : i32 to vector<16xi32>
      %and3A_261 = arith.andi %get3A_255, %and3A_260 : vector<16xi32>
      %shift_left3A_262 = arith.constant 2 : i32
      %shift_left3A_263 = vector.broadcast %shift_left3A_262 : i32 to vector<16xi32>
      %shift_left3A_264 = arith.shli %and3A_261, %shift_left3A_263 : vector<16xi32>
      %add3A_265 = arith.addi %and3A_258, %shift_left3A_264 : vector<16xi32>
      %shift_right_arithmetic3A_266 = arith.constant 7 : i32
      %shift_right_arithmetic3A_267 = vector.broadcast %shift_right_arithmetic3A_266 : i32 to vector<16xi32>
      %shift_right_arithmetic3A_268 = arith.shrsi %get3A_255, %shift_right_arithmetic3A_267 : vector<16xi32>
      %and3A_269 = arith.constant 3 : i32
      %and3A_270 = vector.broadcast %and3A_269 : i32 to vector<16xi32>
      %and3A_271 = arith.andi %shift_right_arithmetic3A_268, %and3A_270 : vector<16xi32>
      %add3A_272 = arith.addi %add3A_265, %and3A_271 : vector<16xi32>
      %swap3A_273 = arith.index_cast %scan3A_22 : i32 to index
      %swap3A_274 = arith.constant 144 : index
      %swap3A_275 = tpu.vector_load %arg6[%swap3A_273, %swap3A_274] {strides = array<i32>} : memref<128x200xi32, #tpu.memory_space<vmem>>, vector<1x16xi32>,
      %swap3A_276 = vector.shape_cast %swap3A_275 : vector<1x16xi32> to vector<16xi32>
      %swap3A_277 = vector.shape_cast %add3A_272 : vector<16xi32> to vector<1x16xi32>
      tpu.vector_store %arg6[%swap3A_273, %swap3A_274], %swap3A_277 {strides = array<i32>} : memref<128x200xi32, #tpu.memory_space<vmem>>, vector<1x16xi32>,
      %get3A_278 = arith.index_cast %scan3A_22 : i32 to index
      %get3A_279 = arith.constant 160 : index
      %get3A_280 = tpu.vector_load %arg5[%get3A_278, %get3A_279] {strides = array<i32>} : memref<128x200xi32, #tpu.memory_space<vmem>>, vector<1x16xi32>,
      %get3A_281 = vector.shape_cast %get3A_280 : vector<1x16xi32> to vector<16xi32>
      %and3A_282 = arith.constant -512 : i32
      %and3A_283 = vector.broadcast %and3A_282 : i32 to vector<16xi32>
      %and3A_284 = arith.andi %get3A_281, %and3A_283 : vector<16xi32>
      %and3A_285 = arith.constant 127 : i32
      %and3A_286 = vector.broadcast %and3A_285 : i32 to vector<16xi32>
      %and3A_287 = arith.andi %get3A_281, %and3A_286 : vector<16xi32>
      %shift_left3A_288 = arith.constant 2 : i32
      %shift_left3A_289 = vector.broadcast %shift_left3A_288 : i32 to vector<16xi32>
      %shift_left3A_290 = arith.shli %and3A_287, %shift_left3A_289 : vector<16xi32>
      %add3A_291 = arith.addi %and3A_284, %shift_left3A_290 : vector<16xi32>
      %shift_right_arithmetic3A_292 = arith.constant 7 : i32
      %shift_right_arithmetic3A_293 = vector.broadcast %shift_right_arithmetic3A_292 : i32 to vector<16xi32>
      %shift_right_arithmetic3A_294 = arith.shrsi %get3A_281, %shift_right_arithmetic3A_293 : vector<16xi32>
      %and3A_295 = arith.constant 3 : i32
      %and3A_296 = vector.broadcast %and3A_295 : i32 to vector<16xi32>
      %and3A_297 = arith.andi %shift_right_arithmetic3A_294, %and3A_296 : vector<16xi32>
      %add3A_298 = arith.addi %add3A_291, %and3A_297 : vector<16xi32>
      %swap3A_299 = arith.index_cast %scan3A_22 : i32 to index
      %swap3A_300 = arith.constant 160 : index
      %swap3A_301 = tpu.vector_load %arg6[%swap3A_299, %swap3A_300] {strides = array<i32>} : memref<128x200xi32, #tpu.memory_space<vmem>>, vector<1x16xi32>,
      %swap3A_302 = vector.shape_cast %swap3A_301 : vector<1x16xi32> to vector<16xi32>
      %swap3A_303 = vector.shape_cast %add3A_298 : vector<16xi32> to vector<1x16xi32>
      tpu.vector_store %arg6[%swap3A_299, %swap3A_300], %swap3A_303 {strides = array<i32>} : memref<128x200xi32, #tpu.memory_space<vmem>>, vector<1x16xi32>,
      %get3A_304 = arith.index_cast %scan3A_22 : i32 to index
      %get3A_305 = arith.constant 176 : index
      %get3A_306 = tpu.vector_load %arg5[%get3A_304, %get3A_305] {strides = array<i32>} : memref<128x200xi32, #tpu.memory_space<vmem>>, vector<1x16xi32>,
      %get3A_307 = vector.shape_cast %get3A_306 : vector<1x16xi32> to vector<16xi32>
      %and3A_308 = arith.constant -512 : i32
      %and3A_309 = vector.broadcast %and3A_308 : i32 to vector<16xi32>
      %and3A_310 = arith.andi %get3A_307, %and3A_309 : vector<16xi32>
      %and3A_311 = arith.constant 127 : i32
      %and3A_312 = vector.broadcast %and3A_311 : i32 to vector<16xi32>
      %and3A_313 = arith.andi %get3A_307, %and3A_312 : vector<16xi32>
      %shift_left3A_314 = arith.constant 2 : i32
      %shift_left3A_315 = vector.broadcast %shift_left3A_314 : i32 to vector<16xi32>
      %shift_left3A_316 = arith.shli %and3A_313, %shift_left3A_315 : vector<16xi32>
      %add3A_317 = arith.addi %and3A_310, %shift_left3A_316 : vector<16xi32>
      %shift_right_arithmetic3A_318 = arith.constant 7 : i32
      %shift_right_arithmetic3A_319 = vector.broadcast %shift_right_arithmetic3A_318 : i32 to vector<16xi32>
      %shift_right_arithmetic3A_320 = arith.shrsi %get3A_307, %shift_right_arithmetic3A_319 : vector<16xi32>
      %and3A_321 = arith.constant 3 : i32
      %and3A_322 = vector.broadcast %and3A_321 : i32 to vector<16xi32>
      %and3A_323 = arith.andi %shift_right_arithmetic3A_320, %and3A_322 : vector<16xi32>
      %add3A_324 = arith.addi %add3A_317, %and3A_323 : vector<16xi32>
      %swap3A_325 = arith.index_cast %scan3A_22 : i32 to index
      %swap3A_326 = arith.constant 176 : index
      %swap3A_327 = tpu.vector_load %arg6[%swap3A_325, %swap3A_326] {strides = array<i32>} : memref<128x200xi32, #tpu.memory_space<vmem>>, vector<1x16xi32>,
      %swap3A_328 = vector.shape_cast %swap3A_327 : vector<1x16xi32> to vector<16xi32>
      %swap3A_329 = vector.shape_cast %add3A_324 : vector<16xi32> to vector<1x16xi32>
      tpu.vector_store %arg6[%swap3A_325, %swap3A_326], %swap3A_329 {strides = array<i32>} : memref<128x200xi32, #tpu.memory_space<vmem>>, vector<1x16xi32>,
      %get3A_330 = arith.index_cast %scan3A_22 : i32 to index
      %get3A_331 = arith.constant 184 : index
      %get3A_332 = tpu.vector_load %arg5[%get3A_330, %get3A_331] {strides = array<i32>} : memref<128x200xi32, #tpu.memory_space<vmem>>, vector<1x16xi32>,
      %get3A_333 = vector.shape_cast %get3A_332 : vector<1x16xi32> to vector<16xi32>
      %and3A_334 = arith.constant -512 : i32
      %and3A_335 = vector.broadcast %and3A_334 : i32 to vector<16xi32>
      %and3A_336 = arith.andi %get3A_333, %and3A_335 : vector<16xi32>
      %and3A_337 = arith.constant 127 : i32
      %and3A_338 = vector.broadcast %and3A_337 : i32 to vector<16xi32>
      %and3A_339 = arith.andi %get3A_333, %and3A_338 : vector<16xi32>
      %shift_left3A_340 = arith.constant 2 : i32
      %shift_left3A_341 = vector.broadcast %shift_left3A_340 : i32 to vector<16xi32>
      %shift_left3A_342 = arith.shli %and3A_339, %shift_left3A_341 : vector<16xi32>
      %add3A_343 = arith.addi %and3A_336, %shift_left3A_342 : vector<16xi32>
      %shift_right_arithmetic3A_344 = arith.constant 7 : i32
      %shift_right_arithmetic3A_345 = vector.broadcast %shift_right_arithmetic3A_344 : i32 to vector<16xi32>
      %shift_right_arithmetic3A_346 = arith.shrsi %get3A_333, %shift_right_arithmetic3A_345 : vector<16xi32>
      %and3A_347 = arith.constant 3 : i32
      %and3A_348 = vector.broadcast %and3A_347 : i32 to vector<16xi32>
      %and3A_349 = arith.andi %shift_right_arithmetic3A_346, %and3A_348 : vector<16xi32>
      %add3A_350 = arith.addi %add3A_343, %and3A_349 : vector<16xi32>
      %swap3A_351 = arith.index_cast %scan3A_22 : i32 to index
      %swap3A_352 = arith.constant 184 : index
      %swap3A_353 = tpu.vector_load %arg6[%swap3A_351, %swap3A_352] {strides = array<i32>} : memref<128x200xi32, #tpu.memory_space<vmem>>, vector<1x16xi32>,
      %swap3A_354 = vector.shape_cast %swap3A_353 : vector<1x16xi32> to vector<16xi32>
      %swap3A_355 = vector.shape_cast %add3A_350 : vector<16xi32> to vector<1x16xi32>
      tpu.vector_store %arg6[%swap3A_351, %swap3A_352], %swap3A_355 {strides = array<i32>} : memref<128x200xi32, #tpu.memory_space<vmem>>, vector<1x16xi32>,
    }
    %scan3A_7 = arith.constant 128 : i32
    %dma_start3A = arith.constant 0 : i32
    %dma_start3A_8 = arith.constant 0 : i32
    %dma_start3A_9 = tpu.memref_slice %arg6[%dma_start3A, %dma_start3A_8] : memref<128x200xi32, #tpu.memory_space<vmem>> -> memref<1x96xi32, #tpu.memory_space<vmem>>
    %dma_start3A_10 = tpu.memref_squeeze %dma_start3A_9 : memref<1x96xi32, #tpu.memory_space<vmem>> -> memref<96xi32, #tpu.memory_space<vmem>>
    %dma_start3A_11 = arith.constant 0 : i32
    %dma_start3A_12 = arith.constant 0 : i32
    %dma_start3A_13 = tpu.memref_slice %arg3[%dma_start3A_11, %dma_start3A_12] : memref<1007616x32xf32, #tpu.memory_space<hbm>> -> memref<1007616x32xf32, #tpu.memory_space<hbm>>
    tpu.enqueue_indirect_dma source(%dma_start3A_13 : memref<1007616x32xf32, #tpu.memory_space<hbm>>) target(%arg7 : memref<96x32xf32, #tpu.memory_space<vmem>>) offsets(%dma_start3A_10 : memref<96xi32, #tpu.memory_space<vmem>>) semaphore(%arg10 : memref<!tpu.dma_semaphore, #tpu.memory_space<semaphore_mem>>)
    %scan3A_14 = arith.constant 0 : i32
    %scan3A_15 = arith.constant 0 : i32
    %scan3A_16 = arith.constant 128 : i32
    %scan3A_17 = arith.addi %scan3A_15, %scan3A_16 : i32
    %scan3A_18 = arith.constant 1 : i32
    scf.for %scan3A_22 = %scan3A_15 to %scan3A_17 step %scan3A_18  : i32 {
      %mul3A_23 = arith.constant 2 : i32
      %mul3A_24 = arith.muli %scan3A_22, %mul3A_23 : i32
      %add3A_25 = arith.constant 1 : i32
      %add3A_26 = arith.addi %mul3A_24, %add3A_25 : i32
      %jit3A = arith.constant 2 : i32
      %div3A = arith.divsi %add3A_26, %jit3A : i32
      %sign3A = arith.constant 0 : i32
      %sign3A_27 = arith.cmpi sgt, %add3A_26, %sign3A : i32
      %sign3A_28 = arith.extui %sign3A_27 : i1 to i32
      %sign3A_29 = arith.constant 0 : i32
      %sign3A_30 = arith.cmpi slt, %add3A_26, %sign3A_29 : i32
      %sign3A_31 = arith.extui %sign3A_30 : i1 to i32
      %sign3A_32 = arith.subi %sign3A_28, %sign3A_31 : i32
      %sign3A_33 = arith.constant 0 : i32
      %sign3A_34 = arith.cmpi sgt, %jit3A, %sign3A_33 : i32
      %sign3A_35 = arith.extui %sign3A_34 : i1 to i32
      %sign3A_36 = arith.constant 0 : i32
      %sign3A_37 = arith.cmpi slt, %jit3A, %sign3A_36 : i32
      %sign3A_38 = arith.extui %sign3A_37 : i1 to i32
      %sign3A_39 = arith.subi %sign3A_35, %sign3A_38 : i32
      %ne3A = arith.cmpi ne, %sign3A_32, %sign3A_39 : i32
      %rem3A = arith.remsi %add3A_26, %jit3A : i32
      %ne3A_40 = arith.constant 0 : i32
      %ne3A_41 = arith.cmpi ne, %rem3A, %ne3A_40 : i32
      %and3A = arith.andi %ne3A, %ne3A_41 : i1
      %sub3A = arith.constant 1 : i32
      %sub3A_42 = arith.subi %div3A, %sub3A : i32
      %select_n3A = arith.select %and3A, %sub3A_42, %div3A : i32
      %dma_start3A_43 = arith.constant 96 : i32
      %dma_start3A_44 = tpu.memref_slice %arg6[%select_n3A, %dma_start3A_43] : memref<128x200xi32, #tpu.memory_space<vmem>> -> memref<1x104xi32, #tpu.memory_space<vmem>>
      %dma_start3A_45 = tpu.memref_squeeze %dma_start3A_44 : memref<1x104xi32, #tpu.memory_space<vmem>> -> memref<104xi32, #tpu.memory_space<vmem>>
      %dma_start3A_46 = arith.constant 0 : i32
      %dma_start3A_47 = arith.constant 0 : i32
      %dma_start3A_48 = tpu.memref_slice %arg3[%dma_start3A_46, %dma_start3A_47] : memref<1007616x32xf32, #tpu.memory_space<hbm>> -> memref<1007616x32xf32, #tpu.memory_space<hbm>>
      tpu.enqueue_indirect_dma source(%dma_start3A_48 : memref<1007616x32xf32, #tpu.memory_space<hbm>>) target(%arg8 : memref<104x32xf32, #tpu.memory_space<vmem>>) offsets(%dma_start3A_45 : memref<104xi32, #tpu.memory_space<vmem>>) semaphore(%arg11 : memref<!tpu.dma_semaphore, #tpu.memory_space<semaphore_mem>>)
      %jit3A_49 = arith.constant 2 : i32
      %div3A_50 = arith.divsi %mul3A_24, %jit3A_49 : i32
      %sign3A_51 = arith.constant 0 : i32
      %sign3A_52 = arith.cmpi sgt, %mul3A_24, %sign3A_51 : i32
      %sign3A_53 = arith.extui %sign3A_52 : i1 to i32
      %sign3A_54 = arith.constant 0 : i32
      %sign3A_55 = arith.cmpi slt, %mul3A_24, %sign3A_54 : i32
      %sign3A_56 = arith.extui %sign3A_55 : i1 to i32
      %sign3A_57 = arith.subi %sign3A_53, %sign3A_56 : i32
      %sign3A_58 = arith.constant 0 : i32
      %sign3A_59 = arith.cmpi sgt, %jit3A_49, %sign3A_58 : i32
      %sign3A_60 = arith.extui %sign3A_59 : i1 to i32
      %sign3A_61 = arith.constant 0 : i32
      %sign3A_62 = arith.cmpi slt, %jit3A_49, %sign3A_61 : i32
      %sign3A_63 = arith.extui %sign3A_62 : i1 to i32
      %sign3A_64 = arith.subi %sign3A_60, %sign3A_63 : i32
      %ne3A_65 = arith.cmpi ne, %sign3A_57, %sign3A_64 : i32
      %rem3A_66 = arith.remsi %mul3A_24, %jit3A_49 : i32
      %ne3A_67 = arith.constant 0 : i32
      %ne3A_68 = arith.cmpi ne, %rem3A_66, %ne3A_67 : i32
      %and3A_69 = arith.andi %ne3A_65, %ne3A_68 : i1
      %sub3A_70 = arith.constant 1 : i32
      %sub3A_71 = arith.subi %div3A_50, %sub3A_70 : i32
      %select_n3A_72 = arith.select %and3A_69, %sub3A_71, %div3A_50 : i32
      %dma_wait3A = arith.constant 0 : i32
      %dma_wait3A_73 = tpu.memref_slice %arg6[%select_n3A_72, %dma_wait3A] : memref<128x200xi32, #tpu.memory_space<vmem>> -> memref<1x96xi32, #tpu.memory_space<vmem>>
      %dma_wait3A_74 = tpu.memref_squeeze %dma_wait3A_73 : memref<1x96xi32, #tpu.memory_space<vmem>> -> memref<96xi32, #tpu.memory_space<vmem>>
      %dma_wait3A_75 = arith.constant 0 : i32
      %dma_wait3A_76 = arith.constant 0 : i32
      %dma_wait3A_77 = tpu.memref_slice %arg3[%dma_wait3A_75, %dma_wait3A_76] : memref<1007616x32xf32, #tpu.memory_space<hbm>> -> memref<1007616x32xf32, #tpu.memory_space<hbm>>
      tpu.wait_indirect_dma semaphore(%arg10 : memref<!tpu.dma_semaphore, #tpu.memory_space<semaphore_mem>>) src(%dma_wait3A_77 : memref<1007616x32xf32, #tpu.memory_space<hbm>>) dst(%arg7 : memref<96x32xf32, #tpu.memory_space<vmem>>)
      %broadcast_in_dim3A = arith.constant 0.000000e+00 : f32
      %broadcast_in_dim3A_78 = vector.broadcast %broadcast_in_dim3A : f32 to vector<16xf32>
      %get3A = arith.constant 0 : i32
      %get3A_79 = arith.index_cast %get3A : i32 to index
      %get3A_80 = arith.constant 0 : index
      %get3A_81 = tpu.vector_load %arg7[%get3A_79, %get3A_80] {strides = array<i32>} : memref<96x32xf32, #tpu.memory_space<vmem>>, vector<1x16xf32>,
      %get3A_82 = vector.shape_cast %get3A_81 : vector<1x16xf32> to vector<16xf32>
      %add3A_83 = arith.addf %broadcast_in_dim3A_78, %get3A_82 : vector<16xf32>
      %get3A_84 = arith.constant 0 : i32
      %get3A_85 = arith.index_cast %get3A_84 : i32 to index
      %get3A_86 = arith.constant 16 : index
      %get3A_87 = tpu.vector_load %arg7[%get3A_85, %get3A_86] {strides = array<i32>} : memref<96x32xf32, #tpu.memory_space<vmem>>, vector<1x16xf32>,
      %get3A_88 = vector.shape_cast %get3A_87 : vector<1x16xf32> to vector<16xf32>
      %add3A_89 = arith.addf %broadcast_in_dim3A_78, %get3A_88 : vector<16xf32>
      %get3A_90 = arith.constant 1 : i32
      %get3A_91 = arith.index_cast %get3A_90 : i32 to index
      %get3A_92 = arith.constant 0 : index
      %get3A_93 = tpu.vector_load %arg7[%get3A_91, %get3A_92] {strides = array<i32>} : memref<96x32xf32, #tpu.memory_space<vmem>>, vector<1x16xf32>,
      %get3A_94 = vector.shape_cast %get3A_93 : vector<1x16xf32> to vector<16xf32>
      %add3A_95 = arith.addf %broadcast_in_dim3A_78, %get3A_94 : vector<16xf32>
      %get3A_96 = arith.constant 1 : i32
      %get3A_97 = arith.index_cast %get3A_96 : i32 to index
      %get3A_98 = arith.constant 16 : index
      %get3A_99 = tpu.vector_load %arg7[%get3A_97, %get3A_98] {strides = array<i32>} : memref<96x32xf32, #tpu.memory_space<vmem>>, vector<1x16xf32>,
      %get3A_100 = vector.shape_cast %get3A_99 : vector<1x16xf32> to vector<16xf32>
      %add3A_101 = arith.addf %broadcast_in_dim3A_78, %get3A_100 : vector<16xf32>
      %get3A_102 = arith.constant 2 : i32
      %get3A_103 = arith.index_cast %get3A_102 : i32 to index
      %get3A_104 = arith.constant 0 : index
      %get3A_105 = tpu.vector_load %arg7[%get3A_103, %get3A_104] {strides = array<i32>} : memref<96x32xf32, #tpu.memory_space<vmem>>, vector<1x16xf32>,
      %get3A_106 = vector.shape_cast %get3A_105 : vector<1x16xf32> to vector<16xf32>
      %add3A_107 = arith.addf %broadcast_in_dim3A_78, %get3A_106 : vector<16xf32>
      %get3A_108 = arith.constant 2 : i32
      %get3A_109 = arith.index_cast %get3A_108 : i32 to index
      %get3A_110 = arith.constant 16 : index
      %get3A_111 = tpu.vector_load %arg7[%get3A_109, %get3A_110] {strides = array<i32>} : memref<96x32xf32, #tpu.memory_space<vmem>>, vector<1x16xf32>,
      %get3A_112 = vector.shape_cast %get3A_111 : vector<1x16xf32> to vector<16xf32>
      %add3A_113 = arith.addf %broadcast_in_dim3A_78, %get3A_112 : vector<16xf32>
      %get3A_114 = arith.constant 3 : i32
      %get3A_115 = arith.index_cast %get3A_114 : i32 to index
      %get3A_116 = arith.constant 0 : index
      %get3A_117 = tpu.vector_load %arg7[%get3A_115, %get3A_116] {strides = array<i32>} : memref<96x32xf32, #tpu.memory_space<vmem>>, vector<1x16xf32>,
      %get3A_118 = vector.shape_cast %get3A_117 : vector<1x16xf32> to vector<16xf32>
      %add3A_119 = arith.addf %broadcast_in_dim3A_78, %get3A_118 : vector<16xf32>
      %get3A_120 = arith.constant 3 : i32
      %get3A_121 = arith.index_cast %get3A_120 : i32 to index
      %get3A_122 = arith.constant 16 : index
      %get3A_123 = tpu.vector_load %arg7[%get3A_121, %get3A_122] {strides = array<i32>} : memref<96x32xf32, #tpu.memory_space<vmem>>, vector<1x16xf32>,
      %get3A_124 = vector.shape_cast %get3A_123 : vector<1x16xf32> to vector<16xf32>
      %add3A_125 = arith.addf %broadcast_in_dim3A_78, %get3A_124 : vector<16xf32>
      %get3A_126 = arith.constant 4 : i32
      %get3A_127 = arith.index_cast %get3A_126 : i32 to index
      %get3A_128 = arith.constant 0 : index
      %get3A_129 = tpu.vector_load %arg7[%get3A_127, %get3A_128] {strides = array<i32>} : memref<96x32xf32, #tpu.memory_space<vmem>>, vector<1x16xf32>,
      %get3A_130 = vector.shape_cast %get3A_129 : vector<1x16xf32> to vector<16xf32>
      %add3A_131 = arith.addf %add3A_83, %get3A_130 : vector<16xf32>
      %get3A_132 = arith.constant 4 : i32
      %get3A_133 = arith.index_cast %get3A_132 : i32 to index
      %get3A_134 = arith.constant 16 : index
      %get3A_135 = tpu.vector_load %arg7[%get3A_133, %get3A_134] {strides = array<i32>} : memref<96x32xf32, #tpu.memory_space<vmem>>, vector<1x16xf32>,
      %get3A_136 = vector.shape_cast %get3A_135 : vector<1x16xf32> to vector<16xf32>
      %add3A_137 = arith.addf %add3A_89, %get3A_136 : vector<16xf32>
      %get3A_138 = arith.constant 5 : i32
      %get3A_139 = arith.index_cast %get3A_138 : i32 to index
      %get3A_140 = arith.constant 0 : index
      %get3A_141 = tpu.vector_load %arg7[%get3A_139, %get3A_140] {strides = array<i32>} : memref<96x32xf32, #tpu.memory_space<vmem>>, vector<1x16xf32>,
      %get3A_142 = vector.shape_cast %get3A_141 : vector<1x16xf32> to vector<16xf32>
      %add3A_143 = arith.addf %add3A_95, %get3A_142 : vector<16xf32>
      %get3A_144 = arith.constant 5 : i32
      %get3A_145 = arith.index_cast %get3A_144 : i32 to index
      %get3A_146 = arith.constant 16 : index
      %get3A_147 = tpu.vector_load %arg7[%get3A_145, %get3A_146] {strides = array<i32>} : memref<96x32xf32, #tpu.memory_space<vmem>>, vector<1x16xf32>,
      %get3A_148 = vector.shape_cast %get3A_147 : vector<1x16xf32> to vector<16xf32>
      %add3A_149 = arith.addf %add3A_101, %get3A_148 : vector<16xf32>
      %get3A_150 = arith.constant 6 : i32
      %get3A_151 = arith.index_cast %get3A_150 : i32 to index
      %get3A_152 = arith.constant 0 : index
      %get3A_153 = tpu.vector_load %arg7[%get3A_151, %get3A_152] {strides = array<i32>} : memref<96x32xf32, #tpu.memory_space<vmem>>, vector<1x16xf32>,
      %get3A_154 = vector.shape_cast %get3A_153 : vector<1x16xf32> to vector<16xf32>
      %add3A_155 = arith.addf %add3A_107, %get3A_154 : vector<16xf32>
      %get3A_156 = arith.constant 6 : i32
      %get3A_157 = arith.index_cast %get3A_156 : i32 to index
      %get3A_158 = arith.constant 16 : index
      %get3A_159 = tpu.vector_load %arg7[%get3A_157, %get3A_158] {strides = array<i32>} : memref<96x32xf32, #tpu.memory_space<vmem>>, vector<1x16xf32>,
      %get3A_160 = vector.shape_cast %get3A_159 : vector<1x16xf32> to vector<16xf32>
      %add3A_161 = arith.addf %add3A_113, %get3A_160 : vector<16xf32>
      %get3A_162 = arith.constant 7 : i32
      %get3A_163 = arith.index_cast %get3A_162 : i32 to index
      %get3A_164 = arith.constant 0 : index
      %get3A_165 = tpu.vector_load %arg7[%get3A_163, %get3A_164] {strides = array<i32>} : memref<96x32xf32, #tpu.memory_space<vmem>>, vector<1x16xf32>,
      %get3A_166 = vector.shape_cast %get3A_165 : vector<1x16xf32> to vector<16xf32>
      %add3A_167 = arith.addf %add3A_119, %get3A_166 : vector<16xf32>
      %get3A_168 = arith.constant 7 : i32
      %get3A_169 = arith.index_cast %get3A_168 : i32 to index
      %get3A_170 = arith.constant 16 : index
      %get3A_171 = tpu.vector_load %arg7[%get3A_169, %get3A_170] {strides = array<i32>} : memref<96x32xf32, #tpu.memory_space<vmem>>, vector<1x16xf32>,
      %get3A_172 = vector.shape_cast %get3A_171 : vector<1x16xf32> to vector<16xf32>
      %add3A_173 = arith.addf %add3A_125, %get3A_172 : vector<16xf32>
      %get3A_174 = arith.constant 8 : i32
      %get3A_175 = arith.index_cast %get3A_174 : i32 to index
      %get3A_176 = arith.constant 0 : index
      %get3A_177 = tpu.vector_load %arg7[%get3A_175, %get3A_176] {strides = array<i32>} : memref<96x32xf32, #tpu.memory_space<vmem>>, vector<1x16xf32>,
      %get3A_178 = vector.shape_cast %get3A_177 : vector<1x16xf32> to vector<16xf32>
      %add3A_179 = arith.addf %add3A_131, %get3A_178 : vector<16xf32>
      %get3A_180 = arith.constant 8 : i32
      %get3A_181 = arith.index_cast %get3A_180 : i32 to index
      %get3A_182 = arith.constant 16 : index
      %get3A_183 = tpu.vector_load %arg7[%get3A_181, %get3A_182] {strides = array<i32>} : memref<96x32xf32, #tpu.memory_space<vmem>>, vector<1x16xf32>,
      %get3A_184 = vector.shape_cast %get3A_183 : vector<1x16xf32> to vector<16xf32>
      %add3A_185 = arith.addf %add3A_137, %get3A_184 : vector<16xf32>
      %get3A_186 = arith.constant 9 : i32
      %get3A_187 = arith.index_cast %get3A_186 : i32 to index
      %get3A_188 = arith.constant 0 : index
      %get3A_189 = tpu.vector_load %arg7[%get3A_187, %get3A_188] {strides = array<i32>} : memref<96x32xf32, #tpu.memory_space<vmem>>, vector<1x16xf32>,
      %get3A_190 = vector.shape_cast %get3A_189 : vector<1x16xf32> to vector<16xf32>
      %add3A_191 = arith.addf %add3A_143, %get3A_190 : vector<16xf32>
      %get3A_192 = arith.constant 9 : i32
      %get3A_193 = arith.index_cast %get3A_192 : i32 to index
      %get3A_194 = arith.constant 16 : index
      %get3A_195 = tpu.vector_load %arg7[%get3A_193, %get3A_194] {strides = array<i32>} : memref<96x32xf32, #tpu.memory_space<vmem>>, vector<1x16xf32>,
      %get3A_196 = vector.shape_cast %get3A_195 : vector<1x16xf32> to vector<16xf32>
      %add3A_197 = arith.addf %add3A_149, %get3A_196 : vector<16xf32>
      %get3A_198 = arith.constant 10 : i32
      %get3A_199 = arith.index_cast %get3A_198 : i32 to index
      %get3A_200 = arith.constant 0 : index
      %get3A_201 = tpu.vector_load %arg7[%get3A_199, %get3A_200] {strides = array<i32>} : memref<96x32xf32, #tpu.memory_space<vmem>>, vector<1x16xf32>,
      %get3A_202 = vector.shape_cast %get3A_201 : vector<1x16xf32> to vector<16xf32>
      %add3A_203 = arith.addf %add3A_155, %get3A_202 : vector<16xf32>
      %get3A_204 = arith.constant 10 : i32
      %get3A_205 = arith.index_cast %get3A_204 : i32 to index
      %get3A_206 = arith.constant 16 : index
      %get3A_207 = tpu.vector_load %arg7[%get3A_205, %get3A_206] {strides = array<i32>} : memref<96x32xf32, #tpu.memory_space<vmem>>, vector<1x16xf32>,
      %get3A_208 = vector.shape_cast %get3A_207 : vector<1x16xf32> to vector<16xf32>
      %add3A_209 = arith.addf %add3A_161, %get3A_208 : vector<16xf32>
      %get3A_210 = arith.constant 11 : i32
      %get3A_211 = arith.index_cast %get3A_210 : i32 to index
      %get3A_212 = arith.constant 0 : index
      %get3A_213 = tpu.vector_load %arg7[%get3A_211, %get3A_212] {strides = array<i32>} : memref<96x32xf32, #tpu.memory_space<vmem>>, vector<1x16xf32>,
      %get3A_214 = vector.shape_cast %get3A_213 : vector<1x16xf32> to vector<16xf32>
      %add3A_215 = arith.addf %add3A_167, %get3A_214 : vector<16xf32>
      %get3A_216 = arith.constant 11 : i32
      %get3A_217 = arith.index_cast %get3A_216 : i32 to index
      %get3A_218 = arith.constant 16 : index
      %get3A_219 = tpu.vector_load %arg7[%get3A_217, %get3A_218] {strides = array<i32>} : memref<96x32xf32, #tpu.memory_space<vmem>>, vector<1x16xf32>,
      %get3A_220 = vector.shape_cast %get3A_219 : vector<1x16xf32> to vector<16xf32>
      %add3A_221 = arith.addf %add3A_173, %get3A_220 : vector<16xf32>
      %get3A_222 = arith.constant 12 : i32
      %get3A_223 = arith.index_cast %get3A_222 : i32 to index
      %get3A_224 = arith.constant 0 : index
      %get3A_225 = tpu.vector_load %arg7[%get3A_223, %get3A_224] {strides = array<i32>} : memref<96x32xf32, #tpu.memory_space<vmem>>, vector<1x16xf32>,
      %get3A_226 = vector.shape_cast %get3A_225 : vector<1x16xf32> to vector<16xf32>
      %add3A_227 = arith.addf %add3A_179, %get3A_226 : vector<16xf32>
      %get3A_228 = arith.constant 12 : i32
      %get3A_229 = arith.index_cast %get3A_228 : i32 to index
      %get3A_230 = arith.constant 16 : index
      %get3A_231 = tpu.vector_load %arg7[%get3A_229, %get3A_230] {strides = array<i32>} : memref<96x32xf32, #tpu.memory_space<vmem>>, vector<1x16xf32>,
      %get3A_232 = vector.shape_cast %get3A_231 : vector<1x16xf32> to vector<16xf32>
      %add3A_233 = arith.addf %add3A_185, %get3A_232 : vector<16xf32>
      %get3A_234 = arith.constant 13 : i32
      %get3A_235 = arith.index_cast %get3A_234 : i32 to index
      %get3A_236 = arith.constant 0 : index
      %get3A_237 = tpu.vector_load %arg7[%get3A_235, %get3A_236] {strides = array<i32>} : memref<96x32xf32, #tpu.memory_space<vmem>>, vector<1x16xf32>,
      %get3A_238 = vector.shape_cast %get3A_237 : vector<1x16xf32> to vector<16xf32>
      %add3A_239 = arith.addf %add3A_191, %get3A_238 : vector<16xf32>
      %get3A_240 = arith.constant 13 : i32
      %get3A_241 = arith.index_cast %get3A_240 : i32 to index
      %get3A_242 = arith.constant 16 : index
      %get3A_243 = tpu.vector_load %arg7[%get3A_241, %get3A_242] {strides = array<i32>} : memref<96x32xf32, #tpu.memory_space<vmem>>, vector<1x16xf32>,
      %get3A_244 = vector.shape_cast %get3A_243 : vector<1x16xf32> to vector<16xf32>
      %add3A_245 = arith.addf %add3A_197, %get3A_244 : vector<16xf32>
      %get3A_246 = arith.constant 14 : i32
      %get3A_247 = arith.index_cast %get3A_246 : i32 to index
      %get3A_248 = arith.constant 0 : index
      %get3A_249 = tpu.vector_load %arg7[%get3A_247, %get3A_248] {strides = array<i32>} : memref<96x32xf32, #tpu.memory_space<vmem>>, vector<1x16xf32>,
      %get3A_250 = vector.shape_cast %get3A_249 : vector<1x16xf32> to vector<16xf32>
      %add3A_251 = arith.addf %add3A_203, %get3A_250 : vector<16xf32>
      %get3A_252 = arith.constant 14 : i32
      %get3A_253 = arith.index_cast %get3A_252 : i32 to index
      %get3A_254 = arith.constant 16 : index
      %get3A_255 = tpu.vector_load %arg7[%get3A_253, %get3A_254] {strides = array<i32>} : memref<96x32xf32, #tpu.memory_space<vmem>>, vector<1x16xf32>,
      %get3A_256 = vector.shape_cast %get3A_255 : vector<1x16xf32> to vector<16xf32>
      %add3A_257 = arith.addf %add3A_209, %get3A_256 : vector<16xf32>
      %get3A_258 = arith.constant 15 : i32
      %get3A_259 = arith.index_cast %get3A_258 : i32 to index
      %get3A_260 = arith.constant 0 : index
      %get3A_261 = tpu.vector_load %arg7[%get3A_259, %get3A_260] {strides = array<i32>} : memref<96x32xf32, #tpu.memory_space<vmem>>, vector<1x16xf32>,
      %get3A_262 = vector.shape_cast %get3A_261 : vector<1x16xf32> to vector<16xf32>
      %add3A_263 = arith.addf %add3A_215, %get3A_262 : vector<16xf32>
      %get3A_264 = arith.constant 15 : i32
      %get3A_265 = arith.index_cast %get3A_264 : i32 to index
      %get3A_266 = arith.constant 16 : index
      %get3A_267 = tpu.vector_load %arg7[%get3A_265, %get3A_266] {strides = array<i32>} : memref<96x32xf32, #tpu.memory_space<vmem>>, vector<1x16xf32>,
      %get3A_268 = vector.shape_cast %get3A_267 : vector<1x16xf32> to vector<16xf32>
      %add3A_269 = arith.addf %add3A_221, %get3A_268 : vector<16xf32>
      %get3A_270 = arith.constant 16 : i32
      %get3A_271 = arith.index_cast %get3A_270 : i32 to index
      %get3A_272 = arith.constant 0 : index
      %get3A_273 = tpu.vector_load %arg7[%get3A_271, %get3A_272] {strides = array<i32>} : memref<96x32xf32, #tpu.memory_space<vmem>>, vector<1x16xf32>,
      %get3A_274 = vector.shape_cast %get3A_273 : vector<1x16xf32> to vector<16xf32>
      %add3A_275 = arith.addf %add3A_227, %get3A_274 : vector<16xf32>
      %get3A_276 = arith.constant 16 : i32
      %get3A_277 = arith.index_cast %get3A_276 : i32 to index
      %get3A_278 = arith.constant 16 : index
      %get3A_279 = tpu.vector_load %arg7[%get3A_277, %get3A_278] {strides = array<i32>} : memref<96x32xf32, #tpu.memory_space<vmem>>, vector<1x16xf32>,
      %get3A_280 = vector.shape_cast %get3A_279 : vector<1x16xf32> to vector<16xf32>
      %add3A_281 = arith.addf %add3A_233, %get3A_280 : vector<16xf32>
      %get3A_282 = arith.constant 17 : i32
      %get3A_283 = arith.index_cast %get3A_282 : i32 to index
      %get3A_284 = arith.constant 0 : index
      %get3A_285 = tpu.vector_load %arg7[%get3A_283, %get3A_284] {strides = array<i32>} : memref<96x32xf32, #tpu.memory_space<vmem>>, vector<1x16xf32>,
      %get3A_286 = vector.shape_cast %get3A_285 : vector<1x16xf32> to vector<16xf32>
      %add3A_287 = arith.addf %add3A_239, %get3A_286 : vector<16xf32>
      %get3A_288 = arith.constant 17 : i32
      %get3A_289 = arith.index_cast %get3A_288 : i32 to index
      %get3A_290 = arith.constant 16 : index
      %get3A_291 = tpu.vector_load %arg7[%get3A_289, %get3A_290] {strides = array<i32>} : memref<96x32xf32, #tpu.memory_space<vmem>>, vector<1x16xf32>,
      %get3A_292 = vector.shape_cast %get3A_291 : vector<1x16xf32> to vector<16xf32>
      %add3A_293 = arith.addf %add3A_245, %get3A_292 : vector<16xf32>
      %get3A_294 = arith.constant 18 : i32
      %get3A_295 = arith.index_cast %get3A_294 : i32 to index
      %get3A_296 = arith.constant 0 : index
      %get3A_297 = tpu.vector_load %arg7[%get3A_295, %get3A_296] {strides = array<i32>} : memref<96x32xf32, #tpu.memory_space<vmem>>, vector<1x16xf32>,
      %get3A_298 = vector.shape_cast %get3A_297 : vector<1x16xf32> to vector<16xf32>
      %add3A_299 = arith.addf %add3A_251, %get3A_298 : vector<16xf32>
      %get3A_300 = arith.constant 18 : i32
      %get3A_301 = arith.index_cast %get3A_300 : i32 to index
      %get3A_302 = arith.constant 16 : index
      %get3A_303 = tpu.vector_load %arg7[%get3A_301, %get3A_302] {strides = array<i32>} : memref<96x32xf32, #tpu.memory_space<vmem>>, vector<1x16xf32>,
      %get3A_304 = vector.shape_cast %get3A_303 : vector<1x16xf32> to vector<16xf32>
      %add3A_305 = arith.addf %add3A_257, %get3A_304 : vector<16xf32>
      %get3A_306 = arith.constant 19 : i32
      %get3A_307 = arith.index_cast %get3A_306 : i32 to index
      %get3A_308 = arith.constant 0 : index
      %get3A_309 = tpu.vector_load %arg7[%get3A_307, %get3A_308] {strides = array<i32>} : memref<96x32xf32, #tpu.memory_space<vmem>>, vector<1x16xf32>,
      %get3A_310 = vector.shape_cast %get3A_309 : vector<1x16xf32> to vector<16xf32>
      %add3A_311 = arith.addf %add3A_263, %get3A_310 : vector<16xf32>
      %get3A_312 = arith.constant 19 : i32
      %get3A_313 = arith.index_cast %get3A_312 : i32 to index
      %get3A_314 = arith.constant 16 : index
      %get3A_315 = tpu.vector_load %arg7[%get3A_313, %get3A_314] {strides = array<i32>} : memref<96x32xf32, #tpu.memory_space<vmem>>, vector<1x16xf32>,
      %get3A_316 = vector.shape_cast %get3A_315 : vector<1x16xf32> to vector<16xf32>
      %add3A_317 = arith.addf %add3A_269, %get3A_316 : vector<16xf32>
      %get3A_318 = arith.constant 20 : i32
      %get3A_319 = arith.index_cast %get3A_318 : i32 to index
      %get3A_320 = arith.constant 0 : index
      %get3A_321 = tpu.vector_load %arg7[%get3A_319, %get3A_320] {strides = array<i32>} : memref<96x32xf32, #tpu.memory_space<vmem>>, vector<1x16xf32>,
      %get3A_322 = vector.shape_cast %get3A_321 : vector<1x16xf32> to vector<16xf32>
      %add3A_323 = arith.addf %add3A_275, %get3A_322 : vector<16xf32>
      %get3A_324 = arith.constant 20 : i32
      %get3A_325 = arith.index_cast %get3A_324 : i32 to index
      %get3A_326 = arith.constant 16 : index
      %get3A_327 = tpu.vector_load %arg7[%get3A_325, %get3A_326] {strides = array<i32>} : memref<96x32xf32, #tpu.memory_space<vmem>>, vector<1x16xf32>,
      %get3A_328 = vector.shape_cast %get3A_327 : vector<1x16xf32> to vector<16xf32>
      %add3A_329 = arith.addf %add3A_281, %get3A_328 : vector<16xf32>
      %get3A_330 = arith.constant 21 : i32
      %get3A_331 = arith.index_cast %get3A_330 : i32 to index
      %get3A_332 = arith.constant 0 : index
      %get3A_333 = tpu.vector_load %arg7[%get3A_331, %get3A_332] {strides = array<i32>} : memref<96x32xf32, #tpu.memory_space<vmem>>, vector<1x16xf32>,
      %get3A_334 = vector.shape_cast %get3A_333 : vector<1x16xf32> to vector<16xf32>
      %add3A_335 = arith.addf %add3A_287, %get3A_334 : vector<16xf32>
      %get3A_336 = arith.constant 21 : i32
      %get3A_337 = arith.index_cast %get3A_336 : i32 to index
      %get3A_338 = arith.constant 16 : index
      %get3A_339 = tpu.vector_load %arg7[%get3A_337, %get3A_338] {strides = array<i32>} : memref<96x32xf32, #tpu.memory_space<vmem>>, vector<1x16xf32>,
      %get3A_340 = vector.shape_cast %get3A_339 : vector<1x16xf32> to vector<16xf32>
      %add3A_341 = arith.addf %add3A_293, %get3A_340 : vector<16xf32>
      %get3A_342 = arith.constant 22 : i32
      %get3A_343 = arith.index_cast %get3A_342 : i32 to index
      %get3A_344 = arith.constant 0 : index
      %get3A_345 = tpu.vector_load %arg7[%get3A_343, %get3A_344] {strides = array<i32>} : memref<96x32xf32, #tpu.memory_space<vmem>>, vector<1x16xf32>,
      %get3A_346 = vector.shape_cast %get3A_345 : vector<1x16xf32> to vector<16xf32>
      %add3A_347 = arith.addf %add3A_299, %get3A_346 : vector<16xf32>
      %get3A_348 = arith.constant 22 : i32
      %get3A_349 = arith.index_cast %get3A_348 : i32 to index
      %get3A_350 = arith.constant 16 : index
      %get3A_351 = tpu.vector_load %arg7[%get3A_349, %get3A_350] {strides = array<i32>} : memref<96x32xf32, #tpu.memory_space<vmem>>, vector<1x16xf32>,
      %get3A_352 = vector.shape_cast %get3A_351 : vector<1x16xf32> to vector<16xf32>
      %add3A_353 = arith.addf %add3A_305, %get3A_352 : vector<16xf32>
      %get3A_354 = arith.constant 23 : i32
      %get3A_355 = arith.index_cast %get3A_354 : i32 to index
      %get3A_356 = arith.constant 0 : index
      %get3A_357 = tpu.vector_load %arg7[%get3A_355, %get3A_356] {strides = array<i32>} : memref<96x32xf32, #tpu.memory_space<vmem>>, vector<1x16xf32>,
      %get3A_358 = vector.shape_cast %get3A_357 : vector<1x16xf32> to vector<16xf32>
      %add3A_359 = arith.addf %add3A_311, %get3A_358 : vector<16xf32>
      %get3A_360 = arith.constant 23 : i32
      %get3A_361 = arith.index_cast %get3A_360 : i32 to index
      %get3A_362 = arith.constant 16 : index
      %get3A_363 = tpu.vector_load %arg7[%get3A_361, %get3A_362] {strides = array<i32>} : memref<96x32xf32, #tpu.memory_space<vmem>>, vector<1x16xf32>,
      %get3A_364 = vector.shape_cast %get3A_363 : vector<1x16xf32> to vector<16xf32>
      %add3A_365 = arith.addf %add3A_317, %get3A_364 : vector<16xf32>
      %get3A_366 = arith.constant 24 : i32
      %get3A_367 = arith.index_cast %get3A_366 : i32 to index
      %get3A_368 = arith.constant 0 : index
      %get3A_369 = tpu.vector_load %arg7[%get3A_367, %get3A_368] {strides = array<i32>} : memref<96x32xf32, #tpu.memory_space<vmem>>, vector<1x16xf32>,
      %get3A_370 = vector.shape_cast %get3A_369 : vector<1x16xf32> to vector<16xf32>
      %add3A_371 = arith.addf %add3A_323, %get3A_370 : vector<16xf32>
      %get3A_372 = arith.constant 24 : i32
      %get3A_373 = arith.index_cast %get3A_372 : i32 to index
      %get3A_374 = arith.constant 16 : index
      %get3A_375 = tpu.vector_load %arg7[%get3A_373, %get3A_374] {strides = array<i32>} : memref<96x32xf32, #tpu.memory_space<vmem>>, vector<1x16xf32>,
      %get3A_376 = vector.shape_cast %get3A_375 : vector<1x16xf32> to vector<16xf32>
      %add3A_377 = arith.addf %add3A_329, %get3A_376 : vector<16xf32>
      %get3A_378 = arith.constant 25 : i32
      %get3A_379 = arith.index_cast %get3A_378 : i32 to index
      %get3A_380 = arith.constant 0 : index
      %get3A_381 = tpu.vector_load %arg7[%get3A_379, %get3A_380] {strides = array<i32>} : memref<96x32xf32, #tpu.memory_space<vmem>>, vector<1x16xf32>,
      %get3A_382 = vector.shape_cast %get3A_381 : vector<1x16xf32> to vector<16xf32>
      %add3A_383 = arith.addf %add3A_335, %get3A_382 : vector<16xf32>
      %get3A_384 = arith.constant 25 : i32
      %get3A_385 = arith.index_cast %get3A_384 : i32 to index
      %get3A_386 = arith.constant 16 : index
      %get3A_387 = tpu.vector_load %arg7[%get3A_385, %get3A_386] {strides = array<i32>} : memref<96x32xf32, #tpu.memory_space<vmem>>, vector<1x16xf32>,
      %get3A_388 = vector.shape_cast %get3A_387 : vector<1x16xf32> to vector<16xf32>
      %add3A_389 = arith.addf %add3A_341, %get3A_388 : vector<16xf32>
      %get3A_390 = arith.constant 26 : i32
      %get3A_391 = arith.index_cast %get3A_390 : i32 to index
      %get3A_392 = arith.constant 0 : index
      %get3A_393 = tpu.vector_load %arg7[%get3A_391, %get3A_392] {strides = array<i32>} : memref<96x32xf32, #tpu.memory_space<vmem>>, vector<1x16xf32>,
      %get3A_394 = vector.shape_cast %get3A_393 : vector<1x16xf32> to vector<16xf32>
      %add3A_395 = arith.addf %add3A_347, %get3A_394 : vector<16xf32>
      %get3A_396 = arith.constant 26 : i32
      %get3A_397 = arith.index_cast %get3A_396 : i32 to index
      %get3A_398 = arith.constant 16 : index
      %get3A_399 = tpu.vector_load %arg7[%get3A_397, %get3A_398] {strides = array<i32>} : memref<96x32xf32, #tpu.memory_space<vmem>>, vector<1x16xf32>,
      %get3A_400 = vector.shape_cast %get3A_399 : vector<1x16xf32> to vector<16xf32>
      %add3A_401 = arith.addf %add3A_353, %get3A_400 : vector<16xf32>
      %get3A_402 = arith.constant 27 : i32
      %get3A_403 = arith.index_cast %get3A_402 : i32 to index
      %get3A_404 = arith.constant 0 : index
      %get3A_405 = tpu.vector_load %arg7[%get3A_403, %get3A_404] {strides = array<i32>} : memref<96x32xf32, #tpu.memory_space<vmem>>, vector<1x16xf32>,
      %get3A_406 = vector.shape_cast %get3A_405 : vector<1x16xf32> to vector<16xf32>
      %add3A_407 = arith.addf %add3A_359, %get3A_406 : vector<16xf32>
      %get3A_408 = arith.constant 27 : i32
      %get3A_409 = arith.index_cast %get3A_408 : i32 to index
      %get3A_410 = arith.constant 16 : index
      %get3A_411 = tpu.vector_load %arg7[%get3A_409, %get3A_410] {strides = array<i32>} : memref<96x32xf32, #tpu.memory_space<vmem>>, vector<1x16xf32>,
      %get3A_412 = vector.shape_cast %get3A_411 : vector<1x16xf32> to vector<16xf32>
      %add3A_413 = arith.addf %add3A_365, %get3A_412 : vector<16xf32>
      %get3A_414 = arith.constant 28 : i32
      %get3A_415 = arith.index_cast %get3A_414 : i32 to index
      %get3A_416 = arith.constant 0 : index
      %get3A_417 = tpu.vector_load %arg7[%get3A_415, %get3A_416] {strides = array<i32>} : memref<96x32xf32, #tpu.memory_space<vmem>>, vector<1x16xf32>,
      %get3A_418 = vector.shape_cast %get3A_417 : vector<1x16xf32> to vector<16xf32>
      %add3A_419 = arith.addf %add3A_371, %get3A_418 : vector<16xf32>
      %get3A_420 = arith.constant 28 : i32
      %get3A_421 = arith.index_cast %get3A_420 : i32 to index
      %get3A_422 = arith.constant 16 : index
      %get3A_423 = tpu.vector_load %arg7[%get3A_421, %get3A_422] {strides = array<i32>} : memref<96x32xf32, #tpu.memory_space<vmem>>, vector<1x16xf32>,
      %get3A_424 = vector.shape_cast %get3A_423 : vector<1x16xf32> to vector<16xf32>
      %add3A_425 = arith.addf %add3A_377, %get3A_424 : vector<16xf32>
      %get3A_426 = arith.constant 29 : i32
      %get3A_427 = arith.index_cast %get3A_426 : i32 to index
      %get3A_428 = arith.constant 0 : index
      %get3A_429 = tpu.vector_load %arg7[%get3A_427, %get3A_428] {strides = array<i32>} : memref<96x32xf32, #tpu.memory_space<vmem>>, vector<1x16xf32>,
      %get3A_430 = vector.shape_cast %get3A_429 : vector<1x16xf32> to vector<16xf32>
      %add3A_431 = arith.addf %add3A_383, %get3A_430 : vector<16xf32>
      %get3A_432 = arith.constant 29 : i32
      %get3A_433 = arith.index_cast %get3A_432 : i32 to index
      %get3A_434 = arith.constant 16 : index
      %get3A_435 = tpu.vector_load %arg7[%get3A_433, %get3A_434] {strides = array<i32>} : memref<96x32xf32, #tpu.memory_space<vmem>>, vector<1x16xf32>,
      %get3A_436 = vector.shape_cast %get3A_435 : vector<1x16xf32> to vector<16xf32>
      %add3A_437 = arith.addf %add3A_389, %get3A_436 : vector<16xf32>
      %get3A_438 = arith.constant 30 : i32
      %get3A_439 = arith.index_cast %get3A_438 : i32 to index
      %get3A_440 = arith.constant 0 : index
      %get3A_441 = tpu.vector_load %arg7[%get3A_439, %get3A_440] {strides = array<i32>} : memref<96x32xf32, #tpu.memory_space<vmem>>, vector<1x16xf32>,
      %get3A_442 = vector.shape_cast %get3A_441 : vector<1x16xf32> to vector<16xf32>
      %add3A_443 = arith.addf %add3A_395, %get3A_442 : vector<16xf32>
      %get3A_444 = arith.constant 30 : i32
      %get3A_445 = arith.index_cast %get3A_444 : i32 to index
      %get3A_446 = arith.constant 16 : index
      %get3A_447 = tpu.vector_load %arg7[%get3A_445, %get3A_446] {strides = array<i32>} : memref<96x32xf32, #tpu.memory_space<vmem>>, vector<1x16xf32>,
      %get3A_448 = vector.shape_cast %get3A_447 : vector<1x16xf32> to vector<16xf32>
      %add3A_449 = arith.addf %add3A_401, %get3A_448 : vector<16xf32>
      %get3A_450 = arith.constant 31 : i32
      %get3A_451 = arith.index_cast %get3A_450 : i32 to index
      %get3A_452 = arith.constant 0 : index
      %get3A_453 = tpu.vector_load %arg7[%get3A_451, %get3A_452] {strides = array<i32>} : memref<96x32xf32, #tpu.memory_space<vmem>>, vector<1x16xf32>,
      %get3A_454 = vector.shape_cast %get3A_453 : vector<1x16xf32> to vector<16xf32>
      %add3A_455 = arith.addf %add3A_407, %get3A_454 : vector<16xf32>
      %get3A_456 = arith.constant 31 : i32
      %get3A_457 = arith.index_cast %get3A_456 : i32 to index
      %get3A_458 = arith.constant 16 : index
      %get3A_459 = tpu.vector_load %arg7[%get3A_457, %get3A_458] {strides = array<i32>} : memref<96x32xf32, #tpu.memory_space<vmem>>, vector<1x16xf32>,
      %get3A_460 = vector.shape_cast %get3A_459 : vector<1x16xf32> to vector<16xf32>
      %add3A_461 = arith.addf %add3A_413, %get3A_460 : vector<16xf32>
      %get3A_462 = arith.constant 32 : i32
      %get3A_463 = arith.index_cast %get3A_462 : i32 to index
      %get3A_464 = arith.constant 0 : index
      %get3A_465 = tpu.vector_load %arg7[%get3A_463, %get3A_464] {strides = array<i32>} : memref<96x32xf32, #tpu.memory_space<vmem>>, vector<1x16xf32>,
      %get3A_466 = vector.shape_cast %get3A_465 : vector<1x16xf32> to vector<16xf32>
      %add3A_467 = arith.addf %add3A_419, %get3A_466 : vector<16xf32>
      %get3A_468 = arith.constant 32 : i32
      %get3A_469 = arith.index_cast %get3A_468 : i32 to index
      %get3A_470 = arith.constant 16 : index
      %get3A_471 = tpu.vector_load %arg7[%get3A_469, %get3A_470] {strides = array<i32>} : memref<96x32xf32, #tpu.memory_space<vmem>>, vector<1x16xf32>,
      %get3A_472 = vector.shape_cast %get3A_471 : vector<1x16xf32> to vector<16xf32>
      %add3A_473 = arith.addf %add3A_425, %get3A_472 : vector<16xf32>
      %get3A_474 = arith.constant 33 : i32
      %get3A_475 = arith.index_cast %get3A_474 : i32 to index
      %get3A_476 = arith.constant 0 : index
      %get3A_477 = tpu.vector_load %arg7[%get3A_475, %get3A_476] {strides = array<i32>} : memref<96x32xf32, #tpu.memory_space<vmem>>, vector<1x16xf32>,
      %get3A_478 = vector.shape_cast %get3A_477 : vector<1x16xf32> to vector<16xf32>
      %add3A_479 = arith.addf %add3A_431, %get3A_478 : vector<16xf32>
      %get3A_480 = arith.constant 33 : i32
      %get3A_481 = arith.index_cast %get3A_480 : i32 to index
      %get3A_482 = arith.constant 16 : index
      %get3A_483 = tpu.vector_load %arg7[%get3A_481, %get3A_482] {strides = array<i32>} : memref<96x32xf32, #tpu.memory_space<vmem>>, vector<1x16xf32>,
      %get3A_484 = vector.shape_cast %get3A_483 : vector<1x16xf32> to vector<16xf32>
      %add3A_485 = arith.addf %add3A_437, %get3A_484 : vector<16xf32>
      %get3A_486 = arith.constant 34 : i32
      %get3A_487 = arith.index_cast %get3A_486 : i32 to index
      %get3A_488 = arith.constant 0 : index
      %get3A_489 = tpu.vector_load %arg7[%get3A_487, %get3A_488] {strides = array<i32>} : memref<96x32xf32, #tpu.memory_space<vmem>>, vector<1x16xf32>,
      %get3A_490 = vector.shape_cast %get3A_489 : vector<1x16xf32> to vector<16xf32>
      %add3A_491 = arith.addf %add3A_443, %get3A_490 : vector<16xf32>
      %get3A_492 = arith.constant 34 : i32
      %get3A_493 = arith.index_cast %get3A_492 : i32 to index
      %get3A_494 = arith.constant 16 : index
      %get3A_495 = tpu.vector_load %arg7[%get3A_493, %get3A_494] {strides = array<i32>} : memref<96x32xf32, #tpu.memory_space<vmem>>, vector<1x16xf32>,
      %get3A_496 = vector.shape_cast %get3A_495 : vector<1x16xf32> to vector<16xf32>
      %add3A_497 = arith.addf %add3A_449, %get3A_496 : vector<16xf32>
      %get3A_498 = arith.constant 35 : i32
      %get3A_499 = arith.index_cast %get3A_498 : i32 to index
      %get3A_500 = arith.constant 0 : index
      %get3A_501 = tpu.vector_load %arg7[%get3A_499, %get3A_500] {strides = array<i32>} : memref<96x32xf32, #tpu.memory_space<vmem>>, vector<1x16xf32>,
      %get3A_502 = vector.shape_cast %get3A_501 : vector<1x16xf32> to vector<16xf32>
      %add3A_503 = arith.addf %add3A_455, %get3A_502 : vector<16xf32>
      %get3A_504 = arith.constant 35 : i32
      %get3A_505 = arith.index_cast %get3A_504 : i32 to index
      %get3A_506 = arith.constant 16 : index
      %get3A_507 = tpu.vector_load %arg7[%get3A_505, %get3A_506] {strides = array<i32>} : memref<96x32xf32, #tpu.memory_space<vmem>>, vector<1x16xf32>,
      %get3A_508 = vector.shape_cast %get3A_507 : vector<1x16xf32> to vector<16xf32>
      %add3A_509 = arith.addf %add3A_461, %get3A_508 : vector<16xf32>
      %get3A_510 = arith.constant 36 : i32
      %get3A_511 = arith.index_cast %get3A_510 : i32 to index
      %get3A_512 = arith.constant 0 : index
      %get3A_513 = tpu.vector_load %arg7[%get3A_511, %get3A_512] {strides = array<i32>} : memref<96x32xf32, #tpu.memory_space<vmem>>, vector<1x16xf32>,
      %get3A_514 = vector.shape_cast %get3A_513 : vector<1x16xf32> to vector<16xf32>
      %add3A_515 = arith.addf %add3A_467, %get3A_514 : vector<16xf32>
      %get3A_516 = arith.constant 36 : i32
      %get3A_517 = arith.index_cast %get3A_516 : i32 to index
      %get3A_518 = arith.constant 16 : index
      %get3A_519 = tpu.vector_load %arg7[%get3A_517, %get3A_518] {strides = array<i32>} : memref<96x32xf32, #tpu.memory_space<vmem>>, vector<1x16xf32>,
      %get3A_520 = vector.shape_cast %get3A_519 : vector<1x16xf32> to vector<16xf32>
      %add3A_521 = arith.addf %add3A_473, %get3A_520 : vector<16xf32>
      %get3A_522 = arith.constant 37 : i32
      %get3A_523 = arith.index_cast %get3A_522 : i32 to index
      %get3A_524 = arith.constant 0 : index
      %get3A_525 = tpu.vector_load %arg7[%get3A_523, %get3A_524] {strides = array<i32>} : memref<96x32xf32, #tpu.memory_space<vmem>>, vector<1x16xf32>,
      %get3A_526 = vector.shape_cast %get3A_525 : vector<1x16xf32> to vector<16xf32>
      %add3A_527 = arith.addf %add3A_479, %get3A_526 : vector<16xf32>
      %get3A_528 = arith.constant 37 : i32
      %get3A_529 = arith.index_cast %get3A_528 : i32 to index
      %get3A_530 = arith.constant 16 : index
      %get3A_531 = tpu.vector_load %arg7[%get3A_529, %get3A_530] {strides = array<i32>} : memref<96x32xf32, #tpu.memory_space<vmem>>, vector<1x16xf32>,
      %get3A_532 = vector.shape_cast %get3A_531 : vector<1x16xf32> to vector<16xf32>
      %add3A_533 = arith.addf %add3A_485, %get3A_532 : vector<16xf32>
      %get3A_534 = arith.constant 38 : i32
      %get3A_535 = arith.index_cast %get3A_534 : i32 to index
      %get3A_536 = arith.constant 0 : index
      %get3A_537 = tpu.vector_load %arg7[%get3A_535, %get3A_536] {strides = array<i32>} : memref<96x32xf32, #tpu.memory_space<vmem>>, vector<1x16xf32>,
      %get3A_538 = vector.shape_cast %get3A_537 : vector<1x16xf32> to vector<16xf32>
      %add3A_539 = arith.addf %add3A_491, %get3A_538 : vector<16xf32>
      %get3A_540 = arith.constant 38 : i32
      %get3A_541 = arith.index_cast %get3A_540 : i32 to index
      %get3A_542 = arith.constant 16 : index
      %get3A_543 = tpu.vector_load %arg7[%get3A_541, %get3A_542] {strides = array<i32>} : memref<96x32xf32, #tpu.memory_space<vmem>>, vector<1x16xf32>,
      %get3A_544 = vector.shape_cast %get3A_543 : vector<1x16xf32> to vector<16xf32>
      %add3A_545 = arith.addf %add3A_497, %get3A_544 : vector<16xf32>
      %get3A_546 = arith.constant 39 : i32
      %get3A_547 = arith.index_cast %get3A_546 : i32 to index
      %get3A_548 = arith.constant 0 : index
      %get3A_549 = tpu.vector_load %arg7[%get3A_547, %get3A_548] {strides = array<i32>} : memref<96x32xf32, #tpu.memory_space<vmem>>, vector<1x16xf32>,
      %get3A_550 = vector.shape_cast %get3A_549 : vector<1x16xf32> to vector<16xf32>
      %add3A_551 = arith.addf %add3A_503, %get3A_550 : vector<16xf32>
      %get3A_552 = arith.constant 39 : i32
      %get3A_553 = arith.index_cast %get3A_552 : i32 to index
      %get3A_554 = arith.constant 16 : index
      %get3A_555 = tpu.vector_load %arg7[%get3A_553, %get3A_554] {strides = array<i32>} : memref<96x32xf32, #tpu.memory_space<vmem>>, vector<1x16xf32>,
      %get3A_556 = vector.shape_cast %get3A_555 : vector<1x16xf32> to vector<16xf32>
      %add3A_557 = arith.addf %add3A_509, %get3A_556 : vector<16xf32>
      %get3A_558 = arith.constant 40 : i32
      %get3A_559 = arith.index_cast %get3A_558 : i32 to index
      %get3A_560 = arith.constant 0 : index
      %get3A_561 = tpu.vector_load %arg7[%get3A_559, %get3A_560] {strides = array<i32>} : memref<96x32xf32, #tpu.memory_space<vmem>>, vector<1x16xf32>,
      %get3A_562 = vector.shape_cast %get3A_561 : vector<1x16xf32> to vector<16xf32>
      %add3A_563 = arith.addf %add3A_515, %get3A_562 : vector<16xf32>
      %get3A_564 = arith.constant 40 : i32
      %get3A_565 = arith.index_cast %get3A_564 : i32 to index
      %get3A_566 = arith.constant 16 : index
      %get3A_567 = tpu.vector_load %arg7[%get3A_565, %get3A_566] {strides = array<i32>} : memref<96x32xf32, #tpu.memory_space<vmem>>, vector<1x16xf32>,
      %get3A_568 = vector.shape_cast %get3A_567 : vector<1x16xf32> to vector<16xf32>
      %add3A_569 = arith.addf %add3A_521, %get3A_568 : vector<16xf32>
      %get3A_570 = arith.constant 41 : i32
      %get3A_571 = arith.index_cast %get3A_570 : i32 to index
      %get3A_572 = arith.constant 0 : index
      %get3A_573 = tpu.vector_load %arg7[%get3A_571, %get3A_572] {strides = array<i32>} : memref<96x32xf32, #tpu.memory_space<vmem>>, vector<1x16xf32>,
      %get3A_574 = vector.shape_cast %get3A_573 : vector<1x16xf32> to vector<16xf32>
      %add3A_575 = arith.addf %add3A_527, %get3A_574 : vector<16xf32>
      %get3A_576 = arith.constant 41 : i32
      %get3A_577 = arith.index_cast %get3A_576 : i32 to index
      %get3A_578 = arith.constant 16 : index
      %get3A_579 = tpu.vector_load %arg7[%get3A_577, %get3A_578] {strides = array<i32>} : memref<96x32xf32, #tpu.memory_space<vmem>>, vector<1x16xf32>,
      %get3A_580 = vector.shape_cast %get3A_579 : vector<1x16xf32> to vector<16xf32>
      %add3A_581 = arith.addf %add3A_533, %get3A_580 : vector<16xf32>
      %get3A_582 = arith.constant 42 : i32
      %get3A_583 = arith.index_cast %get3A_582 : i32 to index
      %get3A_584 = arith.constant 0 : index
      %get3A_585 = tpu.vector_load %arg7[%get3A_583, %get3A_584] {strides = array<i32>} : memref<96x32xf32, #tpu.memory_space<vmem>>, vector<1x16xf32>,
      %get3A_586 = vector.shape_cast %get3A_585 : vector<1x16xf32> to vector<16xf32>
      %add3A_587 = arith.addf %add3A_539, %get3A_586 : vector<16xf32>
      %get3A_588 = arith.constant 42 : i32
      %get3A_589 = arith.index_cast %get3A_588 : i32 to index
      %get3A_590 = arith.constant 16 : index
      %get3A_591 = tpu.vector_load %arg7[%get3A_589, %get3A_590] {strides = array<i32>} : memref<96x32xf32, #tpu.memory_space<vmem>>, vector<1x16xf32>,
      %get3A_592 = vector.shape_cast %get3A_591 : vector<1x16xf32> to vector<16xf32>
      %add3A_593 = arith.addf %add3A_545, %get3A_592 : vector<16xf32>
      %get3A_594 = arith.constant 43 : i32
      %get3A_595 = arith.index_cast %get3A_594 : i32 to index
      %get3A_596 = arith.constant 0 : index
      %get3A_597 = tpu.vector_load %arg7[%get3A_595, %get3A_596] {strides = array<i32>} : memref<96x32xf32, #tpu.memory_space<vmem>>, vector<1x16xf32>,
      %get3A_598 = vector.shape_cast %get3A_597 : vector<1x16xf32> to vector<16xf32>
      %add3A_599 = arith.addf %add3A_551, %get3A_598 : vector<16xf32>
      %get3A_600 = arith.constant 43 : i32
      %get3A_601 = arith.index_cast %get3A_600 : i32 to index
      %get3A_602 = arith.constant 16 : index
      %get3A_603 = tpu.vector_load %arg7[%get3A_601, %get3A_602] {strides = array<i32>} : memref<96x32xf32, #tpu.memory_space<vmem>>, vector<1x16xf32>,
      %get3A_604 = vector.shape_cast %get3A_603 : vector<1x16xf32> to vector<16xf32>
      %add3A_605 = arith.addf %add3A_557, %get3A_604 : vector<16xf32>
      %get3A_606 = arith.constant 44 : i32
      %get3A_607 = arith.index_cast %get3A_606 : i32 to index
      %get3A_608 = arith.constant 0 : index
      %get3A_609 = tpu.vector_load %arg7[%get3A_607, %get3A_608] {strides = array<i32>} : memref<96x32xf32, #tpu.memory_space<vmem>>, vector<1x16xf32>,
      %get3A_610 = vector.shape_cast %get3A_609 : vector<1x16xf32> to vector<16xf32>
      %add3A_611 = arith.addf %add3A_563, %get3A_610 : vector<16xf32>
      %get3A_612 = arith.constant 44 : i32
      %get3A_613 = arith.index_cast %get3A_612 : i32 to index
      %get3A_614 = arith.constant 16 : index
      %get3A_615 = tpu.vector_load %arg7[%get3A_613, %get3A_614] {strides = array<i32>} : memref<96x32xf32, #tpu.memory_space<vmem>>, vector<1x16xf32>,
      %get3A_616 = vector.shape_cast %get3A_615 : vector<1x16xf32> to vector<16xf32>
      %add3A_617 = arith.addf %add3A_569, %get3A_616 : vector<16xf32>
      %get3A_618 = arith.constant 45 : i32
      %get3A_619 = arith.index_cast %get3A_618 : i32 to index
      %get3A_620 = arith.constant 0 : index
      %get3A_621 = tpu.vector_load %arg7[%get3A_619, %get3A_620] {strides = array<i32>} : memref<96x32xf32, #tpu.memory_space<vmem>>, vector<1x16xf32>,
      %get3A_622 = vector.shape_cast %get3A_621 : vector<1x16xf32> to vector<16xf32>
      %add3A_623 = arith.addf %add3A_575, %get3A_622 : vector<16xf32>
      %get3A_624 = arith.constant 45 : i32
      %get3A_625 = arith.index_cast %get3A_624 : i32 to index
      %get3A_626 = arith.constant 16 : index
      %get3A_627 = tpu.vector_load %arg7[%get3A_625, %get3A_626] {strides = array<i32>} : memref<96x32xf32, #tpu.memory_space<vmem>>, vector<1x16xf32>,
      %get3A_628 = vector.shape_cast %get3A_627 : vector<1x16xf32> to vector<16xf32>
      %add3A_629 = arith.addf %add3A_581, %get3A_628 : vector<16xf32>
      %get3A_630 = arith.constant 46 : i32
      %get3A_631 = arith.index_cast %get3A_630 : i32 to index
      %get3A_632 = arith.constant 0 : index
      %get3A_633 = tpu.vector_load %arg7[%get3A_631, %get3A_632] {strides = array<i32>} : memref<96x32xf32, #tpu.memory_space<vmem>>, vector<1x16xf32>,
      %get3A_634 = vector.shape_cast %get3A_633 : vector<1x16xf32> to vector<16xf32>
      %add3A_635 = arith.addf %add3A_587, %get3A_634 : vector<16xf32>
      %get3A_636 = arith.constant 46 : i32
      %get3A_637 = arith.index_cast %get3A_636 : i32 to index
      %get3A_638 = arith.constant 16 : index
      %get3A_639 = tpu.vector_load %arg7[%get3A_637, %get3A_638] {strides = array<i32>} : memref<96x32xf32, #tpu.memory_space<vmem>>, vector<1x16xf32>,
      %get3A_640 = vector.shape_cast %get3A_639 : vector<1x16xf32> to vector<16xf32>
      %add3A_641 = arith.addf %add3A_593, %get3A_640 : vector<16xf32>
      %get3A_642 = arith.constant 47 : i32
      %get3A_643 = arith.index_cast %get3A_642 : i32 to index
      %get3A_644 = arith.constant 0 : index
      %get3A_645 = tpu.vector_load %arg7[%get3A_643, %get3A_644] {strides = array<i32>} : memref<96x32xf32, #tpu.memory_space<vmem>>, vector<1x16xf32>,
      %get3A_646 = vector.shape_cast %get3A_645 : vector<1x16xf32> to vector<16xf32>
      %add3A_647 = arith.addf %add3A_599, %get3A_646 : vector<16xf32>
      %get3A_648 = arith.constant 47 : i32
      %get3A_649 = arith.index_cast %get3A_648 : i32 to index
      %get3A_650 = arith.constant 16 : index
      %get3A_651 = tpu.vector_load %arg7[%get3A_649, %get3A_650] {strides = array<i32>} : memref<96x32xf32, #tpu.memory_space<vmem>>, vector<1x16xf32>,
      %get3A_652 = vector.shape_cast %get3A_651 : vector<1x16xf32> to vector<16xf32>
      %add3A_653 = arith.addf %add3A_605, %get3A_652 : vector<16xf32>
      %get3A_654 = arith.constant 48 : i32
      %get3A_655 = arith.index_cast %get3A_654 : i32 to index
      %get3A_656 = arith.constant 0 : index
      %get3A_657 = tpu.vector_load %arg7[%get3A_655, %get3A_656] {strides = array<i32>} : memref<96x32xf32, #tpu.memory_space<vmem>>, vector<1x16xf32>,
      %get3A_658 = vector.shape_cast %get3A_657 : vector<1x16xf32> to vector<16xf32>
      %add3A_659 = arith.addf %add3A_611, %get3A_658 : vector<16xf32>
      %get3A_660 = arith.constant 48 : i32
      %get3A_661 = arith.index_cast %get3A_660 : i32 to index
      %get3A_662 = arith.constant 16 : index
      %get3A_663 = tpu.vector_load %arg7[%get3A_661, %get3A_662] {strides = array<i32>} : memref<96x32xf32, #tpu.memory_space<vmem>>, vector<1x16xf32>,
      %get3A_664 = vector.shape_cast %get3A_663 : vector<1x16xf32> to vector<16xf32>
      %add3A_665 = arith.addf %add3A_617, %get3A_664 : vector<16xf32>
      %get3A_666 = arith.constant 49 : i32
      %get3A_667 = arith.index_cast %get3A_666 : i32 to index
      %get3A_668 = arith.constant 0 : index
      %get3A_669 = tpu.vector_load %arg7[%get3A_667, %get3A_668] {strides = array<i32>} : memref<96x32xf32, #tpu.memory_space<vmem>>, vector<1x16xf32>,
      %get3A_670 = vector.shape_cast %get3A_669 : vector<1x16xf32> to vector<16xf32>
      %add3A_671 = arith.addf %add3A_623, %get3A_670 : vector<16xf32>
      %get3A_672 = arith.constant 49 : i32
      %get3A_673 = arith.index_cast %get3A_672 : i32 to index
      %get3A_674 = arith.constant 16 : index
      %get3A_675 = tpu.vector_load %arg7[%get3A_673, %get3A_674] {strides = array<i32>} : memref<96x32xf32, #tpu.memory_space<vmem>>, vector<1x16xf32>,
      %get3A_676 = vector.shape_cast %get3A_675 : vector<1x16xf32> to vector<16xf32>
      %add3A_677 = arith.addf %add3A_629, %get3A_676 : vector<16xf32>
      %get3A_678 = arith.constant 50 : i32
      %get3A_679 = arith.index_cast %get3A_678 : i32 to index
      %get3A_680 = arith.constant 0 : index
      %get3A_681 = tpu.vector_load %arg7[%get3A_679, %get3A_680] {strides = array<i32>} : memref<96x32xf32, #tpu.memory_space<vmem>>, vector<1x16xf32>,
      %get3A_682 = vector.shape_cast %get3A_681 : vector<1x16xf32> to vector<16xf32>
      %add3A_683 = arith.addf %add3A_635, %get3A_682 : vector<16xf32>
      %get3A_684 = arith.constant 50 : i32
      %get3A_685 = arith.index_cast %get3A_684 : i32 to index
      %get3A_686 = arith.constant 16 : index
      %get3A_687 = tpu.vector_load %arg7[%get3A_685, %get3A_686] {strides = array<i32>} : memref<96x32xf32, #tpu.memory_space<vmem>>, vector<1x16xf32>,
      %get3A_688 = vector.shape_cast %get3A_687 : vector<1x16xf32> to vector<16xf32>
      %add3A_689 = arith.addf %add3A_641, %get3A_688 : vector<16xf32>
      %get3A_690 = arith.constant 51 : i32
      %get3A_691 = arith.index_cast %get3A_690 : i32 to index
      %get3A_692 = arith.constant 0 : index
      %get3A_693 = tpu.vector_load %arg7[%get3A_691, %get3A_692] {strides = array<i32>} : memref<96x32xf32, #tpu.memory_space<vmem>>, vector<1x16xf32>,
      %get3A_694 = vector.shape_cast %get3A_693 : vector<1x16xf32> to vector<16xf32>
      %add3A_695 = arith.addf %add3A_647, %get3A_694 : vector<16xf32>
      %get3A_696 = arith.constant 51 : i32
      %get3A_697 = arith.index_cast %get3A_696 : i32 to index
      %get3A_698 = arith.constant 16 : index
      %get3A_699 = tpu.vector_load %arg7[%get3A_697, %get3A_698] {strides = array<i32>} : memref<96x32xf32, #tpu.memory_space<vmem>>, vector<1x16xf32>,
      %get3A_700 = vector.shape_cast %get3A_699 : vector<1x16xf32> to vector<16xf32>
      %add3A_701 = arith.addf %add3A_653, %get3A_700 : vector<16xf32>
      %get3A_702 = arith.constant 52 : i32
      %get3A_703 = arith.index_cast %get3A_702 : i32 to index
      %get3A_704 = arith.constant 0 : index
      %get3A_705 = tpu.vector_load %arg7[%get3A_703, %get3A_704] {strides = array<i32>} : memref<96x32xf32, #tpu.memory_space<vmem>>, vector<1x16xf32>,
      %get3A_706 = vector.shape_cast %get3A_705 : vector<1x16xf32> to vector<16xf32>
      %add3A_707 = arith.addf %add3A_659, %get3A_706 : vector<16xf32>
      %get3A_708 = arith.constant 52 : i32
      %get3A_709 = arith.index_cast %get3A_708 : i32 to index
      %get3A_710 = arith.constant 16 : index
      %get3A_711 = tpu.vector_load %arg7[%get3A_709, %get3A_710] {strides = array<i32>} : memref<96x32xf32, #tpu.memory_space<vmem>>, vector<1x16xf32>,
      %get3A_712 = vector.shape_cast %get3A_711 : vector<1x16xf32> to vector<16xf32>
      %add3A_713 = arith.addf %add3A_665, %get3A_712 : vector<16xf32>
      %get3A_714 = arith.constant 53 : i32
      %get3A_715 = arith.index_cast %get3A_714 : i32 to index
      %get3A_716 = arith.constant 0 : index
      %get3A_717 = tpu.vector_load %arg7[%get3A_715, %get3A_716] {strides = array<i32>} : memref<96x32xf32, #tpu.memory_space<vmem>>, vector<1x16xf32>,
      %get3A_718 = vector.shape_cast %get3A_717 : vector<1x16xf32> to vector<16xf32>
      %add3A_719 = arith.addf %add3A_671, %get3A_718 : vector<16xf32>
      %get3A_720 = arith.constant 53 : i32
      %get3A_721 = arith.index_cast %get3A_720 : i32 to index
      %get3A_722 = arith.constant 16 : index
      %get3A_723 = tpu.vector_load %arg7[%get3A_721, %get3A_722] {strides = array<i32>} : memref<96x32xf32, #tpu.memory_space<vmem>>, vector<1x16xf32>,
      %get3A_724 = vector.shape_cast %get3A_723 : vector<1x16xf32> to vector<16xf32>
      %add3A_725 = arith.addf %add3A_677, %get3A_724 : vector<16xf32>
      %get3A_726 = arith.constant 54 : i32
      %get3A_727 = arith.index_cast %get3A_726 : i32 to index
      %get3A_728 = arith.constant 0 : index
      %get3A_729 = tpu.vector_load %arg7[%get3A_727, %get3A_728] {strides = array<i32>} : memref<96x32xf32, #tpu.memory_space<vmem>>, vector<1x16xf32>,
      %get3A_730 = vector.shape_cast %get3A_729 : vector<1x16xf32> to vector<16xf32>
      %add3A_731 = arith.addf %add3A_683, %get3A_730 : vector<16xf32>
      %get3A_732 = arith.constant 54 : i32
      %get3A_733 = arith.index_cast %get3A_732 : i32 to index
      %get3A_734 = arith.constant 16 : index
      %get3A_735 = tpu.vector_load %arg7[%get3A_733, %get3A_734] {strides = array<i32>} : memref<96x32xf32, #tpu.memory_space<vmem>>, vector<1x16xf32>,
      %get3A_736 = vector.shape_cast %get3A_735 : vector<1x16xf32> to vector<16xf32>
      %add3A_737 = arith.addf %add3A_689, %get3A_736 : vector<16xf32>
      %get3A_738 = arith.constant 55 : i32
      %get3A_739 = arith.index_cast %get3A_738 : i32 to index
      %get3A_740 = arith.constant 0 : index
      %get3A_741 = tpu.vector_load %arg7[%get3A_739, %get3A_740] {strides = array<i32>} : memref<96x32xf32, #tpu.memory_space<vmem>>, vector<1x16xf32>,
      %get3A_742 = vector.shape_cast %get3A_741 : vector<1x16xf32> to vector<16xf32>
      %add3A_743 = arith.addf %add3A_695, %get3A_742 : vector<16xf32>
      %get3A_744 = arith.constant 55 : i32
      %get3A_745 = arith.index_cast %get3A_744 : i32 to index
      %get3A_746 = arith.constant 16 : index
      %get3A_747 = tpu.vector_load %arg7[%get3A_745, %get3A_746] {strides = array<i32>} : memref<96x32xf32, #tpu.memory_space<vmem>>, vector<1x16xf32>,
      %get3A_748 = vector.shape_cast %get3A_747 : vector<1x16xf32> to vector<16xf32>
      %add3A_749 = arith.addf %add3A_701, %get3A_748 : vector<16xf32>
      %get3A_750 = arith.constant 56 : i32
      %get3A_751 = arith.index_cast %get3A_750 : i32 to index
      %get3A_752 = arith.constant 0 : index
      %get3A_753 = tpu.vector_load %arg7[%get3A_751, %get3A_752] {strides = array<i32>} : memref<96x32xf32, #tpu.memory_space<vmem>>, vector<1x16xf32>,
      %get3A_754 = vector.shape_cast %get3A_753 : vector<1x16xf32> to vector<16xf32>
      %add3A_755 = arith.addf %add3A_707, %get3A_754 : vector<16xf32>
      %get3A_756 = arith.constant 56 : i32
      %get3A_757 = arith.index_cast %get3A_756 : i32 to index
      %get3A_758 = arith.constant 16 : index
      %get3A_759 = tpu.vector_load %arg7[%get3A_757, %get3A_758] {strides = array<i32>} : memref<96x32xf32, #tpu.memory_space<vmem>>, vector<1x16xf32>,
      %get3A_760 = vector.shape_cast %get3A_759 : vector<1x16xf32> to vector<16xf32>
      %add3A_761 = arith.addf %add3A_713, %get3A_760 : vector<16xf32>
      %get3A_762 = arith.constant 57 : i32
      %get3A_763 = arith.index_cast %get3A_762 : i32 to index
      %get3A_764 = arith.constant 0 : index
      %get3A_765 = tpu.vector_load %arg7[%get3A_763, %get3A_764] {strides = array<i32>} : memref<96x32xf32, #tpu.memory_space<vmem>>, vector<1x16xf32>,
      %get3A_766 = vector.shape_cast %get3A_765 : vector<1x16xf32> to vector<16xf32>
      %add3A_767 = arith.addf %add3A_719, %get3A_766 : vector<16xf32>
      %get3A_768 = arith.constant 57 : i32
      %get3A_769 = arith.index_cast %get3A_768 : i32 to index
      %get3A_770 = arith.constant 16 : index
      %get3A_771 = tpu.vector_load %arg7[%get3A_769, %get3A_770] {strides = array<i32>} : memref<96x32xf32, #tpu.memory_space<vmem>>, vector<1x16xf32>,
      %get3A_772 = vector.shape_cast %get3A_771 : vector<1x16xf32> to vector<16xf32>
      %add3A_773 = arith.addf %add3A_725, %get3A_772 : vector<16xf32>
      %get3A_774 = arith.constant 58 : i32
      %get3A_775 = arith.index_cast %get3A_774 : i32 to index
      %get3A_776 = arith.constant 0 : index
      %get3A_777 = tpu.vector_load %arg7[%get3A_775, %get3A_776] {strides = array<i32>} : memref<96x32xf32, #tpu.memory_space<vmem>>, vector<1x16xf32>,
      %get3A_778 = vector.shape_cast %get3A_777 : vector<1x16xf32> to vector<16xf32>
      %add3A_779 = arith.addf %add3A_731, %get3A_778 : vector<16xf32>
      %get3A_780 = arith.constant 58 : i32
      %get3A_781 = arith.index_cast %get3A_780 : i32 to index
      %get3A_782 = arith.constant 16 : index
      %get3A_783 = tpu.vector_load %arg7[%get3A_781, %get3A_782] {strides = array<i32>} : memref<96x32xf32, #tpu.memory_space<vmem>>, vector<1x16xf32>,
      %get3A_784 = vector.shape_cast %get3A_783 : vector<1x16xf32> to vector<16xf32>
      %add3A_785 = arith.addf %add3A_737, %get3A_784 : vector<16xf32>
      %get3A_786 = arith.constant 59 : i32
      %get3A_787 = arith.index_cast %get3A_786 : i32 to index
      %get3A_788 = arith.constant 0 : index
      %get3A_789 = tpu.vector_load %arg7[%get3A_787, %get3A_788] {strides = array<i32>} : memref<96x32xf32, #tpu.memory_space<vmem>>, vector<1x16xf32>,
      %get3A_790 = vector.shape_cast %get3A_789 : vector<1x16xf32> to vector<16xf32>
      %add3A_791 = arith.addf %add3A_743, %get3A_790 : vector<16xf32>
      %get3A_792 = arith.constant 59 : i32
      %get3A_793 = arith.index_cast %get3A_792 : i32 to index
      %get3A_794 = arith.constant 16 : index
      %get3A_795 = tpu.vector_load %arg7[%get3A_793, %get3A_794] {strides = array<i32>} : memref<96x32xf32, #tpu.memory_space<vmem>>, vector<1x16xf32>,
      %get3A_796 = vector.shape_cast %get3A_795 : vector<1x16xf32> to vector<16xf32>
      %add3A_797 = arith.addf %add3A_749, %get3A_796 : vector<16xf32>
      %get3A_798 = arith.constant 60 : i32
      %get3A_799 = arith.index_cast %get3A_798 : i32 to index
      %get3A_800 = arith.constant 0 : index
      %get3A_801 = tpu.vector_load %arg7[%get3A_799, %get3A_800] {strides = array<i32>} : memref<96x32xf32, #tpu.memory_space<vmem>>, vector<1x16xf32>,
      %get3A_802 = vector.shape_cast %get3A_801 : vector<1x16xf32> to vector<16xf32>
      %add3A_803 = arith.addf %add3A_755, %get3A_802 : vector<16xf32>
      %get3A_804 = arith.constant 60 : i32
      %get3A_805 = arith.index_cast %get3A_804 : i32 to index
      %get3A_806 = arith.constant 16 : index
      %get3A_807 = tpu.vector_load %arg7[%get3A_805, %get3A_806] {strides = array<i32>} : memref<96x32xf32, #tpu.memory_space<vmem>>, vector<1x16xf32>,
      %get3A_808 = vector.shape_cast %get3A_807 : vector<1x16xf32> to vector<16xf32>
      %add3A_809 = arith.addf %add3A_761, %get3A_808 : vector<16xf32>
      %get3A_810 = arith.constant 61 : i32
      %get3A_811 = arith.index_cast %get3A_810 : i32 to index
      %get3A_812 = arith.constant 0 : index
      %get3A_813 = tpu.vector_load %arg7[%get3A_811, %get3A_812] {strides = array<i32>} : memref<96x32xf32, #tpu.memory_space<vmem>>, vector<1x16xf32>,
      %get3A_814 = vector.shape_cast %get3A_813 : vector<1x16xf32> to vector<16xf32>
      %add3A_815 = arith.addf %add3A_767, %get3A_814 : vector<16xf32>
      %get3A_816 = arith.constant 61 : i32
      %get3A_817 = arith.index_cast %get3A_816 : i32 to index
      %get3A_818 = arith.constant 16 : index
      %get3A_819 = tpu.vector_load %arg7[%get3A_817, %get3A_818] {strides = array<i32>} : memref<96x32xf32, #tpu.memory_space<vmem>>, vector<1x16xf32>,
      %get3A_820 = vector.shape_cast %get3A_819 : vector<1x16xf32> to vector<16xf32>
      %add3A_821 = arith.addf %add3A_773, %get3A_820 : vector<16xf32>
      %get3A_822 = arith.constant 62 : i32
      %get3A_823 = arith.index_cast %get3A_822 : i32 to index
      %get3A_824 = arith.constant 0 : index
      %get3A_825 = tpu.vector_load %arg7[%get3A_823, %get3A_824] {strides = array<i32>} : memref<96x32xf32, #tpu.memory_space<vmem>>, vector<1x16xf32>,
      %get3A_826 = vector.shape_cast %get3A_825 : vector<1x16xf32> to vector<16xf32>
      %add3A_827 = arith.addf %add3A_779, %get3A_826 : vector<16xf32>
      %get3A_828 = arith.constant 62 : i32
      %get3A_829 = arith.index_cast %get3A_828 : i32 to index
      %get3A_830 = arith.constant 16 : index
      %get3A_831 = tpu.vector_load %arg7[%get3A_829, %get3A_830] {strides = array<i32>} : memref<96x32xf32, #tpu.memory_space<vmem>>, vector<1x16xf32>,
      %get3A_832 = vector.shape_cast %get3A_831 : vector<1x16xf32> to vector<16xf32>
      %add3A_833 = arith.addf %add3A_785, %get3A_832 : vector<16xf32>
      %get3A_834 = arith.constant 63 : i32
      %get3A_835 = arith.index_cast %get3A_834 : i32 to index
      %get3A_836 = arith.constant 0 : index
      %get3A_837 = tpu.vector_load %arg7[%get3A_835, %get3A_836] {strides = array<i32>} : memref<96x32xf32, #tpu.memory_space<vmem>>, vector<1x16xf32>,
      %get3A_838 = vector.shape_cast %get3A_837 : vector<1x16xf32> to vector<16xf32>
      %add3A_839 = arith.addf %add3A_791, %get3A_838 : vector<16xf32>
      %get3A_840 = arith.constant 63 : i32
      %get3A_841 = arith.index_cast %get3A_840 : i32 to index
      %get3A_842 = arith.constant 16 : index
      %get3A_843 = tpu.vector_load %arg7[%get3A_841, %get3A_842] {strides = array<i32>} : memref<96x32xf32, #tpu.memory_space<vmem>>, vector<1x16xf32>,
      %get3A_844 = vector.shape_cast %get3A_843 : vector<1x16xf32> to vector<16xf32>
      %add3A_845 = arith.addf %add3A_797, %get3A_844 : vector<16xf32>
      %get3A_846 = arith.constant 64 : i32
      %get3A_847 = arith.index_cast %get3A_846 : i32 to index
      %get3A_848 = arith.constant 0 : index
      %get3A_849 = tpu.vector_load %arg7[%get3A_847, %get3A_848] {strides = array<i32>} : memref<96x32xf32, #tpu.memory_space<vmem>>, vector<1x16xf32>,
      %get3A_850 = vector.shape_cast %get3A_849 : vector<1x16xf32> to vector<16xf32>
      %add3A_851 = arith.addf %add3A_803, %get3A_850 : vector<16xf32>
      %get3A_852 = arith.constant 64 : i32
      %get3A_853 = arith.index_cast %get3A_852 : i32 to index
      %get3A_854 = arith.constant 16 : index
      %get3A_855 = tpu.vector_load %arg7[%get3A_853, %get3A_854] {strides = array<i32>} : memref<96x32xf32, #tpu.memory_space<vmem>>, vector<1x16xf32>,
      %get3A_856 = vector.shape_cast %get3A_855 : vector<1x16xf32> to vector<16xf32>
      %add3A_857 = arith.addf %add3A_809, %get3A_856 : vector<16xf32>
      %get3A_858 = arith.constant 65 : i32
      %get3A_859 = arith.index_cast %get3A_858 : i32 to index
      %get3A_860 = arith.constant 0 : index
      %get3A_861 = tpu.vector_load %arg7[%get3A_859, %get3A_860] {strides = array<i32>} : memref<96x32xf32, #tpu.memory_space<vmem>>, vector<1x16xf32>,
      %get3A_862 = vector.shape_cast %get3A_861 : vector<1x16xf32> to vector<16xf32>
      %add3A_863 = arith.addf %add3A_815, %get3A_862 : vector<16xf32>
      %get3A_864 = arith.constant 65 : i32
      %get3A_865 = arith.index_cast %get3A_864 : i32 to index
      %get3A_866 = arith.constant 16 : index
      %get3A_867 = tpu.vector_load %arg7[%get3A_865, %get3A_866] {strides = array<i32>} : memref<96x32xf32, #tpu.memory_space<vmem>>, vector<1x16xf32>,
      %get3A_868 = vector.shape_cast %get3A_867 : vector<1x16xf32> to vector<16xf32>
      %add3A_869 = arith.addf %add3A_821, %get3A_868 : vector<16xf32>
      %get3A_870 = arith.constant 66 : i32
      %get3A_871 = arith.index_cast %get3A_870 : i32 to index
      %get3A_872 = arith.constant 0 : index
      %get3A_873 = tpu.vector_load %arg7[%get3A_871, %get3A_872] {strides = array<i32>} : memref<96x32xf32, #tpu.memory_space<vmem>>, vector<1x16xf32>,
      %get3A_874 = vector.shape_cast %get3A_873 : vector<1x16xf32> to vector<16xf32>
      %add3A_875 = arith.addf %add3A_827, %get3A_874 : vector<16xf32>
      %get3A_876 = arith.constant 66 : i32
      %get3A_877 = arith.index_cast %get3A_876 : i32 to index
      %get3A_878 = arith.constant 16 : index
      %get3A_879 = tpu.vector_load %arg7[%get3A_877, %get3A_878] {strides = array<i32>} : memref<96x32xf32, #tpu.memory_space<vmem>>, vector<1x16xf32>,
      %get3A_880 = vector.shape_cast %get3A_879 : vector<1x16xf32> to vector<16xf32>
      %add3A_881 = arith.addf %add3A_833, %get3A_880 : vector<16xf32>
      %get3A_882 = arith.constant 67 : i32
      %get3A_883 = arith.index_cast %get3A_882 : i32 to index
      %get3A_884 = arith.constant 0 : index
      %get3A_885 = tpu.vector_load %arg7[%get3A_883, %get3A_884] {strides = array<i32>} : memref<96x32xf32, #tpu.memory_space<vmem>>, vector<1x16xf32>,
      %get3A_886 = vector.shape_cast %get3A_885 : vector<1x16xf32> to vector<16xf32>
      %add3A_887 = arith.addf %add3A_839, %get3A_886 : vector<16xf32>
      %get3A_888 = arith.constant 67 : i32
      %get3A_889 = arith.index_cast %get3A_888 : i32 to index
      %get3A_890 = arith.constant 16 : index
      %get3A_891 = tpu.vector_load %arg7[%get3A_889, %get3A_890] {strides = array<i32>} : memref<96x32xf32, #tpu.memory_space<vmem>>, vector<1x16xf32>,
      %get3A_892 = vector.shape_cast %get3A_891 : vector<1x16xf32> to vector<16xf32>
      %add3A_893 = arith.addf %add3A_845, %get3A_892 : vector<16xf32>
      %get3A_894 = arith.constant 68 : i32
      %get3A_895 = arith.index_cast %get3A_894 : i32 to index
      %get3A_896 = arith.constant 0 : index
      %get3A_897 = tpu.vector_load %arg7[%get3A_895, %get3A_896] {strides = array<i32>} : memref<96x32xf32, #tpu.memory_space<vmem>>, vector<1x16xf32>,
      %get3A_898 = vector.shape_cast %get3A_897 : vector<1x16xf32> to vector<16xf32>
      %add3A_899 = arith.addf %add3A_851, %get3A_898 : vector<16xf32>
      %get3A_900 = arith.constant 68 : i32
      %get3A_901 = arith.index_cast %get3A_900 : i32 to index
      %get3A_902 = arith.constant 16 : index
      %get3A_903 = tpu.vector_load %arg7[%get3A_901, %get3A_902] {strides = array<i32>} : memref<96x32xf32, #tpu.memory_space<vmem>>, vector<1x16xf32>,
      %get3A_904 = vector.shape_cast %get3A_903 : vector<1x16xf32> to vector<16xf32>
      %add3A_905 = arith.addf %add3A_857, %get3A_904 : vector<16xf32>
      %get3A_906 = arith.constant 69 : i32
      %get3A_907 = arith.index_cast %get3A_906 : i32 to index
      %get3A_908 = arith.constant 0 : index
      %get3A_909 = tpu.vector_load %arg7[%get3A_907, %get3A_908] {strides = array<i32>} : memref<96x32xf32, #tpu.memory_space<vmem>>, vector<1x16xf32>,
      %get3A_910 = vector.shape_cast %get3A_909 : vector<1x16xf32> to vector<16xf32>
      %add3A_911 = arith.addf %add3A_863, %get3A_910 : vector<16xf32>
      %get3A_912 = arith.constant 69 : i32
      %get3A_913 = arith.index_cast %get3A_912 : i32 to index
      %get3A_914 = arith.constant 16 : index
      %get3A_915 = tpu.vector_load %arg7[%get3A_913, %get3A_914] {strides = array<i32>} : memref<96x32xf32, #tpu.memory_space<vmem>>, vector<1x16xf32>,
      %get3A_916 = vector.shape_cast %get3A_915 : vector<1x16xf32> to vector<16xf32>
      %add3A_917 = arith.addf %add3A_869, %get3A_916 : vector<16xf32>
      %get3A_918 = arith.constant 70 : i32
      %get3A_919 = arith.index_cast %get3A_918 : i32 to index
      %get3A_920 = arith.constant 0 : index
      %get3A_921 = tpu.vector_load %arg7[%get3A_919, %get3A_920] {strides = array<i32>} : memref<96x32xf32, #tpu.memory_space<vmem>>, vector<1x16xf32>,
      %get3A_922 = vector.shape_cast %get3A_921 : vector<1x16xf32> to vector<16xf32>
      %add3A_923 = arith.addf %add3A_875, %get3A_922 : vector<16xf32>
      %get3A_924 = arith.constant 70 : i32
      %get3A_925 = arith.index_cast %get3A_924 : i32 to index
      %get3A_926 = arith.constant 16 : index
      %get3A_927 = tpu.vector_load %arg7[%get3A_925, %get3A_926] {strides = array<i32>} : memref<96x32xf32, #tpu.memory_space<vmem>>, vector<1x16xf32>,
      %get3A_928 = vector.shape_cast %get3A_927 : vector<1x16xf32> to vector<16xf32>
      %add3A_929 = arith.addf %add3A_881, %get3A_928 : vector<16xf32>
      %get3A_930 = arith.constant 71 : i32
      %get3A_931 = arith.index_cast %get3A_930 : i32 to index
      %get3A_932 = arith.constant 0 : index
      %get3A_933 = tpu.vector_load %arg7[%get3A_931, %get3A_932] {strides = array<i32>} : memref<96x32xf32, #tpu.memory_space<vmem>>, vector<1x16xf32>,
      %get3A_934 = vector.shape_cast %get3A_933 : vector<1x16xf32> to vector<16xf32>
      %add3A_935 = arith.addf %add3A_887, %get3A_934 : vector<16xf32>
      %get3A_936 = arith.constant 71 : i32
      %get3A_937 = arith.index_cast %get3A_936 : i32 to index
      %get3A_938 = arith.constant 16 : index
      %get3A_939 = tpu.vector_load %arg7[%get3A_937, %get3A_938] {strides = array<i32>} : memref<96x32xf32, #tpu.memory_space<vmem>>, vector<1x16xf32>,
      %get3A_940 = vector.shape_cast %get3A_939 : vector<1x16xf32> to vector<16xf32>
      %add3A_941 = arith.addf %add3A_893, %get3A_940 : vector<16xf32>
      %get3A_942 = arith.constant 72 : i32
      %get3A_943 = arith.index_cast %get3A_942 : i32 to index
      %get3A_944 = arith.constant 0 : index
      %get3A_945 = tpu.vector_load %arg7[%get3A_943, %get3A_944] {strides = array<i32>} : memref<96x32xf32, #tpu.memory_space<vmem>>, vector<1x16xf32>,
      %get3A_946 = vector.shape_cast %get3A_945 : vector<1x16xf32> to vector<16xf32>
      %add3A_947 = arith.addf %add3A_899, %get3A_946 : vector<16xf32>
      %get3A_948 = arith.constant 72 : i32
      %get3A_949 = arith.index_cast %get3A_948 : i32 to index
      %get3A_950 = arith.constant 16 : index
      %get3A_951 = tpu.vector_load %arg7[%get3A_949, %get3A_950] {strides = array<i32>} : memref<96x32xf32, #tpu.memory_space<vmem>>, vector<1x16xf32>,
      %get3A_952 = vector.shape_cast %get3A_951 : vector<1x16xf32> to vector<16xf32>
      %add3A_953 = arith.addf %add3A_905, %get3A_952 : vector<16xf32>
      %get3A_954 = arith.constant 73 : i32
      %get3A_955 = arith.index_cast %get3A_954 : i32 to index
      %get3A_956 = arith.constant 0 : index
      %get3A_957 = tpu.vector_load %arg7[%get3A_955, %get3A_956] {strides = array<i32>} : memref<96x32xf32, #tpu.memory_space<vmem>>, vector<1x16xf32>,
      %get3A_958 = vector.shape_cast %get3A_957 : vector<1x16xf32> to vector<16xf32>
      %add3A_959 = arith.addf %add3A_911, %get3A_958 : vector<16xf32>
      %get3A_960 = arith.constant 73 : i32
      %get3A_961 = arith.index_cast %get3A_960 : i32 to index
      %get3A_962 = arith.constant 16 : index
      %get3A_963 = tpu.vector_load %arg7[%get3A_961, %get3A_962] {strides = array<i32>} : memref<96x32xf32, #tpu.memory_space<vmem>>, vector<1x16xf32>,
      %get3A_964 = vector.shape_cast %get3A_963 : vector<1x16xf32> to vector<16xf32>
      %add3A_965 = arith.addf %add3A_917, %get3A_964 : vector<16xf32>
      %get3A_966 = arith.constant 74 : i32
      %get3A_967 = arith.index_cast %get3A_966 : i32 to index
      %get3A_968 = arith.constant 0 : index
      %get3A_969 = tpu.vector_load %arg7[%get3A_967, %get3A_968] {strides = array<i32>} : memref<96x32xf32, #tpu.memory_space<vmem>>, vector<1x16xf32>,
      %get3A_970 = vector.shape_cast %get3A_969 : vector<1x16xf32> to vector<16xf32>
      %add3A_971 = arith.addf %add3A_923, %get3A_970 : vector<16xf32>
      %get3A_972 = arith.constant 74 : i32
      %get3A_973 = arith.index_cast %get3A_972 : i32 to index
      %get3A_974 = arith.constant 16 : index
      %get3A_975 = tpu.vector_load %arg7[%get3A_973, %get3A_974] {strides = array<i32>} : memref<96x32xf32, #tpu.memory_space<vmem>>, vector<1x16xf32>,
      %get3A_976 = vector.shape_cast %get3A_975 : vector<1x16xf32> to vector<16xf32>
      %add3A_977 = arith.addf %add3A_929, %get3A_976 : vector<16xf32>
      %get3A_978 = arith.constant 75 : i32
      %get3A_979 = arith.index_cast %get3A_978 : i32 to index
      %get3A_980 = arith.constant 0 : index
      %get3A_981 = tpu.vector_load %arg7[%get3A_979, %get3A_980] {strides = array<i32>} : memref<96x32xf32, #tpu.memory_space<vmem>>, vector<1x16xf32>,
      %get3A_982 = vector.shape_cast %get3A_981 : vector<1x16xf32> to vector<16xf32>
      %add3A_983 = arith.addf %add3A_935, %get3A_982 : vector<16xf32>
      %get3A_984 = arith.constant 75 : i32
      %get3A_985 = arith.index_cast %get3A_984 : i32 to index
      %get3A_986 = arith.constant 16 : index
      %get3A_987 = tpu.vector_load %arg7[%get3A_985, %get3A_986] {strides = array<i32>} : memref<96x32xf32, #tpu.memory_space<vmem>>, vector<1x16xf32>,
      %get3A_988 = vector.shape_cast %get3A_987 : vector<1x16xf32> to vector<16xf32>
      %add3A_989 = arith.addf %add3A_941, %get3A_988 : vector<16xf32>
      %get3A_990 = arith.constant 76 : i32
      %get3A_991 = arith.index_cast %get3A_990 : i32 to index
      %get3A_992 = arith.constant 0 : index
      %get3A_993 = tpu.vector_load %arg7[%get3A_991, %get3A_992] {strides = array<i32>} : memref<96x32xf32, #tpu.memory_space<vmem>>, vector<1x16xf32>,
      %get3A_994 = vector.shape_cast %get3A_993 : vector<1x16xf32> to vector<16xf32>
      %add3A_995 = arith.addf %add3A_947, %get3A_994 : vector<16xf32>
      %get3A_996 = arith.constant 76 : i32
      %get3A_997 = arith.index_cast %get3A_996 : i32 to index
      %get3A_998 = arith.constant 16 : index
      %get3A_999 = tpu.vector_load %arg7[%get3A_997, %get3A_998] {strides = array<i32>} : memref<96x32xf32, #tpu.memory_space<vmem>>, vector<1x16xf32>,
      %get3A_1000 = vector.shape_cast %get3A_999 : vector<1x16xf32> to vector<16xf32>
      %add3A_1001 = arith.addf %add3A_953, %get3A_1000 : vector<16xf32>
      %get3A_1002 = arith.constant 77 : i32
      %get3A_1003 = arith.index_cast %get3A_1002 : i32 to index
      %get3A_1004 = arith.constant 0 : index
      %get3A_1005 = tpu.vector_load %arg7[%get3A_1003, %get3A_1004] {strides = array<i32>} : memref<96x32xf32, #tpu.memory_space<vmem>>, vector<1x16xf32>,
      %get3A_1006 = vector.shape_cast %get3A_1005 : vector<1x16xf32> to vector<16xf32>
      %add3A_1007 = arith.addf %add3A_959, %get3A_1006 : vector<16xf32>
      %get3A_1008 = arith.constant 77 : i32
      %get3A_1009 = arith.index_cast %get3A_1008 : i32 to index
      %get3A_1010 = arith.constant 16 : index
      %get3A_1011 = tpu.vector_load %arg7[%get3A_1009, %get3A_1010] {strides = array<i32>} : memref<96x32xf32, #tpu.memory_space<vmem>>, vector<1x16xf32>,
      %get3A_1012 = vector.shape_cast %get3A_1011 : vector<1x16xf32> to vector<16xf32>
      %add3A_1013 = arith.addf %add3A_965, %get3A_1012 : vector<16xf32>
      %get3A_1014 = arith.constant 78 : i32
      %get3A_1015 = arith.index_cast %get3A_1014 : i32 to index
      %get3A_1016 = arith.constant 0 : index
      %get3A_1017 = tpu.vector_load %arg7[%get3A_1015, %get3A_1016] {strides = array<i32>} : memref<96x32xf32, #tpu.memory_space<vmem>>, vector<1x16xf32>,
      %get3A_1018 = vector.shape_cast %get3A_1017 : vector<1x16xf32> to vector<16xf32>
      %add3A_1019 = arith.addf %add3A_971, %get3A_1018 : vector<16xf32>
      %get3A_1020 = arith.constant 78 : i32
      %get3A_1021 = arith.index_cast %get3A_1020 : i32 to index
      %get3A_1022 = arith.constant 16 : index
      %get3A_1023 = tpu.vector_load %arg7[%get3A_1021, %get3A_1022] {strides = array<i32>} : memref<96x32xf32, #tpu.memory_space<vmem>>, vector<1x16xf32>,
      %get3A_1024 = vector.shape_cast %get3A_1023 : vector<1x16xf32> to vector<16xf32>
      %add3A_1025 = arith.addf %add3A_977, %get3A_1024 : vector<16xf32>
      %get3A_1026 = arith.constant 79 : i32
      %get3A_1027 = arith.index_cast %get3A_1026 : i32 to index
      %get3A_1028 = arith.constant 0 : index
      %get3A_1029 = tpu.vector_load %arg7[%get3A_1027, %get3A_1028] {strides = array<i32>} : memref<96x32xf32, #tpu.memory_space<vmem>>, vector<1x16xf32>,
      %get3A_1030 = vector.shape_cast %get3A_1029 : vector<1x16xf32> to vector<16xf32>
      %add3A_1031 = arith.addf %add3A_983, %get3A_1030 : vector<16xf32>
      %get3A_1032 = arith.constant 79 : i32
      %get3A_1033 = arith.index_cast %get3A_1032 : i32 to index
      %get3A_1034 = arith.constant 16 : index
      %get3A_1035 = tpu.vector_load %arg7[%get3A_1033, %get3A_1034] {strides = array<i32>} : memref<96x32xf32, #tpu.memory_space<vmem>>, vector<1x16xf32>,
      %get3A_1036 = vector.shape_cast %get3A_1035 : vector<1x16xf32> to vector<16xf32>
      %add3A_1037 = arith.addf %add3A_989, %get3A_1036 : vector<16xf32>
      %get3A_1038 = arith.constant 80 : i32
      %get3A_1039 = arith.index_cast %get3A_1038 : i32 to index
      %get3A_1040 = arith.constant 0 : index
      %get3A_1041 = tpu.vector_load %arg7[%get3A_1039, %get3A_1040] {strides = array<i32>} : memref<96x32xf32, #tpu.memory_space<vmem>>, vector<1x16xf32>,
      %get3A_1042 = vector.shape_cast %get3A_1041 : vector<1x16xf32> to vector<16xf32>
      %add3A_1043 = arith.addf %add3A_995, %get3A_1042 : vector<16xf32>
      %get3A_1044 = arith.constant 80 : i32
      %get3A_1045 = arith.index_cast %get3A_1044 : i32 to index
      %get3A_1046 = arith.constant 16 : index
      %get3A_1047 = tpu.vector_load %arg7[%get3A_1045, %get3A_1046] {strides = array<i32>} : memref<96x32xf32, #tpu.memory_space<vmem>>, vector<1x16xf32>,
      %get3A_1048 = vector.shape_cast %get3A_1047 : vector<1x16xf32> to vector<16xf32>
      %add3A_1049 = arith.addf %add3A_1001, %get3A_1048 : vector<16xf32>
      %get3A_1050 = arith.constant 81 : i32
      %get3A_1051 = arith.index_cast %get3A_1050 : i32 to index
      %get3A_1052 = arith.constant 0 : index
      %get3A_1053 = tpu.vector_load %arg7[%get3A_1051, %get3A_1052] {strides = array<i32>} : memref<96x32xf32, #tpu.memory_space<vmem>>, vector<1x16xf32>,
      %get3A_1054 = vector.shape_cast %get3A_1053 : vector<1x16xf32> to vector<16xf32>
      %add3A_1055 = arith.addf %add3A_1007, %get3A_1054 : vector<16xf32>
      %get3A_1056 = arith.constant 81 : i32
      %get3A_1057 = arith.index_cast %get3A_1056 : i32 to index
      %get3A_1058 = arith.constant 16 : index
      %get3A_1059 = tpu.vector_load %arg7[%get3A_1057, %get3A_1058] {strides = array<i32>} : memref<96x32xf32, #tpu.memory_space<vmem>>, vector<1x16xf32>,
      %get3A_1060 = vector.shape_cast %get3A_1059 : vector<1x16xf32> to vector<16xf32>
      %add3A_1061 = arith.addf %add3A_1013, %get3A_1060 : vector<16xf32>
      %get3A_1062 = arith.constant 82 : i32
      %get3A_1063 = arith.index_cast %get3A_1062 : i32 to index
      %get3A_1064 = arith.constant 0 : index
      %get3A_1065 = tpu.vector_load %arg7[%get3A_1063, %get3A_1064] {strides = array<i32>} : memref<96x32xf32, #tpu.memory_space<vmem>>, vector<1x16xf32>,
      %get3A_1066 = vector.shape_cast %get3A_1065 : vector<1x16xf32> to vector<16xf32>
      %add3A_1067 = arith.addf %add3A_1019, %get3A_1066 : vector<16xf32>
      %get3A_1068 = arith.constant 82 : i32
      %get3A_1069 = arith.index_cast %get3A_1068 : i32 to index
      %get3A_1070 = arith.constant 16 : index
      %get3A_1071 = tpu.vector_load %arg7[%get3A_1069, %get3A_1070] {strides = array<i32>} : memref<96x32xf32, #tpu.memory_space<vmem>>, vector<1x16xf32>,
      %get3A_1072 = vector.shape_cast %get3A_1071 : vector<1x16xf32> to vector<16xf32>
      %add3A_1073 = arith.addf %add3A_1025, %get3A_1072 : vector<16xf32>
      %get3A_1074 = arith.constant 83 : i32
      %get3A_1075 = arith.index_cast %get3A_1074 : i32 to index
      %get3A_1076 = arith.constant 0 : index
      %get3A_1077 = tpu.vector_load %arg7[%get3A_1075, %get3A_1076] {strides = array<i32>} : memref<96x32xf32, #tpu.memory_space<vmem>>, vector<1x16xf32>,
      %get3A_1078 = vector.shape_cast %get3A_1077 : vector<1x16xf32> to vector<16xf32>
      %add3A_1079 = arith.addf %add3A_1031, %get3A_1078 : vector<16xf32>
      %get3A_1080 = arith.constant 83 : i32
      %get3A_1081 = arith.index_cast %get3A_1080 : i32 to index
      %get3A_1082 = arith.constant 16 : index
      %get3A_1083 = tpu.vector_load %arg7[%get3A_1081, %get3A_1082] {strides = array<i32>} : memref<96x32xf32, #tpu.memory_space<vmem>>, vector<1x16xf32>,
      %get3A_1084 = vector.shape_cast %get3A_1083 : vector<1x16xf32> to vector<16xf32>
      %add3A_1085 = arith.addf %add3A_1037, %get3A_1084 : vector<16xf32>
      %get3A_1086 = arith.constant 84 : i32
      %get3A_1087 = arith.index_cast %get3A_1086 : i32 to index
      %get3A_1088 = arith.constant 0 : index
      %get3A_1089 = tpu.vector_load %arg7[%get3A_1087, %get3A_1088] {strides = array<i32>} : memref<96x32xf32, #tpu.memory_space<vmem>>, vector<1x16xf32>,
      %get3A_1090 = vector.shape_cast %get3A_1089 : vector<1x16xf32> to vector<16xf32>
      %add3A_1091 = arith.addf %add3A_1043, %get3A_1090 : vector<16xf32>
      %get3A_1092 = arith.constant 84 : i32
      %get3A_1093 = arith.index_cast %get3A_1092 : i32 to index
      %get3A_1094 = arith.constant 16 : index
      %get3A_1095 = tpu.vector_load %arg7[%get3A_1093, %get3A_1094] {strides = array<i32>} : memref<96x32xf32, #tpu.memory_space<vmem>>, vector<1x16xf32>,
      %get3A_1096 = vector.shape_cast %get3A_1095 : vector<1x16xf32> to vector<16xf32>
      %add3A_1097 = arith.addf %add3A_1049, %get3A_1096 : vector<16xf32>
      %get3A_1098 = arith.constant 85 : i32
      %get3A_1099 = arith.index_cast %get3A_1098 : i32 to index
      %get3A_1100 = arith.constant 0 : index
      %get3A_1101 = tpu.vector_load %arg7[%get3A_1099, %get3A_1100] {strides = array<i32>} : memref<96x32xf32, #tpu.memory_space<vmem>>, vector<1x16xf32>,
      %get3A_1102 = vector.shape_cast %get3A_1101 : vector<1x16xf32> to vector<16xf32>
      %add3A_1103 = arith.addf %add3A_1055, %get3A_1102 : vector<16xf32>
      %get3A_1104 = arith.constant 85 : i32
      %get3A_1105 = arith.index_cast %get3A_1104 : i32 to index
      %get3A_1106 = arith.constant 16 : index
      %get3A_1107 = tpu.vector_load %arg7[%get3A_1105, %get3A_1106] {strides = array<i32>} : memref<96x32xf32, #tpu.memory_space<vmem>>, vector<1x16xf32>,
      %get3A_1108 = vector.shape_cast %get3A_1107 : vector<1x16xf32> to vector<16xf32>
      %add3A_1109 = arith.addf %add3A_1061, %get3A_1108 : vector<16xf32>
      %get3A_1110 = arith.constant 86 : i32
      %get3A_1111 = arith.index_cast %get3A_1110 : i32 to index
      %get3A_1112 = arith.constant 0 : index
      %get3A_1113 = tpu.vector_load %arg7[%get3A_1111, %get3A_1112] {strides = array<i32>} : memref<96x32xf32, #tpu.memory_space<vmem>>, vector<1x16xf32>,
      %get3A_1114 = vector.shape_cast %get3A_1113 : vector<1x16xf32> to vector<16xf32>
      %add3A_1115 = arith.addf %add3A_1067, %get3A_1114 : vector<16xf32>
      %get3A_1116 = arith.constant 86 : i32
      %get3A_1117 = arith.index_cast %get3A_1116 : i32 to index
      %get3A_1118 = arith.constant 16 : index
      %get3A_1119 = tpu.vector_load %arg7[%get3A_1117, %get3A_1118] {strides = array<i32>} : memref<96x32xf32, #tpu.memory_space<vmem>>, vector<1x16xf32>,
      %get3A_1120 = vector.shape_cast %get3A_1119 : vector<1x16xf32> to vector<16xf32>
      %add3A_1121 = arith.addf %add3A_1073, %get3A_1120 : vector<16xf32>
      %get3A_1122 = arith.constant 87 : i32
      %get3A_1123 = arith.index_cast %get3A_1122 : i32 to index
      %get3A_1124 = arith.constant 0 : index
      %get3A_1125 = tpu.vector_load %arg7[%get3A_1123, %get3A_1124] {strides = array<i32>} : memref<96x32xf32, #tpu.memory_space<vmem>>, vector<1x16xf32>,
      %get3A_1126 = vector.shape_cast %get3A_1125 : vector<1x16xf32> to vector<16xf32>
      %add3A_1127 = arith.addf %add3A_1079, %get3A_1126 : vector<16xf32>
      %get3A_1128 = arith.constant 87 : i32
      %get3A_1129 = arith.index_cast %get3A_1128 : i32 to index
      %get3A_1130 = arith.constant 16 : index
      %get3A_1131 = tpu.vector_load %arg7[%get3A_1129, %get3A_1130] {strides = array<i32>} : memref<96x32xf32, #tpu.memory_space<vmem>>, vector<1x16xf32>,
      %get3A_1132 = vector.shape_cast %get3A_1131 : vector<1x16xf32> to vector<16xf32>
      %add3A_1133 = arith.addf %add3A_1085, %get3A_1132 : vector<16xf32>
      %get3A_1134 = arith.constant 88 : i32
      %get3A_1135 = arith.index_cast %get3A_1134 : i32 to index
      %get3A_1136 = arith.constant 0 : index
      %get3A_1137 = tpu.vector_load %arg7[%get3A_1135, %get3A_1136] {strides = array<i32>} : memref<96x32xf32, #tpu.memory_space<vmem>>, vector<1x16xf32>,
      %get3A_1138 = vector.shape_cast %get3A_1137 : vector<1x16xf32> to vector<16xf32>
      %add3A_1139 = arith.addf %add3A_1091, %get3A_1138 : vector<16xf32>
      %get3A_1140 = arith.constant 88 : i32
      %get3A_1141 = arith.index_cast %get3A_1140 : i32 to index
      %get3A_1142 = arith.constant 16 : index
      %get3A_1143 = tpu.vector_load %arg7[%get3A_1141, %get3A_1142] {strides = array<i32>} : memref<96x32xf32, #tpu.memory_space<vmem>>, vector<1x16xf32>,
      %get3A_1144 = vector.shape_cast %get3A_1143 : vector<1x16xf32> to vector<16xf32>
      %add3A_1145 = arith.addf %add3A_1097, %get3A_1144 : vector<16xf32>
      %get3A_1146 = arith.constant 89 : i32
      %get3A_1147 = arith.index_cast %get3A_1146 : i32 to index
      %get3A_1148 = arith.constant 0 : index
      %get3A_1149 = tpu.vector_load %arg7[%get3A_1147, %get3A_1148] {strides = array<i32>} : memref<96x32xf32, #tpu.memory_space<vmem>>, vector<1x16xf32>,
      %get3A_1150 = vector.shape_cast %get3A_1149 : vector<1x16xf32> to vector<16xf32>
      %add3A_1151 = arith.addf %add3A_1103, %get3A_1150 : vector<16xf32>
      %get3A_1152 = arith.constant 89 : i32
      %get3A_1153 = arith.index_cast %get3A_1152 : i32 to index
      %get3A_1154 = arith.constant 16 : index
      %get3A_1155 = tpu.vector_load %arg7[%get3A_1153, %get3A_1154] {strides = array<i32>} : memref<96x32xf32, #tpu.memory_space<vmem>>, vector<1x16xf32>,
      %get3A_1156 = vector.shape_cast %get3A_1155 : vector<1x16xf32> to vector<16xf32>
      %add3A_1157 = arith.addf %add3A_1109, %get3A_1156 : vector<16xf32>
      %get3A_1158 = arith.constant 90 : i32
      %get3A_1159 = arith.index_cast %get3A_1158 : i32 to index
      %get3A_1160 = arith.constant 0 : index
      %get3A_1161 = tpu.vector_load %arg7[%get3A_1159, %get3A_1160] {strides = array<i32>} : memref<96x32xf32, #tpu.memory_space<vmem>>, vector<1x16xf32>,
      %get3A_1162 = vector.shape_cast %get3A_1161 : vector<1x16xf32> to vector<16xf32>
      %add3A_1163 = arith.addf %add3A_1115, %get3A_1162 : vector<16xf32>
      %get3A_1164 = arith.constant 90 : i32
      %get3A_1165 = arith.index_cast %get3A_1164 : i32 to index
      %get3A_1166 = arith.constant 16 : index
      %get3A_1167 = tpu.vector_load %arg7[%get3A_1165, %get3A_1166] {strides = array<i32>} : memref<96x32xf32, #tpu.memory_space<vmem>>, vector<1x16xf32>,
      %get3A_1168 = vector.shape_cast %get3A_1167 : vector<1x16xf32> to vector<16xf32>
      %add3A_1169 = arith.addf %add3A_1121, %get3A_1168 : vector<16xf32>
      %get3A_1170 = arith.constant 91 : i32
      %get3A_1171 = arith.index_cast %get3A_1170 : i32 to index
      %get3A_1172 = arith.constant 0 : index
      %get3A_1173 = tpu.vector_load %arg7[%get3A_1171, %get3A_1172] {strides = array<i32>} : memref<96x32xf32, #tpu.memory_space<vmem>>, vector<1x16xf32>,
      %get3A_1174 = vector.shape_cast %get3A_1173 : vector<1x16xf32> to vector<16xf32>
      %add3A_1175 = arith.addf %add3A_1127, %get3A_1174 : vector<16xf32>
      %get3A_1176 = arith.constant 91 : i32
      %get3A_1177 = arith.index_cast %get3A_1176 : i32 to index
      %get3A_1178 = arith.constant 16 : index
      %get3A_1179 = tpu.vector_load %arg7[%get3A_1177, %get3A_1178] {strides = array<i32>} : memref<96x32xf32, #tpu.memory_space<vmem>>, vector<1x16xf32>,
      %get3A_1180 = vector.shape_cast %get3A_1179 : vector<1x16xf32> to vector<16xf32>
      %add3A_1181 = arith.addf %add3A_1133, %get3A_1180 : vector<16xf32>
      %get3A_1182 = arith.constant 92 : i32
      %get3A_1183 = arith.index_cast %get3A_1182 : i32 to index
      %get3A_1184 = arith.constant 0 : index
      %get3A_1185 = tpu.vector_load %arg7[%get3A_1183, %get3A_1184] {strides = array<i32>} : memref<96x32xf32, #tpu.memory_space<vmem>>, vector<1x16xf32>,
      %get3A_1186 = vector.shape_cast %get3A_1185 : vector<1x16xf32> to vector<16xf32>
      %add3A_1187 = arith.addf %add3A_1139, %get3A_1186 : vector<16xf32>
      %get3A_1188 = arith.constant 92 : i32
      %get3A_1189 = arith.index_cast %get3A_1188 : i32 to index
      %get3A_1190 = arith.constant 16 : index
      %get3A_1191 = tpu.vector_load %arg7[%get3A_1189, %get3A_1190] {strides = array<i32>} : memref<96x32xf32, #tpu.memory_space<vmem>>, vector<1x16xf32>,
      %get3A_1192 = vector.shape_cast %get3A_1191 : vector<1x16xf32> to vector<16xf32>
      %add3A_1193 = arith.addf %add3A_1145, %get3A_1192 : vector<16xf32>
      %get3A_1194 = arith.constant 93 : i32
      %get3A_1195 = arith.index_cast %get3A_1194 : i32 to index
      %get3A_1196 = arith.constant 0 : index
      %get3A_1197 = tpu.vector_load %arg7[%get3A_1195, %get3A_1196] {strides = array<i32>} : memref<96x32xf32, #tpu.memory_space<vmem>>, vector<1x16xf32>,
      %get3A_1198 = vector.shape_cast %get3A_1197 : vector<1x16xf32> to vector<16xf32>
      %add3A_1199 = arith.addf %add3A_1151, %get3A_1198 : vector<16xf32>
      %get3A_1200 = arith.constant 93 : i32
      %get3A_1201 = arith.index_cast %get3A_1200 : i32 to index
      %get3A_1202 = arith.constant 16 : index
      %get3A_1203 = tpu.vector_load %arg7[%get3A_1201, %get3A_1202] {strides = array<i32>} : memref<96x32xf32, #tpu.memory_space<vmem>>, vector<1x16xf32>,
      %get3A_1204 = vector.shape_cast %get3A_1203 : vector<1x16xf32> to vector<16xf32>
      %add3A_1205 = arith.addf %add3A_1157, %get3A_1204 : vector<16xf32>
      %get3A_1206 = arith.constant 94 : i32
      %get3A_1207 = arith.index_cast %get3A_1206 : i32 to index
      %get3A_1208 = arith.constant 0 : index
      %get3A_1209 = tpu.vector_load %arg7[%get3A_1207, %get3A_1208] {strides = array<i32>} : memref<96x32xf32, #tpu.memory_space<vmem>>, vector<1x16xf32>,
      %get3A_1210 = vector.shape_cast %get3A_1209 : vector<1x16xf32> to vector<16xf32>
      %add3A_1211 = arith.addf %add3A_1163, %get3A_1210 : vector<16xf32>
      %get3A_1212 = arith.constant 94 : i32
      %get3A_1213 = arith.index_cast %get3A_1212 : i32 to index
      %get3A_1214 = arith.constant 16 : index
      %get3A_1215 = tpu.vector_load %arg7[%get3A_1213, %get3A_1214] {strides = array<i32>} : memref<96x32xf32, #tpu.memory_space<vmem>>, vector<1x16xf32>,
      %get3A_1216 = vector.shape_cast %get3A_1215 : vector<1x16xf32> to vector<16xf32>
      %add3A_1217 = arith.addf %add3A_1169, %get3A_1216 : vector<16xf32>
      %get3A_1218 = arith.constant 95 : i32
      %get3A_1219 = arith.index_cast %get3A_1218 : i32 to index
      %get3A_1220 = arith.constant 0 : index
      %get3A_1221 = tpu.vector_load %arg7[%get3A_1219, %get3A_1220] {strides = array<i32>} : memref<96x32xf32, #tpu.memory_space<vmem>>, vector<1x16xf32>,
      %get3A_1222 = vector.shape_cast %get3A_1221 : vector<1x16xf32> to vector<16xf32>
      %add3A_1223 = arith.addf %add3A_1175, %get3A_1222 : vector<16xf32>
      %get3A_1224 = arith.constant 95 : i32
      %get3A_1225 = arith.index_cast %get3A_1224 : i32 to index
      %get3A_1226 = arith.constant 16 : index
      %get3A_1227 = tpu.vector_load %arg7[%get3A_1225, %get3A_1226] {strides = array<i32>} : memref<96x32xf32, #tpu.memory_space<vmem>>, vector<1x16xf32>,
      %get3A_1228 = vector.shape_cast %get3A_1227 : vector<1x16xf32> to vector<16xf32>
      %add3A_1229 = arith.addf %add3A_1181, %get3A_1228 : vector<16xf32>
      %add3A_1230 = arith.addf %add3A_1187, %add3A_1199 : vector<16xf32>
      %add3A_1231 = arith.addf %add3A_1211, %add3A_1223 : vector<16xf32>
      %add3A_1232 = arith.addf %add3A_1230, %add3A_1231 : vector<16xf32>
      %add3A_1233 = arith.addf %add3A_1193, %add3A_1205 : vector<16xf32>
      %add3A_1234 = arith.addf %add3A_1217, %add3A_1229 : vector<16xf32>
      %add3A_1235 = arith.addf %add3A_1233, %add3A_1234 : vector<16xf32>
      %add3A_1236 = arith.constant 2 : i32
      %add3A_1237 = arith.addi %mul3A_24, %add3A_1236 : i32
      %lt3A = arith.constant 256 : i32
      %lt3A_1238 = arith.cmpi slt, %add3A_1237, %lt3A : i32
      %convert_element_type3A = arith.extui %lt3A_1238 : i1 to i32
      %cond3A = arith.constant 0 : i32
      %cond3A_1239 = arith.cmpi ne, %convert_element_type3A, %cond3A : i32
      scf.if %cond3A_1239 {
        %add3A_2539 = arith.constant 2 : i32
        %add3A_2540 = arith.addi %mul3A_24, %add3A_2539 : i32
        %jit3A_2541 = arith.constant 2 : i32
        %div3A_2542 = arith.divsi %add3A_2540, %jit3A_2541 : i32
        %sign3A_2543 = arith.constant 0 : i32
        %sign3A_2544 = arith.cmpi sgt, %add3A_2540, %sign3A_2543 : i32
        %sign3A_2545 = arith.extui %sign3A_2544 : i1 to i32
        %sign3A_2546 = arith.constant 0 : i32
        %sign3A_2547 = arith.cmpi slt, %add3A_2540, %sign3A_2546 : i32
        %sign3A_2548 = arith.extui %sign3A_2547 : i1 to i32
        %sign3A_2549 = arith.subi %sign3A_2545, %sign3A_2548 : i32
        %sign3A_2550 = arith.constant 0 : i32
        %sign3A_2551 = arith.cmpi sgt, %jit3A_2541, %sign3A_2550 : i32
        %sign3A_2552 = arith.extui %sign3A_2551 : i1 to i32
        %sign3A_2553 = arith.constant 0 : i32
        %sign3A_2554 = arith.cmpi slt, %jit3A_2541, %sign3A_2553 : i32
        %sign3A_2555 = arith.extui %sign3A_2554 : i1 to i32
        %sign3A_2556 = arith.subi %sign3A_2552, %sign3A_2555 : i32
        %ne3A_2557 = arith.cmpi ne, %sign3A_2549, %sign3A_2556 : i32
        %rem3A_2558 = arith.remsi %add3A_2540, %jit3A_2541 : i32
        %ne3A_2559 = arith.constant 0 : i32
        %ne3A_2560 = arith.cmpi ne, %rem3A_2558, %ne3A_2559 : i32
        %and3A_2561 = arith.andi %ne3A_2557, %ne3A_2560 : i1
        %sub3A_2562 = arith.constant 1 : i32
        %sub3A_2563 = arith.subi %div3A_2542, %sub3A_2562 : i32
        %select_n3A_2564 = arith.select %and3A_2561, %sub3A_2563, %div3A_2542 : i32
        %dma_start3A_2565 = arith.constant 0 : i32
        %dma_start3A_2566 = tpu.memref_slice %arg6[%select_n3A_2564, %dma_start3A_2565] : memref<128x200xi32, #tpu.memory_space<vmem>> -> memref<1x96xi32, #tpu.memory_space<vmem>>
        %dma_start3A_2567 = tpu.memref_squeeze %dma_start3A_2566 : memref<1x96xi32, #tpu.memory_space<vmem>> -> memref<96xi32, #tpu.memory_space<vmem>>
        %dma_start3A_2568 = arith.constant 0 : i32
        %dma_start3A_2569 = arith.constant 0 : i32
        %dma_start3A_2570 = tpu.memref_slice %arg3[%dma_start3A_2568, %dma_start3A_2569] : memref<1007616x32xf32, #tpu.memory_space<hbm>> -> memref<1007616x32xf32, #tpu.memory_space<hbm>>
        tpu.enqueue_indirect_dma source(%dma_start3A_2570 : memref<1007616x32xf32, #tpu.memory_space<hbm>>) target(%arg7 : memref<96x32xf32, #tpu.memory_space<vmem>>) offsets(%dma_start3A_2567 : memref<96xi32, #tpu.memory_space<vmem>>) semaphore(%arg10 : memref<!tpu.dma_semaphore, #tpu.memory_space<semaphore_mem>>)
      } else {
      }
      %add3A_1240 = arith.constant 1 : i32
      %add3A_1241 = arith.addi %mul3A_24, %add3A_1240 : i32
      %jit3A_1242 = arith.constant 2 : i32
      %div3A_1243 = arith.divsi %add3A_1241, %jit3A_1242 : i32
      %sign3A_1244 = arith.constant 0 : i32
      %sign3A_1245 = arith.cmpi sgt, %add3A_1241, %sign3A_1244 : i32
      %sign3A_1246 = arith.extui %sign3A_1245 : i1 to i32
      %sign3A_1247 = arith.constant 0 : i32
      %sign3A_1248 = arith.cmpi slt, %add3A_1241, %sign3A_1247 : i32
      %sign3A_1249 = arith.extui %sign3A_1248 : i1 to i32
      %sign3A_1250 = arith.subi %sign3A_1246, %sign3A_1249 : i32
      %sign3A_1251 = arith.constant 0 : i32
      %sign3A_1252 = arith.cmpi sgt, %jit3A_1242, %sign3A_1251 : i32
      %sign3A_1253 = arith.extui %sign3A_1252 : i1 to i32
      %sign3A_1254 = arith.constant 0 : i32
      %sign3A_1255 = arith.cmpi slt, %jit3A_1242, %sign3A_1254 : i32
      %sign3A_1256 = arith.extui %sign3A_1255 : i1 to i32
      %sign3A_1257 = arith.subi %sign3A_1253, %sign3A_1256 : i32
      %ne3A_1258 = arith.cmpi ne, %sign3A_1250, %sign3A_1257 : i32
      %rem3A_1259 = arith.remsi %add3A_1241, %jit3A_1242 : i32
      %ne3A_1260 = arith.constant 0 : i32
      %ne3A_1261 = arith.cmpi ne, %rem3A_1259, %ne3A_1260 : i32
      %and3A_1262 = arith.andi %ne3A_1258, %ne3A_1261 : i1
      %sub3A_1263 = arith.constant 1 : i32
      %sub3A_1264 = arith.subi %div3A_1243, %sub3A_1263 : i32
      %select_n3A_1265 = arith.select %and3A_1262, %sub3A_1264, %div3A_1243 : i32
      %dma_wait3A_1266 = arith.constant 96 : i32
      %dma_wait3A_1267 = tpu.memref_slice %arg6[%select_n3A_1265, %dma_wait3A_1266] : memref<128x200xi32, #tpu.memory_space<vmem>> -> memref<1x104xi32, #tpu.memory_space<vmem>>
      %dma_wait3A_1268 = tpu.memref_squeeze %dma_wait3A_1267 : memref<1x104xi32, #tpu.memory_space<vmem>> -> memref<104xi32, #tpu.memory_space<vmem>>
      %dma_wait3A_1269 = arith.constant 0 : i32
      %dma_wait3A_1270 = arith.constant 0 : i32
      %dma_wait3A_1271 = tpu.memref_slice %arg3[%dma_wait3A_1269, %dma_wait3A_1270] : memref<1007616x32xf32, #tpu.memory_space<hbm>> -> memref<1007616x32xf32, #tpu.memory_space<hbm>>
      tpu.wait_indirect_dma semaphore(%arg11 : memref<!tpu.dma_semaphore, #tpu.memory_space<semaphore_mem>>) src(%dma_wait3A_1271 : memref<1007616x32xf32, #tpu.memory_space<hbm>>) dst(%arg8 : memref<104x32xf32, #tpu.memory_space<vmem>>)
      %broadcast_in_dim3A_1272 = arith.constant 0.000000e+00 : f32
      %broadcast_in_dim3A_1273 = vector.broadcast %broadcast_in_dim3A_1272 : f32 to vector<16xf32>
      %get3A_1274 = arith.constant 0 : i32
      %get3A_1275 = arith.index_cast %get3A_1274 : i32 to index
      %get3A_1276 = arith.constant 0 : index
      %get3A_1277 = tpu.vector_load %arg8[%get3A_1275, %get3A_1276] {strides = array<i32>} : memref<104x32xf32, #tpu.memory_space<vmem>>, vector<1x16xf32>,
      %get3A_1278 = vector.shape_cast %get3A_1277 : vector<1x16xf32> to vector<16xf32>
      %add3A_1279 = arith.addf %broadcast_in_dim3A_1273, %get3A_1278 : vector<16xf32>
      %get3A_1280 = arith.constant 0 : i32
      %get3A_1281 = arith.index_cast %get3A_1280 : i32 to index
      %get3A_1282 = arith.constant 16 : index
      %get3A_1283 = tpu.vector_load %arg8[%get3A_1281, %get3A_1282] {strides = array<i32>} : memref<104x32xf32, #tpu.memory_space<vmem>>, vector<1x16xf32>,
      %get3A_1284 = vector.shape_cast %get3A_1283 : vector<1x16xf32> to vector<16xf32>
      %add3A_1285 = arith.addf %broadcast_in_dim3A_1273, %get3A_1284 : vector<16xf32>
      %get3A_1286 = arith.constant 1 : i32
      %get3A_1287 = arith.index_cast %get3A_1286 : i32 to index
      %get3A_1288 = arith.constant 0 : index
      %get3A_1289 = tpu.vector_load %arg8[%get3A_1287, %get3A_1288] {strides = array<i32>} : memref<104x32xf32, #tpu.memory_space<vmem>>, vector<1x16xf32>,
      %get3A_1290 = vector.shape_cast %get3A_1289 : vector<1x16xf32> to vector<16xf32>
      %add3A_1291 = arith.addf %broadcast_in_dim3A_1273, %get3A_1290 : vector<16xf32>
      %get3A_1292 = arith.constant 1 : i32
      %get3A_1293 = arith.index_cast %get3A_1292 : i32 to index
      %get3A_1294 = arith.constant 16 : index
      %get3A_1295 = tpu.vector_load %arg8[%get3A_1293, %get3A_1294] {strides = array<i32>} : memref<104x32xf32, #tpu.memory_space<vmem>>, vector<1x16xf32>,
      %get3A_1296 = vector.shape_cast %get3A_1295 : vector<1x16xf32> to vector<16xf32>
      %add3A_1297 = arith.addf %broadcast_in_dim3A_1273, %get3A_1296 : vector<16xf32>
      %get3A_1298 = arith.constant 2 : i32
      %get3A_1299 = arith.index_cast %get3A_1298 : i32 to index
      %get3A_1300 = arith.constant 0 : index
      %get3A_1301 = tpu.vector_load %arg8[%get3A_1299, %get3A_1300] {strides = array<i32>} : memref<104x32xf32, #tpu.memory_space<vmem>>, vector<1x16xf32>,
      %get3A_1302 = vector.shape_cast %get3A_1301 : vector<1x16xf32> to vector<16xf32>
      %add3A_1303 = arith.addf %broadcast_in_dim3A_1273, %get3A_1302 : vector<16xf32>
      %get3A_1304 = arith.constant 2 : i32
      %get3A_1305 = arith.index_cast %get3A_1304 : i32 to index
      %get3A_1306 = arith.constant 16 : index
      %get3A_1307 = tpu.vector_load %arg8[%get3A_1305, %get3A_1306] {strides = array<i32>} : memref<104x32xf32, #tpu.memory_space<vmem>>, vector<1x16xf32>,
      %get3A_1308 = vector.shape_cast %get3A_1307 : vector<1x16xf32> to vector<16xf32>
      %add3A_1309 = arith.addf %broadcast_in_dim3A_1273, %get3A_1308 : vector<16xf32>
      %get3A_1310 = arith.constant 3 : i32
      %get3A_1311 = arith.index_cast %get3A_1310 : i32 to index
      %get3A_1312 = arith.constant 0 : index
      %get3A_1313 = tpu.vector_load %arg8[%get3A_1311, %get3A_1312] {strides = array<i32>} : memref<104x32xf32, #tpu.memory_space<vmem>>, vector<1x16xf32>,
      %get3A_1314 = vector.shape_cast %get3A_1313 : vector<1x16xf32> to vector<16xf32>
      %add3A_1315 = arith.addf %broadcast_in_dim3A_1273, %get3A_1314 : vector<16xf32>
      %get3A_1316 = arith.constant 3 : i32
      %get3A_1317 = arith.index_cast %get3A_1316 : i32 to index
      %get3A_1318 = arith.constant 16 : index
      %get3A_1319 = tpu.vector_load %arg8[%get3A_1317, %get3A_1318] {strides = array<i32>} : memref<104x32xf32, #tpu.memory_space<vmem>>, vector<1x16xf32>,
      %get3A_1320 = vector.shape_cast %get3A_1319 : vector<1x16xf32> to vector<16xf32>
      %add3A_1321 = arith.addf %broadcast_in_dim3A_1273, %get3A_1320 : vector<16xf32>
      %get3A_1322 = arith.constant 4 : i32
      %get3A_1323 = arith.index_cast %get3A_1322 : i32 to index
      %get3A_1324 = arith.constant 0 : index
      %get3A_1325 = tpu.vector_load %arg8[%get3A_1323, %get3A_1324] {strides = array<i32>} : memref<104x32xf32, #tpu.memory_space<vmem>>, vector<1x16xf32>,
      %get3A_1326 = vector.shape_cast %get3A_1325 : vector<1x16xf32> to vector<16xf32>
      %add3A_1327 = arith.addf %add3A_1279, %get3A_1326 : vector<16xf32>
      %get3A_1328 = arith.constant 4 : i32
      %get3A_1329 = arith.index_cast %get3A_1328 : i32 to index
      %get3A_1330 = arith.constant 16 : index
      %get3A_1331 = tpu.vector_load %arg8[%get3A_1329, %get3A_1330] {strides = array<i32>} : memref<104x32xf32, #tpu.memory_space<vmem>>, vector<1x16xf32>,
      %get3A_1332 = vector.shape_cast %get3A_1331 : vector<1x16xf32> to vector<16xf32>
      %add3A_1333 = arith.addf %add3A_1285, %get3A_1332 : vector<16xf32>
      %get3A_1334 = arith.constant 5 : i32
      %get3A_1335 = arith.index_cast %get3A_1334 : i32 to index
      %get3A_1336 = arith.constant 0 : index
      %get3A_1337 = tpu.vector_load %arg8[%get3A_1335, %get3A_1336] {strides = array<i32>} : memref<104x32xf32, #tpu.memory_space<vmem>>, vector<1x16xf32>,
      %get3A_1338 = vector.shape_cast %get3A_1337 : vector<1x16xf32> to vector<16xf32>
      %add3A_1339 = arith.addf %add3A_1291, %get3A_1338 : vector<16xf32>
      %get3A_1340 = arith.constant 5 : i32
      %get3A_1341 = arith.index_cast %get3A_1340 : i32 to index
      %get3A_1342 = arith.constant 16 : index
      %get3A_1343 = tpu.vector_load %arg8[%get3A_1341, %get3A_1342] {strides = array<i32>} : memref<104x32xf32, #tpu.memory_space<vmem>>, vector<1x16xf32>,
      %get3A_1344 = vector.shape_cast %get3A_1343 : vector<1x16xf32> to vector<16xf32>
      %add3A_1345 = arith.addf %add3A_1297, %get3A_1344 : vector<16xf32>
      %get3A_1346 = arith.constant 6 : i32
      %get3A_1347 = arith.index_cast %get3A_1346 : i32 to index
      %get3A_1348 = arith.constant 0 : index
      %get3A_1349 = tpu.vector_load %arg8[%get3A_1347, %get3A_1348] {strides = array<i32>} : memref<104x32xf32, #tpu.memory_space<vmem>>, vector<1x16xf32>,
      %get3A_1350 = vector.shape_cast %get3A_1349 : vector<1x16xf32> to vector<16xf32>
      %add3A_1351 = arith.addf %add3A_1303, %get3A_1350 : vector<16xf32>
      %get3A_1352 = arith.constant 6 : i32
      %get3A_1353 = arith.index_cast %get3A_1352 : i32 to index
      %get3A_1354 = arith.constant 16 : index
      %get3A_1355 = tpu.vector_load %arg8[%get3A_1353, %get3A_1354] {strides = array<i32>} : memref<104x32xf32, #tpu.memory_space<vmem>>, vector<1x16xf32>,
      %get3A_1356 = vector.shape_cast %get3A_1355 : vector<1x16xf32> to vector<16xf32>
      %add3A_1357 = arith.addf %add3A_1309, %get3A_1356 : vector<16xf32>
      %get3A_1358 = arith.constant 7 : i32
      %get3A_1359 = arith.index_cast %get3A_1358 : i32 to index
      %get3A_1360 = arith.constant 0 : index
      %get3A_1361 = tpu.vector_load %arg8[%get3A_1359, %get3A_1360] {strides = array<i32>} : memref<104x32xf32, #tpu.memory_space<vmem>>, vector<1x16xf32>,
      %get3A_1362 = vector.shape_cast %get3A_1361 : vector<1x16xf32> to vector<16xf32>
      %add3A_1363 = arith.addf %add3A_1315, %get3A_1362 : vector<16xf32>
      %get3A_1364 = arith.constant 7 : i32
      %get3A_1365 = arith.index_cast %get3A_1364 : i32 to index
      %get3A_1366 = arith.constant 16 : index
      %get3A_1367 = tpu.vector_load %arg8[%get3A_1365, %get3A_1366] {strides = array<i32>} : memref<104x32xf32, #tpu.memory_space<vmem>>, vector<1x16xf32>,
      %get3A_1368 = vector.shape_cast %get3A_1367 : vector<1x16xf32> to vector<16xf32>
      %add3A_1369 = arith.addf %add3A_1321, %get3A_1368 : vector<16xf32>
      %get3A_1370 = arith.constant 8 : i32
      %get3A_1371 = arith.index_cast %get3A_1370 : i32 to index
      %get3A_1372 = arith.constant 0 : index
      %get3A_1373 = tpu.vector_load %arg8[%get3A_1371, %get3A_1372] {strides = array<i32>} : memref<104x32xf32, #tpu.memory_space<vmem>>, vector<1x16xf32>,
      %get3A_1374 = vector.shape_cast %get3A_1373 : vector<1x16xf32> to vector<16xf32>
      %add3A_1375 = arith.addf %add3A_1327, %get3A_1374 : vector<16xf32>
      %get3A_1376 = arith.constant 8 : i32
      %get3A_1377 = arith.index_cast %get3A_1376 : i32 to index
      %get3A_1378 = arith.constant 16 : index
      %get3A_1379 = tpu.vector_load %arg8[%get3A_1377, %get3A_1378] {strides = array<i32>} : memref<104x32xf32, #tpu.memory_space<vmem>>, vector<1x16xf32>,
      %get3A_1380 = vector.shape_cast %get3A_1379 : vector<1x16xf32> to vector<16xf32>
      %add3A_1381 = arith.addf %add3A_1333, %get3A_1380 : vector<16xf32>
      %get3A_1382 = arith.constant 9 : i32
      %get3A_1383 = arith.index_cast %get3A_1382 : i32 to index
      %get3A_1384 = arith.constant 0 : index
      %get3A_1385 = tpu.vector_load %arg8[%get3A_1383, %get3A_1384] {strides = array<i32>} : memref<104x32xf32, #tpu.memory_space<vmem>>, vector<1x16xf32>,
      %get3A_1386 = vector.shape_cast %get3A_1385 : vector<1x16xf32> to vector<16xf32>
      %add3A_1387 = arith.addf %add3A_1339, %get3A_1386 : vector<16xf32>
      %get3A_1388 = arith.constant 9 : i32
      %get3A_1389 = arith.index_cast %get3A_1388 : i32 to index
      %get3A_1390 = arith.constant 16 : index
      %get3A_1391 = tpu.vector_load %arg8[%get3A_1389, %get3A_1390] {strides = array<i32>} : memref<104x32xf32, #tpu.memory_space<vmem>>, vector<1x16xf32>,
      %get3A_1392 = vector.shape_cast %get3A_1391 : vector<1x16xf32> to vector<16xf32>
      %add3A_1393 = arith.addf %add3A_1345, %get3A_1392 : vector<16xf32>
      %get3A_1394 = arith.constant 10 : i32
      %get3A_1395 = arith.index_cast %get3A_1394 : i32 to index
      %get3A_1396 = arith.constant 0 : index
      %get3A_1397 = tpu.vector_load %arg8[%get3A_1395, %get3A_1396] {strides = array<i32>} : memref<104x32xf32, #tpu.memory_space<vmem>>, vector<1x16xf32>,
      %get3A_1398 = vector.shape_cast %get3A_1397 : vector<1x16xf32> to vector<16xf32>
      %add3A_1399 = arith.addf %add3A_1351, %get3A_1398 : vector<16xf32>
      %get3A_1400 = arith.constant 10 : i32
      %get3A_1401 = arith.index_cast %get3A_1400 : i32 to index
      %get3A_1402 = arith.constant 16 : index
      %get3A_1403 = tpu.vector_load %arg8[%get3A_1401, %get3A_1402] {strides = array<i32>} : memref<104x32xf32, #tpu.memory_space<vmem>>, vector<1x16xf32>,
      %get3A_1404 = vector.shape_cast %get3A_1403 : vector<1x16xf32> to vector<16xf32>
      %add3A_1405 = arith.addf %add3A_1357, %get3A_1404 : vector<16xf32>
      %get3A_1406 = arith.constant 11 : i32
      %get3A_1407 = arith.index_cast %get3A_1406 : i32 to index
      %get3A_1408 = arith.constant 0 : index
      %get3A_1409 = tpu.vector_load %arg8[%get3A_1407, %get3A_1408] {strides = array<i32>} : memref<104x32xf32, #tpu.memory_space<vmem>>, vector<1x16xf32>,
      %get3A_1410 = vector.shape_cast %get3A_1409 : vector<1x16xf32> to vector<16xf32>
      %add3A_1411 = arith.addf %add3A_1363, %get3A_1410 : vector<16xf32>
      %get3A_1412 = arith.constant 11 : i32
      %get3A_1413 = arith.index_cast %get3A_1412 : i32 to index
      %get3A_1414 = arith.constant 16 : index
      %get3A_1415 = tpu.vector_load %arg8[%get3A_1413, %get3A_1414] {strides = array<i32>} : memref<104x32xf32, #tpu.memory_space<vmem>>, vector<1x16xf32>,
      %get3A_1416 = vector.shape_cast %get3A_1415 : vector<1x16xf32> to vector<16xf32>
      %add3A_1417 = arith.addf %add3A_1369, %get3A_1416 : vector<16xf32>
      %get3A_1418 = arith.constant 12 : i32
      %get3A_1419 = arith.index_cast %get3A_1418 : i32 to index
      %get3A_1420 = arith.constant 0 : index
      %get3A_1421 = tpu.vector_load %arg8[%get3A_1419, %get3A_1420] {strides = array<i32>} : memref<104x32xf32, #tpu.memory_space<vmem>>, vector<1x16xf32>,
      %get3A_1422 = vector.shape_cast %get3A_1421 : vector<1x16xf32> to vector<16xf32>
      %add3A_1423 = arith.addf %add3A_1375, %get3A_1422 : vector<16xf32>
      %get3A_1424 = arith.constant 12 : i32
      %get3A_1425 = arith.index_cast %get3A_1424 : i32 to index
      %get3A_1426 = arith.constant 16 : index
      %get3A_1427 = tpu.vector_load %arg8[%get3A_1425, %get3A_1426] {strides = array<i32>} : memref<104x32xf32, #tpu.memory_space<vmem>>, vector<1x16xf32>,
      %get3A_1428 = vector.shape_cast %get3A_1427 : vector<1x16xf32> to vector<16xf32>
      %add3A_1429 = arith.addf %add3A_1381, %get3A_1428 : vector<16xf32>
      %get3A_1430 = arith.constant 13 : i32
      %get3A_1431 = arith.index_cast %get3A_1430 : i32 to index
      %get3A_1432 = arith.constant 0 : index
      %get3A_1433 = tpu.vector_load %arg8[%get3A_1431, %get3A_1432] {strides = array<i32>} : memref<104x32xf32, #tpu.memory_space<vmem>>, vector<1x16xf32>,
      %get3A_1434 = vector.shape_cast %get3A_1433 : vector<1x16xf32> to vector<16xf32>
      %add3A_1435 = arith.addf %add3A_1387, %get3A_1434 : vector<16xf32>
      %get3A_1436 = arith.constant 13 : i32
      %get3A_1437 = arith.index_cast %get3A_1436 : i32 to index
      %get3A_1438 = arith.constant 16 : index
      %get3A_1439 = tpu.vector_load %arg8[%get3A_1437, %get3A_1438] {strides = array<i32>} : memref<104x32xf32, #tpu.memory_space<vmem>>, vector<1x16xf32>,
      %get3A_1440 = vector.shape_cast %get3A_1439 : vector<1x16xf32> to vector<16xf32>
      %add3A_1441 = arith.addf %add3A_1393, %get3A_1440 : vector<16xf32>
      %get3A_1442 = arith.constant 14 : i32
      %get3A_1443 = arith.index_cast %get3A_1442 : i32 to index
      %get3A_1444 = arith.constant 0 : index
      %get3A_1445 = tpu.vector_load %arg8[%get3A_1443, %get3A_1444] {strides = array<i32>} : memref<104x32xf32, #tpu.memory_space<vmem>>, vector<1x16xf32>,
      %get3A_1446 = vector.shape_cast %get3A_1445 : vector<1x16xf32> to vector<16xf32>
      %add3A_1447 = arith.addf %add3A_1399, %get3A_1446 : vector<16xf32>
      %get3A_1448 = arith.constant 14 : i32
      %get3A_1449 = arith.index_cast %get3A_1448 : i32 to index
      %get3A_1450 = arith.constant 16 : index
      %get3A_1451 = tpu.vector_load %arg8[%get3A_1449, %get3A_1450] {strides = array<i32>} : memref<104x32xf32, #tpu.memory_space<vmem>>, vector<1x16xf32>,
      %get3A_1452 = vector.shape_cast %get3A_1451 : vector<1x16xf32> to vector<16xf32>
      %add3A_1453 = arith.addf %add3A_1405, %get3A_1452 : vector<16xf32>
      %get3A_1454 = arith.constant 15 : i32
      %get3A_1455 = arith.index_cast %get3A_1454 : i32 to index
      %get3A_1456 = arith.constant 0 : index
      %get3A_1457 = tpu.vector_load %arg8[%get3A_1455, %get3A_1456] {strides = array<i32>} : memref<104x32xf32, #tpu.memory_space<vmem>>, vector<1x16xf32>,
      %get3A_1458 = vector.shape_cast %get3A_1457 : vector<1x16xf32> to vector<16xf32>
      %add3A_1459 = arith.addf %add3A_1411, %get3A_1458 : vector<16xf32>
      %get3A_1460 = arith.constant 15 : i32
      %get3A_1461 = arith.index_cast %get3A_1460 : i32 to index
      %get3A_1462 = arith.constant 16 : index
      %get3A_1463 = tpu.vector_load %arg8[%get3A_1461, %get3A_1462] {strides = array<i32>} : memref<104x32xf32, #tpu.memory_space<vmem>>, vector<1x16xf32>,
      %get3A_1464 = vector.shape_cast %get3A_1463 : vector<1x16xf32> to vector<16xf32>
      %add3A_1465 = arith.addf %add3A_1417, %get3A_1464 : vector<16xf32>
      %get3A_1466 = arith.constant 16 : i32
      %get3A_1467 = arith.index_cast %get3A_1466 : i32 to index
      %get3A_1468 = arith.constant 0 : index
      %get3A_1469 = tpu.vector_load %arg8[%get3A_1467, %get3A_1468] {strides = array<i32>} : memref<104x32xf32, #tpu.memory_space<vmem>>, vector<1x16xf32>,
      %get3A_1470 = vector.shape_cast %get3A_1469 : vector<1x16xf32> to vector<16xf32>
      %add3A_1471 = arith.addf %add3A_1423, %get3A_1470 : vector<16xf32>
      %get3A_1472 = arith.constant 16 : i32
      %get3A_1473 = arith.index_cast %get3A_1472 : i32 to index
      %get3A_1474 = arith.constant 16 : index
      %get3A_1475 = tpu.vector_load %arg8[%get3A_1473, %get3A_1474] {strides = array<i32>} : memref<104x32xf32, #tpu.memory_space<vmem>>, vector<1x16xf32>,
      %get3A_1476 = vector.shape_cast %get3A_1475 : vector<1x16xf32> to vector<16xf32>
      %add3A_1477 = arith.addf %add3A_1429, %get3A_1476 : vector<16xf32>
      %get3A_1478 = arith.constant 17 : i32
      %get3A_1479 = arith.index_cast %get3A_1478 : i32 to index
      %get3A_1480 = arith.constant 0 : index
      %get3A_1481 = tpu.vector_load %arg8[%get3A_1479, %get3A_1480] {strides = array<i32>} : memref<104x32xf32, #tpu.memory_space<vmem>>, vector<1x16xf32>,
      %get3A_1482 = vector.shape_cast %get3A_1481 : vector<1x16xf32> to vector<16xf32>
      %add3A_1483 = arith.addf %add3A_1435, %get3A_1482 : vector<16xf32>
      %get3A_1484 = arith.constant 17 : i32
      %get3A_1485 = arith.index_cast %get3A_1484 : i32 to index
      %get3A_1486 = arith.constant 16 : index
      %get3A_1487 = tpu.vector_load %arg8[%get3A_1485, %get3A_1486] {strides = array<i32>} : memref<104x32xf32, #tpu.memory_space<vmem>>, vector<1x16xf32>,
      %get3A_1488 = vector.shape_cast %get3A_1487 : vector<1x16xf32> to vector<16xf32>
      %add3A_1489 = arith.addf %add3A_1441, %get3A_1488 : vector<16xf32>
      %get3A_1490 = arith.constant 18 : i32
      %get3A_1491 = arith.index_cast %get3A_1490 : i32 to index
      %get3A_1492 = arith.constant 0 : index
      %get3A_1493 = tpu.vector_load %arg8[%get3A_1491, %get3A_1492] {strides = array<i32>} : memref<104x32xf32, #tpu.memory_space<vmem>>, vector<1x16xf32>,
      %get3A_1494 = vector.shape_cast %get3A_1493 : vector<1x16xf32> to vector<16xf32>
      %add3A_1495 = arith.addf %add3A_1447, %get3A_1494 : vector<16xf32>
      %get3A_1496 = arith.constant 18 : i32
      %get3A_1497 = arith.index_cast %get3A_1496 : i32 to index
      %get3A_1498 = arith.constant 16 : index
      %get3A_1499 = tpu.vector_load %arg8[%get3A_1497, %get3A_1498] {strides = array<i32>} : memref<104x32xf32, #tpu.memory_space<vmem>>, vector<1x16xf32>,
      %get3A_1500 = vector.shape_cast %get3A_1499 : vector<1x16xf32> to vector<16xf32>
      %add3A_1501 = arith.addf %add3A_1453, %get3A_1500 : vector<16xf32>
      %get3A_1502 = arith.constant 19 : i32
      %get3A_1503 = arith.index_cast %get3A_1502 : i32 to index
      %get3A_1504 = arith.constant 0 : index
      %get3A_1505 = tpu.vector_load %arg8[%get3A_1503, %get3A_1504] {strides = array<i32>} : memref<104x32xf32, #tpu.memory_space<vmem>>, vector<1x16xf32>,
      %get3A_1506 = vector.shape_cast %get3A_1505 : vector<1x16xf32> to vector<16xf32>
      %add3A_1507 = arith.addf %add3A_1459, %get3A_1506 : vector<16xf32>
      %get3A_1508 = arith.constant 19 : i32
      %get3A_1509 = arith.index_cast %get3A_1508 : i32 to index
      %get3A_1510 = arith.constant 16 : index
      %get3A_1511 = tpu.vector_load %arg8[%get3A_1509, %get3A_1510] {strides = array<i32>} : memref<104x32xf32, #tpu.memory_space<vmem>>, vector<1x16xf32>,
      %get3A_1512 = vector.shape_cast %get3A_1511 : vector<1x16xf32> to vector<16xf32>
      %add3A_1513 = arith.addf %add3A_1465, %get3A_1512 : vector<16xf32>
      %get3A_1514 = arith.constant 20 : i32
      %get3A_1515 = arith.index_cast %get3A_1514 : i32 to index
      %get3A_1516 = arith.constant 0 : index
      %get3A_1517 = tpu.vector_load %arg8[%get3A_1515, %get3A_1516] {strides = array<i32>} : memref<104x32xf32, #tpu.memory_space<vmem>>, vector<1x16xf32>,
      %get3A_1518 = vector.shape_cast %get3A_1517 : vector<1x16xf32> to vector<16xf32>
      %add3A_1519 = arith.addf %add3A_1471, %get3A_1518 : vector<16xf32>
      %get3A_1520 = arith.constant 20 : i32
      %get3A_1521 = arith.index_cast %get3A_1520 : i32 to index
      %get3A_1522 = arith.constant 16 : index
      %get3A_1523 = tpu.vector_load %arg8[%get3A_1521, %get3A_1522] {strides = array<i32>} : memref<104x32xf32, #tpu.memory_space<vmem>>, vector<1x16xf32>,
      %get3A_1524 = vector.shape_cast %get3A_1523 : vector<1x16xf32> to vector<16xf32>
      %add3A_1525 = arith.addf %add3A_1477, %get3A_1524 : vector<16xf32>
      %get3A_1526 = arith.constant 21 : i32
      %get3A_1527 = arith.index_cast %get3A_1526 : i32 to index
      %get3A_1528 = arith.constant 0 : index
      %get3A_1529 = tpu.vector_load %arg8[%get3A_1527, %get3A_1528] {strides = array<i32>} : memref<104x32xf32, #tpu.memory_space<vmem>>, vector<1x16xf32>,
      %get3A_1530 = vector.shape_cast %get3A_1529 : vector<1x16xf32> to vector<16xf32>
      %add3A_1531 = arith.addf %add3A_1483, %get3A_1530 : vector<16xf32>
      %get3A_1532 = arith.constant 21 : i32
      %get3A_1533 = arith.index_cast %get3A_1532 : i32 to index
      %get3A_1534 = arith.constant 16 : index
      %get3A_1535 = tpu.vector_load %arg8[%get3A_1533, %get3A_1534] {strides = array<i32>} : memref<104x32xf32, #tpu.memory_space<vmem>>, vector<1x16xf32>,
      %get3A_1536 = vector.shape_cast %get3A_1535 : vector<1x16xf32> to vector<16xf32>
      %add3A_1537 = arith.addf %add3A_1489, %get3A_1536 : vector<16xf32>
      %get3A_1538 = arith.constant 22 : i32
      %get3A_1539 = arith.index_cast %get3A_1538 : i32 to index
      %get3A_1540 = arith.constant 0 : index
      %get3A_1541 = tpu.vector_load %arg8[%get3A_1539, %get3A_1540] {strides = array<i32>} : memref<104x32xf32, #tpu.memory_space<vmem>>, vector<1x16xf32>,
      %get3A_1542 = vector.shape_cast %get3A_1541 : vector<1x16xf32> to vector<16xf32>
      %add3A_1543 = arith.addf %add3A_1495, %get3A_1542 : vector<16xf32>
      %get3A_1544 = arith.constant 22 : i32
      %get3A_1545 = arith.index_cast %get3A_1544 : i32 to index
      %get3A_1546 = arith.constant 16 : index
      %get3A_1547 = tpu.vector_load %arg8[%get3A_1545, %get3A_1546] {strides = array<i32>} : memref<104x32xf32, #tpu.memory_space<vmem>>, vector<1x16xf32>,
      %get3A_1548 = vector.shape_cast %get3A_1547 : vector<1x16xf32> to vector<16xf32>
      %add3A_1549 = arith.addf %add3A_1501, %get3A_1548 : vector<16xf32>
      %get3A_1550 = arith.constant 23 : i32
      %get3A_1551 = arith.index_cast %get3A_1550 : i32 to index
      %get3A_1552 = arith.constant 0 : index
      %get3A_1553 = tpu.vector_load %arg8[%get3A_1551, %get3A_1552] {strides = array<i32>} : memref<104x32xf32, #tpu.memory_space<vmem>>, vector<1x16xf32>,
      %get3A_1554 = vector.shape_cast %get3A_1553 : vector<1x16xf32> to vector<16xf32>
      %add3A_1555 = arith.addf %add3A_1507, %get3A_1554 : vector<16xf32>
      %get3A_1556 = arith.constant 23 : i32
      %get3A_1557 = arith.index_cast %get3A_1556 : i32 to index
      %get3A_1558 = arith.constant 16 : index
      %get3A_1559 = tpu.vector_load %arg8[%get3A_1557, %get3A_1558] {strides = array<i32>} : memref<104x32xf32, #tpu.memory_space<vmem>>, vector<1x16xf32>,
      %get3A_1560 = vector.shape_cast %get3A_1559 : vector<1x16xf32> to vector<16xf32>
      %add3A_1561 = arith.addf %add3A_1513, %get3A_1560 : vector<16xf32>
      %get3A_1562 = arith.constant 24 : i32
      %get3A_1563 = arith.index_cast %get3A_1562 : i32 to index
      %get3A_1564 = arith.constant 0 : index
      %get3A_1565 = tpu.vector_load %arg8[%get3A_1563, %get3A_1564] {strides = array<i32>} : memref<104x32xf32, #tpu.memory_space<vmem>>, vector<1x16xf32>,
      %get3A_1566 = vector.shape_cast %get3A_1565 : vector<1x16xf32> to vector<16xf32>
      %add3A_1567 = arith.addf %add3A_1519, %get3A_1566 : vector<16xf32>
      %get3A_1568 = arith.constant 24 : i32
      %get3A_1569 = arith.index_cast %get3A_1568 : i32 to index
      %get3A_1570 = arith.constant 16 : index
      %get3A_1571 = tpu.vector_load %arg8[%get3A_1569, %get3A_1570] {strides = array<i32>} : memref<104x32xf32, #tpu.memory_space<vmem>>, vector<1x16xf32>,
      %get3A_1572 = vector.shape_cast %get3A_1571 : vector<1x16xf32> to vector<16xf32>
      %add3A_1573 = arith.addf %add3A_1525, %get3A_1572 : vector<16xf32>
      %get3A_1574 = arith.constant 25 : i32
      %get3A_1575 = arith.index_cast %get3A_1574 : i32 to index
      %get3A_1576 = arith.constant 0 : index
      %get3A_1577 = tpu.vector_load %arg8[%get3A_1575, %get3A_1576] {strides = array<i32>} : memref<104x32xf32, #tpu.memory_space<vmem>>, vector<1x16xf32>,
      %get3A_1578 = vector.shape_cast %get3A_1577 : vector<1x16xf32> to vector<16xf32>
      %add3A_1579 = arith.addf %add3A_1531, %get3A_1578 : vector<16xf32>
      %get3A_1580 = arith.constant 25 : i32
      %get3A_1581 = arith.index_cast %get3A_1580 : i32 to index
      %get3A_1582 = arith.constant 16 : index
      %get3A_1583 = tpu.vector_load %arg8[%get3A_1581, %get3A_1582] {strides = array<i32>} : memref<104x32xf32, #tpu.memory_space<vmem>>, vector<1x16xf32>,
      %get3A_1584 = vector.shape_cast %get3A_1583 : vector<1x16xf32> to vector<16xf32>
      %add3A_1585 = arith.addf %add3A_1537, %get3A_1584 : vector<16xf32>
      %get3A_1586 = arith.constant 26 : i32
      %get3A_1587 = arith.index_cast %get3A_1586 : i32 to index
      %get3A_1588 = arith.constant 0 : index
      %get3A_1589 = tpu.vector_load %arg8[%get3A_1587, %get3A_1588] {strides = array<i32>} : memref<104x32xf32, #tpu.memory_space<vmem>>, vector<1x16xf32>,
      %get3A_1590 = vector.shape_cast %get3A_1589 : vector<1x16xf32> to vector<16xf32>
      %add3A_1591 = arith.addf %add3A_1543, %get3A_1590 : vector<16xf32>
      %get3A_1592 = arith.constant 26 : i32
      %get3A_1593 = arith.index_cast %get3A_1592 : i32 to index
      %get3A_1594 = arith.constant 16 : index
      %get3A_1595 = tpu.vector_load %arg8[%get3A_1593, %get3A_1594] {strides = array<i32>} : memref<104x32xf32, #tpu.memory_space<vmem>>, vector<1x16xf32>,
      %get3A_1596 = vector.shape_cast %get3A_1595 : vector<1x16xf32> to vector<16xf32>
      %add3A_1597 = arith.addf %add3A_1549, %get3A_1596 : vector<16xf32>
      %get3A_1598 = arith.constant 27 : i32
      %get3A_1599 = arith.index_cast %get3A_1598 : i32 to index
      %get3A_1600 = arith.constant 0 : index
      %get3A_1601 = tpu.vector_load %arg8[%get3A_1599, %get3A_1600] {strides = array<i32>} : memref<104x32xf32, #tpu.memory_space<vmem>>, vector<1x16xf32>,
      %get3A_1602 = vector.shape_cast %get3A_1601 : vector<1x16xf32> to vector<16xf32>
      %add3A_1603 = arith.addf %add3A_1555, %get3A_1602 : vector<16xf32>
      %get3A_1604 = arith.constant 27 : i32
      %get3A_1605 = arith.index_cast %get3A_1604 : i32 to index
      %get3A_1606 = arith.constant 16 : index
      %get3A_1607 = tpu.vector_load %arg8[%get3A_1605, %get3A_1606] {strides = array<i32>} : memref<104x32xf32, #tpu.memory_space<vmem>>, vector<1x16xf32>,
      %get3A_1608 = vector.shape_cast %get3A_1607 : vector<1x16xf32> to vector<16xf32>
      %add3A_1609 = arith.addf %add3A_1561, %get3A_1608 : vector<16xf32>
      %get3A_1610 = arith.constant 28 : i32
      %get3A_1611 = arith.index_cast %get3A_1610 : i32 to index
      %get3A_1612 = arith.constant 0 : index
      %get3A_1613 = tpu.vector_load %arg8[%get3A_1611, %get3A_1612] {strides = array<i32>} : memref<104x32xf32, #tpu.memory_space<vmem>>, vector<1x16xf32>,
      %get3A_1614 = vector.shape_cast %get3A_1613 : vector<1x16xf32> to vector<16xf32>
      %add3A_1615 = arith.addf %add3A_1567, %get3A_1614 : vector<16xf32>
      %get3A_1616 = arith.constant 28 : i32
      %get3A_1617 = arith.index_cast %get3A_1616 : i32 to index
      %get3A_1618 = arith.constant 16 : index
      %get3A_1619 = tpu.vector_load %arg8[%get3A_1617, %get3A_1618] {strides = array<i32>} : memref<104x32xf32, #tpu.memory_space<vmem>>, vector<1x16xf32>,
      %get3A_1620 = vector.shape_cast %get3A_1619 : vector<1x16xf32> to vector<16xf32>
      %add3A_1621 = arith.addf %add3A_1573, %get3A_1620 : vector<16xf32>
      %get3A_1622 = arith.constant 29 : i32
      %get3A_1623 = arith.index_cast %get3A_1622 : i32 to index
      %get3A_1624 = arith.constant 0 : index
      %get3A_1625 = tpu.vector_load %arg8[%get3A_1623, %get3A_1624] {strides = array<i32>} : memref<104x32xf32, #tpu.memory_space<vmem>>, vector<1x16xf32>,
      %get3A_1626 = vector.shape_cast %get3A_1625 : vector<1x16xf32> to vector<16xf32>
      %add3A_1627 = arith.addf %add3A_1579, %get3A_1626 : vector<16xf32>
      %get3A_1628 = arith.constant 29 : i32
      %get3A_1629 = arith.index_cast %get3A_1628 : i32 to index
      %get3A_1630 = arith.constant 16 : index
      %get3A_1631 = tpu.vector_load %arg8[%get3A_1629, %get3A_1630] {strides = array<i32>} : memref<104x32xf32, #tpu.memory_space<vmem>>, vector<1x16xf32>,
      %get3A_1632 = vector.shape_cast %get3A_1631 : vector<1x16xf32> to vector<16xf32>
      %add3A_1633 = arith.addf %add3A_1585, %get3A_1632 : vector<16xf32>
      %get3A_1634 = arith.constant 30 : i32
      %get3A_1635 = arith.index_cast %get3A_1634 : i32 to index
      %get3A_1636 = arith.constant 0 : index
      %get3A_1637 = tpu.vector_load %arg8[%get3A_1635, %get3A_1636] {strides = array<i32>} : memref<104x32xf32, #tpu.memory_space<vmem>>, vector<1x16xf32>,
      %get3A_1638 = vector.shape_cast %get3A_1637 : vector<1x16xf32> to vector<16xf32>
      %add3A_1639 = arith.addf %add3A_1591, %get3A_1638 : vector<16xf32>
      %get3A_1640 = arith.constant 30 : i32
      %get3A_1641 = arith.index_cast %get3A_1640 : i32 to index
      %get3A_1642 = arith.constant 16 : index
      %get3A_1643 = tpu.vector_load %arg8[%get3A_1641, %get3A_1642] {strides = array<i32>} : memref<104x32xf32, #tpu.memory_space<vmem>>, vector<1x16xf32>,
      %get3A_1644 = vector.shape_cast %get3A_1643 : vector<1x16xf32> to vector<16xf32>
      %add3A_1645 = arith.addf %add3A_1597, %get3A_1644 : vector<16xf32>
      %get3A_1646 = arith.constant 31 : i32
      %get3A_1647 = arith.index_cast %get3A_1646 : i32 to index
      %get3A_1648 = arith.constant 0 : index
      %get3A_1649 = tpu.vector_load %arg8[%get3A_1647, %get3A_1648] {strides = array<i32>} : memref<104x32xf32, #tpu.memory_space<vmem>>, vector<1x16xf32>,
      %get3A_1650 = vector.shape_cast %get3A_1649 : vector<1x16xf32> to vector<16xf32>
      %add3A_1651 = arith.addf %add3A_1603, %get3A_1650 : vector<16xf32>
      %get3A_1652 = arith.constant 31 : i32
      %get3A_1653 = arith.index_cast %get3A_1652 : i32 to index
      %get3A_1654 = arith.constant 16 : index
      %get3A_1655 = tpu.vector_load %arg8[%get3A_1653, %get3A_1654] {strides = array<i32>} : memref<104x32xf32, #tpu.memory_space<vmem>>, vector<1x16xf32>,
      %get3A_1656 = vector.shape_cast %get3A_1655 : vector<1x16xf32> to vector<16xf32>
      %add3A_1657 = arith.addf %add3A_1609, %get3A_1656 : vector<16xf32>
      %get3A_1658 = arith.constant 32 : i32
      %get3A_1659 = arith.index_cast %get3A_1658 : i32 to index
      %get3A_1660 = arith.constant 0 : index
      %get3A_1661 = tpu.vector_load %arg8[%get3A_1659, %get3A_1660] {strides = array<i32>} : memref<104x32xf32, #tpu.memory_space<vmem>>, vector<1x16xf32>,
      %get3A_1662 = vector.shape_cast %get3A_1661 : vector<1x16xf32> to vector<16xf32>
      %add3A_1663 = arith.addf %add3A_1615, %get3A_1662 : vector<16xf32>
      %get3A_1664 = arith.constant 32 : i32
      %get3A_1665 = arith.index_cast %get3A_1664 : i32 to index
      %get3A_1666 = arith.constant 16 : index
      %get3A_1667 = tpu.vector_load %arg8[%get3A_1665, %get3A_1666] {strides = array<i32>} : memref<104x32xf32, #tpu.memory_space<vmem>>, vector<1x16xf32>,
      %get3A_1668 = vector.shape_cast %get3A_1667 : vector<1x16xf32> to vector<16xf32>
      %add3A_1669 = arith.addf %add3A_1621, %get3A_1668 : vector<16xf32>
      %get3A_1670 = arith.constant 33 : i32
      %get3A_1671 = arith.index_cast %get3A_1670 : i32 to index
      %get3A_1672 = arith.constant 0 : index
      %get3A_1673 = tpu.vector_load %arg8[%get3A_1671, %get3A_1672] {strides = array<i32>} : memref<104x32xf32, #tpu.memory_space<vmem>>, vector<1x16xf32>,
      %get3A_1674 = vector.shape_cast %get3A_1673 : vector<1x16xf32> to vector<16xf32>
      %add3A_1675 = arith.addf %add3A_1627, %get3A_1674 : vector<16xf32>
      %get3A_1676 = arith.constant 33 : i32
      %get3A_1677 = arith.index_cast %get3A_1676 : i32 to index
      %get3A_1678 = arith.constant 16 : index
      %get3A_1679 = tpu.vector_load %arg8[%get3A_1677, %get3A_1678] {strides = array<i32>} : memref<104x32xf32, #tpu.memory_space<vmem>>, vector<1x16xf32>,
      %get3A_1680 = vector.shape_cast %get3A_1679 : vector<1x16xf32> to vector<16xf32>
      %add3A_1681 = arith.addf %add3A_1633, %get3A_1680 : vector<16xf32>
      %get3A_1682 = arith.constant 34 : i32
      %get3A_1683 = arith.index_cast %get3A_1682 : i32 to index
      %get3A_1684 = arith.constant 0 : index
      %get3A_1685 = tpu.vector_load %arg8[%get3A_1683, %get3A_1684] {strides = array<i32>} : memref<104x32xf32, #tpu.memory_space<vmem>>, vector<1x16xf32>,
      %get3A_1686 = vector.shape_cast %get3A_1685 : vector<1x16xf32> to vector<16xf32>
      %add3A_1687 = arith.addf %add3A_1639, %get3A_1686 : vector<16xf32>
      %get3A_1688 = arith.constant 34 : i32
      %get3A_1689 = arith.index_cast %get3A_1688 : i32 to index
      %get3A_1690 = arith.constant 16 : index
      %get3A_1691 = tpu.vector_load %arg8[%get3A_1689, %get3A_1690] {strides = array<i32>} : memref<104x32xf32, #tpu.memory_space<vmem>>, vector<1x16xf32>,
      %get3A_1692 = vector.shape_cast %get3A_1691 : vector<1x16xf32> to vector<16xf32>
      %add3A_1693 = arith.addf %add3A_1645, %get3A_1692 : vector<16xf32>
      %get3A_1694 = arith.constant 35 : i32
      %get3A_1695 = arith.index_cast %get3A_1694 : i32 to index
      %get3A_1696 = arith.constant 0 : index
      %get3A_1697 = tpu.vector_load %arg8[%get3A_1695, %get3A_1696] {strides = array<i32>} : memref<104x32xf32, #tpu.memory_space<vmem>>, vector<1x16xf32>,
      %get3A_1698 = vector.shape_cast %get3A_1697 : vector<1x16xf32> to vector<16xf32>
      %add3A_1699 = arith.addf %add3A_1651, %get3A_1698 : vector<16xf32>
      %get3A_1700 = arith.constant 35 : i32
      %get3A_1701 = arith.index_cast %get3A_1700 : i32 to index
      %get3A_1702 = arith.constant 16 : index
      %get3A_1703 = tpu.vector_load %arg8[%get3A_1701, %get3A_1702] {strides = array<i32>} : memref<104x32xf32, #tpu.memory_space<vmem>>, vector<1x16xf32>,
      %get3A_1704 = vector.shape_cast %get3A_1703 : vector<1x16xf32> to vector<16xf32>
      %add3A_1705 = arith.addf %add3A_1657, %get3A_1704 : vector<16xf32>
      %get3A_1706 = arith.constant 36 : i32
      %get3A_1707 = arith.index_cast %get3A_1706 : i32 to index
      %get3A_1708 = arith.constant 0 : index
      %get3A_1709 = tpu.vector_load %arg8[%get3A_1707, %get3A_1708] {strides = array<i32>} : memref<104x32xf32, #tpu.memory_space<vmem>>, vector<1x16xf32>,
      %get3A_1710 = vector.shape_cast %get3A_1709 : vector<1x16xf32> to vector<16xf32>
      %add3A_1711 = arith.addf %add3A_1663, %get3A_1710 : vector<16xf32>
      %get3A_1712 = arith.constant 36 : i32
      %get3A_1713 = arith.index_cast %get3A_1712 : i32 to index
      %get3A_1714 = arith.constant 16 : index
      %get3A_1715 = tpu.vector_load %arg8[%get3A_1713, %get3A_1714] {strides = array<i32>} : memref<104x32xf32, #tpu.memory_space<vmem>>, vector<1x16xf32>,
      %get3A_1716 = vector.shape_cast %get3A_1715 : vector<1x16xf32> to vector<16xf32>
      %add3A_1717 = arith.addf %add3A_1669, %get3A_1716 : vector<16xf32>
      %get3A_1718 = arith.constant 37 : i32
      %get3A_1719 = arith.index_cast %get3A_1718 : i32 to index
      %get3A_1720 = arith.constant 0 : index
      %get3A_1721 = tpu.vector_load %arg8[%get3A_1719, %get3A_1720] {strides = array<i32>} : memref<104x32xf32, #tpu.memory_space<vmem>>, vector<1x16xf32>,
      %get3A_1722 = vector.shape_cast %get3A_1721 : vector<1x16xf32> to vector<16xf32>
      %add3A_1723 = arith.addf %add3A_1675, %get3A_1722 : vector<16xf32>
      %get3A_1724 = arith.constant 37 : i32
      %get3A_1725 = arith.index_cast %get3A_1724 : i32 to index
      %get3A_1726 = arith.constant 16 : index
      %get3A_1727 = tpu.vector_load %arg8[%get3A_1725, %get3A_1726] {strides = array<i32>} : memref<104x32xf32, #tpu.memory_space<vmem>>, vector<1x16xf32>,
      %get3A_1728 = vector.shape_cast %get3A_1727 : vector<1x16xf32> to vector<16xf32>
      %add3A_1729 = arith.addf %add3A_1681, %get3A_1728 : vector<16xf32>
      %get3A_1730 = arith.constant 38 : i32
      %get3A_1731 = arith.index_cast %get3A_1730 : i32 to index
      %get3A_1732 = arith.constant 0 : index
      %get3A_1733 = tpu.vector_load %arg8[%get3A_1731, %get3A_1732] {strides = array<i32>} : memref<104x32xf32, #tpu.memory_space<vmem>>, vector<1x16xf32>,
      %get3A_1734 = vector.shape_cast %get3A_1733 : vector<1x16xf32> to vector<16xf32>
      %add3A_1735 = arith.addf %add3A_1687, %get3A_1734 : vector<16xf32>
      %get3A_1736 = arith.constant 38 : i32
      %get3A_1737 = arith.index_cast %get3A_1736 : i32 to index
      %get3A_1738 = arith.constant 16 : index
      %get3A_1739 = tpu.vector_load %arg8[%get3A_1737, %get3A_1738] {strides = array<i32>} : memref<104x32xf32, #tpu.memory_space<vmem>>, vector<1x16xf32>,
      %get3A_1740 = vector.shape_cast %get3A_1739 : vector<1x16xf32> to vector<16xf32>
      %add3A_1741 = arith.addf %add3A_1693, %get3A_1740 : vector<16xf32>
      %get3A_1742 = arith.constant 39 : i32
      %get3A_1743 = arith.index_cast %get3A_1742 : i32 to index
      %get3A_1744 = arith.constant 0 : index
      %get3A_1745 = tpu.vector_load %arg8[%get3A_1743, %get3A_1744] {strides = array<i32>} : memref<104x32xf32, #tpu.memory_space<vmem>>, vector<1x16xf32>,
      %get3A_1746 = vector.shape_cast %get3A_1745 : vector<1x16xf32> to vector<16xf32>
      %add3A_1747 = arith.addf %add3A_1699, %get3A_1746 : vector<16xf32>
      %get3A_1748 = arith.constant 39 : i32
      %get3A_1749 = arith.index_cast %get3A_1748 : i32 to index
      %get3A_1750 = arith.constant 16 : index
      %get3A_1751 = tpu.vector_load %arg8[%get3A_1749, %get3A_1750] {strides = array<i32>} : memref<104x32xf32, #tpu.memory_space<vmem>>, vector<1x16xf32>,
      %get3A_1752 = vector.shape_cast %get3A_1751 : vector<1x16xf32> to vector<16xf32>
      %add3A_1753 = arith.addf %add3A_1705, %get3A_1752 : vector<16xf32>
      %get3A_1754 = arith.constant 40 : i32
      %get3A_1755 = arith.index_cast %get3A_1754 : i32 to index
      %get3A_1756 = arith.constant 0 : index
      %get3A_1757 = tpu.vector_load %arg8[%get3A_1755, %get3A_1756] {strides = array<i32>} : memref<104x32xf32, #tpu.memory_space<vmem>>, vector<1x16xf32>,
      %get3A_1758 = vector.shape_cast %get3A_1757 : vector<1x16xf32> to vector<16xf32>
      %add3A_1759 = arith.addf %add3A_1711, %get3A_1758 : vector<16xf32>
      %get3A_1760 = arith.constant 40 : i32
      %get3A_1761 = arith.index_cast %get3A_1760 : i32 to index
      %get3A_1762 = arith.constant 16 : index
      %get3A_1763 = tpu.vector_load %arg8[%get3A_1761, %get3A_1762] {strides = array<i32>} : memref<104x32xf32, #tpu.memory_space<vmem>>, vector<1x16xf32>,
      %get3A_1764 = vector.shape_cast %get3A_1763 : vector<1x16xf32> to vector<16xf32>
      %add3A_1765 = arith.addf %add3A_1717, %get3A_1764 : vector<16xf32>
      %get3A_1766 = arith.constant 41 : i32
      %get3A_1767 = arith.index_cast %get3A_1766 : i32 to index
      %get3A_1768 = arith.constant 0 : index
      %get3A_1769 = tpu.vector_load %arg8[%get3A_1767, %get3A_1768] {strides = array<i32>} : memref<104x32xf32, #tpu.memory_space<vmem>>, vector<1x16xf32>,
      %get3A_1770 = vector.shape_cast %get3A_1769 : vector<1x16xf32> to vector<16xf32>
      %add3A_1771 = arith.addf %add3A_1723, %get3A_1770 : vector<16xf32>
      %get3A_1772 = arith.constant 41 : i32
      %get3A_1773 = arith.index_cast %get3A_1772 : i32 to index
      %get3A_1774 = arith.constant 16 : index
      %get3A_1775 = tpu.vector_load %arg8[%get3A_1773, %get3A_1774] {strides = array<i32>} : memref<104x32xf32, #tpu.memory_space<vmem>>, vector<1x16xf32>,
      %get3A_1776 = vector.shape_cast %get3A_1775 : vector<1x16xf32> to vector<16xf32>
      %add3A_1777 = arith.addf %add3A_1729, %get3A_1776 : vector<16xf32>
      %get3A_1778 = arith.constant 42 : i32
      %get3A_1779 = arith.index_cast %get3A_1778 : i32 to index
      %get3A_1780 = arith.constant 0 : index
      %get3A_1781 = tpu.vector_load %arg8[%get3A_1779, %get3A_1780] {strides = array<i32>} : memref<104x32xf32, #tpu.memory_space<vmem>>, vector<1x16xf32>,
      %get3A_1782 = vector.shape_cast %get3A_1781 : vector<1x16xf32> to vector<16xf32>
      %add3A_1783 = arith.addf %add3A_1735, %get3A_1782 : vector<16xf32>
      %get3A_1784 = arith.constant 42 : i32
      %get3A_1785 = arith.index_cast %get3A_1784 : i32 to index
      %get3A_1786 = arith.constant 16 : index
      %get3A_1787 = tpu.vector_load %arg8[%get3A_1785, %get3A_1786] {strides = array<i32>} : memref<104x32xf32, #tpu.memory_space<vmem>>, vector<1x16xf32>,
      %get3A_1788 = vector.shape_cast %get3A_1787 : vector<1x16xf32> to vector<16xf32>
      %add3A_1789 = arith.addf %add3A_1741, %get3A_1788 : vector<16xf32>
      %get3A_1790 = arith.constant 43 : i32
      %get3A_1791 = arith.index_cast %get3A_1790 : i32 to index
      %get3A_1792 = arith.constant 0 : index
      %get3A_1793 = tpu.vector_load %arg8[%get3A_1791, %get3A_1792] {strides = array<i32>} : memref<104x32xf32, #tpu.memory_space<vmem>>, vector<1x16xf32>,
      %get3A_1794 = vector.shape_cast %get3A_1793 : vector<1x16xf32> to vector<16xf32>
      %add3A_1795 = arith.addf %add3A_1747, %get3A_1794 : vector<16xf32>
      %get3A_1796 = arith.constant 43 : i32
      %get3A_1797 = arith.index_cast %get3A_1796 : i32 to index
      %get3A_1798 = arith.constant 16 : index
      %get3A_1799 = tpu.vector_load %arg8[%get3A_1797, %get3A_1798] {strides = array<i32>} : memref<104x32xf32, #tpu.memory_space<vmem>>, vector<1x16xf32>,
      %get3A_1800 = vector.shape_cast %get3A_1799 : vector<1x16xf32> to vector<16xf32>
      %add3A_1801 = arith.addf %add3A_1753, %get3A_1800 : vector<16xf32>
      %get3A_1802 = arith.constant 44 : i32
      %get3A_1803 = arith.index_cast %get3A_1802 : i32 to index
      %get3A_1804 = arith.constant 0 : index
      %get3A_1805 = tpu.vector_load %arg8[%get3A_1803, %get3A_1804] {strides = array<i32>} : memref<104x32xf32, #tpu.memory_space<vmem>>, vector<1x16xf32>,
      %get3A_1806 = vector.shape_cast %get3A_1805 : vector<1x16xf32> to vector<16xf32>
      %add3A_1807 = arith.addf %add3A_1759, %get3A_1806 : vector<16xf32>
      %get3A_1808 = arith.constant 44 : i32
      %get3A_1809 = arith.index_cast %get3A_1808 : i32 to index
      %get3A_1810 = arith.constant 16 : index
      %get3A_1811 = tpu.vector_load %arg8[%get3A_1809, %get3A_1810] {strides = array<i32>} : memref<104x32xf32, #tpu.memory_space<vmem>>, vector<1x16xf32>,
      %get3A_1812 = vector.shape_cast %get3A_1811 : vector<1x16xf32> to vector<16xf32>
      %add3A_1813 = arith.addf %add3A_1765, %get3A_1812 : vector<16xf32>
      %get3A_1814 = arith.constant 45 : i32
      %get3A_1815 = arith.index_cast %get3A_1814 : i32 to index
      %get3A_1816 = arith.constant 0 : index
      %get3A_1817 = tpu.vector_load %arg8[%get3A_1815, %get3A_1816] {strides = array<i32>} : memref<104x32xf32, #tpu.memory_space<vmem>>, vector<1x16xf32>,
      %get3A_1818 = vector.shape_cast %get3A_1817 : vector<1x16xf32> to vector<16xf32>
      %add3A_1819 = arith.addf %add3A_1771, %get3A_1818 : vector<16xf32>
      %get3A_1820 = arith.constant 45 : i32
      %get3A_1821 = arith.index_cast %get3A_1820 : i32 to index
      %get3A_1822 = arith.constant 16 : index
      %get3A_1823 = tpu.vector_load %arg8[%get3A_1821, %get3A_1822] {strides = array<i32>} : memref<104x32xf32, #tpu.memory_space<vmem>>, vector<1x16xf32>,
      %get3A_1824 = vector.shape_cast %get3A_1823 : vector<1x16xf32> to vector<16xf32>
      %add3A_1825 = arith.addf %add3A_1777, %get3A_1824 : vector<16xf32>
      %get3A_1826 = arith.constant 46 : i32
      %get3A_1827 = arith.index_cast %get3A_1826 : i32 to index
      %get3A_1828 = arith.constant 0 : index
      %get3A_1829 = tpu.vector_load %arg8[%get3A_1827, %get3A_1828] {strides = array<i32>} : memref<104x32xf32, #tpu.memory_space<vmem>>, vector<1x16xf32>,
      %get3A_1830 = vector.shape_cast %get3A_1829 : vector<1x16xf32> to vector<16xf32>
      %add3A_1831 = arith.addf %add3A_1783, %get3A_1830 : vector<16xf32>
      %get3A_1832 = arith.constant 46 : i32
      %get3A_1833 = arith.index_cast %get3A_1832 : i32 to index
      %get3A_1834 = arith.constant 16 : index
      %get3A_1835 = tpu.vector_load %arg8[%get3A_1833, %get3A_1834] {strides = array<i32>} : memref<104x32xf32, #tpu.memory_space<vmem>>, vector<1x16xf32>,
      %get3A_1836 = vector.shape_cast %get3A_1835 : vector<1x16xf32> to vector<16xf32>
      %add3A_1837 = arith.addf %add3A_1789, %get3A_1836 : vector<16xf32>
      %get3A_1838 = arith.constant 47 : i32
      %get3A_1839 = arith.index_cast %get3A_1838 : i32 to index
      %get3A_1840 = arith.constant 0 : index
      %get3A_1841 = tpu.vector_load %arg8[%get3A_1839, %get3A_1840] {strides = array<i32>} : memref<104x32xf32, #tpu.memory_space<vmem>>, vector<1x16xf32>,
      %get3A_1842 = vector.shape_cast %get3A_1841 : vector<1x16xf32> to vector<16xf32>
      %add3A_1843 = arith.addf %add3A_1795, %get3A_1842 : vector<16xf32>
      %get3A_1844 = arith.constant 47 : i32
      %get3A_1845 = arith.index_cast %get3A_1844 : i32 to index
      %get3A_1846 = arith.constant 16 : index
      %get3A_1847 = tpu.vector_load %arg8[%get3A_1845, %get3A_1846] {strides = array<i32>} : memref<104x32xf32, #tpu.memory_space<vmem>>, vector<1x16xf32>,
      %get3A_1848 = vector.shape_cast %get3A_1847 : vector<1x16xf32> to vector<16xf32>
      %add3A_1849 = arith.addf %add3A_1801, %get3A_1848 : vector<16xf32>
      %get3A_1850 = arith.constant 48 : i32
      %get3A_1851 = arith.index_cast %get3A_1850 : i32 to index
      %get3A_1852 = arith.constant 0 : index
      %get3A_1853 = tpu.vector_load %arg8[%get3A_1851, %get3A_1852] {strides = array<i32>} : memref<104x32xf32, #tpu.memory_space<vmem>>, vector<1x16xf32>,
      %get3A_1854 = vector.shape_cast %get3A_1853 : vector<1x16xf32> to vector<16xf32>
      %add3A_1855 = arith.addf %add3A_1807, %get3A_1854 : vector<16xf32>
      %get3A_1856 = arith.constant 48 : i32
      %get3A_1857 = arith.index_cast %get3A_1856 : i32 to index
      %get3A_1858 = arith.constant 16 : index
      %get3A_1859 = tpu.vector_load %arg8[%get3A_1857, %get3A_1858] {strides = array<i32>} : memref<104x32xf32, #tpu.memory_space<vmem>>, vector<1x16xf32>,
      %get3A_1860 = vector.shape_cast %get3A_1859 : vector<1x16xf32> to vector<16xf32>
      %add3A_1861 = arith.addf %add3A_1813, %get3A_1860 : vector<16xf32>
      %get3A_1862 = arith.constant 49 : i32
      %get3A_1863 = arith.index_cast %get3A_1862 : i32 to index
      %get3A_1864 = arith.constant 0 : index
      %get3A_1865 = tpu.vector_load %arg8[%get3A_1863, %get3A_1864] {strides = array<i32>} : memref<104x32xf32, #tpu.memory_space<vmem>>, vector<1x16xf32>,
      %get3A_1866 = vector.shape_cast %get3A_1865 : vector<1x16xf32> to vector<16xf32>
      %add3A_1867 = arith.addf %add3A_1819, %get3A_1866 : vector<16xf32>
      %get3A_1868 = arith.constant 49 : i32
      %get3A_1869 = arith.index_cast %get3A_1868 : i32 to index
      %get3A_1870 = arith.constant 16 : index
      %get3A_1871 = tpu.vector_load %arg8[%get3A_1869, %get3A_1870] {strides = array<i32>} : memref<104x32xf32, #tpu.memory_space<vmem>>, vector<1x16xf32>,
      %get3A_1872 = vector.shape_cast %get3A_1871 : vector<1x16xf32> to vector<16xf32>
      %add3A_1873 = arith.addf %add3A_1825, %get3A_1872 : vector<16xf32>
      %get3A_1874 = arith.constant 50 : i32
      %get3A_1875 = arith.index_cast %get3A_1874 : i32 to index
      %get3A_1876 = arith.constant 0 : index
      %get3A_1877 = tpu.vector_load %arg8[%get3A_1875, %get3A_1876] {strides = array<i32>} : memref<104x32xf32, #tpu.memory_space<vmem>>, vector<1x16xf32>,
      %get3A_1878 = vector.shape_cast %get3A_1877 : vector<1x16xf32> to vector<16xf32>
      %add3A_1879 = arith.addf %add3A_1831, %get3A_1878 : vector<16xf32>
      %get3A_1880 = arith.constant 50 : i32
      %get3A_1881 = arith.index_cast %get3A_1880 : i32 to index
      %get3A_1882 = arith.constant 16 : index
      %get3A_1883 = tpu.vector_load %arg8[%get3A_1881, %get3A_1882] {strides = array<i32>} : memref<104x32xf32, #tpu.memory_space<vmem>>, vector<1x16xf32>,
      %get3A_1884 = vector.shape_cast %get3A_1883 : vector<1x16xf32> to vector<16xf32>
      %add3A_1885 = arith.addf %add3A_1837, %get3A_1884 : vector<16xf32>
      %get3A_1886 = arith.constant 51 : i32
      %get3A_1887 = arith.index_cast %get3A_1886 : i32 to index
      %get3A_1888 = arith.constant 0 : index
      %get3A_1889 = tpu.vector_load %arg8[%get3A_1887, %get3A_1888] {strides = array<i32>} : memref<104x32xf32, #tpu.memory_space<vmem>>, vector<1x16xf32>,
      %get3A_1890 = vector.shape_cast %get3A_1889 : vector<1x16xf32> to vector<16xf32>
      %add3A_1891 = arith.addf %add3A_1843, %get3A_1890 : vector<16xf32>
      %get3A_1892 = arith.constant 51 : i32
      %get3A_1893 = arith.index_cast %get3A_1892 : i32 to index
      %get3A_1894 = arith.constant 16 : index
      %get3A_1895 = tpu.vector_load %arg8[%get3A_1893, %get3A_1894] {strides = array<i32>} : memref<104x32xf32, #tpu.memory_space<vmem>>, vector<1x16xf32>,
      %get3A_1896 = vector.shape_cast %get3A_1895 : vector<1x16xf32> to vector<16xf32>
      %add3A_1897 = arith.addf %add3A_1849, %get3A_1896 : vector<16xf32>
      %get3A_1898 = arith.constant 52 : i32
      %get3A_1899 = arith.index_cast %get3A_1898 : i32 to index
      %get3A_1900 = arith.constant 0 : index
      %get3A_1901 = tpu.vector_load %arg8[%get3A_1899, %get3A_1900] {strides = array<i32>} : memref<104x32xf32, #tpu.memory_space<vmem>>, vector<1x16xf32>,
      %get3A_1902 = vector.shape_cast %get3A_1901 : vector<1x16xf32> to vector<16xf32>
      %add3A_1903 = arith.addf %add3A_1855, %get3A_1902 : vector<16xf32>
      %get3A_1904 = arith.constant 52 : i32
      %get3A_1905 = arith.index_cast %get3A_1904 : i32 to index
      %get3A_1906 = arith.constant 16 : index
      %get3A_1907 = tpu.vector_load %arg8[%get3A_1905, %get3A_1906] {strides = array<i32>} : memref<104x32xf32, #tpu.memory_space<vmem>>, vector<1x16xf32>,
      %get3A_1908 = vector.shape_cast %get3A_1907 : vector<1x16xf32> to vector<16xf32>
      %add3A_1909 = arith.addf %add3A_1861, %get3A_1908 : vector<16xf32>
      %get3A_1910 = arith.constant 53 : i32
      %get3A_1911 = arith.index_cast %get3A_1910 : i32 to index
      %get3A_1912 = arith.constant 0 : index
      %get3A_1913 = tpu.vector_load %arg8[%get3A_1911, %get3A_1912] {strides = array<i32>} : memref<104x32xf32, #tpu.memory_space<vmem>>, vector<1x16xf32>,
      %get3A_1914 = vector.shape_cast %get3A_1913 : vector<1x16xf32> to vector<16xf32>
      %add3A_1915 = arith.addf %add3A_1867, %get3A_1914 : vector<16xf32>
      %get3A_1916 = arith.constant 53 : i32
      %get3A_1917 = arith.index_cast %get3A_1916 : i32 to index
      %get3A_1918 = arith.constant 16 : index
      %get3A_1919 = tpu.vector_load %arg8[%get3A_1917, %get3A_1918] {strides = array<i32>} : memref<104x32xf32, #tpu.memory_space<vmem>>, vector<1x16xf32>,
      %get3A_1920 = vector.shape_cast %get3A_1919 : vector<1x16xf32> to vector<16xf32>
      %add3A_1921 = arith.addf %add3A_1873, %get3A_1920 : vector<16xf32>
      %get3A_1922 = arith.constant 54 : i32
      %get3A_1923 = arith.index_cast %get3A_1922 : i32 to index
      %get3A_1924 = arith.constant 0 : index
      %get3A_1925 = tpu.vector_load %arg8[%get3A_1923, %get3A_1924] {strides = array<i32>} : memref<104x32xf32, #tpu.memory_space<vmem>>, vector<1x16xf32>,
      %get3A_1926 = vector.shape_cast %get3A_1925 : vector<1x16xf32> to vector<16xf32>
      %add3A_1927 = arith.addf %add3A_1879, %get3A_1926 : vector<16xf32>
      %get3A_1928 = arith.constant 54 : i32
      %get3A_1929 = arith.index_cast %get3A_1928 : i32 to index
      %get3A_1930 = arith.constant 16 : index
      %get3A_1931 = tpu.vector_load %arg8[%get3A_1929, %get3A_1930] {strides = array<i32>} : memref<104x32xf32, #tpu.memory_space<vmem>>, vector<1x16xf32>,
      %get3A_1932 = vector.shape_cast %get3A_1931 : vector<1x16xf32> to vector<16xf32>
      %add3A_1933 = arith.addf %add3A_1885, %get3A_1932 : vector<16xf32>
      %get3A_1934 = arith.constant 55 : i32
      %get3A_1935 = arith.index_cast %get3A_1934 : i32 to index
      %get3A_1936 = arith.constant 0 : index
      %get3A_1937 = tpu.vector_load %arg8[%get3A_1935, %get3A_1936] {strides = array<i32>} : memref<104x32xf32, #tpu.memory_space<vmem>>, vector<1x16xf32>,
      %get3A_1938 = vector.shape_cast %get3A_1937 : vector<1x16xf32> to vector<16xf32>
      %add3A_1939 = arith.addf %add3A_1891, %get3A_1938 : vector<16xf32>
      %get3A_1940 = arith.constant 55 : i32
      %get3A_1941 = arith.index_cast %get3A_1940 : i32 to index
      %get3A_1942 = arith.constant 16 : index
      %get3A_1943 = tpu.vector_load %arg8[%get3A_1941, %get3A_1942] {strides = array<i32>} : memref<104x32xf32, #tpu.memory_space<vmem>>, vector<1x16xf32>,
      %get3A_1944 = vector.shape_cast %get3A_1943 : vector<1x16xf32> to vector<16xf32>
      %add3A_1945 = arith.addf %add3A_1897, %get3A_1944 : vector<16xf32>
      %get3A_1946 = arith.constant 56 : i32
      %get3A_1947 = arith.index_cast %get3A_1946 : i32 to index
      %get3A_1948 = arith.constant 0 : index
      %get3A_1949 = tpu.vector_load %arg8[%get3A_1947, %get3A_1948] {strides = array<i32>} : memref<104x32xf32, #tpu.memory_space<vmem>>, vector<1x16xf32>,
      %get3A_1950 = vector.shape_cast %get3A_1949 : vector<1x16xf32> to vector<16xf32>
      %add3A_1951 = arith.addf %add3A_1903, %get3A_1950 : vector<16xf32>
      %get3A_1952 = arith.constant 56 : i32
      %get3A_1953 = arith.index_cast %get3A_1952 : i32 to index
      %get3A_1954 = arith.constant 16 : index
      %get3A_1955 = tpu.vector_load %arg8[%get3A_1953, %get3A_1954] {strides = array<i32>} : memref<104x32xf32, #tpu.memory_space<vmem>>, vector<1x16xf32>,
      %get3A_1956 = vector.shape_cast %get3A_1955 : vector<1x16xf32> to vector<16xf32>
      %add3A_1957 = arith.addf %add3A_1909, %get3A_1956 : vector<16xf32>
      %get3A_1958 = arith.constant 57 : i32
      %get3A_1959 = arith.index_cast %get3A_1958 : i32 to index
      %get3A_1960 = arith.constant 0 : index
      %get3A_1961 = tpu.vector_load %arg8[%get3A_1959, %get3A_1960] {strides = array<i32>} : memref<104x32xf32, #tpu.memory_space<vmem>>, vector<1x16xf32>,
      %get3A_1962 = vector.shape_cast %get3A_1961 : vector<1x16xf32> to vector<16xf32>
      %add3A_1963 = arith.addf %add3A_1915, %get3A_1962 : vector<16xf32>
      %get3A_1964 = arith.constant 57 : i32
      %get3A_1965 = arith.index_cast %get3A_1964 : i32 to index
      %get3A_1966 = arith.constant 16 : index
      %get3A_1967 = tpu.vector_load %arg8[%get3A_1965, %get3A_1966] {strides = array<i32>} : memref<104x32xf32, #tpu.memory_space<vmem>>, vector<1x16xf32>,
      %get3A_1968 = vector.shape_cast %get3A_1967 : vector<1x16xf32> to vector<16xf32>
      %add3A_1969 = arith.addf %add3A_1921, %get3A_1968 : vector<16xf32>
      %get3A_1970 = arith.constant 58 : i32
      %get3A_1971 = arith.index_cast %get3A_1970 : i32 to index
      %get3A_1972 = arith.constant 0 : index
      %get3A_1973 = tpu.vector_load %arg8[%get3A_1971, %get3A_1972] {strides = array<i32>} : memref<104x32xf32, #tpu.memory_space<vmem>>, vector<1x16xf32>,
      %get3A_1974 = vector.shape_cast %get3A_1973 : vector<1x16xf32> to vector<16xf32>
      %add3A_1975 = arith.addf %add3A_1927, %get3A_1974 : vector<16xf32>
      %get3A_1976 = arith.constant 58 : i32
      %get3A_1977 = arith.index_cast %get3A_1976 : i32 to index
      %get3A_1978 = arith.constant 16 : index
      %get3A_1979 = tpu.vector_load %arg8[%get3A_1977, %get3A_1978] {strides = array<i32>} : memref<104x32xf32, #tpu.memory_space<vmem>>, vector<1x16xf32>,
      %get3A_1980 = vector.shape_cast %get3A_1979 : vector<1x16xf32> to vector<16xf32>
      %add3A_1981 = arith.addf %add3A_1933, %get3A_1980 : vector<16xf32>
      %get3A_1982 = arith.constant 59 : i32
      %get3A_1983 = arith.index_cast %get3A_1982 : i32 to index
      %get3A_1984 = arith.constant 0 : index
      %get3A_1985 = tpu.vector_load %arg8[%get3A_1983, %get3A_1984] {strides = array<i32>} : memref<104x32xf32, #tpu.memory_space<vmem>>, vector<1x16xf32>,
      %get3A_1986 = vector.shape_cast %get3A_1985 : vector<1x16xf32> to vector<16xf32>
      %add3A_1987 = arith.addf %add3A_1939, %get3A_1986 : vector<16xf32>
      %get3A_1988 = arith.constant 59 : i32
      %get3A_1989 = arith.index_cast %get3A_1988 : i32 to index
      %get3A_1990 = arith.constant 16 : index
      %get3A_1991 = tpu.vector_load %arg8[%get3A_1989, %get3A_1990] {strides = array<i32>} : memref<104x32xf32, #tpu.memory_space<vmem>>, vector<1x16xf32>,
      %get3A_1992 = vector.shape_cast %get3A_1991 : vector<1x16xf32> to vector<16xf32>
      %add3A_1993 = arith.addf %add3A_1945, %get3A_1992 : vector<16xf32>
      %get3A_1994 = arith.constant 60 : i32
      %get3A_1995 = arith.index_cast %get3A_1994 : i32 to index
      %get3A_1996 = arith.constant 0 : index
      %get3A_1997 = tpu.vector_load %arg8[%get3A_1995, %get3A_1996] {strides = array<i32>} : memref<104x32xf32, #tpu.memory_space<vmem>>, vector<1x16xf32>,
      %get3A_1998 = vector.shape_cast %get3A_1997 : vector<1x16xf32> to vector<16xf32>
      %add3A_1999 = arith.addf %add3A_1951, %get3A_1998 : vector<16xf32>
      %get3A_2000 = arith.constant 60 : i32
      %get3A_2001 = arith.index_cast %get3A_2000 : i32 to index
      %get3A_2002 = arith.constant 16 : index
      %get3A_2003 = tpu.vector_load %arg8[%get3A_2001, %get3A_2002] {strides = array<i32>} : memref<104x32xf32, #tpu.memory_space<vmem>>, vector<1x16xf32>,
      %get3A_2004 = vector.shape_cast %get3A_2003 : vector<1x16xf32> to vector<16xf32>
      %add3A_2005 = arith.addf %add3A_1957, %get3A_2004 : vector<16xf32>
      %get3A_2006 = arith.constant 61 : i32
      %get3A_2007 = arith.index_cast %get3A_2006 : i32 to index
      %get3A_2008 = arith.constant 0 : index
      %get3A_2009 = tpu.vector_load %arg8[%get3A_2007, %get3A_2008] {strides = array<i32>} : memref<104x32xf32, #tpu.memory_space<vmem>>, vector<1x16xf32>,
      %get3A_2010 = vector.shape_cast %get3A_2009 : vector<1x16xf32> to vector<16xf32>
      %add3A_2011 = arith.addf %add3A_1963, %get3A_2010 : vector<16xf32>
      %get3A_2012 = arith.constant 61 : i32
      %get3A_2013 = arith.index_cast %get3A_2012 : i32 to index
      %get3A_2014 = arith.constant 16 : index
      %get3A_2015 = tpu.vector_load %arg8[%get3A_2013, %get3A_2014] {strides = array<i32>} : memref<104x32xf32, #tpu.memory_space<vmem>>, vector<1x16xf32>,
      %get3A_2016 = vector.shape_cast %get3A_2015 : vector<1x16xf32> to vector<16xf32>
      %add3A_2017 = arith.addf %add3A_1969, %get3A_2016 : vector<16xf32>
      %get3A_2018 = arith.constant 62 : i32
      %get3A_2019 = arith.index_cast %get3A_2018 : i32 to index
      %get3A_2020 = arith.constant 0 : index
      %get3A_2021 = tpu.vector_load %arg8[%get3A_2019, %get3A_2020] {strides = array<i32>} : memref<104x32xf32, #tpu.memory_space<vmem>>, vector<1x16xf32>,
      %get3A_2022 = vector.shape_cast %get3A_2021 : vector<1x16xf32> to vector<16xf32>
      %add3A_2023 = arith.addf %add3A_1975, %get3A_2022 : vector<16xf32>
      %get3A_2024 = arith.constant 62 : i32
      %get3A_2025 = arith.index_cast %get3A_2024 : i32 to index
      %get3A_2026 = arith.constant 16 : index
      %get3A_2027 = tpu.vector_load %arg8[%get3A_2025, %get3A_2026] {strides = array<i32>} : memref<104x32xf32, #tpu.memory_space<vmem>>, vector<1x16xf32>,
      %get3A_2028 = vector.shape_cast %get3A_2027 : vector<1x16xf32> to vector<16xf32>
      %add3A_2029 = arith.addf %add3A_1981, %get3A_2028 : vector<16xf32>
      %get3A_2030 = arith.constant 63 : i32
      %get3A_2031 = arith.index_cast %get3A_2030 : i32 to index
      %get3A_2032 = arith.constant 0 : index
      %get3A_2033 = tpu.vector_load %arg8[%get3A_2031, %get3A_2032] {strides = array<i32>} : memref<104x32xf32, #tpu.memory_space<vmem>>, vector<1x16xf32>,
      %get3A_2034 = vector.shape_cast %get3A_2033 : vector<1x16xf32> to vector<16xf32>
      %add3A_2035 = arith.addf %add3A_1987, %get3A_2034 : vector<16xf32>
      %get3A_2036 = arith.constant 63 : i32
      %get3A_2037 = arith.index_cast %get3A_2036 : i32 to index
      %get3A_2038 = arith.constant 16 : index
      %get3A_2039 = tpu.vector_load %arg8[%get3A_2037, %get3A_2038] {strides = array<i32>} : memref<104x32xf32, #tpu.memory_space<vmem>>, vector<1x16xf32>,
      %get3A_2040 = vector.shape_cast %get3A_2039 : vector<1x16xf32> to vector<16xf32>
      %add3A_2041 = arith.addf %add3A_1993, %get3A_2040 : vector<16xf32>
      %get3A_2042 = arith.constant 64 : i32
      %get3A_2043 = arith.index_cast %get3A_2042 : i32 to index
      %get3A_2044 = arith.constant 0 : index
      %get3A_2045 = tpu.vector_load %arg8[%get3A_2043, %get3A_2044] {strides = array<i32>} : memref<104x32xf32, #tpu.memory_space<vmem>>, vector<1x16xf32>,
      %get3A_2046 = vector.shape_cast %get3A_2045 : vector<1x16xf32> to vector<16xf32>
      %add3A_2047 = arith.addf %add3A_1999, %get3A_2046 : vector<16xf32>
      %get3A_2048 = arith.constant 64 : i32
      %get3A_2049 = arith.index_cast %get3A_2048 : i32 to index
      %get3A_2050 = arith.constant 16 : index
      %get3A_2051 = tpu.vector_load %arg8[%get3A_2049, %get3A_2050] {strides = array<i32>} : memref<104x32xf32, #tpu.memory_space<vmem>>, vector<1x16xf32>,
      %get3A_2052 = vector.shape_cast %get3A_2051 : vector<1x16xf32> to vector<16xf32>
      %add3A_2053 = arith.addf %add3A_2005, %get3A_2052 : vector<16xf32>
      %get3A_2054 = arith.constant 65 : i32
      %get3A_2055 = arith.index_cast %get3A_2054 : i32 to index
      %get3A_2056 = arith.constant 0 : index
      %get3A_2057 = tpu.vector_load %arg8[%get3A_2055, %get3A_2056] {strides = array<i32>} : memref<104x32xf32, #tpu.memory_space<vmem>>, vector<1x16xf32>,
      %get3A_2058 = vector.shape_cast %get3A_2057 : vector<1x16xf32> to vector<16xf32>
      %add3A_2059 = arith.addf %add3A_2011, %get3A_2058 : vector<16xf32>
      %get3A_2060 = arith.constant 65 : i32
      %get3A_2061 = arith.index_cast %get3A_2060 : i32 to index
      %get3A_2062 = arith.constant 16 : index
      %get3A_2063 = tpu.vector_load %arg8[%get3A_2061, %get3A_2062] {strides = array<i32>} : memref<104x32xf32, #tpu.memory_space<vmem>>, vector<1x16xf32>,
      %get3A_2064 = vector.shape_cast %get3A_2063 : vector<1x16xf32> to vector<16xf32>
      %add3A_2065 = arith.addf %add3A_2017, %get3A_2064 : vector<16xf32>
      %get3A_2066 = arith.constant 66 : i32
      %get3A_2067 = arith.index_cast %get3A_2066 : i32 to index
      %get3A_2068 = arith.constant 0 : index
      %get3A_2069 = tpu.vector_load %arg8[%get3A_2067, %get3A_2068] {strides = array<i32>} : memref<104x32xf32, #tpu.memory_space<vmem>>, vector<1x16xf32>,
      %get3A_2070 = vector.shape_cast %get3A_2069 : vector<1x16xf32> to vector<16xf32>
      %add3A_2071 = arith.addf %add3A_2023, %get3A_2070 : vector<16xf32>
      %get3A_2072 = arith.constant 66 : i32
      %get3A_2073 = arith.index_cast %get3A_2072 : i32 to index
      %get3A_2074 = arith.constant 16 : index
      %get3A_2075 = tpu.vector_load %arg8[%get3A_2073, %get3A_2074] {strides = array<i32>} : memref<104x32xf32, #tpu.memory_space<vmem>>, vector<1x16xf32>,
      %get3A_2076 = vector.shape_cast %get3A_2075 : vector<1x16xf32> to vector<16xf32>
      %add3A_2077 = arith.addf %add3A_2029, %get3A_2076 : vector<16xf32>
      %get3A_2078 = arith.constant 67 : i32
      %get3A_2079 = arith.index_cast %get3A_2078 : i32 to index
      %get3A_2080 = arith.constant 0 : index
      %get3A_2081 = tpu.vector_load %arg8[%get3A_2079, %get3A_2080] {strides = array<i32>} : memref<104x32xf32, #tpu.memory_space<vmem>>, vector<1x16xf32>,
      %get3A_2082 = vector.shape_cast %get3A_2081 : vector<1x16xf32> to vector<16xf32>
      %add3A_2083 = arith.addf %add3A_2035, %get3A_2082 : vector<16xf32>
      %get3A_2084 = arith.constant 67 : i32
      %get3A_2085 = arith.index_cast %get3A_2084 : i32 to index
      %get3A_2086 = arith.constant 16 : index
      %get3A_2087 = tpu.vector_load %arg8[%get3A_2085, %get3A_2086] {strides = array<i32>} : memref<104x32xf32, #tpu.memory_space<vmem>>, vector<1x16xf32>,
      %get3A_2088 = vector.shape_cast %get3A_2087 : vector<1x16xf32> to vector<16xf32>
      %add3A_2089 = arith.addf %add3A_2041, %get3A_2088 : vector<16xf32>
      %get3A_2090 = arith.constant 68 : i32
      %get3A_2091 = arith.index_cast %get3A_2090 : i32 to index
      %get3A_2092 = arith.constant 0 : index
      %get3A_2093 = tpu.vector_load %arg8[%get3A_2091, %get3A_2092] {strides = array<i32>} : memref<104x32xf32, #tpu.memory_space<vmem>>, vector<1x16xf32>,
      %get3A_2094 = vector.shape_cast %get3A_2093 : vector<1x16xf32> to vector<16xf32>
      %add3A_2095 = arith.addf %add3A_2047, %get3A_2094 : vector<16xf32>
      %get3A_2096 = arith.constant 68 : i32
      %get3A_2097 = arith.index_cast %get3A_2096 : i32 to index
      %get3A_2098 = arith.constant 16 : index
      %get3A_2099 = tpu.vector_load %arg8[%get3A_2097, %get3A_2098] {strides = array<i32>} : memref<104x32xf32, #tpu.memory_space<vmem>>, vector<1x16xf32>,
      %get3A_2100 = vector.shape_cast %get3A_2099 : vector<1x16xf32> to vector<16xf32>
      %add3A_2101 = arith.addf %add3A_2053, %get3A_2100 : vector<16xf32>
      %get3A_2102 = arith.constant 69 : i32
      %get3A_2103 = arith.index_cast %get3A_2102 : i32 to index
      %get3A_2104 = arith.constant 0 : index
      %get3A_2105 = tpu.vector_load %arg8[%get3A_2103, %get3A_2104] {strides = array<i32>} : memref<104x32xf32, #tpu.memory_space<vmem>>, vector<1x16xf32>,
      %get3A_2106 = vector.shape_cast %get3A_2105 : vector<1x16xf32> to vector<16xf32>
      %add3A_2107 = arith.addf %add3A_2059, %get3A_2106 : vector<16xf32>
      %get3A_2108 = arith.constant 69 : i32
      %get3A_2109 = arith.index_cast %get3A_2108 : i32 to index
      %get3A_2110 = arith.constant 16 : index
      %get3A_2111 = tpu.vector_load %arg8[%get3A_2109, %get3A_2110] {strides = array<i32>} : memref<104x32xf32, #tpu.memory_space<vmem>>, vector<1x16xf32>,
      %get3A_2112 = vector.shape_cast %get3A_2111 : vector<1x16xf32> to vector<16xf32>
      %add3A_2113 = arith.addf %add3A_2065, %get3A_2112 : vector<16xf32>
      %get3A_2114 = arith.constant 70 : i32
      %get3A_2115 = arith.index_cast %get3A_2114 : i32 to index
      %get3A_2116 = arith.constant 0 : index
      %get3A_2117 = tpu.vector_load %arg8[%get3A_2115, %get3A_2116] {strides = array<i32>} : memref<104x32xf32, #tpu.memory_space<vmem>>, vector<1x16xf32>,
      %get3A_2118 = vector.shape_cast %get3A_2117 : vector<1x16xf32> to vector<16xf32>
      %add3A_2119 = arith.addf %add3A_2071, %get3A_2118 : vector<16xf32>
      %get3A_2120 = arith.constant 70 : i32
      %get3A_2121 = arith.index_cast %get3A_2120 : i32 to index
      %get3A_2122 = arith.constant 16 : index
      %get3A_2123 = tpu.vector_load %arg8[%get3A_2121, %get3A_2122] {strides = array<i32>} : memref<104x32xf32, #tpu.memory_space<vmem>>, vector<1x16xf32>,
      %get3A_2124 = vector.shape_cast %get3A_2123 : vector<1x16xf32> to vector<16xf32>
      %add3A_2125 = arith.addf %add3A_2077, %get3A_2124 : vector<16xf32>
      %get3A_2126 = arith.constant 71 : i32
      %get3A_2127 = arith.index_cast %get3A_2126 : i32 to index
      %get3A_2128 = arith.constant 0 : index
      %get3A_2129 = tpu.vector_load %arg8[%get3A_2127, %get3A_2128] {strides = array<i32>} : memref<104x32xf32, #tpu.memory_space<vmem>>, vector<1x16xf32>,
      %get3A_2130 = vector.shape_cast %get3A_2129 : vector<1x16xf32> to vector<16xf32>
      %add3A_2131 = arith.addf %add3A_2083, %get3A_2130 : vector<16xf32>
      %get3A_2132 = arith.constant 71 : i32
      %get3A_2133 = arith.index_cast %get3A_2132 : i32 to index
      %get3A_2134 = arith.constant 16 : index
      %get3A_2135 = tpu.vector_load %arg8[%get3A_2133, %get3A_2134] {strides = array<i32>} : memref<104x32xf32, #tpu.memory_space<vmem>>, vector<1x16xf32>,
      %get3A_2136 = vector.shape_cast %get3A_2135 : vector<1x16xf32> to vector<16xf32>
      %add3A_2137 = arith.addf %add3A_2089, %get3A_2136 : vector<16xf32>
      %get3A_2138 = arith.constant 72 : i32
      %get3A_2139 = arith.index_cast %get3A_2138 : i32 to index
      %get3A_2140 = arith.constant 0 : index
      %get3A_2141 = tpu.vector_load %arg8[%get3A_2139, %get3A_2140] {strides = array<i32>} : memref<104x32xf32, #tpu.memory_space<vmem>>, vector<1x16xf32>,
      %get3A_2142 = vector.shape_cast %get3A_2141 : vector<1x16xf32> to vector<16xf32>
      %add3A_2143 = arith.addf %add3A_2095, %get3A_2142 : vector<16xf32>
      %get3A_2144 = arith.constant 72 : i32
      %get3A_2145 = arith.index_cast %get3A_2144 : i32 to index
      %get3A_2146 = arith.constant 16 : index
      %get3A_2147 = tpu.vector_load %arg8[%get3A_2145, %get3A_2146] {strides = array<i32>} : memref<104x32xf32, #tpu.memory_space<vmem>>, vector<1x16xf32>,
      %get3A_2148 = vector.shape_cast %get3A_2147 : vector<1x16xf32> to vector<16xf32>
      %add3A_2149 = arith.addf %add3A_2101, %get3A_2148 : vector<16xf32>
      %get3A_2150 = arith.constant 73 : i32
      %get3A_2151 = arith.index_cast %get3A_2150 : i32 to index
      %get3A_2152 = arith.constant 0 : index
      %get3A_2153 = tpu.vector_load %arg8[%get3A_2151, %get3A_2152] {strides = array<i32>} : memref<104x32xf32, #tpu.memory_space<vmem>>, vector<1x16xf32>,
      %get3A_2154 = vector.shape_cast %get3A_2153 : vector<1x16xf32> to vector<16xf32>
      %add3A_2155 = arith.addf %add3A_2107, %get3A_2154 : vector<16xf32>
      %get3A_2156 = arith.constant 73 : i32
      %get3A_2157 = arith.index_cast %get3A_2156 : i32 to index
      %get3A_2158 = arith.constant 16 : index
      %get3A_2159 = tpu.vector_load %arg8[%get3A_2157, %get3A_2158] {strides = array<i32>} : memref<104x32xf32, #tpu.memory_space<vmem>>, vector<1x16xf32>,
      %get3A_2160 = vector.shape_cast %get3A_2159 : vector<1x16xf32> to vector<16xf32>
      %add3A_2161 = arith.addf %add3A_2113, %get3A_2160 : vector<16xf32>
      %get3A_2162 = arith.constant 74 : i32
      %get3A_2163 = arith.index_cast %get3A_2162 : i32 to index
      %get3A_2164 = arith.constant 0 : index
      %get3A_2165 = tpu.vector_load %arg8[%get3A_2163, %get3A_2164] {strides = array<i32>} : memref<104x32xf32, #tpu.memory_space<vmem>>, vector<1x16xf32>,
      %get3A_2166 = vector.shape_cast %get3A_2165 : vector<1x16xf32> to vector<16xf32>
      %add3A_2167 = arith.addf %add3A_2119, %get3A_2166 : vector<16xf32>
      %get3A_2168 = arith.constant 74 : i32
      %get3A_2169 = arith.index_cast %get3A_2168 : i32 to index
      %get3A_2170 = arith.constant 16 : index
      %get3A_2171 = tpu.vector_load %arg8[%get3A_2169, %get3A_2170] {strides = array<i32>} : memref<104x32xf32, #tpu.memory_space<vmem>>, vector<1x16xf32>,
      %get3A_2172 = vector.shape_cast %get3A_2171 : vector<1x16xf32> to vector<16xf32>
      %add3A_2173 = arith.addf %add3A_2125, %get3A_2172 : vector<16xf32>
      %get3A_2174 = arith.constant 75 : i32
      %get3A_2175 = arith.index_cast %get3A_2174 : i32 to index
      %get3A_2176 = arith.constant 0 : index
      %get3A_2177 = tpu.vector_load %arg8[%get3A_2175, %get3A_2176] {strides = array<i32>} : memref<104x32xf32, #tpu.memory_space<vmem>>, vector<1x16xf32>,
      %get3A_2178 = vector.shape_cast %get3A_2177 : vector<1x16xf32> to vector<16xf32>
      %add3A_2179 = arith.addf %add3A_2131, %get3A_2178 : vector<16xf32>
      %get3A_2180 = arith.constant 75 : i32
      %get3A_2181 = arith.index_cast %get3A_2180 : i32 to index
      %get3A_2182 = arith.constant 16 : index
      %get3A_2183 = tpu.vector_load %arg8[%get3A_2181, %get3A_2182] {strides = array<i32>} : memref<104x32xf32, #tpu.memory_space<vmem>>, vector<1x16xf32>,
      %get3A_2184 = vector.shape_cast %get3A_2183 : vector<1x16xf32> to vector<16xf32>
      %add3A_2185 = arith.addf %add3A_2137, %get3A_2184 : vector<16xf32>
      %get3A_2186 = arith.constant 76 : i32
      %get3A_2187 = arith.index_cast %get3A_2186 : i32 to index
      %get3A_2188 = arith.constant 0 : index
      %get3A_2189 = tpu.vector_load %arg8[%get3A_2187, %get3A_2188] {strides = array<i32>} : memref<104x32xf32, #tpu.memory_space<vmem>>, vector<1x16xf32>,
      %get3A_2190 = vector.shape_cast %get3A_2189 : vector<1x16xf32> to vector<16xf32>
      %add3A_2191 = arith.addf %add3A_2143, %get3A_2190 : vector<16xf32>
      %get3A_2192 = arith.constant 76 : i32
      %get3A_2193 = arith.index_cast %get3A_2192 : i32 to index
      %get3A_2194 = arith.constant 16 : index
      %get3A_2195 = tpu.vector_load %arg8[%get3A_2193, %get3A_2194] {strides = array<i32>} : memref<104x32xf32, #tpu.memory_space<vmem>>, vector<1x16xf32>,
      %get3A_2196 = vector.shape_cast %get3A_2195 : vector<1x16xf32> to vector<16xf32>
      %add3A_2197 = arith.addf %add3A_2149, %get3A_2196 : vector<16xf32>
      %get3A_2198 = arith.constant 77 : i32
      %get3A_2199 = arith.index_cast %get3A_2198 : i32 to index
      %get3A_2200 = arith.constant 0 : index
      %get3A_2201 = tpu.vector_load %arg8[%get3A_2199, %get3A_2200] {strides = array<i32>} : memref<104x32xf32, #tpu.memory_space<vmem>>, vector<1x16xf32>,
      %get3A_2202 = vector.shape_cast %get3A_2201 : vector<1x16xf32> to vector<16xf32>
      %add3A_2203 = arith.addf %add3A_2155, %get3A_2202 : vector<16xf32>
      %get3A_2204 = arith.constant 77 : i32
      %get3A_2205 = arith.index_cast %get3A_2204 : i32 to index
      %get3A_2206 = arith.constant 16 : index
      %get3A_2207 = tpu.vector_load %arg8[%get3A_2205, %get3A_2206] {strides = array<i32>} : memref<104x32xf32, #tpu.memory_space<vmem>>, vector<1x16xf32>,
      %get3A_2208 = vector.shape_cast %get3A_2207 : vector<1x16xf32> to vector<16xf32>
      %add3A_2209 = arith.addf %add3A_2161, %get3A_2208 : vector<16xf32>
      %get3A_2210 = arith.constant 78 : i32
      %get3A_2211 = arith.index_cast %get3A_2210 : i32 to index
      %get3A_2212 = arith.constant 0 : index
      %get3A_2213 = tpu.vector_load %arg8[%get3A_2211, %get3A_2212] {strides = array<i32>} : memref<104x32xf32, #tpu.memory_space<vmem>>, vector<1x16xf32>,
      %get3A_2214 = vector.shape_cast %get3A_2213 : vector<1x16xf32> to vector<16xf32>
      %add3A_2215 = arith.addf %add3A_2167, %get3A_2214 : vector<16xf32>
      %get3A_2216 = arith.constant 78 : i32
      %get3A_2217 = arith.index_cast %get3A_2216 : i32 to index
      %get3A_2218 = arith.constant 16 : index
      %get3A_2219 = tpu.vector_load %arg8[%get3A_2217, %get3A_2218] {strides = array<i32>} : memref<104x32xf32, #tpu.memory_space<vmem>>, vector<1x16xf32>,
      %get3A_2220 = vector.shape_cast %get3A_2219 : vector<1x16xf32> to vector<16xf32>
      %add3A_2221 = arith.addf %add3A_2173, %get3A_2220 : vector<16xf32>
      %get3A_2222 = arith.constant 79 : i32
      %get3A_2223 = arith.index_cast %get3A_2222 : i32 to index
      %get3A_2224 = arith.constant 0 : index
      %get3A_2225 = tpu.vector_load %arg8[%get3A_2223, %get3A_2224] {strides = array<i32>} : memref<104x32xf32, #tpu.memory_space<vmem>>, vector<1x16xf32>,
      %get3A_2226 = vector.shape_cast %get3A_2225 : vector<1x16xf32> to vector<16xf32>
      %add3A_2227 = arith.addf %add3A_2179, %get3A_2226 : vector<16xf32>
      %get3A_2228 = arith.constant 79 : i32
      %get3A_2229 = arith.index_cast %get3A_2228 : i32 to index
      %get3A_2230 = arith.constant 16 : index
      %get3A_2231 = tpu.vector_load %arg8[%get3A_2229, %get3A_2230] {strides = array<i32>} : memref<104x32xf32, #tpu.memory_space<vmem>>, vector<1x16xf32>,
      %get3A_2232 = vector.shape_cast %get3A_2231 : vector<1x16xf32> to vector<16xf32>
      %add3A_2233 = arith.addf %add3A_2185, %get3A_2232 : vector<16xf32>
      %get3A_2234 = arith.constant 80 : i32
      %get3A_2235 = arith.index_cast %get3A_2234 : i32 to index
      %get3A_2236 = arith.constant 0 : index
      %get3A_2237 = tpu.vector_load %arg8[%get3A_2235, %get3A_2236] {strides = array<i32>} : memref<104x32xf32, #tpu.memory_space<vmem>>, vector<1x16xf32>,
      %get3A_2238 = vector.shape_cast %get3A_2237 : vector<1x16xf32> to vector<16xf32>
      %add3A_2239 = arith.addf %add3A_2191, %get3A_2238 : vector<16xf32>
      %get3A_2240 = arith.constant 80 : i32
      %get3A_2241 = arith.index_cast %get3A_2240 : i32 to index
      %get3A_2242 = arith.constant 16 : index
      %get3A_2243 = tpu.vector_load %arg8[%get3A_2241, %get3A_2242] {strides = array<i32>} : memref<104x32xf32, #tpu.memory_space<vmem>>, vector<1x16xf32>,
      %get3A_2244 = vector.shape_cast %get3A_2243 : vector<1x16xf32> to vector<16xf32>
      %add3A_2245 = arith.addf %add3A_2197, %get3A_2244 : vector<16xf32>
      %get3A_2246 = arith.constant 81 : i32
      %get3A_2247 = arith.index_cast %get3A_2246 : i32 to index
      %get3A_2248 = arith.constant 0 : index
      %get3A_2249 = tpu.vector_load %arg8[%get3A_2247, %get3A_2248] {strides = array<i32>} : memref<104x32xf32, #tpu.memory_space<vmem>>, vector<1x16xf32>,
      %get3A_2250 = vector.shape_cast %get3A_2249 : vector<1x16xf32> to vector<16xf32>
      %add3A_2251 = arith.addf %add3A_2203, %get3A_2250 : vector<16xf32>
      %get3A_2252 = arith.constant 81 : i32
      %get3A_2253 = arith.index_cast %get3A_2252 : i32 to index
      %get3A_2254 = arith.constant 16 : index
      %get3A_2255 = tpu.vector_load %arg8[%get3A_2253, %get3A_2254] {strides = array<i32>} : memref<104x32xf32, #tpu.memory_space<vmem>>, vector<1x16xf32>,
      %get3A_2256 = vector.shape_cast %get3A_2255 : vector<1x16xf32> to vector<16xf32>
      %add3A_2257 = arith.addf %add3A_2209, %get3A_2256 : vector<16xf32>
      %get3A_2258 = arith.constant 82 : i32
      %get3A_2259 = arith.index_cast %get3A_2258 : i32 to index
      %get3A_2260 = arith.constant 0 : index
      %get3A_2261 = tpu.vector_load %arg8[%get3A_2259, %get3A_2260] {strides = array<i32>} : memref<104x32xf32, #tpu.memory_space<vmem>>, vector<1x16xf32>,
      %get3A_2262 = vector.shape_cast %get3A_2261 : vector<1x16xf32> to vector<16xf32>
      %add3A_2263 = arith.addf %add3A_2215, %get3A_2262 : vector<16xf32>
      %get3A_2264 = arith.constant 82 : i32
      %get3A_2265 = arith.index_cast %get3A_2264 : i32 to index
      %get3A_2266 = arith.constant 16 : index
      %get3A_2267 = tpu.vector_load %arg8[%get3A_2265, %get3A_2266] {strides = array<i32>} : memref<104x32xf32, #tpu.memory_space<vmem>>, vector<1x16xf32>,
      %get3A_2268 = vector.shape_cast %get3A_2267 : vector<1x16xf32> to vector<16xf32>
      %add3A_2269 = arith.addf %add3A_2221, %get3A_2268 : vector<16xf32>
      %get3A_2270 = arith.constant 83 : i32
      %get3A_2271 = arith.index_cast %get3A_2270 : i32 to index
      %get3A_2272 = arith.constant 0 : index
      %get3A_2273 = tpu.vector_load %arg8[%get3A_2271, %get3A_2272] {strides = array<i32>} : memref<104x32xf32, #tpu.memory_space<vmem>>, vector<1x16xf32>,
      %get3A_2274 = vector.shape_cast %get3A_2273 : vector<1x16xf32> to vector<16xf32>
      %add3A_2275 = arith.addf %add3A_2227, %get3A_2274 : vector<16xf32>
      %get3A_2276 = arith.constant 83 : i32
      %get3A_2277 = arith.index_cast %get3A_2276 : i32 to index
      %get3A_2278 = arith.constant 16 : index
      %get3A_2279 = tpu.vector_load %arg8[%get3A_2277, %get3A_2278] {strides = array<i32>} : memref<104x32xf32, #tpu.memory_space<vmem>>, vector<1x16xf32>,
      %get3A_2280 = vector.shape_cast %get3A_2279 : vector<1x16xf32> to vector<16xf32>
      %add3A_2281 = arith.addf %add3A_2233, %get3A_2280 : vector<16xf32>
      %get3A_2282 = arith.constant 84 : i32
      %get3A_2283 = arith.index_cast %get3A_2282 : i32 to index
      %get3A_2284 = arith.constant 0 : index
      %get3A_2285 = tpu.vector_load %arg8[%get3A_2283, %get3A_2284] {strides = array<i32>} : memref<104x32xf32, #tpu.memory_space<vmem>>, vector<1x16xf32>,
      %get3A_2286 = vector.shape_cast %get3A_2285 : vector<1x16xf32> to vector<16xf32>
      %add3A_2287 = arith.addf %add3A_2239, %get3A_2286 : vector<16xf32>
      %get3A_2288 = arith.constant 84 : i32
      %get3A_2289 = arith.index_cast %get3A_2288 : i32 to index
      %get3A_2290 = arith.constant 16 : index
      %get3A_2291 = tpu.vector_load %arg8[%get3A_2289, %get3A_2290] {strides = array<i32>} : memref<104x32xf32, #tpu.memory_space<vmem>>, vector<1x16xf32>,
      %get3A_2292 = vector.shape_cast %get3A_2291 : vector<1x16xf32> to vector<16xf32>
      %add3A_2293 = arith.addf %add3A_2245, %get3A_2292 : vector<16xf32>
      %get3A_2294 = arith.constant 85 : i32
      %get3A_2295 = arith.index_cast %get3A_2294 : i32 to index
      %get3A_2296 = arith.constant 0 : index
      %get3A_2297 = tpu.vector_load %arg8[%get3A_2295, %get3A_2296] {strides = array<i32>} : memref<104x32xf32, #tpu.memory_space<vmem>>, vector<1x16xf32>,
      %get3A_2298 = vector.shape_cast %get3A_2297 : vector<1x16xf32> to vector<16xf32>
      %add3A_2299 = arith.addf %add3A_2251, %get3A_2298 : vector<16xf32>
      %get3A_2300 = arith.constant 85 : i32
      %get3A_2301 = arith.index_cast %get3A_2300 : i32 to index
      %get3A_2302 = arith.constant 16 : index
      %get3A_2303 = tpu.vector_load %arg8[%get3A_2301, %get3A_2302] {strides = array<i32>} : memref<104x32xf32, #tpu.memory_space<vmem>>, vector<1x16xf32>,
      %get3A_2304 = vector.shape_cast %get3A_2303 : vector<1x16xf32> to vector<16xf32>
      %add3A_2305 = arith.addf %add3A_2257, %get3A_2304 : vector<16xf32>
      %get3A_2306 = arith.constant 86 : i32
      %get3A_2307 = arith.index_cast %get3A_2306 : i32 to index
      %get3A_2308 = arith.constant 0 : index
      %get3A_2309 = tpu.vector_load %arg8[%get3A_2307, %get3A_2308] {strides = array<i32>} : memref<104x32xf32, #tpu.memory_space<vmem>>, vector<1x16xf32>,
      %get3A_2310 = vector.shape_cast %get3A_2309 : vector<1x16xf32> to vector<16xf32>
      %add3A_2311 = arith.addf %add3A_2263, %get3A_2310 : vector<16xf32>
      %get3A_2312 = arith.constant 86 : i32
      %get3A_2313 = arith.index_cast %get3A_2312 : i32 to index
      %get3A_2314 = arith.constant 16 : index
      %get3A_2315 = tpu.vector_load %arg8[%get3A_2313, %get3A_2314] {strides = array<i32>} : memref<104x32xf32, #tpu.memory_space<vmem>>, vector<1x16xf32>,
      %get3A_2316 = vector.shape_cast %get3A_2315 : vector<1x16xf32> to vector<16xf32>
      %add3A_2317 = arith.addf %add3A_2269, %get3A_2316 : vector<16xf32>
      %get3A_2318 = arith.constant 87 : i32
      %get3A_2319 = arith.index_cast %get3A_2318 : i32 to index
      %get3A_2320 = arith.constant 0 : index
      %get3A_2321 = tpu.vector_load %arg8[%get3A_2319, %get3A_2320] {strides = array<i32>} : memref<104x32xf32, #tpu.memory_space<vmem>>, vector<1x16xf32>,
      %get3A_2322 = vector.shape_cast %get3A_2321 : vector<1x16xf32> to vector<16xf32>
      %add3A_2323 = arith.addf %add3A_2275, %get3A_2322 : vector<16xf32>
      %get3A_2324 = arith.constant 87 : i32
      %get3A_2325 = arith.index_cast %get3A_2324 : i32 to index
      %get3A_2326 = arith.constant 16 : index
      %get3A_2327 = tpu.vector_load %arg8[%get3A_2325, %get3A_2326] {strides = array<i32>} : memref<104x32xf32, #tpu.memory_space<vmem>>, vector<1x16xf32>,
      %get3A_2328 = vector.shape_cast %get3A_2327 : vector<1x16xf32> to vector<16xf32>
      %add3A_2329 = arith.addf %add3A_2281, %get3A_2328 : vector<16xf32>
      %get3A_2330 = arith.constant 88 : i32
      %get3A_2331 = arith.index_cast %get3A_2330 : i32 to index
      %get3A_2332 = arith.constant 0 : index
      %get3A_2333 = tpu.vector_load %arg8[%get3A_2331, %get3A_2332] {strides = array<i32>} : memref<104x32xf32, #tpu.memory_space<vmem>>, vector<1x16xf32>,
      %get3A_2334 = vector.shape_cast %get3A_2333 : vector<1x16xf32> to vector<16xf32>
      %add3A_2335 = arith.addf %add3A_2287, %get3A_2334 : vector<16xf32>
      %get3A_2336 = arith.constant 88 : i32
      %get3A_2337 = arith.index_cast %get3A_2336 : i32 to index
      %get3A_2338 = arith.constant 16 : index
      %get3A_2339 = tpu.vector_load %arg8[%get3A_2337, %get3A_2338] {strides = array<i32>} : memref<104x32xf32, #tpu.memory_space<vmem>>, vector<1x16xf32>,
      %get3A_2340 = vector.shape_cast %get3A_2339 : vector<1x16xf32> to vector<16xf32>
      %add3A_2341 = arith.addf %add3A_2293, %get3A_2340 : vector<16xf32>
      %get3A_2342 = arith.constant 89 : i32
      %get3A_2343 = arith.index_cast %get3A_2342 : i32 to index
      %get3A_2344 = arith.constant 0 : index
      %get3A_2345 = tpu.vector_load %arg8[%get3A_2343, %get3A_2344] {strides = array<i32>} : memref<104x32xf32, #tpu.memory_space<vmem>>, vector<1x16xf32>,
      %get3A_2346 = vector.shape_cast %get3A_2345 : vector<1x16xf32> to vector<16xf32>
      %add3A_2347 = arith.addf %add3A_2299, %get3A_2346 : vector<16xf32>
      %get3A_2348 = arith.constant 89 : i32
      %get3A_2349 = arith.index_cast %get3A_2348 : i32 to index
      %get3A_2350 = arith.constant 16 : index
      %get3A_2351 = tpu.vector_load %arg8[%get3A_2349, %get3A_2350] {strides = array<i32>} : memref<104x32xf32, #tpu.memory_space<vmem>>, vector<1x16xf32>,
      %get3A_2352 = vector.shape_cast %get3A_2351 : vector<1x16xf32> to vector<16xf32>
      %add3A_2353 = arith.addf %add3A_2305, %get3A_2352 : vector<16xf32>
      %get3A_2354 = arith.constant 90 : i32
      %get3A_2355 = arith.index_cast %get3A_2354 : i32 to index
      %get3A_2356 = arith.constant 0 : index
      %get3A_2357 = tpu.vector_load %arg8[%get3A_2355, %get3A_2356] {strides = array<i32>} : memref<104x32xf32, #tpu.memory_space<vmem>>, vector<1x16xf32>,
      %get3A_2358 = vector.shape_cast %get3A_2357 : vector<1x16xf32> to vector<16xf32>
      %add3A_2359 = arith.addf %add3A_2311, %get3A_2358 : vector<16xf32>
      %get3A_2360 = arith.constant 90 : i32
      %get3A_2361 = arith.index_cast %get3A_2360 : i32 to index
      %get3A_2362 = arith.constant 16 : index
      %get3A_2363 = tpu.vector_load %arg8[%get3A_2361, %get3A_2362] {strides = array<i32>} : memref<104x32xf32, #tpu.memory_space<vmem>>, vector<1x16xf32>,
      %get3A_2364 = vector.shape_cast %get3A_2363 : vector<1x16xf32> to vector<16xf32>
      %add3A_2365 = arith.addf %add3A_2317, %get3A_2364 : vector<16xf32>
      %get3A_2366 = arith.constant 91 : i32
      %get3A_2367 = arith.index_cast %get3A_2366 : i32 to index
      %get3A_2368 = arith.constant 0 : index
      %get3A_2369 = tpu.vector_load %arg8[%get3A_2367, %get3A_2368] {strides = array<i32>} : memref<104x32xf32, #tpu.memory_space<vmem>>, vector<1x16xf32>,
      %get3A_2370 = vector.shape_cast %get3A_2369 : vector<1x16xf32> to vector<16xf32>
      %add3A_2371 = arith.addf %add3A_2323, %get3A_2370 : vector<16xf32>
      %get3A_2372 = arith.constant 91 : i32
      %get3A_2373 = arith.index_cast %get3A_2372 : i32 to index
      %get3A_2374 = arith.constant 16 : index
      %get3A_2375 = tpu.vector_load %arg8[%get3A_2373, %get3A_2374] {strides = array<i32>} : memref<104x32xf32, #tpu.memory_space<vmem>>, vector<1x16xf32>,
      %get3A_2376 = vector.shape_cast %get3A_2375 : vector<1x16xf32> to vector<16xf32>
      %add3A_2377 = arith.addf %add3A_2329, %get3A_2376 : vector<16xf32>
      %get3A_2378 = arith.constant 92 : i32
      %get3A_2379 = arith.index_cast %get3A_2378 : i32 to index
      %get3A_2380 = arith.constant 0 : index
      %get3A_2381 = tpu.vector_load %arg8[%get3A_2379, %get3A_2380] {strides = array<i32>} : memref<104x32xf32, #tpu.memory_space<vmem>>, vector<1x16xf32>,
      %get3A_2382 = vector.shape_cast %get3A_2381 : vector<1x16xf32> to vector<16xf32>
      %add3A_2383 = arith.addf %add3A_2335, %get3A_2382 : vector<16xf32>
      %get3A_2384 = arith.constant 92 : i32
      %get3A_2385 = arith.index_cast %get3A_2384 : i32 to index
      %get3A_2386 = arith.constant 16 : index
      %get3A_2387 = tpu.vector_load %arg8[%get3A_2385, %get3A_2386] {strides = array<i32>} : memref<104x32xf32, #tpu.memory_space<vmem>>, vector<1x16xf32>,
      %get3A_2388 = vector.shape_cast %get3A_2387 : vector<1x16xf32> to vector<16xf32>
      %add3A_2389 = arith.addf %add3A_2341, %get3A_2388 : vector<16xf32>
      %get3A_2390 = arith.constant 93 : i32
      %get3A_2391 = arith.index_cast %get3A_2390 : i32 to index
      %get3A_2392 = arith.constant 0 : index
      %get3A_2393 = tpu.vector_load %arg8[%get3A_2391, %get3A_2392] {strides = array<i32>} : memref<104x32xf32, #tpu.memory_space<vmem>>, vector<1x16xf32>,
      %get3A_2394 = vector.shape_cast %get3A_2393 : vector<1x16xf32> to vector<16xf32>
      %add3A_2395 = arith.addf %add3A_2347, %get3A_2394 : vector<16xf32>
      %get3A_2396 = arith.constant 93 : i32
      %get3A_2397 = arith.index_cast %get3A_2396 : i32 to index
      %get3A_2398 = arith.constant 16 : index
      %get3A_2399 = tpu.vector_load %arg8[%get3A_2397, %get3A_2398] {strides = array<i32>} : memref<104x32xf32, #tpu.memory_space<vmem>>, vector<1x16xf32>,
      %get3A_2400 = vector.shape_cast %get3A_2399 : vector<1x16xf32> to vector<16xf32>
      %add3A_2401 = arith.addf %add3A_2353, %get3A_2400 : vector<16xf32>
      %get3A_2402 = arith.constant 94 : i32
      %get3A_2403 = arith.index_cast %get3A_2402 : i32 to index
      %get3A_2404 = arith.constant 0 : index
      %get3A_2405 = tpu.vector_load %arg8[%get3A_2403, %get3A_2404] {strides = array<i32>} : memref<104x32xf32, #tpu.memory_space<vmem>>, vector<1x16xf32>,
      %get3A_2406 = vector.shape_cast %get3A_2405 : vector<1x16xf32> to vector<16xf32>
      %add3A_2407 = arith.addf %add3A_2359, %get3A_2406 : vector<16xf32>
      %get3A_2408 = arith.constant 94 : i32
      %get3A_2409 = arith.index_cast %get3A_2408 : i32 to index
      %get3A_2410 = arith.constant 16 : index
      %get3A_2411 = tpu.vector_load %arg8[%get3A_2409, %get3A_2410] {strides = array<i32>} : memref<104x32xf32, #tpu.memory_space<vmem>>, vector<1x16xf32>,
      %get3A_2412 = vector.shape_cast %get3A_2411 : vector<1x16xf32> to vector<16xf32>
      %add3A_2413 = arith.addf %add3A_2365, %get3A_2412 : vector<16xf32>
      %get3A_2414 = arith.constant 95 : i32
      %get3A_2415 = arith.index_cast %get3A_2414 : i32 to index
      %get3A_2416 = arith.constant 0 : index
      %get3A_2417 = tpu.vector_load %arg8[%get3A_2415, %get3A_2416] {strides = array<i32>} : memref<104x32xf32, #tpu.memory_space<vmem>>, vector<1x16xf32>,
      %get3A_2418 = vector.shape_cast %get3A_2417 : vector<1x16xf32> to vector<16xf32>
      %add3A_2419 = arith.addf %add3A_2371, %get3A_2418 : vector<16xf32>
      %get3A_2420 = arith.constant 95 : i32
      %get3A_2421 = arith.index_cast %get3A_2420 : i32 to index
      %get3A_2422 = arith.constant 16 : index
      %get3A_2423 = tpu.vector_load %arg8[%get3A_2421, %get3A_2422] {strides = array<i32>} : memref<104x32xf32, #tpu.memory_space<vmem>>, vector<1x16xf32>,
      %get3A_2424 = vector.shape_cast %get3A_2423 : vector<1x16xf32> to vector<16xf32>
      %add3A_2425 = arith.addf %add3A_2377, %get3A_2424 : vector<16xf32>
      %get3A_2426 = arith.constant 96 : i32
      %get3A_2427 = arith.index_cast %get3A_2426 : i32 to index
      %get3A_2428 = arith.constant 0 : index
      %get3A_2429 = tpu.vector_load %arg8[%get3A_2427, %get3A_2428] {strides = array<i32>} : memref<104x32xf32, #tpu.memory_space<vmem>>, vector<1x16xf32>,
      %get3A_2430 = vector.shape_cast %get3A_2429 : vector<1x16xf32> to vector<16xf32>
      %add3A_2431 = arith.addf %add3A_2383, %get3A_2430 : vector<16xf32>
      %get3A_2432 = arith.constant 96 : i32
      %get3A_2433 = arith.index_cast %get3A_2432 : i32 to index
      %get3A_2434 = arith.constant 16 : index
      %get3A_2435 = tpu.vector_load %arg8[%get3A_2433, %get3A_2434] {strides = array<i32>} : memref<104x32xf32, #tpu.memory_space<vmem>>, vector<1x16xf32>,
      %get3A_2436 = vector.shape_cast %get3A_2435 : vector<1x16xf32> to vector<16xf32>
      %add3A_2437 = arith.addf %add3A_2389, %get3A_2436 : vector<16xf32>
      %get3A_2438 = arith.constant 97 : i32
      %get3A_2439 = arith.index_cast %get3A_2438 : i32 to index
      %get3A_2440 = arith.constant 0 : index
      %get3A_2441 = tpu.vector_load %arg8[%get3A_2439, %get3A_2440] {strides = array<i32>} : memref<104x32xf32, #tpu.memory_space<vmem>>, vector<1x16xf32>,
      %get3A_2442 = vector.shape_cast %get3A_2441 : vector<1x16xf32> to vector<16xf32>
      %add3A_2443 = arith.addf %add3A_2395, %get3A_2442 : vector<16xf32>
      %get3A_2444 = arith.constant 97 : i32
      %get3A_2445 = arith.index_cast %get3A_2444 : i32 to index
      %get3A_2446 = arith.constant 16 : index
      %get3A_2447 = tpu.vector_load %arg8[%get3A_2445, %get3A_2446] {strides = array<i32>} : memref<104x32xf32, #tpu.memory_space<vmem>>, vector<1x16xf32>,
      %get3A_2448 = vector.shape_cast %get3A_2447 : vector<1x16xf32> to vector<16xf32>
      %add3A_2449 = arith.addf %add3A_2401, %get3A_2448 : vector<16xf32>
      %get3A_2450 = arith.constant 98 : i32
      %get3A_2451 = arith.index_cast %get3A_2450 : i32 to index
      %get3A_2452 = arith.constant 0 : index
      %get3A_2453 = tpu.vector_load %arg8[%get3A_2451, %get3A_2452] {strides = array<i32>} : memref<104x32xf32, #tpu.memory_space<vmem>>, vector<1x16xf32>,
      %get3A_2454 = vector.shape_cast %get3A_2453 : vector<1x16xf32> to vector<16xf32>
      %add3A_2455 = arith.addf %add3A_2407, %get3A_2454 : vector<16xf32>
      %get3A_2456 = arith.constant 98 : i32
      %get3A_2457 = arith.index_cast %get3A_2456 : i32 to index
      %get3A_2458 = arith.constant 16 : index
      %get3A_2459 = tpu.vector_load %arg8[%get3A_2457, %get3A_2458] {strides = array<i32>} : memref<104x32xf32, #tpu.memory_space<vmem>>, vector<1x16xf32>,
      %get3A_2460 = vector.shape_cast %get3A_2459 : vector<1x16xf32> to vector<16xf32>
      %add3A_2461 = arith.addf %add3A_2413, %get3A_2460 : vector<16xf32>
      %get3A_2462 = arith.constant 99 : i32
      %get3A_2463 = arith.index_cast %get3A_2462 : i32 to index
      %get3A_2464 = arith.constant 0 : index
      %get3A_2465 = tpu.vector_load %arg8[%get3A_2463, %get3A_2464] {strides = array<i32>} : memref<104x32xf32, #tpu.memory_space<vmem>>, vector<1x16xf32>,
      %get3A_2466 = vector.shape_cast %get3A_2465 : vector<1x16xf32> to vector<16xf32>
      %add3A_2467 = arith.addf %add3A_2419, %get3A_2466 : vector<16xf32>
      %get3A_2468 = arith.constant 99 : i32
      %get3A_2469 = arith.index_cast %get3A_2468 : i32 to index
      %get3A_2470 = arith.constant 16 : index
      %get3A_2471 = tpu.vector_load %arg8[%get3A_2469, %get3A_2470] {strides = array<i32>} : memref<104x32xf32, #tpu.memory_space<vmem>>, vector<1x16xf32>,
      %get3A_2472 = vector.shape_cast %get3A_2471 : vector<1x16xf32> to vector<16xf32>
      %add3A_2473 = arith.addf %add3A_2425, %get3A_2472 : vector<16xf32>
      %get3A_2474 = arith.constant 100 : i32
      %get3A_2475 = arith.index_cast %get3A_2474 : i32 to index
      %get3A_2476 = arith.constant 0 : index
      %get3A_2477 = tpu.vector_load %arg8[%get3A_2475, %get3A_2476] {strides = array<i32>} : memref<104x32xf32, #tpu.memory_space<vmem>>, vector<1x16xf32>,
      %get3A_2478 = vector.shape_cast %get3A_2477 : vector<1x16xf32> to vector<16xf32>
      %add3A_2479 = arith.addf %add3A_2431, %get3A_2478 : vector<16xf32>
      %get3A_2480 = arith.constant 100 : i32
      %get3A_2481 = arith.index_cast %get3A_2480 : i32 to index
      %get3A_2482 = arith.constant 16 : index
      %get3A_2483 = tpu.vector_load %arg8[%get3A_2481, %get3A_2482] {strides = array<i32>} : memref<104x32xf32, #tpu.memory_space<vmem>>, vector<1x16xf32>,
      %get3A_2484 = vector.shape_cast %get3A_2483 : vector<1x16xf32> to vector<16xf32>
      %add3A_2485 = arith.addf %add3A_2437, %get3A_2484 : vector<16xf32>
      %get3A_2486 = arith.constant 101 : i32
      %get3A_2487 = arith.index_cast %get3A_2486 : i32 to index
      %get3A_2488 = arith.constant 0 : index
      %get3A_2489 = tpu.vector_load %arg8[%get3A_2487, %get3A_2488] {strides = array<i32>} : memref<104x32xf32, #tpu.memory_space<vmem>>, vector<1x16xf32>,
      %get3A_2490 = vector.shape_cast %get3A_2489 : vector<1x16xf32> to vector<16xf32>
      %add3A_2491 = arith.addf %add3A_2443, %get3A_2490 : vector<16xf32>
      %get3A_2492 = arith.constant 101 : i32
      %get3A_2493 = arith.index_cast %get3A_2492 : i32 to index
      %get3A_2494 = arith.constant 16 : index
      %get3A_2495 = tpu.vector_load %arg8[%get3A_2493, %get3A_2494] {strides = array<i32>} : memref<104x32xf32, #tpu.memory_space<vmem>>, vector<1x16xf32>,
      %get3A_2496 = vector.shape_cast %get3A_2495 : vector<1x16xf32> to vector<16xf32>
      %add3A_2497 = arith.addf %add3A_2449, %get3A_2496 : vector<16xf32>
      %get3A_2498 = arith.constant 102 : i32
      %get3A_2499 = arith.index_cast %get3A_2498 : i32 to index
      %get3A_2500 = arith.constant 0 : index
      %get3A_2501 = tpu.vector_load %arg8[%get3A_2499, %get3A_2500] {strides = array<i32>} : memref<104x32xf32, #tpu.memory_space<vmem>>, vector<1x16xf32>,
      %get3A_2502 = vector.shape_cast %get3A_2501 : vector<1x16xf32> to vector<16xf32>
      %add3A_2503 = arith.addf %add3A_2455, %get3A_2502 : vector<16xf32>
      %get3A_2504 = arith.constant 102 : i32
      %get3A_2505 = arith.index_cast %get3A_2504 : i32 to index
      %get3A_2506 = arith.constant 16 : index
      %get3A_2507 = tpu.vector_load %arg8[%get3A_2505, %get3A_2506] {strides = array<i32>} : memref<104x32xf32, #tpu.memory_space<vmem>>, vector<1x16xf32>,
      %get3A_2508 = vector.shape_cast %get3A_2507 : vector<1x16xf32> to vector<16xf32>
      %add3A_2509 = arith.addf %add3A_2461, %get3A_2508 : vector<16xf32>
      %get3A_2510 = arith.constant 103 : i32
      %get3A_2511 = arith.index_cast %get3A_2510 : i32 to index
      %get3A_2512 = arith.constant 0 : index
      %get3A_2513 = tpu.vector_load %arg8[%get3A_2511, %get3A_2512] {strides = array<i32>} : memref<104x32xf32, #tpu.memory_space<vmem>>, vector<1x16xf32>,
      %get3A_2514 = vector.shape_cast %get3A_2513 : vector<1x16xf32> to vector<16xf32>
      %add3A_2515 = arith.addf %add3A_2467, %get3A_2514 : vector<16xf32>
      %get3A_2516 = arith.constant 103 : i32
      %get3A_2517 = arith.index_cast %get3A_2516 : i32 to index
      %get3A_2518 = arith.constant 16 : index
      %get3A_2519 = tpu.vector_load %arg8[%get3A_2517, %get3A_2518] {strides = array<i32>} : memref<104x32xf32, #tpu.memory_space<vmem>>, vector<1x16xf32>,
      %get3A_2520 = vector.shape_cast %get3A_2519 : vector<1x16xf32> to vector<16xf32>
      %add3A_2521 = arith.addf %add3A_2473, %get3A_2520 : vector<16xf32>
      %add3A_2522 = arith.addf %add3A_2479, %add3A_2491 : vector<16xf32>
      %add3A_2523 = arith.addf %add3A_2503, %add3A_2515 : vector<16xf32>
      %add3A_2524 = arith.addf %add3A_2522, %add3A_2523 : vector<16xf32>
      %add3A_2525 = arith.addf %add3A_2485, %add3A_2497 : vector<16xf32>
      %add3A_2526 = arith.addf %add3A_2509, %add3A_2521 : vector<16xf32>
      %add3A_2527 = arith.addf %add3A_2525, %add3A_2526 : vector<16xf32>
      %add3A_2528 = arith.addf %add3A_1232, %add3A_2524 : vector<16xf32>
      %swap3A = arith.index_cast %scan3A_22 : i32 to index
      %swap3A_2529 = arith.constant 0 : index
      %swap3A_2530 = tpu.vector_load %arg9[%swap3A, %swap3A_2529] {strides = array<i32>} : memref<128x32xf32, #tpu.memory_space<vmem>>, vector<1x16xf32>,
      %swap3A_2531 = vector.shape_cast %swap3A_2530 : vector<1x16xf32> to vector<16xf32>
      %swap3A_2532 = vector.shape_cast %add3A_2528 : vector<16xf32> to vector<1x16xf32>
      tpu.vector_store %arg9[%swap3A, %swap3A_2529], %swap3A_2532 {strides = array<i32>} : memref<128x32xf32, #tpu.memory_space<vmem>>, vector<1x16xf32>,
      %add3A_2533 = arith.addf %add3A_1235, %add3A_2527 : vector<16xf32>
      %swap3A_2534 = arith.index_cast %scan3A_22 : i32 to index
      %swap3A_2535 = arith.constant 16 : index
      %swap3A_2536 = tpu.vector_load %arg9[%swap3A_2534, %swap3A_2535] {strides = array<i32>} : memref<128x32xf32, #tpu.memory_space<vmem>>, vector<1x16xf32>,
      %swap3A_2537 = vector.shape_cast %swap3A_2536 : vector<1x16xf32> to vector<16xf32>
      %swap3A_2538 = vector.shape_cast %add3A_2533 : vector<16xf32> to vector<1x16xf32>
      tpu.vector_store %arg9[%swap3A_2534, %swap3A_2535], %swap3A_2538 {strides = array<i32>} : memref<128x32xf32, #tpu.memory_space<vmem>>, vector<1x16xf32>,
    }
    %scan3A_19 = arith.constant 128 : i32
    %mul3A_20 = arith.constant 128 : i32
    %mul3A_21 = arith.muli %add3A, %mul3A_20 : i32
    "tpu.region"() ({
      %run_scoped3A = tpu.sem_alloc : memref<!tpu.dma_semaphore, #tpu.memory_space<semaphore_mem>>
      %dma_start3A_22 = arith.constant 0 : i32
      %dma_start3A_23 = tpu.memref_slice %arg4[%mul3A_21, %dma_start3A_22] : memref<4096x32xf32, #tpu.memory_space<hbm>> -> memref<128x32xf32, #tpu.memory_space<hbm>>
      %dma_start3A_24 = arith.constant 0 : i32
      %dma_start3A_25 = tpu.memref_slice %arg4[%mul3A_21, %dma_start3A_24] : memref<4096x32xf32, #tpu.memory_space<hbm>> -> memref<128x32xf32, #tpu.memory_space<hbm>>
      tpu.enqueue_dma source(%arg9 : memref<128x32xf32, #tpu.memory_space<vmem>>) target(%dma_start3A_25 : memref<128x32xf32, #tpu.memory_space<hbm>>) target_semaphore(%run_scoped3A : memref<!tpu.dma_semaphore, #tpu.memory_space<semaphore_mem>>)
      %dma_wait3A = arith.constant 0 : i32
      %dma_wait3A_26 = tpu.memref_slice %arg4[%mul3A_21, %dma_wait3A] : memref<4096x32xf32, #tpu.memory_space<hbm>> -> memref<128x32xf32, #tpu.memory_space<hbm>>
      %dma_wait3A_27 = arith.constant 0 : i32
      %dma_wait3A_28 = tpu.memref_slice %arg4[%mul3A_21, %dma_wait3A_27] : memref<4096x32xf32, #tpu.memory_space<hbm>> -> memref<128x32xf32, #tpu.memory_space<hbm>>
      tpu.wait_dma2 semaphore(%run_scoped3A : memref<!tpu.dma_semaphore, #tpu.memory_space<semaphore_mem>>) src(%arg9 : memref<128x32xf32, #tpu.memory_space<vmem>>) dst(%dma_wait3A_28 : memref<128x32xf32, #tpu.memory_space<hbm>>)
      tpu.yield
    }) : () -> ()
    return
  }
}

module attributes {stable_mosaic.version = 14 : i64} {
  func.func @_tr_body(%arg0: i32, %arg1: memref<32x8192xf32, #tpu.memory_space<vmem>>, %arg2: memref<2048x128xf32, #tpu.memory_space<vmem>>) attributes {dimension_semantics = [#tpu.dimension_semantics<arbitrary>], iteration_bounds = array<i64: 123>, scalar_prefetch = 0 : i64, scratch_operands = 0 : i64, tpu.core_type = #tpu.core_type<tc>, window_params = [{transform_indices = @transform_0, window_bounds = array<i64: 32, 8192>}, {transform_indices = @transform_1, window_bounds = array<i64: 2048, 128>}]} {
    %get3A = arith.constant 0 : index
    %get3A_0 = arith.constant 0 : index
    %get3A_1 = vector.load %arg1[%get3A, %get3A_0] : memref<32x8192xf32, #tpu.memory_space<vmem>>, vector<32x128xf32>
    %get3A_2 = arith.constant 0 : index
    %get3A_3 = arith.constant 128 : index
    %get3A_4 = vector.load %arg1[%get3A_2, %get3A_3] : memref<32x8192xf32, #tpu.memory_space<vmem>>, vector<32x128xf32>
    %get3A_5 = arith.constant 0 : index
    %get3A_6 = arith.constant 256 : index
    %get3A_7 = vector.load %arg1[%get3A_5, %get3A_6] : memref<32x8192xf32, #tpu.memory_space<vmem>>, vector<32x128xf32>
    %get3A_8 = arith.constant 0 : index
    %get3A_9 = arith.constant 384 : index
    %get3A_10 = vector.load %arg1[%get3A_8, %get3A_9] : memref<32x8192xf32, #tpu.memory_space<vmem>>, vector<32x128xf32>
    %concatenate3A = tpu.concatenate %get3A_1, %get3A_4, %get3A_7, %get3A_10 in 0 : vector<32x128xf32>, vector<32x128xf32>, vector<32x128xf32>, vector<32x128xf32> -> vector<128x128xf32>
    %transpose3A = tpu.transpose %concatenate3A, [1, 0] : vector<128x128xf32> -> vector<128x128xf32>
    %swap3A = arith.constant 0 : index
    %swap3A_11 = arith.constant 0 : index
    %swap3A_12 = vector.load %arg2[%swap3A, %swap3A_11] : memref<2048x128xf32, #tpu.memory_space<vmem>>, vector<128x128xf32>
    tpu.vector_store %arg2[%swap3A, %swap3A_11], %transpose3A {strides = array<i32>} : memref<2048x128xf32, #tpu.memory_space<vmem>>, vector<128x128xf32>,
    %get3A_13 = arith.constant 0 : index
    %get3A_14 = arith.constant 512 : index
    %get3A_15 = vector.load %arg1[%get3A_13, %get3A_14] : memref<32x8192xf32, #tpu.memory_space<vmem>>, vector<32x128xf32>
    %get3A_16 = arith.constant 0 : index
    %get3A_17 = arith.constant 640 : index
    %get3A_18 = vector.load %arg1[%get3A_16, %get3A_17] : memref<32x8192xf32, #tpu.memory_space<vmem>>, vector<32x128xf32>
    %get3A_19 = arith.constant 0 : index
    %get3A_20 = arith.constant 768 : index
    %get3A_21 = vector.load %arg1[%get3A_19, %get3A_20] : memref<32x8192xf32, #tpu.memory_space<vmem>>, vector<32x128xf32>
    %get3A_22 = arith.constant 0 : index
    %get3A_23 = arith.constant 896 : index
    %get3A_24 = vector.load %arg1[%get3A_22, %get3A_23] : memref<32x8192xf32, #tpu.memory_space<vmem>>, vector<32x128xf32>
    %concatenate3A_25 = tpu.concatenate %get3A_15, %get3A_18, %get3A_21, %get3A_24 in 0 : vector<32x128xf32>, vector<32x128xf32>, vector<32x128xf32>, vector<32x128xf32> -> vector<128x128xf32>
    %transpose3A_26 = tpu.transpose %concatenate3A_25, [1, 0] : vector<128x128xf32> -> vector<128x128xf32>
    %swap3A_27 = arith.constant 128 : index
    %swap3A_28 = arith.constant 0 : index
    %swap3A_29 = vector.load %arg2[%swap3A_27, %swap3A_28] : memref<2048x128xf32, #tpu.memory_space<vmem>>, vector<128x128xf32>
    tpu.vector_store %arg2[%swap3A_27, %swap3A_28], %transpose3A_26 {strides = array<i32>} : memref<2048x128xf32, #tpu.memory_space<vmem>>, vector<128x128xf32>,
    %get3A_30 = arith.constant 0 : index
    %get3A_31 = arith.constant 1024 : index
    %get3A_32 = vector.load %arg1[%get3A_30, %get3A_31] : memref<32x8192xf32, #tpu.memory_space<vmem>>, vector<32x128xf32>
    %get3A_33 = arith.constant 0 : index
    %get3A_34 = arith.constant 1152 : index
    %get3A_35 = vector.load %arg1[%get3A_33, %get3A_34] : memref<32x8192xf32, #tpu.memory_space<vmem>>, vector<32x128xf32>
    %get3A_36 = arith.constant 0 : index
    %get3A_37 = arith.constant 1280 : index
    %get3A_38 = vector.load %arg1[%get3A_36, %get3A_37] : memref<32x8192xf32, #tpu.memory_space<vmem>>, vector<32x128xf32>
    %get3A_39 = arith.constant 0 : index
    %get3A_40 = arith.constant 1408 : index
    %get3A_41 = vector.load %arg1[%get3A_39, %get3A_40] : memref<32x8192xf32, #tpu.memory_space<vmem>>, vector<32x128xf32>
    %concatenate3A_42 = tpu.concatenate %get3A_32, %get3A_35, %get3A_38, %get3A_41 in 0 : vector<32x128xf32>, vector<32x128xf32>, vector<32x128xf32>, vector<32x128xf32> -> vector<128x128xf32>
    %transpose3A_43 = tpu.transpose %concatenate3A_42, [1, 0] : vector<128x128xf32> -> vector<128x128xf32>
    %swap3A_44 = arith.constant 256 : index
    %swap3A_45 = arith.constant 0 : index
    %swap3A_46 = vector.load %arg2[%swap3A_44, %swap3A_45] : memref<2048x128xf32, #tpu.memory_space<vmem>>, vector<128x128xf32>
    tpu.vector_store %arg2[%swap3A_44, %swap3A_45], %transpose3A_43 {strides = array<i32>} : memref<2048x128xf32, #tpu.memory_space<vmem>>, vector<128x128xf32>,
    %get3A_47 = arith.constant 0 : index
    %get3A_48 = arith.constant 1536 : index
    %get3A_49 = vector.load %arg1[%get3A_47, %get3A_48] : memref<32x8192xf32, #tpu.memory_space<vmem>>, vector<32x128xf32>
    %get3A_50 = arith.constant 0 : index
    %get3A_51 = arith.constant 1664 : index
    %get3A_52 = vector.load %arg1[%get3A_50, %get3A_51] : memref<32x8192xf32, #tpu.memory_space<vmem>>, vector<32x128xf32>
    %get3A_53 = arith.constant 0 : index
    %get3A_54 = arith.constant 1792 : index
    %get3A_55 = vector.load %arg1[%get3A_53, %get3A_54] : memref<32x8192xf32, #tpu.memory_space<vmem>>, vector<32x128xf32>
    %get3A_56 = arith.constant 0 : index
    %get3A_57 = arith.constant 1920 : index
    %get3A_58 = vector.load %arg1[%get3A_56, %get3A_57] : memref<32x8192xf32, #tpu.memory_space<vmem>>, vector<32x128xf32>
    %concatenate3A_59 = tpu.concatenate %get3A_49, %get3A_52, %get3A_55, %get3A_58 in 0 : vector<32x128xf32>, vector<32x128xf32>, vector<32x128xf32>, vector<32x128xf32> -> vector<128x128xf32>
    %transpose3A_60 = tpu.transpose %concatenate3A_59, [1, 0] : vector<128x128xf32> -> vector<128x128xf32>
    %swap3A_61 = arith.constant 384 : index
    %swap3A_62 = arith.constant 0 : index
    %swap3A_63 = vector.load %arg2[%swap3A_61, %swap3A_62] : memref<2048x128xf32, #tpu.memory_space<vmem>>, vector<128x128xf32>
    tpu.vector_store %arg2[%swap3A_61, %swap3A_62], %transpose3A_60 {strides = array<i32>} : memref<2048x128xf32, #tpu.memory_space<vmem>>, vector<128x128xf32>,
    %get3A_64 = arith.constant 0 : index
    %get3A_65 = arith.constant 2048 : index
    %get3A_66 = vector.load %arg1[%get3A_64, %get3A_65] : memref<32x8192xf32, #tpu.memory_space<vmem>>, vector<32x128xf32>
    %get3A_67 = arith.constant 0 : index
    %get3A_68 = arith.constant 2176 : index
    %get3A_69 = vector.load %arg1[%get3A_67, %get3A_68] : memref<32x8192xf32, #tpu.memory_space<vmem>>, vector<32x128xf32>
    %get3A_70 = arith.constant 0 : index
    %get3A_71 = arith.constant 2304 : index
    %get3A_72 = vector.load %arg1[%get3A_70, %get3A_71] : memref<32x8192xf32, #tpu.memory_space<vmem>>, vector<32x128xf32>
    %get3A_73 = arith.constant 0 : index
    %get3A_74 = arith.constant 2432 : index
    %get3A_75 = vector.load %arg1[%get3A_73, %get3A_74] : memref<32x8192xf32, #tpu.memory_space<vmem>>, vector<32x128xf32>
    %concatenate3A_76 = tpu.concatenate %get3A_66, %get3A_69, %get3A_72, %get3A_75 in 0 : vector<32x128xf32>, vector<32x128xf32>, vector<32x128xf32>, vector<32x128xf32> -> vector<128x128xf32>
    %transpose3A_77 = tpu.transpose %concatenate3A_76, [1, 0] : vector<128x128xf32> -> vector<128x128xf32>
    %swap3A_78 = arith.constant 512 : index
    %swap3A_79 = arith.constant 0 : index
    %swap3A_80 = vector.load %arg2[%swap3A_78, %swap3A_79] : memref<2048x128xf32, #tpu.memory_space<vmem>>, vector<128x128xf32>
    tpu.vector_store %arg2[%swap3A_78, %swap3A_79], %transpose3A_77 {strides = array<i32>} : memref<2048x128xf32, #tpu.memory_space<vmem>>, vector<128x128xf32>,
    %get3A_81 = arith.constant 0 : index
    %get3A_82 = arith.constant 2560 : index
    %get3A_83 = vector.load %arg1[%get3A_81, %get3A_82] : memref<32x8192xf32, #tpu.memory_space<vmem>>, vector<32x128xf32>
    %get3A_84 = arith.constant 0 : index
    %get3A_85 = arith.constant 2688 : index
    %get3A_86 = vector.load %arg1[%get3A_84, %get3A_85] : memref<32x8192xf32, #tpu.memory_space<vmem>>, vector<32x128xf32>
    %get3A_87 = arith.constant 0 : index
    %get3A_88 = arith.constant 2816 : index
    %get3A_89 = vector.load %arg1[%get3A_87, %get3A_88] : memref<32x8192xf32, #tpu.memory_space<vmem>>, vector<32x128xf32>
    %get3A_90 = arith.constant 0 : index
    %get3A_91 = arith.constant 2944 : index
    %get3A_92 = vector.load %arg1[%get3A_90, %get3A_91] : memref<32x8192xf32, #tpu.memory_space<vmem>>, vector<32x128xf32>
    %concatenate3A_93 = tpu.concatenate %get3A_83, %get3A_86, %get3A_89, %get3A_92 in 0 : vector<32x128xf32>, vector<32x128xf32>, vector<32x128xf32>, vector<32x128xf32> -> vector<128x128xf32>
    %transpose3A_94 = tpu.transpose %concatenate3A_93, [1, 0] : vector<128x128xf32> -> vector<128x128xf32>
    %swap3A_95 = arith.constant 640 : index
    %swap3A_96 = arith.constant 0 : index
    %swap3A_97 = vector.load %arg2[%swap3A_95, %swap3A_96] : memref<2048x128xf32, #tpu.memory_space<vmem>>, vector<128x128xf32>
    tpu.vector_store %arg2[%swap3A_95, %swap3A_96], %transpose3A_94 {strides = array<i32>} : memref<2048x128xf32, #tpu.memory_space<vmem>>, vector<128x128xf32>,
    %get3A_98 = arith.constant 0 : index
    %get3A_99 = arith.constant 3072 : index
    %get3A_100 = vector.load %arg1[%get3A_98, %get3A_99] : memref<32x8192xf32, #tpu.memory_space<vmem>>, vector<32x128xf32>
    %get3A_101 = arith.constant 0 : index
    %get3A_102 = arith.constant 3200 : index
    %get3A_103 = vector.load %arg1[%get3A_101, %get3A_102] : memref<32x8192xf32, #tpu.memory_space<vmem>>, vector<32x128xf32>
    %get3A_104 = arith.constant 0 : index
    %get3A_105 = arith.constant 3328 : index
    %get3A_106 = vector.load %arg1[%get3A_104, %get3A_105] : memref<32x8192xf32, #tpu.memory_space<vmem>>, vector<32x128xf32>
    %get3A_107 = arith.constant 0 : index
    %get3A_108 = arith.constant 3456 : index
    %get3A_109 = vector.load %arg1[%get3A_107, %get3A_108] : memref<32x8192xf32, #tpu.memory_space<vmem>>, vector<32x128xf32>
    %concatenate3A_110 = tpu.concatenate %get3A_100, %get3A_103, %get3A_106, %get3A_109 in 0 : vector<32x128xf32>, vector<32x128xf32>, vector<32x128xf32>, vector<32x128xf32> -> vector<128x128xf32>
    %transpose3A_111 = tpu.transpose %concatenate3A_110, [1, 0] : vector<128x128xf32> -> vector<128x128xf32>
    %swap3A_112 = arith.constant 768 : index
    %swap3A_113 = arith.constant 0 : index
    %swap3A_114 = vector.load %arg2[%swap3A_112, %swap3A_113] : memref<2048x128xf32, #tpu.memory_space<vmem>>, vector<128x128xf32>
    tpu.vector_store %arg2[%swap3A_112, %swap3A_113], %transpose3A_111 {strides = array<i32>} : memref<2048x128xf32, #tpu.memory_space<vmem>>, vector<128x128xf32>,
    %get3A_115 = arith.constant 0 : index
    %get3A_116 = arith.constant 3584 : index
    %get3A_117 = vector.load %arg1[%get3A_115, %get3A_116] : memref<32x8192xf32, #tpu.memory_space<vmem>>, vector<32x128xf32>
    %get3A_118 = arith.constant 0 : index
    %get3A_119 = arith.constant 3712 : index
    %get3A_120 = vector.load %arg1[%get3A_118, %get3A_119] : memref<32x8192xf32, #tpu.memory_space<vmem>>, vector<32x128xf32>
    %get3A_121 = arith.constant 0 : index
    %get3A_122 = arith.constant 3840 : index
    %get3A_123 = vector.load %arg1[%get3A_121, %get3A_122] : memref<32x8192xf32, #tpu.memory_space<vmem>>, vector<32x128xf32>
    %get3A_124 = arith.constant 0 : index
    %get3A_125 = arith.constant 3968 : index
    %get3A_126 = vector.load %arg1[%get3A_124, %get3A_125] : memref<32x8192xf32, #tpu.memory_space<vmem>>, vector<32x128xf32>
    %concatenate3A_127 = tpu.concatenate %get3A_117, %get3A_120, %get3A_123, %get3A_126 in 0 : vector<32x128xf32>, vector<32x128xf32>, vector<32x128xf32>, vector<32x128xf32> -> vector<128x128xf32>
    %transpose3A_128 = tpu.transpose %concatenate3A_127, [1, 0] : vector<128x128xf32> -> vector<128x128xf32>
    %swap3A_129 = arith.constant 896 : index
    %swap3A_130 = arith.constant 0 : index
    %swap3A_131 = vector.load %arg2[%swap3A_129, %swap3A_130] : memref<2048x128xf32, #tpu.memory_space<vmem>>, vector<128x128xf32>
    tpu.vector_store %arg2[%swap3A_129, %swap3A_130], %transpose3A_128 {strides = array<i32>} : memref<2048x128xf32, #tpu.memory_space<vmem>>, vector<128x128xf32>,
    %get3A_132 = arith.constant 0 : index
    %get3A_133 = arith.constant 4096 : index
    %get3A_134 = vector.load %arg1[%get3A_132, %get3A_133] : memref<32x8192xf32, #tpu.memory_space<vmem>>, vector<32x128xf32>
    %get3A_135 = arith.constant 0 : index
    %get3A_136 = arith.constant 4224 : index
    %get3A_137 = vector.load %arg1[%get3A_135, %get3A_136] : memref<32x8192xf32, #tpu.memory_space<vmem>>, vector<32x128xf32>
    %get3A_138 = arith.constant 0 : index
    %get3A_139 = arith.constant 4352 : index
    %get3A_140 = vector.load %arg1[%get3A_138, %get3A_139] : memref<32x8192xf32, #tpu.memory_space<vmem>>, vector<32x128xf32>
    %get3A_141 = arith.constant 0 : index
    %get3A_142 = arith.constant 4480 : index
    %get3A_143 = vector.load %arg1[%get3A_141, %get3A_142] : memref<32x8192xf32, #tpu.memory_space<vmem>>, vector<32x128xf32>
    %concatenate3A_144 = tpu.concatenate %get3A_134, %get3A_137, %get3A_140, %get3A_143 in 0 : vector<32x128xf32>, vector<32x128xf32>, vector<32x128xf32>, vector<32x128xf32> -> vector<128x128xf32>
    %transpose3A_145 = tpu.transpose %concatenate3A_144, [1, 0] : vector<128x128xf32> -> vector<128x128xf32>
    %swap3A_146 = arith.constant 1024 : index
    %swap3A_147 = arith.constant 0 : index
    %swap3A_148 = vector.load %arg2[%swap3A_146, %swap3A_147] : memref<2048x128xf32, #tpu.memory_space<vmem>>, vector<128x128xf32>
    tpu.vector_store %arg2[%swap3A_146, %swap3A_147], %transpose3A_145 {strides = array<i32>} : memref<2048x128xf32, #tpu.memory_space<vmem>>, vector<128x128xf32>,
    %get3A_149 = arith.constant 0 : index
    %get3A_150 = arith.constant 4608 : index
    %get3A_151 = vector.load %arg1[%get3A_149, %get3A_150] : memref<32x8192xf32, #tpu.memory_space<vmem>>, vector<32x128xf32>
    %get3A_152 = arith.constant 0 : index
    %get3A_153 = arith.constant 4736 : index
    %get3A_154 = vector.load %arg1[%get3A_152, %get3A_153] : memref<32x8192xf32, #tpu.memory_space<vmem>>, vector<32x128xf32>
    %get3A_155 = arith.constant 0 : index
    %get3A_156 = arith.constant 4864 : index
    %get3A_157 = vector.load %arg1[%get3A_155, %get3A_156] : memref<32x8192xf32, #tpu.memory_space<vmem>>, vector<32x128xf32>
    %get3A_158 = arith.constant 0 : index
    %get3A_159 = arith.constant 4992 : index
    %get3A_160 = vector.load %arg1[%get3A_158, %get3A_159] : memref<32x8192xf32, #tpu.memory_space<vmem>>, vector<32x128xf32>
    %concatenate3A_161 = tpu.concatenate %get3A_151, %get3A_154, %get3A_157, %get3A_160 in 0 : vector<32x128xf32>, vector<32x128xf32>, vector<32x128xf32>, vector<32x128xf32> -> vector<128x128xf32>
    %transpose3A_162 = tpu.transpose %concatenate3A_161, [1, 0] : vector<128x128xf32> -> vector<128x128xf32>
    %swap3A_163 = arith.constant 1152 : index
    %swap3A_164 = arith.constant 0 : index
    %swap3A_165 = vector.load %arg2[%swap3A_163, %swap3A_164] : memref<2048x128xf32, #tpu.memory_space<vmem>>, vector<128x128xf32>
    tpu.vector_store %arg2[%swap3A_163, %swap3A_164], %transpose3A_162 {strides = array<i32>} : memref<2048x128xf32, #tpu.memory_space<vmem>>, vector<128x128xf32>,
    %get3A_166 = arith.constant 0 : index
    %get3A_167 = arith.constant 5120 : index
    %get3A_168 = vector.load %arg1[%get3A_166, %get3A_167] : memref<32x8192xf32, #tpu.memory_space<vmem>>, vector<32x128xf32>
    %get3A_169 = arith.constant 0 : index
    %get3A_170 = arith.constant 5248 : index
    %get3A_171 = vector.load %arg1[%get3A_169, %get3A_170] : memref<32x8192xf32, #tpu.memory_space<vmem>>, vector<32x128xf32>
    %get3A_172 = arith.constant 0 : index
    %get3A_173 = arith.constant 5376 : index
    %get3A_174 = vector.load %arg1[%get3A_172, %get3A_173] : memref<32x8192xf32, #tpu.memory_space<vmem>>, vector<32x128xf32>
    %get3A_175 = arith.constant 0 : index
    %get3A_176 = arith.constant 5504 : index
    %get3A_177 = vector.load %arg1[%get3A_175, %get3A_176] : memref<32x8192xf32, #tpu.memory_space<vmem>>, vector<32x128xf32>
    %concatenate3A_178 = tpu.concatenate %get3A_168, %get3A_171, %get3A_174, %get3A_177 in 0 : vector<32x128xf32>, vector<32x128xf32>, vector<32x128xf32>, vector<32x128xf32> -> vector<128x128xf32>
    %transpose3A_179 = tpu.transpose %concatenate3A_178, [1, 0] : vector<128x128xf32> -> vector<128x128xf32>
    %swap3A_180 = arith.constant 1280 : index
    %swap3A_181 = arith.constant 0 : index
    %swap3A_182 = vector.load %arg2[%swap3A_180, %swap3A_181] : memref<2048x128xf32, #tpu.memory_space<vmem>>, vector<128x128xf32>
    tpu.vector_store %arg2[%swap3A_180, %swap3A_181], %transpose3A_179 {strides = array<i32>} : memref<2048x128xf32, #tpu.memory_space<vmem>>, vector<128x128xf32>,
    %get3A_183 = arith.constant 0 : index
    %get3A_184 = arith.constant 5632 : index
    %get3A_185 = vector.load %arg1[%get3A_183, %get3A_184] : memref<32x8192xf32, #tpu.memory_space<vmem>>, vector<32x128xf32>
    %get3A_186 = arith.constant 0 : index
    %get3A_187 = arith.constant 5760 : index
    %get3A_188 = vector.load %arg1[%get3A_186, %get3A_187] : memref<32x8192xf32, #tpu.memory_space<vmem>>, vector<32x128xf32>
    %get3A_189 = arith.constant 0 : index
    %get3A_190 = arith.constant 5888 : index
    %get3A_191 = vector.load %arg1[%get3A_189, %get3A_190] : memref<32x8192xf32, #tpu.memory_space<vmem>>, vector<32x128xf32>
    %get3A_192 = arith.constant 0 : index
    %get3A_193 = arith.constant 6016 : index
    %get3A_194 = vector.load %arg1[%get3A_192, %get3A_193] : memref<32x8192xf32, #tpu.memory_space<vmem>>, vector<32x128xf32>
    %concatenate3A_195 = tpu.concatenate %get3A_185, %get3A_188, %get3A_191, %get3A_194 in 0 : vector<32x128xf32>, vector<32x128xf32>, vector<32x128xf32>, vector<32x128xf32> -> vector<128x128xf32>
    %transpose3A_196 = tpu.transpose %concatenate3A_195, [1, 0] : vector<128x128xf32> -> vector<128x128xf32>
    %swap3A_197 = arith.constant 1408 : index
    %swap3A_198 = arith.constant 0 : index
    %swap3A_199 = vector.load %arg2[%swap3A_197, %swap3A_198] : memref<2048x128xf32, #tpu.memory_space<vmem>>, vector<128x128xf32>
    tpu.vector_store %arg2[%swap3A_197, %swap3A_198], %transpose3A_196 {strides = array<i32>} : memref<2048x128xf32, #tpu.memory_space<vmem>>, vector<128x128xf32>,
    %get3A_200 = arith.constant 0 : index
    %get3A_201 = arith.constant 6144 : index
    %get3A_202 = vector.load %arg1[%get3A_200, %get3A_201] : memref<32x8192xf32, #tpu.memory_space<vmem>>, vector<32x128xf32>
    %get3A_203 = arith.constant 0 : index
    %get3A_204 = arith.constant 6272 : index
    %get3A_205 = vector.load %arg1[%get3A_203, %get3A_204] : memref<32x8192xf32, #tpu.memory_space<vmem>>, vector<32x128xf32>
    %get3A_206 = arith.constant 0 : index
    %get3A_207 = arith.constant 6400 : index
    %get3A_208 = vector.load %arg1[%get3A_206, %get3A_207] : memref<32x8192xf32, #tpu.memory_space<vmem>>, vector<32x128xf32>
    %get3A_209 = arith.constant 0 : index
    %get3A_210 = arith.constant 6528 : index
    %get3A_211 = vector.load %arg1[%get3A_209, %get3A_210] : memref<32x8192xf32, #tpu.memory_space<vmem>>, vector<32x128xf32>
    %concatenate3A_212 = tpu.concatenate %get3A_202, %get3A_205, %get3A_208, %get3A_211 in 0 : vector<32x128xf32>, vector<32x128xf32>, vector<32x128xf32>, vector<32x128xf32> -> vector<128x128xf32>
    %transpose3A_213 = tpu.transpose %concatenate3A_212, [1, 0] : vector<128x128xf32> -> vector<128x128xf32>
    %swap3A_214 = arith.constant 1536 : index
    %swap3A_215 = arith.constant 0 : index
    %swap3A_216 = vector.load %arg2[%swap3A_214, %swap3A_215] : memref<2048x128xf32, #tpu.memory_space<vmem>>, vector<128x128xf32>
    tpu.vector_store %arg2[%swap3A_214, %swap3A_215], %transpose3A_213 {strides = array<i32>} : memref<2048x128xf32, #tpu.memory_space<vmem>>, vector<128x128xf32>,
    %get3A_217 = arith.constant 0 : index
    %get3A_218 = arith.constant 6656 : index
    %get3A_219 = vector.load %arg1[%get3A_217, %get3A_218] : memref<32x8192xf32, #tpu.memory_space<vmem>>, vector<32x128xf32>
    %get3A_220 = arith.constant 0 : index
    %get3A_221 = arith.constant 6784 : index
    %get3A_222 = vector.load %arg1[%get3A_220, %get3A_221] : memref<32x8192xf32, #tpu.memory_space<vmem>>, vector<32x128xf32>
    %get3A_223 = arith.constant 0 : index
    %get3A_224 = arith.constant 6912 : index
    %get3A_225 = vector.load %arg1[%get3A_223, %get3A_224] : memref<32x8192xf32, #tpu.memory_space<vmem>>, vector<32x128xf32>
    %get3A_226 = arith.constant 0 : index
    %get3A_227 = arith.constant 7040 : index
    %get3A_228 = vector.load %arg1[%get3A_226, %get3A_227] : memref<32x8192xf32, #tpu.memory_space<vmem>>, vector<32x128xf32>
    %concatenate3A_229 = tpu.concatenate %get3A_219, %get3A_222, %get3A_225, %get3A_228 in 0 : vector<32x128xf32>, vector<32x128xf32>, vector<32x128xf32>, vector<32x128xf32> -> vector<128x128xf32>
    %transpose3A_230 = tpu.transpose %concatenate3A_229, [1, 0] : vector<128x128xf32> -> vector<128x128xf32>
    %swap3A_231 = arith.constant 1664 : index
    %swap3A_232 = arith.constant 0 : index
    %swap3A_233 = vector.load %arg2[%swap3A_231, %swap3A_232] : memref<2048x128xf32, #tpu.memory_space<vmem>>, vector<128x128xf32>
    tpu.vector_store %arg2[%swap3A_231, %swap3A_232], %transpose3A_230 {strides = array<i32>} : memref<2048x128xf32, #tpu.memory_space<vmem>>, vector<128x128xf32>,
    %get3A_234 = arith.constant 0 : index
    %get3A_235 = arith.constant 7168 : index
    %get3A_236 = vector.load %arg1[%get3A_234, %get3A_235] : memref<32x8192xf32, #tpu.memory_space<vmem>>, vector<32x128xf32>
    %get3A_237 = arith.constant 0 : index
    %get3A_238 = arith.constant 7296 : index
    %get3A_239 = vector.load %arg1[%get3A_237, %get3A_238] : memref<32x8192xf32, #tpu.memory_space<vmem>>, vector<32x128xf32>
    %get3A_240 = arith.constant 0 : index
    %get3A_241 = arith.constant 7424 : index
    %get3A_242 = vector.load %arg1[%get3A_240, %get3A_241] : memref<32x8192xf32, #tpu.memory_space<vmem>>, vector<32x128xf32>
    %get3A_243 = arith.constant 0 : index
    %get3A_244 = arith.constant 7552 : index
    %get3A_245 = vector.load %arg1[%get3A_243, %get3A_244] : memref<32x8192xf32, #tpu.memory_space<vmem>>, vector<32x128xf32>
    %concatenate3A_246 = tpu.concatenate %get3A_236, %get3A_239, %get3A_242, %get3A_245 in 0 : vector<32x128xf32>, vector<32x128xf32>, vector<32x128xf32>, vector<32x128xf32> -> vector<128x128xf32>
    %transpose3A_247 = tpu.transpose %concatenate3A_246, [1, 0] : vector<128x128xf32> -> vector<128x128xf32>
    %swap3A_248 = arith.constant 1792 : index
    %swap3A_249 = arith.constant 0 : index
    %swap3A_250 = vector.load %arg2[%swap3A_248, %swap3A_249] : memref<2048x128xf32, #tpu.memory_space<vmem>>, vector<128x128xf32>
    tpu.vector_store %arg2[%swap3A_248, %swap3A_249], %transpose3A_247 {strides = array<i32>} : memref<2048x128xf32, #tpu.memory_space<vmem>>, vector<128x128xf32>,
    %get3A_251 = arith.constant 0 : index
    %get3A_252 = arith.constant 7680 : index
    %get3A_253 = vector.load %arg1[%get3A_251, %get3A_252] : memref<32x8192xf32, #tpu.memory_space<vmem>>, vector<32x128xf32>
    %get3A_254 = arith.constant 0 : index
    %get3A_255 = arith.constant 7808 : index
    %get3A_256 = vector.load %arg1[%get3A_254, %get3A_255] : memref<32x8192xf32, #tpu.memory_space<vmem>>, vector<32x128xf32>
    %get3A_257 = arith.constant 0 : index
    %get3A_258 = arith.constant 7936 : index
    %get3A_259 = vector.load %arg1[%get3A_257, %get3A_258] : memref<32x8192xf32, #tpu.memory_space<vmem>>, vector<32x128xf32>
    %get3A_260 = arith.constant 0 : index
    %get3A_261 = arith.constant 8064 : index
    %get3A_262 = vector.load %arg1[%get3A_260, %get3A_261] : memref<32x8192xf32, #tpu.memory_space<vmem>>, vector<32x128xf32>
    %concatenate3A_263 = tpu.concatenate %get3A_253, %get3A_256, %get3A_259, %get3A_262 in 0 : vector<32x128xf32>, vector<32x128xf32>, vector<32x128xf32>, vector<32x128xf32> -> vector<128x128xf32>
    %transpose3A_264 = tpu.transpose %concatenate3A_263, [1, 0] : vector<128x128xf32> -> vector<128x128xf32>
    %swap3A_265 = arith.constant 1920 : index
    %swap3A_266 = arith.constant 0 : index
    %swap3A_267 = vector.load %arg2[%swap3A_265, %swap3A_266] : memref<2048x128xf32, #tpu.memory_space<vmem>>, vector<128x128xf32>
    tpu.vector_store %arg2[%swap3A_265, %swap3A_266], %transpose3A_264 {strides = array<i32>} : memref<2048x128xf32, #tpu.memory_space<vmem>>, vector<128x128xf32>,
    return
  }
  func.func @transform_0(%arg0: i32) -> (i32, i32) {
    %c0_i32 = arith.constant 0 : i32
    %c0_i32_0 = arith.constant 0 : i32
    return %c0_i32, %arg0 : i32, i32
  }
  func.func @transform_1(%arg0: i32) -> (i32, i32) {
    %c0_i32 = arith.constant 0 : i32
    %c0_i32_0 = arith.constant 0 : i32
    return %arg0, %c0_i32 : i32, i32
  }
}

module attributes {stable_mosaic.version = 14 : i64} {
  func.func @_mlp_body(%arg0: i32, %arg1: memref<512x32xf32, #tpu.memory_space<vmem>>, %arg2: memref<512x1xf32, #tpu.memory_space<vmem>>, %arg3: memref<32x512xf32, #tpu.memory_space<vmem>>, %arg4: memref<1x512xf32, #tpu.memory_space<vmem>>, %arg5: memref<512x512xf32, #tpu.memory_space<vmem>>, %arg6: memref<1x512xf32, #tpu.memory_space<vmem>>, %arg7: memref<512x50xf32, #tpu.memory_space<vmem>>, %arg8: memref<1x50xf32, #tpu.memory_space<vmem>>, %arg9: memref<512x50xf32, #tpu.memory_space<vmem>>) attributes {dimension_semantics = [#tpu.dimension_semantics<arbitrary>], iteration_bounds = array<i64: 8>, scalar_prefetch = 0 : i64, scratch_operands = 0 : i64, tpu.core_type = #tpu.core_type<tc>, window_params = [{transform_indices = @transform_0, window_bounds = array<i64: 512, 32>}, {transform_indices = @transform_1, window_bounds = array<i64: 512, 1>}, {pipeline_mode = #tpu.pipeline_mode<synchronous>, transform_indices = @transform_2, window_bounds = array<i64: 32, 512>}, {pipeline_mode = #tpu.pipeline_mode<synchronous>, transform_indices = @transform_3, window_bounds = array<i64: 1, 512>}, {pipeline_mode = #tpu.pipeline_mode<synchronous>, transform_indices = @transform_4, window_bounds = array<i64: 512, 512>}, {pipeline_mode = #tpu.pipeline_mode<synchronous>, transform_indices = @transform_5, window_bounds = array<i64: 1, 512>}, {pipeline_mode = #tpu.pipeline_mode<synchronous>, transform_indices = @transform_6, window_bounds = array<i64: 512, 50>}, {pipeline_mode = #tpu.pipeline_mode<synchronous>, transform_indices = @transform_7, window_bounds = array<i64: 1, 50>}, {transform_indices = @transform_8, window_bounds = array<i64: 512, 50>}]} {
    %get3A = arith.constant 0 : index
    %get3A_0 = arith.constant 0 : index
    %get3A_1 = vector.load %arg1[%get3A, %get3A_0] : memref<512x32xf32, #tpu.memory_space<vmem>>, vector<512x32xf32>
    %get3A_2 = arith.constant 0 : index
    %get3A_3 = arith.constant 0 : index
    %get3A_4 = vector.load %arg2[%get3A_2, %get3A_3] : memref<512x1xf32, #tpu.memory_space<vmem>>, vector<512x1xf32>
    %div3A = vector.broadcast %get3A_4 : vector<512x1xf32> to vector<512x32xf32>
    %div3A_5 = arith.divf %get3A_1, %div3A : vector<512x32xf32>
    %get3A_6 = arith.constant 0 : index
    %get3A_7 = arith.constant 0 : index
    %get3A_8 = vector.load %arg3[%get3A_6, %get3A_7] : memref<32x512xf32, #tpu.memory_space<vmem>>, vector<32x512xf32>
    %dot_general3A = arith.constant dense<0.000000e+00> : vector<512x512xf32>
    %dot_general3A_9 = tpu.matmul %div3A_5, %get3A_8, %dot_general3A {dimension_numbers = #tpu.dot_dimension_numbers<[1], [0], [0], [1], [0, 0, 1, 1], [], []>, precision = #tpu.contract_precision<fp32>, transpose_lhs_hint = false} : vector<512x32xf32>, vector<32x512xf32>, vector<512x512xf32> -> vector<512x512xf32>
    %get3A_10 = arith.constant 0 : index
    %get3A_11 = arith.constant 0 : index
    %get3A_12 = vector.load %arg4[%get3A_10, %get3A_11] : memref<1x512xf32, #tpu.memory_space<vmem>>, vector<1x512xf32>
    %add3A = vector.broadcast %get3A_12 : vector<1x512xf32> to vector<512x512xf32>
    %add3A_13 = arith.addf %dot_general3A_9, %add3A : vector<512x512xf32>
    %max3A = arith.constant 0.000000e+00 : f32
    %max3A_14 = vector.broadcast %max3A : f32 to vector<512x512xf32>
    %max3A_15 = arith.maximumf %add3A_13, %max3A_14 : vector<512x512xf32>
    %get3A_16 = arith.constant 0 : index
    %get3A_17 = arith.constant 0 : index
    %get3A_18 = vector.load %arg5[%get3A_16, %get3A_17] : memref<512x512xf32, #tpu.memory_space<vmem>>, vector<512x512xf32>
    %dot_general3A_19 = arith.constant dense<0.000000e+00> : vector<512x512xf32>
    %dot_general3A_20 = tpu.matmul %max3A_15, %get3A_18, %dot_general3A_19 {dimension_numbers = #tpu.dot_dimension_numbers<[1], [0], [0], [1], [0, 0, 1, 1], [], []>, precision = #tpu.contract_precision<fp32>, transpose_lhs_hint = false} : vector<512x512xf32>, vector<512x512xf32>, vector<512x512xf32> -> vector<512x512xf32>
    %get3A_21 = arith.constant 0 : index
    %get3A_22 = arith.constant 0 : index
    %get3A_23 = vector.load %arg6[%get3A_21, %get3A_22] : memref<1x512xf32, #tpu.memory_space<vmem>>, vector<1x512xf32>
    %add3A_24 = vector.broadcast %get3A_23 : vector<1x512xf32> to vector<512x512xf32>
    %add3A_25 = arith.addf %dot_general3A_20, %add3A_24 : vector<512x512xf32>
    %max3A_26 = arith.constant 0.000000e+00 : f32
    %max3A_27 = vector.broadcast %max3A_26 : f32 to vector<512x512xf32>
    %max3A_28 = arith.maximumf %add3A_25, %max3A_27 : vector<512x512xf32>
    %get3A_29 = arith.constant 0 : index
    %get3A_30 = arith.constant 0 : index
    %get3A_31 = vector.load %arg7[%get3A_29, %get3A_30] : memref<512x50xf32, #tpu.memory_space<vmem>>, vector<512x50xf32>
    %dot_general3A_32 = arith.constant dense<0.000000e+00> : vector<512x50xf32>
    %dot_general3A_33 = tpu.matmul %max3A_28, %get3A_31, %dot_general3A_32 {dimension_numbers = #tpu.dot_dimension_numbers<[1], [0], [0], [1], [0, 0, 1, 1], [], []>, precision = #tpu.contract_precision<fp32>, transpose_lhs_hint = false} : vector<512x512xf32>, vector<512x50xf32>, vector<512x50xf32> -> vector<512x50xf32>
    %get3A_34 = arith.constant 0 : index
    %get3A_35 = arith.constant 0 : index
    %get3A_36 = vector.load %arg8[%get3A_34, %get3A_35] : memref<1x50xf32, #tpu.memory_space<vmem>>, vector<1x50xf32>
    %add3A_37 = vector.broadcast %get3A_36 : vector<1x50xf32> to vector<512x50xf32>
    %add3A_38 = arith.addf %dot_general3A_33, %add3A_37 : vector<512x50xf32>
    %reduce_max3A = arith.constant dense<0xFF800000> : vector<512xf32>
    %reduce_max3A_39 = vector.multi_reduction <maximumf>, %add3A_38, %reduce_max3A [1] : vector<512x50xf32> to vector<512xf32>
    %broadcast_in_dim3A = vector.shape_cast %reduce_max3A_39 : vector<512xf32> to vector<512x1xf32>
    %sub3A = vector.broadcast %broadcast_in_dim3A : vector<512x1xf32> to vector<512x50xf32>
    %sub3A_40 = arith.subf %add3A_38, %sub3A : vector<512x50xf32>
    %exp3A = math.exp %sub3A_40 : vector<512x50xf32>
    %reduce_sum3A = arith.constant dense<0.000000e+00> : vector<512xf32>
    %reduce_sum3A_41 = vector.multi_reduction <add>, %exp3A, %reduce_sum3A [1] : vector<512x50xf32> to vector<512xf32>
    %broadcast_in_dim3A_42 = vector.shape_cast %reduce_sum3A_41 : vector<512xf32> to vector<512x1xf32>
    %div3A_43 = vector.broadcast %broadcast_in_dim3A_42 : vector<512x1xf32> to vector<512x50xf32>
    %div3A_44 = arith.divf %exp3A, %div3A_43 : vector<512x50xf32>
    %swap3A = arith.constant 0 : index
    %swap3A_45 = arith.constant 0 : index
    %swap3A_46 = vector.load %arg9[%swap3A, %swap3A_45] : memref<512x50xf32, #tpu.memory_space<vmem>>, vector<512x50xf32>
    tpu.vector_store %arg9[%swap3A, %swap3A_45], %div3A_44 {strides = array<i32>} : memref<512x50xf32, #tpu.memory_space<vmem>>, vector<512x50xf32>,
    return
  }
  func.func @transform_0(%arg0: i32) -> (i32, i32) {
    %c0_i32 = arith.constant 0 : i32
    %c0_i32_0 = arith.constant 0 : i32
    return %arg0, %c0_i32 : i32, i32
  }
  func.func @transform_1(%arg0: i32) -> (i32, i32) {
    %c0_i32 = arith.constant 0 : i32
    %c0_i32_0 = arith.constant 0 : i32
    return %arg0, %c0_i32 : i32, i32
  }
  func.func @transform_2(%arg0: i32) -> (i32, i32) {
    %c0_i32 = arith.constant 0 : i32
    %c0_i32_0 = arith.constant 0 : i32
    %c0_i32_1 = arith.constant 0 : i32
    return %c0_i32, %c0_i32_0 : i32, i32
  }
  func.func @transform_3(%arg0: i32) -> (i32, i32) {
    %c0_i32 = arith.constant 0 : i32
    %c0_i32_0 = arith.constant 0 : i32
    %c0_i32_1 = arith.constant 0 : i32
    return %c0_i32, %c0_i32_0 : i32, i32
  }
  func.func @transform_4(%arg0: i32) -> (i32, i32) {
    %c0_i32 = arith.constant 0 : i32
    %c0_i32_0 = arith.constant 0 : i32
    %c0_i32_1 = arith.constant 0 : i32
    return %c0_i32, %c0_i32_0 : i32, i32
  }
  func.func @transform_5(%arg0: i32) -> (i32, i32) {
    %c0_i32 = arith.constant 0 : i32
    %c0_i32_0 = arith.constant 0 : i32
    %c0_i32_1 = arith.constant 0 : i32
    return %c0_i32, %c0_i32_0 : i32, i32
  }
  func.func @transform_6(%arg0: i32) -> (i32, i32) {
    %c0_i32 = arith.constant 0 : i32
    %c0_i32_0 = arith.constant 0 : i32
    %c0_i32_1 = arith.constant 0 : i32
    return %c0_i32, %c0_i32_0 : i32, i32
  }
  func.func @transform_7(%arg0: i32) -> (i32, i32) {
    %c0_i32 = arith.constant 0 : i32
    %c0_i32_0 = arith.constant 0 : i32
    %c0_i32_1 = arith.constant 0 : i32
    return %c0_i32, %c0_i32_0 : i32, i32
  }
  func.func @transform_8(%arg0: i32) -> (i32, i32) {
    %c0_i32 = arith.constant 0 : i32
    %c0_i32_0 = arith.constant 0 : i32
    return %arg0, %c0_i32 : i32, i32
  }
}

</mosaic_0001>

<sc_bundles>
// kernel: kernel.5.cloned.1.call-start
scs
__scs_entry_jumppad:
0x0: {  	(pc) =	sbr.rel $0x88, $3  }
0x1: {  	(tag) =	ssettag $0x0;
	lr =	simm.s32 $0x1  }
0x2: {  	[smem:$0x3F98] =	sst lr;
	_ =	strace $0xD0000000  }
0x3: {  	_ = 	snop  }
0x4: {  	_ = 	snop  }
0x5: {  	_ = 	snop  }
0x6: {  	_ = 	snop  }
0x7: {  	_ = 	snop  }
__scs_overlays_trampoline_lowered:
0x8: {  	[smem:$0x3FA7] =	sst s0  }
0x9: {  	[smem:$0x3FA8] =	sst s1  }
0xa: {  	[smem:$0x3FA9] =	sst s2  }
0xb: {  	[smem:$0x3FAA] =	sst s3  }
0xc: {  	[smem:$0x3FAB] =	sst s4  }
0xd: {  	[smem:$0x3FAC] =	sst s5  }
0xe: {  	[smem:$0x3FAD] =	sst s6  }
0xf: {  	[smem:$0x3FAE] =	sst s7  }
0x10: {  	[smem:$0x3FAF] =	sst s8  }
0x11: {  	[smem:$0x3FB0] =	sst s9;
	s0 =	simm.s32 @!p0 $0x0  }
0x12: {  	s1 =	sld [smem:$0x3F96];
	s0 =	simm.s32 @p0 $0x1  }
0x13: {  	[smem:$0x3FB1] =	sst s0;
	s0 =	simm.s32 @!p1 $0x0  }
0x14: {  	s2 =	sld [smem:$0x3F95];
	s0 =	simm.s32 @p1 $0x1  }
0x15: {  	[smem:$0x3FB2] =	sst s0;
	s0 =	simm.s32 @!p2 $0x0  }
0x16: {  	s3 =	sld [smem:$0x3FDB];
	s0 =	simm.s32 @p2 $0x1  }
0x17: {  	s4 =	simm.s32 $0x1BF5;
	[smem:$0x3FB4] =	sst s0  }
0x18: {  	s0 =	sld [smem:$0x3F97];
	_ =	swait.ge [sflag:s4], $0x0  }
0x19: {  	s7 =	sld [smem:$0x3F98]  }
0x1a: {  	s8 =	sadd.s32 $0xFFFFE003, lr  }
0x1b: {  	s9 =	sadd.s32 $0xFFFFFEF7, lr;
	s5 =	simm.s32 $0xFFFFFFFF;
	p2 =	slt.u32 s8, $0xFFFFF086  }
0x1c: {  	p1 =	slt.u32 s9, $0xF7A;
	s5 =	simm.s32 @!p2 $0x0  }
0x1d: {  	s5 =	simm.s32 @p1 $0x1;
	p0 =	seq.s32 s7, s2  }
0x1e: {  	s7 =	smul.u32 @!p0 $0xF7A, s2;
	p2 =	seq.s32 @!p0 s5, $0x0  }
0x1f: {  	s9 =	smul.u32 $0xF7A, s1;
	s8 =	simm.s32 @!p0 $0x1BF5;
	p2 =	por !p2, p0  }
0x20: {  	[sflag:s8] =	ssyncset.s32 @!p0 $0xFFFFF086;
	s6 =	sadd.s32 @!p0 s3, s7;
	s7 =	simm.s32 @!p0 $0x108  }
0x21: {  	s3 =	sadd.s32 s3, s9;
	s6 =	sadd.s32 @!p0 $0x88, s6;
	s7 =	simm.s32 @p2 $0x1082  }
0x22: {  	[simem:s7], [sflag:s8] =	dma.local @!p0 [hbm:s6], $0xF7A  }
0x23: {  	s9 =	sor.u32 $0xD0000000, s2;
	s6 =	simm.s32 $0x108;
	_ =	swait.ge @!p0 [sflag:s8], $0x0  }
0x24: {  	s3 =	sadd.s32 $0x88, s3;
	s6 =	simm.s32 @!p1 $0x1082;
	[sflag:s4] =	ssyncset.s32 $0xFFFFF086  }
0x25: {  	[simem:s6], [sflag:s4] =	dma.local [hbm:s3], $0xF7A  }
0x26: {  	[smem:$0x3F98] =	sst s1;
	(tag) =	ssettag s2;
	_ =	strace s9  }
0x27: {  	s1 =	sld [smem:$0x3FA8]  }
0x28: {  	s2 =	sld [smem:$0x3FA9]  }
0x29: {  	s4 =	sld [smem:$0x3FAB]  }
0x2a: {  	p0 =	seq.s32 s5, $0x0;
	s5 =	sld [smem:$0x3FAC]  }
0x2b: {  	s6 =	sld [smem:$0x3FAD]  }
0x2c: {  	s7 =	sld [smem:$0x3FAE]  }
0x2d: {  	s3 =	simm.s32 $0x108;
	s8 =	sld [smem:$0x3FAF]  }
0x2e: {  	s3 =	simm.s32 @!p0 $0x1082;
	s9 =	sld [smem:$0x3FB0]  }
0x2f: {  	lr =	sadd.s32 s0, s3;
	s0 =	sld [smem:$0x3FA7]  }
0x30: {  	s3 =	sld [smem:$0x3FAA]  }
0x31: {  	[smem:$0x3FB3] =	sst s10  }
0x32: {  	s10 =	sld [smem:$0x3FB1];
	_ =	sdelay $0x3  }
0x33: {  	p0 =	seq.s32 s10, $0x1;
	s10 =	sld [smem:$0x3FB3];
	_ =	sdelay $0x3  }
0x34: {  	[smem:$0x3FB3] =	sst s10  }
0x35: {  	s10 =	sld [smem:$0x3FB2];
	_ =	sdelay $0x3  }
0x36: {  	p1 =	seq.s32 s10, $0x1;
	s10 =	sld [smem:$0x3FB3];
	_ =	sdelay $0x3  }
0x37: {  	[smem:$0x3FB3] =	sst s10  }
0x38: {  	s10 =	sld [smem:$0x3FB4]  }
0x39: {  	_ = 	snop;
	(pc) =	sbr.ind lr, $3  }
0x3a: {  	_ = 	snop  }
0x3b: {  	_ = 	snop  }
0x3c: {  	p2 =	seq.s32 s10, $0x1;
	s10 =	sld [smem:$0x3FB3]  }
0x3d: {  	_ =	shalt  }
0x3e: {  	_ =	shalt  }
0x3f: {  	_ =	shalt  }
0x40: {  	_ =	shalt  }
0x41: {  	_ =	shalt  }
0x42: {  	_ =	shalt  }
0x43: {  	_ =	shalt  }
0x44: {  	_ =	shalt  }
0x45: {  	_ =	shalt  }
0x46: {  	_ =	shalt  }
0x47: {  	_ =	shalt  }
0x48: {  	_ =	shalt  }
0x49: {  	_ =	shalt  }
0x4a: {  	_ =	shalt  }
0x4b: {  	_ =	shalt  }
0x4c: {  	_ =	shalt  }
0x4d: {  	_ =	shalt  }
0x4e: {  	_ =	shalt  }
0x4f: {  	_ =	shalt  }
0x50: {  	_ =	shalt  }
0x51: {  	_ =	shalt  }
0x52: {  	_ =	shalt  }
0x53: {  	_ =	shalt  }
0x54: {  	_ =	shalt  }
0x55: {  	_ =	shalt  }
0x56: {  	_ =	shalt  }
0x57: {  	_ =	shalt  }
0x58: {  	_ =	shalt  }
0x59: {  	_ =	shalt  }
0x5a: {  	_ =	shalt  }
0x5b: {  	_ =	shalt  }
0x5c: {  	_ =	shalt  }
0x5d: {  	_ =	shalt  }
0x5e: {  	_ =	shalt  }
0x5f: {  	_ =	shalt  }
0x60: {  	_ =	shalt  }
0x61: {  	_ =	shalt  }
0x62: {  	_ =	shalt  }
0x63: {  	_ =	shalt  }
0x64: {  	_ =	shalt  }
0x65: {  	_ =	shalt  }
0x66: {  	_ =	shalt  }
0x67: {  	_ =	shalt  }
0x68: {  	_ =	shalt  }
0x69: {  	_ =	shalt  }
0x6a: {  	_ =	shalt  }
0x6b: {  	_ =	shalt  }
0x6c: {  	_ =	shalt  }
0x6d: {  	_ =	shalt  }
0x6e: {  	_ =	shalt  }
0x6f: {  	_ =	shalt  }
0x70: {  	_ =	shalt  }
0x71: {  	_ =	shalt  }
0x72: {  	_ =	shalt  }
0x73: {  	_ =	shalt  }
0x74: {  	_ =	shalt  }
0x75: {  	_ =	shalt  }
0x76: {  	_ =	shalt  }
0x77: {  	_ =	shalt  }
0x78: {  	_ =	shalt  }
0x79: {  	_ =	shalt  }
0x7a: {  	_ =	shalt  }
0x7b: {  	_ =	shalt  }
0x7c: {  	_ =	shalt  }
0x7d: {  	_ =	shalt  }
0x7e: {  	_ =	shalt  }
0x7f: {  	_ =	shalt  }
0x80: {  	_ =	shalt  }
0x81: {  	_ =	shalt  }
0x82: {  	_ =	shalt  }
0x83: {  	_ =	shalt  }
0x84: {  	_ =	shalt  }
0x85: {  	_ =	shalt  }
0x86: {  	_ =	shalt  }
0x87: {  	_ =	shalt  }
.Lfunc_end0:
.L_simem_size_0:
called_computation_lowered:
.L_overlay_start_0:
0x88: {  	s2 =	sld [smem:$0x3FD9]  }
0x89: {  	s3 =	sld [smem:$0x3FFE];
	_ =	sdelay $0x1  }
0x8a: {  	s1 =	srdreg.scid  }
0x8b: {  	s0 =	sand.u32 $0x1, s1  }
0x8c: {  	s17 =	sshll.u32 s0, $0xA;
	s2 =	sadd.s32 s3, s2  }
0x8d: {  	s2 =	sadd.s32 s2, s17  }
0x8e: {  	[smem:$0x3FBF] =	sst s2  }
0x8f: {  	_ = 	snop  }
0x90: {  	s2 =	sld [smem:$0x3FD0];
	(tm) =	ssettm $0x1  }
0x91: {  	s18 =	sld [smem:$0x3FFB];
	_ =	sdelay $0x3  }
0x92: {  	_ =	strace s18  }
0x93: {  	s3 =	sld [smem:$0x3FFC];
	_ =	sdelay $0x3  }
0x94: {  	_ =	strace s3  }
0x95: {  	s3 =	sld [smem:$0x3FFD];
	_ =	sdelay $0x3  }
0x96: {  	_ =	strace s3  }
0x97: {  	_ =	strace $0x8FFFFFFF  }
0x98: {  	s19 =	sld [smem:$0x3FDB];
	_ =	sdelay $0x1  }
0x99: {  	s4 =	simm.s32 $_scs_section_size  }
0x9a: {  	s5 =	simm.s32 $_size__tile_overlayer_lowered;
	s6 =	simm.s32 $_tile_overlayer_lowered  }
0x9b: {  	s22 =	simm.s32 $0x1BFF;
	s21 =	sshll.u32 s6, $0x1;
	s3 =	sadd.s32 s4, s19  }
0x9c: {  	s7 =	simm.s32 $0x0;
	s20 =	sshll.u32 s5, $0x1;
	s5 =	sadd.s32 s21, s3  }
0x9d: {  	[timem:s7], [sflag:s22] =	dma.local [hbm:s5], s20  }
0x9e: {  	_ =	swait.ge [sflag:s22], s20  }
0x9f: {  	s4 =	ssub.s32 $0x0, s20;
	[sflag:s22] =	ssyncset.done $0x0  }
0xa0: {  	[sflag:s22] =	ssyncadd.s32 s4;
	_ =	sdelay $0x1  }
0xa1: {  	s23 =	simm.s32 $0x1B8B  }
0xa2: {  	_ =	swait.ge [sflag:s23], $0x1  }
0xa3: {  	[sflag:s23] =	ssyncset.done $0x0  }
0xa4: {  	s25 =	simm.s32 $0x1B8E;
	s24 =	sld [smem:$0x3FFE];
	[sflag:s23] =	ssyncadd.s32 $0xFFFFFFFF  }
0xa5: {  	s26 =	simm.s32 $execute0_lowered;
	[smem:$0x3FD2] =	sst s25  }
0xa6: {  	s5 =	sshll.u32 s26, $0x1;
	_ =	strace $0x80000046;
	[dreg:$0x1] =	wrdreg $0xFFFFFFFF  }
0xa7: {  	s28 =	simm.s32 $_size_execute0_lowered;
	s3 =	sadd.s32 s3, s5;
	[dreg:$0x0] =	wrdreg $0x0  }
0xa8: {  	s5 =	sshll.u32 s28, $0x1;
	[dreg:$0x2] =	wrdreg s3  }
0xa9: {  	[dreg:$0x3] =	wrdreg s5  }
0xaa: {  	[dreg:$0x4] =	wrdreg $0xC0  }
0xab: {  	_ =	task [dreg:s7], $0x5FFFF  }
0xac: {  	[dreg:$0x1] =	wrdreg $0xFFFFFFFF  }
0xad: {  	[dreg:$0x0] =	wrdreg $0x60  }
0xae: {  	[dreg:$0x2] =	wrdreg s24  }
0xaf: {  	[dreg:$0x3] =	wrdreg s2  }
0xb0: {  	[dreg:$0x4] =	wrdreg $0x9  }
0xb1: {  	_ =	task.clear_ibuf [dreg:s7], $0x5FFFF;
	_ =	strace $0x90000046  }
0xb2: {  	s29 =	simm.s32 $0x9;
	_ =	strace $0x80000048  }
0xb3: {  	_ =	swait.ge [sflag:s29], $0x1  }
0xb4: {  	[sflag:s29] =	ssyncadd.s32 $0xFFFFFFFF  }
0xb5: {  	_ =	strace $0x90000048  }
0xb6: {  	_ =	sfence  }
0xb7: {  	s30 =	sld [smem:$0x0];
	_ =	sdelay $0x2  }
0xb8: {  	s31 =	sshll.u32 s1, $0xD;
	s1 =	sshrl.u32 s1, $0x2  }
0xb9: {  	s3 =	sand.u32 $0x4000, s31;
	s1 =	sadd.s32 s1, s30  }
0xba: {  	s0 =	sor.u32 s3, s0;
	s1 =	sshll.u32 s1, $0x11  }
0xbb: {  	s0 =	sor.u32 s1, s0  }
0xbc: {  	s0 =	sadd.s32 $0x8F2B, s0  }
0xbd: {  	[sflag:s0] =	ssyncadd.remote.s32 $0x1  }
0xbe: {  	_ =	sfence.sel $0xFFFF  }
0xbf: {  	[dreg:$0x0] =	wrdreg $0xFFFFFFFF;
	(pc) =	sbr.abs _section_cstart, $3  }
0xc0: {  	[dreg:$0x1] =	wrdreg $0xFFFFFFFF  }
0xc1: {  	_ =	task.clear_ibuf [dreg:s7], $0x2FFFF;
	_ =	strace $0x9FFFFFFF  }
0xc2: {  	(tm) =	ssettm $0x7FFFFFFF  }
0xc3: {  	_ =	shalt  }
tec
execute0_lowered:
.L_overlay_start_1:
0x0: {  	(tag) =	ssettag $0x1  }
0x1: {  	s1 =	srdreg.scid;
	s3 =	rddreg [dreg:$0x0]  }
0x2: {  	s0 =	stileid.u32;
	s5 =	rddreg [dreg:$0x1];
	s2 =	simm.s32 $0x0  }
0x3: {  	s9 =	simm.s32 $0x6400;
	s10 =	simm.s32 $0xC800;
	s11 =	simm.s32 $0x68  }
0x4: {  	s12 =	simm.s32 $0xD400;
	s13 =	simm.s32 $0x1;
	s14 =	simm.s32 $0x2  }
0x5: {  	s15 =	simm.s32 $0xE100;
	s16 =	simm.s32 $0x0;
	s4 =	sand.u32 $0x1, s1  }
0x6: {  	s6 =	sshll.u32 s0, $0x8;
	s1 =	rddreg [dreg:$0x2];
	s7 =	sshll.u32 s4, $0x7  }
0x7: {  	[smem:$0x7FF] =	sst s2;
	s4 =	ssub.s32 $0x2, s4;
	s6 =	sor.u32 s7, s6  }
0x8: {  	s8 =	sshrl.u32 s4, $0x1;
	s7 =	smul.u32 $0x19, s6;
	s6 =	sshll.u32 s6, $0x2  }
0x9: {  	_ =	strace $0x80000047;
	s8 =	ssub.s32 s4, s8;
	s5 =	sadd.s32 s5, s6  }
0xa: {  	s6 =	smax.u32 s8, $0x1;
	s8 =	simm.s32 $0x60;
	s7 =	sadd.s32 s7, s3  }
0xb: {  	s3 =	sadd.s32 $0x1A200, s3;
	s4 =	sadd.s32 $0x1200, s7;
	s7 =	simm.s32 $0x3  }
.LBB2_1:
0xc: {  	[tilespmem:s2], [sflag:$0x3] =	stream.linear.gather [hbm4b:s4+s2], $0x6400, $0x38;
	[tilespmem:$0xF100] =	vst v63  }
0xd: {  	_ =	swait.ge [sflag:s7], $0x6400  }
0xe: {  	[sflag:s7] =	ssyncset.done $0x0  }
0xf: {  	s17 =	simm.s32 $0x0;
	[sflag:s7] =	ssyncadd.s32 $0xFFFF9C00  }
0x10: {  	v0 =	vld [tilespmem:s17+$0xB0]  }
0x11: {  	v1 =	vld [tilespmem:s17+$0xB8]  }
0x12: {  	v2 =	vld [tilespmem:s17+$0x0]  }
0x13: {  	v3 =	vld [tilespmem:s17+$0x10]  }
0x14: {  	v4 =	vld [tilespmem:s17+$0x20]  }
0x15: {  	v5 =	vld [tilespmem:s17+$0x30]  }
0x16: {  	v6 =	vld [tilespmem:s17+$0x40]  }
0x17: {  	v11 =	vld [tilespmem:s17+$0x60]  }
0x18: {  	v16 =	vld [tilespmem:s17+$0xA0]  }
0x19: {  	v7 =	vand.u32 $0xFFFFFE00, v0  }
0x1a: {  	v9 =	vld [tilespmem:s17+$0x50];
	v8 =	vshll.u32 v0, $0x2;
	v0 =	vshrl.u32 v0, $0x7;
	v10 =	vand.u32 $0xFFFFFE00, v1  }
0x1b: {  	v12 =	vshll.u32 v1, $0x2;
	v1 =	vshrl.u32 v1, $0x7;
	v13 =	vshll.u32 v4, $0x2  }
0x1c: {  	v14 =	vshll.u32 v5, $0x2;
	v15 =	vshll.u32 v6, $0x2;
	v17 =	vshll.u32 v11, $0x2  }
0x1d: {  	v20 =	vand.u32 $0xFFFFFE00, v2;
	v22 =	vshll.u32 v16, $0x2;
	v23 =	vand.u32 $0xFFFFFE00, v3  }
0x1e: {  	v24 =	vshrl.u32 v3, $0x7;
	v25 =	vshrl.u32 v4, $0x7;
	v26 =	vshrl.u32 v5, $0x7  }
0x1f: {  	v27 =	vshrl.u32 v6, $0x7;
	v28 =	vshrl.u32 v9, $0x7;
	v29 =	vand.u32 $0xFFFFFE00, v11  }
0x20: {  	v11 =	vshrl.u32 v11, $0x7;
	v35 =	vand.u32 $0xFFFFFE00, v16;
	v36 =	vshrl.u32 v16, $0x7  }
0x21: {  	v8 =	vand.u32 $0x1FC, v8;
	v0 =	vand.u32 $0x3, v0;
	v12 =	vand.u32 $0x1FC, v12  }
0x22: {  	v1 =	vand.u32 $0x3, v1;
	v13 =	vand.u32 $0x1FC, v13;
	v14 =	vand.u32 $0x1FC, v14  }
0x23: {  	v15 =	vand.u32 $0x1FC, v15;
	v17 =	vand.u32 $0x1FC, v17;
	v16 =	vand.u32 $0x3, v26  }
0x24: {  	v7 =	vor.u32 v7, v8;
	v10 =	vor.u32 v10, v12;
	v12 =	vshll.u32 v3, $0x2  }
0x25: {  	v3 =	vand.u32 $0x1FC, v22;
	v22 =	vand.u32 $0xFFFFFE00, v4;
	v4 =	vand.u32 $0xFFFFFE00, v5  }
0x26: {  	v8 =	vld [tilespmem:s17+$0x70];
	v5 =	vand.u32 $0xFFFFFE00, v6;
	v6 =	vand.u32 $0xFFFFFE00, v9;
	v0 =	vor.u32 v0, v7  }
0x27: {  	v7 =	vld [tilespmem:s17+$0x80];
	v1 =	vor.u32 v1, v10;
	v3 =	vor.u32 v35, v3;
	[tilespmem:s17+$0x64B0] =	vst v0;
	v0 =	vshll.u32 v2, $0x2  }
0x28: {  	v10 =	vld [tilespmem:s17+$0x90];
	v2 =	vshrl.u32 v2, $0x7;
	[tilespmem:s17+$0x64B8] =	vst v1;
	v0 =	vand.u32 $0x1FC, v0;
	v1 =	vand.u32 $0x1FC, v12  }
0x29: {  	v12 =	vshll.u32 v9, $0x2;
	v9 =	vor.u32 v4, v14;
	v14 =	vand.u32 $0x3, v28  }
0x2a: {  	v12 =	vand.u32 $0x1FC, v12;
	v20 =	vor.u32 v20, v0;
	v23 =	vor.u32 v23, v1  }
0x2b: {  	v18 =	vshll.u32 v8, $0x2;
	v30 =	vand.u32 $0xFFFFFE00, v8;
	v31 =	vshrl.u32 v8, $0x7  }
0x2c: {  	v4 =	vor.u32 v6, v12;
	v18 =	vand.u32 $0x1FC, v18;
	v19 =	vshll.u32 v7, $0x2  }
0x2d: {  	v21 =	vshll.u32 v10, $0x2;
	v8 =	vand.u32 $0xFFFFFE00, v7;
	v32 =	vshrl.u32 v7, $0x7  }
0x2e: {  	v33 =	vand.u32 $0xFFFFFE00, v10;
	v34 =	vshrl.u32 v10, $0x7;
	v10 =	vor.u32 v22, v13  }
0x2f: {  	v7 =	vor.u32 v5, v15;
	v5 =	vor.u32 v29, v17;
	v22 =	vand.u32 $0x3, v24  }
0x30: {  	v17 =	vand.u32 $0x3, v27;
	v13 =	vand.u32 $0x3, v11;
	v15 =	vand.u32 $0x3, v31  }
0x31: {  	v19 =	vand.u32 $0x1FC, v19;
	v21 =	vand.u32 $0x1FC, v21;
	v6 =	vor.u32 v30, v18  }
0x32: {  	s18 =	simm.s32 $0xC8;
	v18 =	vand.u32 $0x3, v25;
	v11 =	vand.u32 $0x3, v32;
	v12 =	vand.u32 $0x3, v34  }
0x33: {  	v0 =	vor.u32 v8, v19;
	v19 =	vand.u32 $0x3, v2;
	v2 =	vor.u32 v33, v21;
	v8 =	vld [tilespmem:s18+$0xB0]  }
0x34: {  	s19 =	simm.s32 $0x640;
	v1 =	vld [tilespmem:s18+$0xB8];
	v21 =	vor.u32 v19, v20;
	v20 =	vor.u32 v22, v23;
	v19 =	vand.u32 $0x3, v36  }
.LBB2_2:
0x35: {  	p0 =	sne.s32 s19, $0x18CE0;
	v22 =	vld [tilespmem:s18+$0x0];
	[tilespmem:s17+$0x6400] =	vst v21;
	v10 =	vor.u32 v18, v10;
	v9 =	vor.u32 v16, v9;
	v7 =	vor.u32 v17, v7  }
0x36: {  	v4 =	vor.u32 v14, v4;
	v5 =	vor.u32 v13, v5;
	v6 =	vor.u32 v15, v6;
	v16 =	vld [tilespmem:s18+$0x10];
	[tilespmem:s17+$0x6410] =	vst v20  }
0x37: {  	v0 =	vor.u32 v11, v0;
	v2 =	vor.u32 v12, v2;
	v3 =	vor.u32 v19, v3;
	v13 =	vld [tilespmem:s18+$0x20];
	[tilespmem:s17+$0x6420] =	vst v10  }
0x38: {  	v10 =	vld [tilespmem:s18+$0x30];
	v11 =	vand.u32 $0xFFFFFE00, v8;
	[tilespmem:s17+$0x6430] =	vst v9  }
0x39: {  	v12 =	vshll.u32 v8, $0x2;
	v8 =	vshrl.u32 v8, $0x7;
	v9 =	vld [tilespmem:s18+$0x40];
	v14 =	vand.u32 $0xFFFFFE00, v1;
	[tilespmem:s17+$0x6440] =	vst v7  }
0x3a: {  	v12 =	vand.u32 $0x1FC, v12;
	v15 =	vshll.u32 v1, $0x2;
	v1 =	vshrl.u32 v1, $0x7;
	v7 =	vld [tilespmem:s18+$0x50];
	[tilespmem:s17+$0x6450] =	vst v4  }
0x3b: {  	v8 =	vand.u32 $0x3, v8;
	v11 =	vor.u32 v11, v12;
	v12 =	vand.u32 $0x1FC, v15;
	v4 =	vld [tilespmem:s18+$0x60];
	[tilespmem:s17+$0x6460] =	vst v5  }
0x3c: {  	v1 =	vand.u32 $0x3, v1;
	v8 =	vor.u32 v8, v11;
	v11 =	vor.u32 v14, v12;
	v5 =	vld [tilespmem:s18+$0x70];
	[tilespmem:s17+$0x6470] =	vst v6  }
0x3d: {  	v12 =	vshll.u32 v16, $0x2;
	v6 =	vshll.u32 v22, $0x2;
	v1 =	vor.u32 v1, v11;
	v14 =	vld [tilespmem:s18+$0x80];
	[tilespmem:s18+$0x64B0] =	vst v8  }
0x3e: {  	v8 =	vshll.u32 v13, $0x2;
	v11 =	vshll.u32 v10, $0x2;
	v15 =	vshll.u32 v9, $0x2;
	v17 =	vld [tilespmem:s18+$0x90];
	[tilespmem:s18+$0x64B8] =	vst v1  }
0x3f: {  	v1 =	vand.u32 $0x1FC, v6;
	v6 =	vand.u32 $0x1FC, v12;
	v12 =	vshll.u32 v7, $0x2;
	v18 =	vld [tilespmem:s18+$0xA0];
	[tilespmem:s17+$0x6480] =	vst v0  }
0x40: {  	v0 =	vand.u32 $0x1FC, v8;
	v8 =	vand.u32 $0x1FC, v11;
	v11 =	vshll.u32 v4, $0x2;
	[tilespmem:s17+$0x6490] =	vst v2  }
0x41: {  	v2 =	vand.u32 $0x1FC, v15;
	v12 =	vand.u32 $0x1FC, v12;
	v15 =	vshll.u32 v5, $0x2;
	[tilespmem:s17+$0x64A0] =	vst v3;
	s17 =	smov.u32 s18  }
0x42: {  	v3 =	vand.u32 $0x1FC, v11;
	v11 =	vand.u32 $0x1FC, v15;
	v15 =	vshll.u32 v14, $0x2  }
0x43: {  	v19 =	vand.u32 $0xFFFFFE00, v22;
	v15 =	vand.u32 $0x1FC, v15;
	v20 =	vshll.u32 v17, $0x2  }
0x44: {  	v21 =	vshrl.u32 v22, $0x7;
	v20 =	vand.u32 $0x1FC, v20;
	v22 =	vshll.u32 v18, $0x2  }
0x45: {  	v23 =	vand.u32 $0xFFFFFE00, v16;
	v16 =	vshrl.u32 v16, $0x7;
	v22 =	vand.u32 $0x1FC, v22  }
0x46: {  	v24 =	vand.u32 $0xFFFFFE00, v13;
	v13 =	vshrl.u32 v13, $0x7;
	v25 =	vand.u32 $0xFFFFFE00, v10  }
0x47: {  	v26 =	vshrl.u32 v10, $0x7;
	v27 =	vand.u32 $0xFFFFFE00, v9;
	v28 =	vshrl.u32 v9, $0x7  }
0x48: {  	v29 =	vand.u32 $0xFFFFFE00, v7;
	v30 =	vshrl.u32 v7, $0x7;
	v31 =	vand.u32 $0xFFFFFE00, v4  }
0x49: {  	v32 =	vshrl.u32 v4, $0x7;
	v33 =	vand.u32 $0xFFFFFE00, v5;
	v34 =	vshrl.u32 v5, $0x7  }
0x4a: {  	v35 =	vand.u32 $0xFFFFFE00, v14;
	v36 =	vshrl.u32 v14, $0x7;
	v14 =	vand.u32 $0xFFFFFE00, v17  }
0x4b: {  	v37 =	vshrl.u32 v17, $0x7;
	v17 =	vand.u32 $0xFFFFFE00, v18;
	v38 =	vshrl.u32 v18, $0x7  }
0x4c: {  	v19 =	vor.u32 v19, v1;
	v23 =	vor.u32 v23, v6;
	v10 =	vor.u32 v24, v0  }
0x4d: {  	v9 =	vor.u32 v25, v8;
	v7 =	vor.u32 v27, v2;
	v4 =	vor.u32 v29, v12  }
0x4e: {  	v5 =	vor.u32 v31, v3;
	v6 =	vor.u32 v33, v11;
	v0 =	vor.u32 v35, v15  }
.Ltmp0:
0x4f: {  	v21 =	vand.u32 $0x3, v21;
	v2 =	vor.u32 v14, v20;
	v3 =	vor.u32 v17, v22;
	(pc) =	sbr.rel @p0 .LBB2_2-.Ltmp0, $4  }
0x50: {  	v18 =	vand.u32 $0x3, v13;
	v20 =	vand.u32 $0x3, v16;
	v16 =	vand.u32 $0x3, v26  }
0x51: {  	s18 =	sshra.s32 s19, $0x2;
	v13 =	vand.u32 $0x3, v32;
	v14 =	vand.u32 $0x3, v30;
	v17 =	vand.u32 $0x3, v28  }
0x52: {  	v11 =	vand.u32 $0x3, v36;
	v15 =	vand.u32 $0x3, v34;
	v12 =	vand.u32 $0x3, v37;
	v8 =	vld [tilespmem:s18+$0xB0]  }
0x53: {  	v21 =	vor.u32 v21, v19;
	s19 =	sadd.s32 $0x320, s19;
	v19 =	vand.u32 $0x3, v38;
	v20 =	vor.u32 v20, v23;
	v1 =	vld [tilespmem:s18+$0xB8]  }
0x54: {  	v10 =	vor.u32 v18, v10;
	v9 =	vor.u32 v16, v9;
	v7 =	vor.u32 v17, v7  }
0x55: {  	v22 =	vld [tilespmem:s18+$0x0];
	v4 =	vor.u32 v14, v4;
	v5 =	vor.u32 v13, v5;
	v6 =	vor.u32 v15, v6  }
0x56: {  	[tilespmem:s17+$0x6400] =	vst v21;
	v0 =	vor.u32 v11, v0;
	v2 =	vor.u32 v12, v2;
	v3 =	vor.u32 v19, v3  }
0x57: {  	v21 =	vld [tilespmem:s18+$0x10];
	[tilespmem:s17+$0x6410] =	vst v20;
	v54 =	vand.u32 $0xFFFFFE00, v8;
	v55 =	vshll.u32 v8, $0x2;
	v56 =	vshrl.u32 v8, $0x7  }
0x58: {  	v53 =	vld [tilespmem:s18+$0x20];
	[tilespmem:s17+$0x6420] =	vst v10;
	v57 =	vand.u32 $0xFFFFFE00, v1;
	v12 =	vand.u32 $0x1FC, v55;
	v58 =	vshll.u32 v1, $0x2  }
0x59: {  	v10 =	vld [tilespmem:s18+$0x30];
	[tilespmem:s17+$0x6430] =	vst v9;
	v8 =	vand.u32 $0x3, v56;
	v61 =	vshrl.u32 v1, $0x7;
	v11 =	vor.u32 v54, v12  }
0x5a: {  	v9 =	vld [tilespmem:s18+$0x40];
	[tilespmem:s17+$0x6440] =	vst v7;
	v60 =	vand.u32 $0x1FC, v58;
	v1 =	vand.u32 $0x3, v61;
	v32 =	vshll.u32 v22, $0x2  }
0x5b: {  	v7 =	vld [tilespmem:s18+$0x50];
	[tilespmem:s17+$0x6450] =	vst v4;
	v23 =	vand.u32 $0xFFFFFE00, v22;
	v22 =	vshrl.u32 v22, $0x7;
	v62 =	vor.u32 v8, v11  }
0x5c: {  	v4 =	vld [tilespmem:s18+$0x60];
	[tilespmem:s17+$0x6460] =	vst v5;
	v5 =	vor.u32 v57, v60;
	v33 =	vshll.u32 v21, $0x2;
	v38 =	vand.u32 $0x1FC, v32  }
0x5d: {  	v26 =	vand.u32 $0xFFFFFE00, v21;
	v21 =	vshrl.u32 v21, $0x7;
	v22 =	vand.u32 $0x3, v22  }
0x5e: {  	v1 =	vor.u32 v1, v5;
	v34 =	vshll.u32 v53, $0x2;
	v39 =	vand.u32 $0x1FC, v33  }
0x5f: {  	v27 =	vand.u32 $0xFFFFFE00, v53;
	v18 =	vshrl.u32 v53, $0x7;
	v45 =	vor.u32 v23, v38  }
0x60: {  	v49 =	vand.u32 $0x3, v21;
	v35 =	vshll.u32 v10, $0x2;
	v5 =	vand.u32 $0x1FC, v34  }
0x61: {  	v28 =	vand.u32 $0xFFFFFE00, v10;
	v10 =	vshrl.u32 v10, $0x7;
	v48 =	vor.u32 v26, v39  }
0x62: {  	v59 =	vld [tilespmem:s18+$0x70];
	[tilespmem:s17+$0x6470] =	vst v6;
	v18 =	vand.u32 $0x3, v18;
	v37 =	vshll.u32 v9, $0x2;
	v6 =	vand.u32 $0x1FC, v35  }
0x63: {  	v63 =	vld [tilespmem:s18+$0x80];
	[tilespmem:s18+$0x64B0] =	vst v62;
	v29 =	vand.u32 $0xFFFFFE00, v9;
	v9 =	vshrl.u32 v9, $0x7;
	v5 =	vor.u32 v27, v5  }
0x64: {  	v36 =	vld [tilespmem:s18+$0x90];
	[tilespmem:s18+$0x64B8] =	vst v1;
	v51 =	vand.u32 $0x3, v10;
	v40 =	vshll.u32 v7, $0x2;
	v15 =	vand.u32 $0x1FC, v37  }
0x65: {  	v41 =	vld [tilespmem:s18+$0xA0];
	v30 =	vand.u32 $0xFFFFFE00, v7;
	v7 =	vshrl.u32 v7, $0x7;
	[tilespmem:s17+$0x6480] =	vst v0;
	v0 =	vor.u32 v22, v45  }
0x66: {  	[tilespmem:s17+$0x64A0] =	vst v3;
	v3 =	vor.u32 v49, v48;
	v50 =	vor.u32 v28, v6;
	v5 =	vor.u32 v18, v5  }
0x67: {  	v9 =	vand.u32 $0x3, v9;
	v42 =	vshll.u32 v4, $0x2;
	v12 =	vand.u32 $0x1FC, v40  }
0x68: {  	[tilespmem:s17+$0x6490] =	vst v2;
	v31 =	vand.u32 $0xFFFFFE00, v4;
	v4 =	vshrl.u32 v4, $0x7;
	v52 =	vor.u32 v29, v15  }
0x69: {  	[tilespmem:s18+$0x6400] =	vst v0;
	v0 =	vor.u32 v51, v50;
	v54 =	vand.u32 $0x3, v7;
	v43 =	vshll.u32 v59, $0x2  }
0x6a: {  	v17 =	vand.u32 $0x1FC, v42;
	v32 =	vand.u32 $0xFFFFFE00, v59;
	v14 =	vshrl.u32 v59, $0x7  }
0x6b: {  	[tilespmem:s18+$0x6410] =	vst v3;
	v53 =	vor.u32 v30, v12;
	v3 =	vor.u32 v9, v52;
	v4 =	vand.u32 $0x3, v4  }
0x6c: {  	v19 =	vand.u32 $0x1FC, v43;
	v44 =	vshll.u32 v63, $0x2;
	v24 =	vshll.u32 v36, $0x2  }
0x6d: {  	v25 =	vshll.u32 v41, $0x2;
	v33 =	vand.u32 $0xFFFFFE00, v63;
	v8 =	vshrl.u32 v63, $0x7  }
0x6e: {  	[tilespmem:s18+$0x6420] =	vst v5;
	v46 =	vand.u32 $0xFFFFFE00, v36;
	v13 =	vshrl.u32 v36, $0x7;
	v47 =	vand.u32 $0xFFFFFE00, v41  }
0x6f: {  	[tilespmem:s18+$0x6430] =	vst v0;
	v16 =	vshrl.u32 v41, $0x7;
	v55 =	vor.u32 v31, v17;
	v5 =	vor.u32 v54, v53  }
0x70: {  	[tilespmem:s18+$0x6440] =	vst v3;
	v57 =	vand.u32 $0x3, v14;
	v20 =	vand.u32 $0x1FC, v44;
	v24 =	vand.u32 $0x1FC, v24  }
0x71: {  	v25 =	vand.u32 $0x1FC, v25;
	v56 =	vor.u32 v32, v19;
	v0 =	vor.u32 v4, v55;
	[tilespmem:s18+$0x6450] =	vst v5  }
0x72: {  	v59 =	vand.u32 $0x3, v8;
	v58 =	vor.u32 v33, v20;
	v3 =	vor.u32 v57, v56;
	[tilespmem:s18+$0x6460] =	vst v0  }
0x73: {  	v61 =	vand.u32 $0x3, v13;
	v60 =	vor.u32 v46, v24;
	v4 =	vor.u32 v59, v58;
	[tilespmem:s18+$0x6470] =	vst v3  }
0x74: {  	v62 =	vand.u32 $0x3, v16;
	v2 =	vor.u32 v47, v25;
	v0 =	vor.u32 v61, v60;
	[tilespmem:s18+$0x6480] =	vst v4  }
0x75: {  	v63 =	vor.u32 v62, v2;
	[tilespmem:s18+$0x6490] =	vst v0  }
0x76: {  	s17 =	simm.s32 $0x0;
	[tilespmem:s18+$0x64A0] =	vst v63;
	s18 =	simm.s32 $0x64C8  }
0x77: {  	[tilespmem:s10], [sflag:$0x1] =	stream.indirect.gather [hbm4b:s3+s8], $0x20, s9, s8, $0xb8;
	[tilespmem:$0xF100] =	vst v63  }
.LBB2_4:
0x78: {  	s19 =	sadd.s32 $0xFFFFFF98, s18  }
0x79: {  	[tilespmem:s12], [sflag:$0x2] =	stream.indirect.gather [hbm4b:s3+s11], $0x20, s19, s11, $0xb8;
	[tilespmem:$0xF100] =	vst v63  }
0x7a: {  	_ =	swait.ge [sflag:s13], $0xC00  }
0x7b: {  	[sflag:s13] =	ssyncset.done $0x0  }
0x7c: {  	[sflag:s13] =	ssyncadd.s32 $0xFFFFF400  }
0x7d: {  	v61 =	vld [tilespmem:$0xCBF0];
	_ =	sdelay $0x4  }
0x7e: {  	[tilespmem:$0x1F2E0] =	vst v61;
	v61 =	vld [tilespmem:$0xCC00];
	_ =	sdelay $0x4  }
0x7f: {  	[tilespmem:$0x1F2F0] =	vst v61;
	v61 =	vld [tilespmem:$0xCC10];
	_ =	sdelay $0x4  }
0x80: {  	[tilespmem:$0x1F300] =	vst v61;
	v61 =	vld [tilespmem:$0xCC20];
	_ =	sdelay $0x4  }
0x81: {  	[tilespmem:$0x1F310] =	vst v61;
	v61 =	vld [tilespmem:$0xCC30];
	_ =	sdelay $0x4  }
0x82: {  	[tilespmem:$0x1F320] =	vst v61;
	v61 =	vld [tilespmem:$0xCC40];
	_ =	sdelay $0x4  }
0x83: {  	[tilespmem:$0x1F330] =	vst v61;
	v61 =	vld [tilespmem:$0xCC50];
	_ =	sdelay $0x4  }
0x84: {  	[tilespmem:$0x1F340] =	vst v61;
	v61 =	vld [tilespmem:$0xCC60];
	_ =	sdelay $0x4  }
0x85: {  	[tilespmem:$0x1F350] =	vst v61;
	v61 =	vld [tilespmem:$0xCC70];
	_ =	sdelay $0x4  }
0x86: {  	[tilespmem:$0x1F360] =	vst v61;
	v61 =	vld [tilespmem:$0xCC80];
	_ =	sdelay $0x4  }
0x87: {  	[tilespmem:$0x1F370] =	vst v61;
	v61 =	vld [tilespmem:$0xCC90];
	_ =	sdelay $0x4  }
0x88: {  	[tilespmem:$0x1F380] =	vst v61;
	v61 =	vld [tilespmem:$0xCCA0];
	_ =	sdelay $0x4  }
0x89: {  	[tilespmem:$0x1F390] =	vst v61;
	v61 =	vld [tilespmem:$0xCCB0];
	_ =	sdelay $0x4  }
0x8a: {  	[tilespmem:$0x1F3A0] =	vst v61;
	v61 =	vld [tilespmem:$0xCCC0];
	_ =	sdelay $0x4  }
0x8b: {  	[tilespmem:$0x1F3B0] =	vst v61;
	v61 =	vld [tilespmem:$0xCCD0];
	_ =	sdelay $0x4  }
0x8c: {  	[tilespmem:$0x1F3C0] =	vst v61;
	v61 =	vld [tilespmem:$0xCCE0];
	_ =	sdelay $0x4  }
0x8d: {  	[tilespmem:$0x1F3D0] =	vst v61;
	v61 =	vld [tilespmem:$0xCCF0];
	_ =	sdelay $0x4  }
0x8e: {  	[tilespmem:$0x1F3E0] =	vst v61;
	v61 =	vld [tilespmem:$0xCD00];
	_ =	sdelay $0x4  }
0x8f: {  	[tilespmem:$0x1F3F0] =	vst v61;
	v61 =	vld [tilespmem:$0xCD10];
	_ =	sdelay $0x4  }
0x90: {  	[tilespmem:$0x1F400] =	vst v61;
	v61 =	vld [tilespmem:$0xCD20];
	_ =	sdelay $0x4  }
0x91: {  	[tilespmem:$0x1F410] =	vst v61;
	v61 =	vld [tilespmem:$0xCD30];
	_ =	sdelay $0x4  }
0x92: {  	[tilespmem:$0x1F420] =	vst v61;
	v61 =	vld [tilespmem:$0xCD40];
	_ =	sdelay $0x4  }
0x93: {  	[tilespmem:$0x1F430] =	vst v61;
	v61 =	vld [tilespmem:$0xCD50];
	_ =	sdelay $0x4  }
0x94: {  	[tilespmem:$0x1F440] =	vst v61;
	v61 =	vld [tilespmem:$0xCD60];
	_ =	sdelay $0x4  }
0x95: {  	[tilespmem:$0x1F450] =	vst v61;
	v61 =	vld [tilespmem:$0xCD70];
	_ =	sdelay $0x4  }
0x96: {  	[tilespmem:$0x1F460] =	vst v61;
	v61 =	vld [tilespmem:$0xCD80];
	_ =	sdelay $0x4  }
0x97: {  	[tilespmem:$0x1F470] =	vst v61;
	v61 =	vld [tilespmem:$0xCD90];
	_ =	sdelay $0x4  }
0x98: {  	[tilespmem:$0x1F480] =	vst v61;
	v61 =	vld [tilespmem:$0xCDA0];
	_ =	sdelay $0x4  }
0x99: {  	[tilespmem:$0x1F490] =	vst v61;
	v61 =	vld [tilespmem:$0xCDB0];
	_ =	sdelay $0x4  }
0x9a: {  	[tilespmem:$0x1F4A0] =	vst v61;
	v61 =	vld [tilespmem:$0xCDC0];
	_ =	sdelay $0x4  }
0x9b: {  	[tilespmem:$0x1F4B0] =	vst v61;
	v61 =	vld [tilespmem:$0xCDD0];
	_ =	sdelay $0x4  }
0x9c: {  	[tilespmem:$0x1F4C0] =	vst v61;
	v61 =	vld [tilespmem:$0xCDE0];
	_ =	sdelay $0x4  }
0x9d: {  	[tilespmem:$0x1F4D0] =	vst v61;
	v61 =	vld [tilespmem:$0xCDF0];
	_ =	sdelay $0x4  }
0x9e: {  	[tilespmem:$0x1F4E0] =	vst v61;
	v61 =	vld [tilespmem:$0xCE00];
	_ =	sdelay $0x4  }
0x9f: {  	[tilespmem:$0x1F4F0] =	vst v61;
	v61 =	vld [tilespmem:$0xCE10];
	_ =	sdelay $0x4  }
0xa0: {  	[tilespmem:$0x1F500] =	vst v61;
	v61 =	vld [tilespmem:$0xCE20];
	_ =	sdelay $0x4  }
0xa1: {  	[tilespmem:$0x1F510] =	vst v61;
	v61 =	vld [tilespmem:$0xCE30];
	_ =	sdelay $0x4  }
0xa2: {  	[tilespmem:$0x1F520] =	vst v61;
	v61 =	vld [tilespmem:$0xCE40];
	_ =	sdelay $0x4  }
0xa3: {  	[tilespmem:$0x1F530] =	vst v61;
	v61 =	vld [tilespmem:$0xCE50];
	_ =	sdelay $0x4  }
0xa4: {  	[tilespmem:$0x1F540] =	vst v61;
	v61 =	vld [tilespmem:$0xCE60];
	_ =	sdelay $0x4  }
0xa5: {  	[tilespmem:$0x1F550] =	vst v61;
	v61 =	vld [tilespmem:$0xCE70];
	_ =	sdelay $0x4  }
0xa6: {  	[tilespmem:$0x1F560] =	vst v61;
	v61 =	vld [tilespmem:$0xCE80];
	_ =	sdelay $0x4  }
0xa7: {  	[tilespmem:$0x1F570] =	vst v61;
	v61 =	vld [tilespmem:$0xCE90];
	_ =	sdelay $0x4  }
0xa8: {  	[tilespmem:$0x1F580] =	vst v61;
	v61 =	vld [tilespmem:$0xCEA0];
	_ =	sdelay $0x4  }
0xa9: {  	[tilespmem:$0x1F590] =	vst v61;
	v61 =	vld [tilespmem:$0xCEB0];
	_ =	sdelay $0x4  }
0xaa: {  	[tilespmem:$0x1F5A0] =	vst v61;
	v61 =	vld [tilespmem:$0xCEC0];
	_ =	sdelay $0x4  }
0xab: {  	[tilespmem:$0x1F5B0] =	vst v61;
	v61 =	vld [tilespmem:$0xCED0];
	_ =	sdelay $0x4  }
0xac: {  	[tilespmem:$0x1F5C0] =	vst v61;
	v61 =	vld [tilespmem:$0xCEE0];
	_ =	sdelay $0x4  }
0xad: {  	[tilespmem:$0x1F5D0] =	vst v61;
	v61 =	vld [tilespmem:$0xCEF0];
	_ =	sdelay $0x4  }
0xae: {  	[tilespmem:$0x1F5E0] =	vst v61;
	v61 =	vld [tilespmem:$0xCF00];
	_ =	sdelay $0x4  }
0xaf: {  	[tilespmem:$0x1F5F0] =	vst v61;
	v61 =	vld [tilespmem:$0xCF10];
	_ =	sdelay $0x4  }
0xb0: {  	[tilespmem:$0x1F600] =	vst v61;
	v61 =	vld [tilespmem:$0xCF20];
	_ =	sdelay $0x4  }
0xb1: {  	[tilespmem:$0x1F610] =	vst v61;
	v61 =	vld [tilespmem:$0xCF30];
	_ =	sdelay $0x4  }
0xb2: {  	[tilespmem:$0x1F620] =	vst v61;
	v61 =	vld [tilespmem:$0xCF40];
	_ =	sdelay $0x4  }
0xb3: {  	[tilespmem:$0x1F630] =	vst v61;
	v61 =	vld [tilespmem:$0xCF50];
	_ =	sdelay $0x4  }
0xb4: {  	[tilespmem:$0x1F640] =	vst v61;
	v61 =	vld [tilespmem:$0xCF60];
	_ =	sdelay $0x4  }
0xb5: {  	[tilespmem:$0x1F650] =	vst v61;
	v61 =	vld [tilespmem:$0xCF70];
	_ =	sdelay $0x4  }
0xb6: {  	[tilespmem:$0x1F660] =	vst v61;
	v61 =	vld [tilespmem:$0xCF80];
	_ =	sdelay $0x4  }
0xb7: {  	[tilespmem:$0x1F670] =	vst v61;
	v61 =	vld [tilespmem:$0xCF90];
	_ =	sdelay $0x4  }
0xb8: {  	[tilespmem:$0x1F680] =	vst v61;
	v61 =	vld [tilespmem:$0xCFA0];
	_ =	sdelay $0x4  }
0xb9: {  	[tilespmem:$0x1F690] =	vst v61;
	v61 =	vld [tilespmem:$0xCFB0];
	_ =	sdelay $0x4  }
0xba: {  	[tilespmem:$0x1F6A0] =	vst v61;
	v61 =	vld [tilespmem:$0xCFC0];
	_ =	sdelay $0x4  }
0xbb: {  	[tilespmem:$0x1F6B0] =	vst v61;
	v61 =	vld [tilespmem:$0xCFD0];
	_ =	sdelay $0x4  }
0xbc: {  	[tilespmem:$0x1F6C0] =	vst v61;
	v61 =	vld [tilespmem:$0xCFE0];
	_ =	sdelay $0x4  }
0xbd: {  	[tilespmem:$0x1F6D0] =	vst v61;
	v61 =	vld [tilespmem:$0xCFF0];
	_ =	sdelay $0x4  }
0xbe: {  	[tilespmem:$0x1F6E0] =	vst v61;
	v61 =	vld [tilespmem:$0xD000];
	_ =	sdelay $0x4  }
0xbf: {  	[tilespmem:$0x1F6F0] =	vst v61;
	v61 =	vld [tilespmem:$0xD010];
	_ =	sdelay $0x4  }
0xc0: {  	[tilespmem:$0x1F700] =	vst v61;
	v61 =	vld [tilespmem:$0xD020];
	_ =	sdelay $0x4  }
0xc1: {  	[tilespmem:$0x1F710] =	vst v61;
	v61 =	vld [tilespmem:$0xD030];
	_ =	sdelay $0x4  }
0xc2: {  	[tilespmem:$0x1F720] =	vst v61;
	v61 =	vld [tilespmem:$0xD040];
	_ =	sdelay $0x4  }
0xc3: {  	[tilespmem:$0x1F730] =	vst v61;
	v61 =	vld [tilespmem:$0xD050];
	_ =	sdelay $0x4  }
0xc4: {  	[tilespmem:$0x1F740] =	vst v61;
	v61 =	vld [tilespmem:$0xD060];
	_ =	sdelay $0x4  }
0xc5: {  	[tilespmem:$0x1F750] =	vst v61;
	v61 =	vld [tilespmem:$0xD070];
	_ =	sdelay $0x4  }
0xc6: {  	[tilespmem:$0x1F760] =	vst v61;
	v61 =	vld [tilespmem:$0xD080];
	_ =	sdelay $0x4  }
0xc7: {  	[tilespmem:$0x1F770] =	vst v61;
	v61 =	vld [tilespmem:$0xD090];
	_ =	sdelay $0x4  }
0xc8: {  	[tilespmem:$0x1F780] =	vst v61;
	v61 =	vld [tilespmem:$0xD0A0];
	_ =	sdelay $0x4  }
0xc9: {  	[tilespmem:$0x1F790] =	vst v61;
	v61 =	vld [tilespmem:$0xD0B0];
	_ =	sdelay $0x4  }
0xca: {  	[tilespmem:$0x1F7A0] =	vst v61;
	v61 =	vld [tilespmem:$0xD0C0];
	_ =	sdelay $0x4  }
0xcb: {  	[tilespmem:$0x1F7B0] =	vst v61;
	v61 =	vld [tilespmem:$0xD0D0];
	_ =	sdelay $0x4  }
0xcc: {  	[tilespmem:$0x1F7C0] =	vst v61;
	v61 =	vld [tilespmem:$0xD0E0];
	_ =	sdelay $0x4  }
0xcd: {  	[tilespmem:$0x1F7D0] =	vst v61;
	v61 =	vld [tilespmem:$0xD0F0];
	_ =	sdelay $0x4  }
0xce: {  	[tilespmem:$0x1F7E0] =	vst v61;
	v61 =	vld [tilespmem:$0xD100];
	_ =	sdelay $0x4  }
0xcf: {  	[tilespmem:$0x1F7F0] =	vst v61;
	v61 =	vld [tilespmem:$0xD110];
	_ =	sdelay $0x4  }
0xd0: {  	[tilespmem:$0x1F800] =	vst v61;
	v61 =	vld [tilespmem:$0xD120];
	_ =	sdelay $0x4  }
0xd1: {  	[tilespmem:$0x1F810] =	vst v61;
	v61 =	vld [tilespmem:$0xD130];
	_ =	sdelay $0x4  }
0xd2: {  	[tilespmem:$0x1F820] =	vst v61;
	v61 =	vld [tilespmem:$0xD140];
	_ =	sdelay $0x4  }
0xd3: {  	[tilespmem:$0x1F830] =	vst v61;
	v61 =	vld [tilespmem:$0xD150];
	_ =	sdelay $0x4  }
0xd4: {  	[tilespmem:$0x1F840] =	vst v61;
	v61 =	vld [tilespmem:$0xD160];
	_ =	sdelay $0x4  }
0xd5: {  	[tilespmem:$0x1F850] =	vst v61;
	v61 =	vld [tilespmem:$0xD170];
	_ =	sdelay $0x4  }
0xd6: {  	[tilespmem:$0x1F860] =	vst v61;
	v61 =	vld [tilespmem:$0xD180];
	_ =	sdelay $0x4  }
0xd7: {  	[tilespmem:$0x1F870] =	vst v61;
	v61 =	vld [tilespmem:$0xD190];
	_ =	sdelay $0x4  }
0xd8: {  	[tilespmem:$0x1F880] =	vst v61;
	v61 =	vld [tilespmem:$0xD1A0];
	_ =	sdelay $0x4  }
0xd9: {  	[tilespmem:$0x1F890] =	vst v61;
	v61 =	vld [tilespmem:$0xD1B0];
	_ =	sdelay $0x4  }
0xda: {  	[tilespmem:$0x1F8A0] =	vst v61;
	v61 =	vld [tilespmem:$0xD1C0];
	_ =	sdelay $0x4  }
0xdb: {  	[tilespmem:$0x1F8B0] =	vst v61;
	v61 =	vld [tilespmem:$0xD1D0];
	_ =	sdelay $0x4  }
0xdc: {  	[tilespmem:$0x1F8C0] =	vst v61;
	v61 =	vld [tilespmem:$0xD1E0];
	_ =	sdelay $0x4  }
0xdd: {  	[tilespmem:$0x1F8D0] =	vst v61;
	v61 =	vld [tilespmem:$0xD1F0];
	_ =	sdelay $0x4  }
0xde: {  	[tilespmem:$0x1F8E0] =	vst v61;
	v61 =	vld [tilespmem:$0xD200];
	_ =	sdelay $0x4  }
0xdf: {  	[tilespmem:$0x1F8F0] =	vst v61;
	v61 =	vld [tilespmem:$0xD210];
	_ =	sdelay $0x4  }
0xe0: {  	[tilespmem:$0x1F900] =	vst v61;
	v61 =	vld [tilespmem:$0xD220];
	_ =	sdelay $0x4  }
0xe1: {  	[tilespmem:$0x1F910] =	vst v61;
	v61 =	vld [tilespmem:$0xD230];
	_ =	sdelay $0x4  }
0xe2: {  	[tilespmem:$0x1F920] =	vst v61;
	v61 =	vld [tilespmem:$0xD240];
	_ =	sdelay $0x4  }
0xe3: {  	[tilespmem:$0x1F930] =	vst v61;
	v61 =	vld [tilespmem:$0xD250];
	_ =	sdelay $0x4  }
0xe4: {  	[tilespmem:$0x1F940] =	vst v61;
	v61 =	vld [tilespmem:$0xD260];
	_ =	sdelay $0x4  }
0xe5: {  	[tilespmem:$0x1F950] =	vst v61;
	v61 =	vld [tilespmem:$0xD270];
	_ =	sdelay $0x4  }
0xe6: {  	[tilespmem:$0x1F960] =	vst v61;
	v61 =	vld [tilespmem:$0xD280];
	_ =	sdelay $0x4  }
0xe7: {  	[tilespmem:$0x1F970] =	vst v61;
	v61 =	vld [tilespmem:$0xD290];
	_ =	sdelay $0x4  }
0xe8: {  	[tilespmem:$0x1F980] =	vst v61;
	v61 =	vld [tilespmem:$0xD2A0];
	_ =	sdelay $0x4  }
0xe9: {  	[tilespmem:$0x1F990] =	vst v61;
	v61 =	vld [tilespmem:$0xD2B0];
	_ =	sdelay $0x4  }
0xea: {  	[tilespmem:$0x1F9A0] =	vst v61;
	v61 =	vld [tilespmem:$0xD2C0];
	_ =	sdelay $0x4  }
0xeb: {  	[tilespmem:$0x1F9B0] =	vst v61;
	v61 =	vld [tilespmem:$0xD2D0];
	_ =	sdelay $0x4  }
0xec: {  	[tilespmem:$0x1F9C0] =	vst v61;
	v61 =	vld [tilespmem:$0xD2E0];
	_ =	sdelay $0x4  }
0xed: {  	[tilespmem:$0x1F9D0] =	vst v61;
	v61 =	vld [tilespmem:$0xD2F0];
	_ =	sdelay $0x4  }
0xee: {  	[tilespmem:$0x1F9E0] =	vst v61;
	v61 =	vld [tilespmem:$0xD300];
	_ =	sdelay $0x1  }
0xef: {  	v4 =	vld [tilespmem:$0xC800]  }
0xf0: {  	v5 =	vld [tilespmem:$0xC810]  }
0xf1: {  	v6 =	vld [tilespmem:$0xC820]  }
0xf2: {  	[tilespmem:$0x1F9F0] =	vst v61;
	v61 =	vld [tilespmem:$0xD310]  }
0xf3: {  	v7 =	vld [tilespmem:$0xC830]  }
0xf4: {  	v12 =	vld [tilespmem:$0xC840]  }
0xf5: {  	v13 =	vld [tilespmem:$0xC850]  }
0xf6: {  	v16 =	vld [tilespmem:$0xC860]  }
0xf7: {  	[tilespmem:$0x1FA00] =	vst v61;
	v61 =	vld [tilespmem:$0xD320]  }
0xf8: {  	v17 =	vld [tilespmem:$0xC870]  }
0xf9: {  	v0 =	vld [tilespmem:$0xC880]  }
0xfa: {  	v1 =	vld [tilespmem:$0xC890]  }
0xfb: {  	v2 =	vld [tilespmem:$0xC8A0]  }
0xfc: {  	[tilespmem:$0x1FA10] =	vst v61;
	v61 =	vld [tilespmem:$0xD330]  }
0xfd: {  	v3 =	vld [tilespmem:$0xC8B0]  }
0xfe: {  	v8 =	vld [tilespmem:$0xC8C0]  }
0xff: {  	v9 =	vld [tilespmem:$0xC8D0]  }
0x100: {  	v10 =	vld [tilespmem:$0xC8E0]  }
0x101: {  	[tilespmem:$0x1FA20] =	vst v61;
	v61 =	vld [tilespmem:$0xD340]  }
0x102: {  	v11 =	vld [tilespmem:$0xC8F0]  }
0x103: {  	v14 =	vld [tilespmem:$0xC900]  }
0x104: {  	v15 =	vld [tilespmem:$0xC910]  }
0x105: {  	v18 =	vld [tilespmem:$0xC920]  }
0x106: {  	[tilespmem:$0x1FA30] =	vst v61;
	v61 =	vld [tilespmem:$0xD350]  }
0x107: {  	v19 =	vld [tilespmem:$0xC930]  }
0x108: {  	v20 =	vld [tilespmem:$0xC940]  }
0x109: {  	v21 =	vld [tilespmem:$0xC950]  }
0x10a: {  	v22 =	vld [tilespmem:$0xC960]  }
0x10b: {  	[tilespmem:$0x1FA40] =	vst v61;
	v61 =	vld [tilespmem:$0xD360]  }
0x10c: {  	v23 =	vld [tilespmem:$0xC970]  }
0x10d: {  	v24 =	vld [tilespmem:$0xC980]  }
0x10e: {  	v25 =	vld [tilespmem:$0xC990]  }
0x10f: {  	v26 =	vld [tilespmem:$0xC9A0]  }
0x110: {  	[tilespmem:$0x1FA50] =	vst v61;
	v61 =	vld [tilespmem:$0xD370]  }
0x111: {  	v27 =	vld [tilespmem:$0xC9B0]  }
0x112: {  	v28 =	vld [tilespmem:$0xC9C0]  }
0x113: {  	v29 =	vld [tilespmem:$0xC9D0]  }
0x114: {  	v30 =	vld [tilespmem:$0xC9E0]  }
0x115: {  	[tilespmem:$0x1FA60] =	vst v61;
	v61 =	vld [tilespmem:$0xD380]  }
0x116: {  	v31 =	vld [tilespmem:$0xC9F0]  }
0x117: {  	v32 =	vld [tilespmem:$0xCA00]  }
0x118: {  	v33 =	vld [tilespmem:$0xCA10]  }
0x119: {  	v34 =	vld [tilespmem:$0xCA20]  }
0x11a: {  	[tilespmem:$0x1FA70] =	vst v61;
	v61 =	vld [tilespmem:$0xD390]  }
0x11b: {  	v35 =	vld [tilespmem:$0xCA30]  }
0x11c: {  	v36 =	vld [tilespmem:$0xCA40]  }
0x11d: {  	v37 =	vld [tilespmem:$0xCA50]  }
0x11e: {  	v38 =	vld [tilespmem:$0xCA60]  }
0x11f: {  	[tilespmem:$0x1FA80] =	vst v61;
	v61 =	vld [tilespmem:$0xD3A0]  }
0x120: {  	v39 =	vld [tilespmem:$0xCA70]  }
0x121: {  	v40 =	vld [tilespmem:$0xCA80]  }
0x122: {  	v41 =	vld [tilespmem:$0xCA90]  }
0x123: {  	v42 =	vld [tilespmem:$0xCAA0]  }
0x124: {  	[tilespmem:$0x1FA90] =	vst v61;
	v61 =	vld [tilespmem:$0xD3B0]  }
0x125: {  	v43 =	vld [tilespmem:$0xCAB0]  }
0x126: {  	v44 =	vld [tilespmem:$0xCAC0]  }
0x127: {  	v45 =	vld [tilespmem:$0xCAD0]  }
0x128: {  	v46 =	vld [tilespmem:$0xCAE0]  }
0x129: {  	[tilespmem:$0x1FAA0] =	vst v61;
	v61 =	vld [tilespmem:$0xD3C0]  }
0x12a: {  	v47 =	vld [tilespmem:$0xCAF0]  }
0x12b: {  	v48 =	vld [tilespmem:$0xCB00]  }
0x12c: {  	v49 =	vld [tilespmem:$0xCB10]  }
0x12d: {  	v50 =	vld [tilespmem:$0xCB20]  }
0x12e: {  	[tilespmem:$0x1FAB0] =	vst v61;
	v61 =	vld [tilespmem:$0xD3D0]  }
0x12f: {  	v51 =	vld [tilespmem:$0xCB30]  }
0x130: {  	v52 =	vld [tilespmem:$0xCB40]  }
0x131: {  	v53 =	vld [tilespmem:$0xCB50]  }
0x132: {  	v62 =	vld [tilespmem:$0xCB60]  }
0x133: {  	[tilespmem:$0x1FAD0] =	vst v61;
	v61 =	vld [tilespmem:$0xD3E0]  }
0x134: {  	v54 =	vld [tilespmem:$0xCB70]  }
0x135: {  	v56 =	vld [tilespmem:$0xCB80]  }
0x136: {  	v55 =	vld [tilespmem:$0xCB90]  }
0x137: {  	v57 =	vld [tilespmem:$0xCBA0]  }
0x138: {  	[tilespmem:$0x1FAC0] =	vst v61;
	v61 =	vld [tilespmem:$0xD3F0]  }
0x139: {  	v58 =	vld [tilespmem:$0xCBB0]  }
0x13a: {  	p0 =	seq.s32 s17, $0x3F80;
	v60 =	vld [tilespmem:$0xCBC0]  }
0x13b: {  	s19 =	simm.s32 @!p0 $0x60;
	s20 =	simm.s32 @!p0 $0xC800;
	v59 =	vld [tilespmem:$0xCBD0]  }
0x13c: {  	v63 =	vld [tilespmem:$0xCBE0];
	[tilespmem:s20], [sflag:$0x1] =	stream.indirect.gather @!p0 [hbm4b:s3+s19], $0x20, s18, s19, $0xb8  }
0x13d: {  	[tilespmem:$0x1FAE0] =	vst v61  }
0x13e: {  	_ =	swait.ge [sflag:s14], $0xD00  }
0x13f: {  	[sflag:s14] =	ssyncset.done $0x0  }
0x140: {  	[sflag:s14] =	ssyncadd.s32 $0xFFFFF300  }
0x141: {  	v61 =	vld [tilespmem:$0xD400];
	_ =	sdelay $0x2  }
0x142: {  	v4 =	vadd.f32 $0.0e+00, v4  }
0x143: {  	v5 =	vadd.f32 $0.0e+00, v5;
	v6 =	vadd.f32 $0.0e+00, v6  }
0x144: {  	v7 =	vadd.f32 $0.0e+00, v7;
	v16 =	vadd.f32 $0.0e+00, v16;
	[tilespmem:$0x1FAF0] =	vst v61  }
0x145: {  	v17 =	vadd.f32 $0.0e+00, v17;
	v0 =	vadd.f32 v0, v4;
	v61 =	vld [tilespmem:$0xD410]  }
0x146: {  	v1 =	vadd.f32 v1, v5;
	v4 =	vadd.f32 $0.0e+00, v12;
	v12 =	vld [tilespmem:$0xD4F0]  }
0x147: {  	v2 =	vadd.f32 v2, v6;
	v6 =	vadd.f32 v10, v16;
	v10 =	vld [tilespmem:$0xD520]  }
0x148: {  	v3 =	vadd.f32 v3, v7;
	v7 =	vadd.f32 v11, v17;
	v11 =	vld [tilespmem:$0xD530]  }
0x149: {  	v0 =	vadd.f32 v14, v0;
	v14 =	vld [tilespmem:$0xD540]  }
0x14a: {  	v1 =	vadd.f32 v15, v1;
	v15 =	vld [tilespmem:$0xD550]  }
0x14b: {  	v16 =	vld [tilespmem:$0xD560]  }
0x14c: {  	v17 =	vld [tilespmem:$0xD570]  }
0x14d: {  	v4 =	vadd.f32 v8, v4;
	v2 =	vadd.f32 v18, v2;
	v18 =	vld [tilespmem:$0xD580]  }
0x14e: {  	v3 =	vadd.f32 v19, v3;
	v19 =	vld [tilespmem:$0xD590]  }
0x14f: {  	v4 =	vadd.f32 v20, v4;
	v20 =	vld [tilespmem:$0xD5A0]  }
0x150: {  	v6 =	vadd.f32 v22, v6;
	v22 =	vld [tilespmem:$0xD5C0]  }
0x151: {  	v7 =	vadd.f32 v23, v7;
	v23 =	vld [tilespmem:$0xD5D0]  }
0x152: {  	v0 =	vadd.f32 v24, v0;
	v24 =	vld [tilespmem:$0xD5E0]  }
0x153: {  	v1 =	vadd.f32 v25, v1;
	v25 =	vld [tilespmem:$0xD5F0]  }
0x154: {  	v2 =	vadd.f32 v26, v2;
	v26 =	vld [tilespmem:$0xD600]  }
0x155: {  	v3 =	vadd.f32 v27, v3;
	v6 =	vadd.f32 v30, v6;
	v27 =	vld [tilespmem:$0xD610]  }
0x156: {  	v7 =	vadd.f32 v31, v7;
	v4 =	vadd.f32 v28, v4;
	v28 =	vld [tilespmem:$0xD620]  }
0x157: {  	v0 =	vadd.f32 v32, v0;
	v1 =	vadd.f32 v33, v1;
	v30 =	vld [tilespmem:$0xD640]  }
0x158: {  	v2 =	vadd.f32 v34, v2;
	v3 =	vadd.f32 v35, v3;
	v31 =	vld [tilespmem:$0xD650]  }
0x159: {  	v6 =	vadd.f32 v38, v6;
	v1 =	vadd.f32 v41, v1;
	v32 =	vld [tilespmem:$0xD660]  }
0x15a: {  	v4 =	vadd.f32 v36, v4;
	v0 =	vadd.f32 v40, v0;
	v33 =	vld [tilespmem:$0xD670]  }
0x15b: {  	v2 =	vadd.f32 v42, v2;
	v1 =	vadd.f32 v49, v1;
	v34 =	vld [tilespmem:$0xD680]  }
0x15c: {  	v3 =	vadd.f32 v43, v3;
	v6 =	vadd.f32 v46, v6;
	v35 =	vld [tilespmem:$0xD690]  }
0x15d: {  	v0 =	vadd.f32 v48, v0;
	v1 =	vadd.f32 v55, v1;
	v55 =	vld [tilespmem:$0x1F2E0]  }
0x15e: {  	v4 =	vadd.f32 v44, v4;
	v2 =	vadd.f32 v50, v2;
	v36 =	vld [tilespmem:$0xD6A0]  }
0x15f: {  	v3 =	vadd.f32 v51, v3;
	v0 =	vadd.f32 v56, v0;
	v56 =	vld [tilespmem:$0x1F2F0]  }
0x160: {  	v4 =	vadd.f32 v52, v4;
	v2 =	vadd.f32 v57, v2;
	v57 =	vld [tilespmem:$0x1F300]  }
0x161: {  	v3 =	vadd.f32 v58, v3;
	v58 =	vld [tilespmem:$0x1F310]  }
0x162: {  	v6 =	vadd.f32 v62, v6;
	v4 =	vadd.f32 v60, v4;
	v60 =	vld [tilespmem:$0xD6C0]  }
0x163: {  	v62 =	vld [tilespmem:$0x1F340]  }
0x164: {  	v6 =	vadd.f32 v63, v6;
	v63 =	vld [tilespmem:$0xD6D0]  }
0x165: {  	v38 =	vld [tilespmem:$0x1F350]  }
0x166: {  	v7 =	vadd.f32 v39, v7;
	v39 =	vld [tilespmem:$0x1F360]  }
0x167: {  	v40 =	vld [tilespmem:$0xD6E0]  }
0x168: {  	v41 =	vld [tilespmem:$0x1F370]  }
0x169: {  	v42 =	vld [tilespmem:$0x1F380]  }
0x16a: {  	[tilespmem:$0x1FB00] =	vst v61;
	v61 =	vld [tilespmem:$0xD420]  }
0x16b: {  	v43 =	vld [tilespmem:$0xD6F0]  }
0x16c: {  	v44 =	vld [tilespmem:$0x1F390]  }
0x16d: {  	v46 =	vld [tilespmem:$0xD700]  }
0x16e: {  	v7 =	vadd.f32 v47, v7;
	v47 =	vld [tilespmem:$0x1F3B0]  }
0x16f: {  	[tilespmem:$0x1FB10] =	vst v61;
	v61 =	vld [tilespmem:$0xD430]  }
0x170: {  	v48 =	vld [tilespmem:$0x1F3C0]  }
0x171: {  	v49 =	vld [tilespmem:$0xD710]  }
0x172: {  	v50 =	vld [tilespmem:$0x1F3D0]  }
0x173: {  	v51 =	vld [tilespmem:$0x1F3E0]  }
0x174: {  	[tilespmem:$0x1FB20] =	vst v61;
	v61 =	vld [tilespmem:$0xD440]  }
0x175: {  	v7 =	vadd.f32 v54, v7;
	v52 =	vld [tilespmem:$0xD720]  }
0x176: {  	v54 =	vld [tilespmem:$0x1F400]  }
0x177: {  	v7 =	vadd.f32 v55, v7;
	v55 =	vld [tilespmem:$0xD730]  }
0x178: {  	v0 =	vadd.f32 v56, v0;
	v56 =	vld [tilespmem:$0x1F410]  }
0x179: {  	[tilespmem:$0x1FB70] =	vst v61;
	v61 =	vld [tilespmem:$0xD450]  }
0x17a: {  	v1 =	vadd.f32 v57, v1;
	v57 =	vld [tilespmem:$0x1F420]  }
0x17b: {  	v2 =	vadd.f32 v58, v2;
	v58 =	vld [tilespmem:$0xD740]  }
0x17c: {  	[tilespmem:$0x1FBE0] =	vst v60;
	v60 =	vld [tilespmem:$0x1F440]  }
0x17d: {  	[tilespmem:$0x1FBF0] =	vst v63;
	v63 =	vld [tilespmem:$0x1F460]  }
0x17e: {  	[tilespmem:$0x1FB80] =	vst v61;
	v61 =	vld [tilespmem:$0xD460]  }
0x17f: {  	v6 =	vadd.f32 v38, v6;
	v38 =	vld [tilespmem:$0xD760]  }
0x180: {  	[tilespmem:$0x1FC00] =	vst v40;
	v40 =	vld [tilespmem:$0x1F480]  }
0x181: {  	[tilespmem:$0x1FC10] =	vst v43;
	v43 =	vld [tilespmem:$0x1F4A0]  }
0x182: {  	[tilespmem:$0x1FC20] =	vst v46;
	v46 =	vld [tilespmem:$0x1F4C0]  }
0x183: {  	[tilespmem:$0x1FB90] =	vst v61;
	v61 =	vld [tilespmem:$0xD470]  }
0x184: {  	[tilespmem:$0x1FC30] =	vst v49;
	v49 =	vld [tilespmem:$0x1F4E0]  }
0x185: {  	[tilespmem:$0x1FC40] =	vst v52;
	v52 =	vld [tilespmem:$0x1F500]  }
0x186: {  	v7 =	vadd.f32 v39, v7;
	v39 =	vld [tilespmem:$0x1F470]  }
0x187: {  	v0 =	vadd.f32 v41, v0;
	v41 =	vld [tilespmem:$0xD770]  }
0x188: {  	[tilespmem:$0x1FBA0] =	vst v61;
	v61 =	vld [tilespmem:$0xD480]  }
0x189: {  	v1 =	vadd.f32 v42, v1;
	v42 =	vld [tilespmem:$0x1F490]  }
0x18a: {  	v2 =	vadd.f32 v44, v2;
	v44 =	vld [tilespmem:$0xD780]  }
0x18b: {  	v6 =	vadd.f32 v50, v6;
	v50 =	vld [tilespmem:$0xD7A0]  }
0x18c: {  	v7 =	vadd.f32 v51, v7;
	v51 =	vld [tilespmem:$0x1F4F0]  }
0x18d: {  	[tilespmem:$0x1FB30] =	vst v61;
	v61 =	vld [tilespmem:$0xD490]  }
0x18e: {  	v1 =	vadd.f32 v54, v1;
	v54 =	vld [tilespmem:$0x1F510]  }
0x18f: {  	[tilespmem:$0x1FC50] =	vst v55;
	v55 =	vld [tilespmem:$0x1F520]  }
0x190: {  	v2 =	vadd.f32 v56, v2;
	v56 =	vld [tilespmem:$0xD7C0]  }
0x191: {  	[tilespmem:$0x1FC60] =	vst v58;
	v58 =	vld [tilespmem:$0x1F540]  }
0x192: {  	[tilespmem:$0x1FB40] =	vst v61;
	v61 =	vld [tilespmem:$0xD4A0]  }
0x193: {  	[tilespmem:$0x1FC80] =	vst v38;
	v38 =	vld [tilespmem:$0x1F580]  }
0x194: {  	v7 =	vadd.f32 v63, v7;
	v63 =	vld [tilespmem:$0x1F570]  }
0x195: {  	v1 =	vadd.f32 v40, v1;
	v40 =	vld [tilespmem:$0x1F590]  }
0x196: {  	[tilespmem:$0x1FC90] =	vst v41;
	v41 =	vld [tilespmem:$0x1F5A0]  }
0x197: {  	[tilespmem:$0x1FB50] =	vst v61;
	v61 =	vld [tilespmem:$0xD4B0]  }
0x198: {  	v2 =	vadd.f32 v42, v2;
	v42 =	vld [tilespmem:$0xD800]  }
0x199: {  	[tilespmem:$0x1FCA0] =	vst v44;
	v44 =	vld [tilespmem:$0x1F5C0]  }
0x19a: {  	[tilespmem:$0x1FCC0] =	vst v50;
	v50 =	vld [tilespmem:$0x1F600]  }
0x19b: {  	v7 =	vadd.f32 v49, v7;
	v49 =	vld [tilespmem:$0x1F5F0]  }
0x19c: {  	[tilespmem:$0x1FB60] =	vst v61;
	v61 =	vld [tilespmem:$0xD4C0]  }
0x19d: {  	v1 =	vadd.f32 v52, v1;
	v52 =	vld [tilespmem:$0x1F610]  }
0x19e: {  	v2 =	vadd.f32 v54, v2;
	v54 =	vld [tilespmem:$0xD840]  }
0x19f: {  	[tilespmem:$0x1FCE0] =	vst v56;
	v56 =	vld [tilespmem:$0x1F640]  }
0x1a0: {  	v1 =	vadd.f32 v38, v1;
	v38 =	vld [tilespmem:$0x1F690]  }
0x1a1: {  	[tilespmem:$0x1FBB0] =	vst v61;
	v61 =	vld [tilespmem:$0xD4D0]  }
0x1a2: {  	v2 =	vadd.f32 v40, v2;
	v40 =	vld [tilespmem:$0xD880]  }
0x1a3: {  	v1 =	vadd.f32 v50, v1;
	v50 =	vld [tilespmem:$0x1F710]  }
0x1a4: {  	[tilespmem:$0x1FD20] =	vst v42;
	v42 =	vld [tilespmem:$0x1F6C0];
	v2 =	vadd.f32 v52, v2  }
0x1a5: {  	v52 =	vld [tilespmem:$0xD8C0]  }
0x1a6: {  	v2 =	vadd.f32 v38, v2;
	[tilespmem:$0x1FBC0] =	vst v61;
	v61 =	vld [tilespmem:$0xD4E0]  }
0x1a7: {  	v38 =	vld [tilespmem:$0xD900]  }
0x1a8: {  	[tilespmem:$0x1FD60] =	vst v54;
	v2 =	vadd.f32 v50, v2;
	v50 =	vld [tilespmem:$0xD940]  }
0x1a9: {  	v54 =	vld [tilespmem:$0x1F740];
	[tilespmem:$0x1FDA0] =	vst v40  }
0x1aa: {  	v40 =	vld [tilespmem:$0x1F7C0];
	[tilespmem:$0x1FDE0] =	vst v52  }
0x1ab: {  	v52 =	vld [tilespmem:$0x1F840];
	[tilespmem:$0x1FBD0] =	vst v61;
	v61 =	vadd.f32 $0.0e+00, v13  }
0x1ac: {  	[tilespmem:$0x1FE20] =	vst v38;
	v38 =	vld [tilespmem:$0x1F8C0]  }
0x1ad: {  	[tilespmem:$0x1FE60] =	vst v50;
	v50 =	vld [tilespmem:$0x1F940];
	v5 =	vadd.f32 v9, v61  }
0x1ae: {  	v61 =	vld [tilespmem:$0x1F330]  }
0x1af: {  	v13 =	vld [tilespmem:$0xD500];
	v5 =	vadd.f32 v21, v5  }
0x1b0: {  	v9 =	vld [tilespmem:$0xD510]  }
0x1b1: {  	v21 =	vld [tilespmem:$0xD5B0];
	v5 =	vadd.f32 v29, v5  }
0x1b2: {  	v29 =	vld [tilespmem:$0xD630]  }
0x1b3: {  	v4 =	vadd.f32 v61, v4;
	v61 =	vld [tilespmem:$0xD750];
	v5 =	vadd.f32 v37, v5  }
0x1b4: {  	v37 =	vld [tilespmem:$0xD6B0]  }
0x1b5: {  	v4 =	vadd.f32 v47, v4;
	v47 =	vld [tilespmem:$0xD790];
	v5 =	vadd.f32 v45, v5  }
0x1b6: {  	v45 =	vld [tilespmem:$0x1F3A0]  }
0x1b7: {  	v5 =	vadd.f32 v53, v5;
	v53 =	vld [tilespmem:$0x1F3F0]  }
0x1b8: {  	[tilespmem:$0x1FC70] =	vst v61;
	v61 =	vld [tilespmem:$0x1F560]  }
0x1b9: {  	v5 =	vadd.f32 v59, v5;
	v59 =	vld [tilespmem:$0x1F320]  }
0x1ba: {  	[tilespmem:$0x1FCB0] =	vst v47;
	v47 =	vld [tilespmem:$0x1F5E0]  }
0x1bb: {  	v5 =	vadd.f32 v62, v5;
	v62 =	vld [tilespmem:$0x1F450]  }
0x1bc: {  	v0 =	vadd.f32 v53, v0;
	v53 =	vld [tilespmem:$0xD7B0]  }
0x1bd: {  	v7 =	vadd.f32 v61, v7;
	v61 =	vld [tilespmem:$0x1F670]  }
0x1be: {  	v5 =	vadd.f32 v48, v5;
	v48 =	vld [tilespmem:$0x1F4D0]  }
0x1bf: {  	v3 =	vadd.f32 v59, v3;
	v59 =	vld [tilespmem:$0x1F430]  }
0x1c0: {  	v0 =	vadd.f32 v39, v0;
	v39 =	vld [tilespmem:$0xD7F0]  }
0x1c1: {  	v7 =	vadd.f32 v47, v7;
	v47 =	vld [tilespmem:$0x1F6F0]  }
0x1c2: {  	v5 =	vadd.f32 v60, v5;
	v60 =	vld [tilespmem:$0x1F550]  }
0x1c3: {  	v3 =	vadd.f32 v45, v3;
	v45 =	vld [tilespmem:$0x1F4B0]  }
0x1c4: {  	v6 =	vadd.f32 v62, v6;
	v62 =	vld [tilespmem:$0xD7E0]  }
0x1c5: {  	v0 =	vadd.f32 v51, v0;
	v51 =	vld [tilespmem:$0xD830]  }
0x1c6: {  	v5 =	vadd.f32 v46, v5;
	v46 =	vld [tilespmem:$0x1F5D0]  }
0x1c7: {  	[tilespmem:$0x1FCD0] =	vst v53;
	v53 =	vld [tilespmem:$0x1F620]  }
0x1c8: {  	v3 =	vadd.f32 v57, v3;
	v57 =	vld [tilespmem:$0x1F530]  }
0x1c9: {  	v6 =	vadd.f32 v48, v6;
	v48 =	vld [tilespmem:$0xD820]  }
0x1ca: {  	v0 =	vadd.f32 v63, v0;
	v63 =	vld [tilespmem:$0xD870]  }
0x1cb: {  	v4 =	vadd.f32 v59, v4;
	v59 =	vld [tilespmem:$0xD7D0]  }
0x1cc: {  	v5 =	vadd.f32 v58, v5;
	v58 =	vld [tilespmem:$0x1F650]  }
0x1cd: {  	[tilespmem:$0x1FD10] =	vst v39;
	v39 =	vld [tilespmem:$0x1F6A0]  }
0x1ce: {  	v3 =	vadd.f32 v43, v3;
	v43 =	vld [tilespmem:$0x1F5B0]  }
0x1cf: {  	v6 =	vadd.f32 v60, v6;
	v60 =	vld [tilespmem:$0xD860]  }
0x1d0: {  	v0 =	vadd.f32 v49, v0;
	v49 =	vld [tilespmem:$0xD8B0]  }
0x1d1: {  	v4 =	vadd.f32 v45, v4;
	v45 =	vld [tilespmem:$0xD810]  }
0x1d2: {  	[tilespmem:$0x1FD00] =	vst v62;
	v62 =	vld [tilespmem:$0x1F680]  }
0x1d3: {  	v5 =	vadd.f32 v44, v5;
	v44 =	vld [tilespmem:$0x1F6D0]  }
0x1d4: {  	[tilespmem:$0x1FD50] =	vst v51;
	v51 =	vld [tilespmem:$0x1F720]  }
0x1d5: {  	v3 =	vadd.f32 v55, v3;
	v55 =	vld [tilespmem:$0x1F630]  }
0x1d6: {  	v6 =	vadd.f32 v46, v6;
	v46 =	vld [tilespmem:$0xD8A0]  }
0x1d7: {  	v0 =	vadd.f32 v61, v0;
	v61 =	vld [tilespmem:$0xD8F0]  }
0x1d8: {  	v4 =	vadd.f32 v57, v4;
	v57 =	vld [tilespmem:$0xD850]  }
0x1d9: {  	[tilespmem:$0x1FD40] =	vst v48;
	v48 =	vld [tilespmem:$0x1F700]  }
0x1da: {  	v5 =	vadd.f32 v56, v5;
	v56 =	vld [tilespmem:$0x1F750]  }
0x1db: {  	[tilespmem:$0x1FD90] =	vst v63;
	v63 =	vld [tilespmem:$0x1F7A0]  }
0x1dc: {  	[tilespmem:$0x1FCF0] =	vst v59;
	v59 =	vld [tilespmem:$0x1F660]  }
0x1dd: {  	v3 =	vadd.f32 v41, v3;
	v41 =	vld [tilespmem:$0x1F6B0]  }
0x1de: {  	v6 =	vadd.f32 v58, v6;
	v58 =	vld [tilespmem:$0xD8E0]  }
0x1df: {  	v0 =	vadd.f32 v47, v0;
	v47 =	vld [tilespmem:$0xD930]  }
0x1e0: {  	v4 =	vadd.f32 v43, v4;
	v43 =	vld [tilespmem:$0xD890]  }
0x1e1: {  	[tilespmem:$0x1FD80] =	vst v60;
	v60 =	vld [tilespmem:$0x1F780]  }
0x1e2: {  	v5 =	vadd.f32 v42, v5;
	v42 =	vld [tilespmem:$0x1F7D0]  }
0x1e3: {  	[tilespmem:$0x1FDD0] =	vst v49;
	v49 =	vld [tilespmem:$0x1F820]  }
0x1e4: {  	[tilespmem:$0x1FD30] =	vst v45;
	v45 =	vld [tilespmem:$0x1F6E0]  }
0x1e5: {  	v3 =	vadd.f32 v53, v3;
	v53 =	vld [tilespmem:$0x1F730]  }
0x1e6: {  	v1 =	vadd.f32 v62, v1;
	v62 =	vld [tilespmem:$0x1F790]  }
0x1e7: {  	v6 =	vadd.f32 v44, v6;
	v44 =	vld [tilespmem:$0xD920]  }
0x1e8: {  	v4 =	vadd.f32 v55, v4;
	v55 =	vld [tilespmem:$0xD8D0]  }
0x1e9: {  	[tilespmem:$0x1FDC0] =	vst v46;
	v46 =	vld [tilespmem:$0x1F800]  }
0x1ea: {  	v5 =	vadd.f32 v54, v5;
	v54 =	vld [tilespmem:$0x1F850]  }
0x1eb: {  	[tilespmem:$0x1FE10] =	vst v61;
	v61 =	vld [tilespmem:$0x1F8A0]  }
0x1ec: {  	[tilespmem:$0x1FD70] =	vst v57;
	v57 =	vld [tilespmem:$0x1F760]  }
0x1ed: {  	v3 =	vadd.f32 v39, v3;
	v39 =	vld [tilespmem:$0x1F7B0]  }
0x1ee: {  	v1 =	vadd.f32 v48, v1;
	v48 =	vld [tilespmem:$0x1F810]  }
0x1ef: {  	v6 =	vadd.f32 v56, v6;
	v56 =	vld [tilespmem:$0xD960]  }
0x1f0: {  	v7 =	vadd.f32 v59, v7;
	v59 =	vld [tilespmem:$0x1F770]  }
0x1f1: {  	v4 =	vadd.f32 v41, v4;
	v41 =	vld [tilespmem:$0xD910]  }
0x1f2: {  	[tilespmem:$0x1FE00] =	vst v58;
	v58 =	vld [tilespmem:$0x1F880]  }
0x1f3: {  	v5 =	vadd.f32 v40, v5;
	v40 =	vld [tilespmem:$0x1F8D0]  }
0x1f4: {  	[tilespmem:$0x1FE50] =	vst v47;
	v47 =	vld [tilespmem:$0x1F920]  }
0x1f5: {  	[tilespmem:$0x1FDB0] =	vst v43;
	v43 =	vld [tilespmem:$0x1F7E0]  }
0x1f6: {  	v3 =	vadd.f32 v51, v3;
	v51 =	vld [tilespmem:$0x1F830]  }
0x1f7: {  	v1 =	vadd.f32 v60, v1;
	v60 =	vld [tilespmem:$0x1F890]  }
0x1f8: {  	v6 =	vadd.f32 v42, v6;
	v42 =	vld [tilespmem:$0xD9A0]  }
0x1f9: {  	v7 =	vadd.f32 v45, v7;
	v45 =	vld [tilespmem:$0x1F7F0]  }
0x1fa: {  	v4 =	vadd.f32 v53, v4;
	v53 =	vld [tilespmem:$0xD950]  }
0x1fb: {  	v2 =	vadd.f32 v62, v2;
	v62 =	vld [tilespmem:$0xD980]  }
0x1fc: {  	[tilespmem:$0x1FE40] =	vst v44;
	v44 =	vld [tilespmem:$0x1F900]  }
0x1fd: {  	v5 =	vadd.f32 v52, v5;
	v52 =	vld [tilespmem:$0x1F950]  }
0x1fe: {  	[tilespmem:$0x1FDF0] =	vst v55;
	v55 =	vld [tilespmem:$0x1F860]  }
0x1ff: {  	v3 =	vadd.f32 v63, v3;
	v63 =	vld [tilespmem:$0x1F8B0]  }
0x200: {  	v1 =	vadd.f32 v46, v1;
	v46 =	vld [tilespmem:$0x1F910]  }
0x201: {  	v6 =	vadd.f32 v54, v6;
	v54 =	vld [tilespmem:$0xD9E0]  }
0x202: {  	v7 =	vadd.f32 v57, v7;
	v57 =	vld [tilespmem:$0x1F870]  }
0x203: {  	v4 =	vadd.f32 v39, v4;
	v39 =	vld [tilespmem:$0xD990]  }
0x204: {  	v2 =	vadd.f32 v48, v2;
	v48 =	vld [tilespmem:$0xD9C0]  }
0x205: {  	[tilespmem:$0x1FE80] =	vst v56;
	v56 =	vld [tilespmem:$0x1F980]  }
0x206: {  	v5 =	vadd.f32 v38, v5;
	v38 =	vld [tilespmem:$0x1F9D0]  }
0x207: {  	v0 =	vadd.f32 v59, v0;
	v59 =	vld [tilespmem:$0xD970]  }
0x208: {  	[tilespmem:$0x1FE30] =	vst v41;
	v41 =	vld [tilespmem:$0x1F8E0]  }
0x209: {  	v3 =	vadd.f32 v49, v3;
	v49 =	vld [tilespmem:$0x1F930]  }
0x20a: {  	v1 =	vadd.f32 v58, v1;
	v58 =	vld [tilespmem:$0x1F990]  }
0x20b: {  	v6 =	vadd.f32 v40, v6;
	v40 =	vld [tilespmem:$0xDA20]  }
0x20c: {  	v7 =	vadd.f32 v43, v7;
	v43 =	vld [tilespmem:$0x1F8F0]  }
0x20d: {  	v4 =	vadd.f32 v51, v4;
	v51 =	vld [tilespmem:$0xD9D0]  }
0x20e: {  	v2 =	vadd.f32 v60, v2;
	v60 =	vld [tilespmem:$0xDA00]  }
0x20f: {  	[tilespmem:$0x1FEC0] =	vst v42;
	v42 =	vld [tilespmem:$0x1FA00]  }
0x210: {  	v5 =	vadd.f32 v50, v5;
	v50 =	vld [tilespmem:$0x1FA50]  }
0x211: {  	v0 =	vadd.f32 v45, v0;
	v45 =	vld [tilespmem:$0xD9B0]  }
0x212: {  	[tilespmem:$0x1FE70] =	vst v53;
	v53 =	vld [tilespmem:$0x1F960]  }
0x213: {  	v3 =	vadd.f32 v61, v3;
	v61 =	vld [tilespmem:$0x1F9B0]  }
0x214: {  	[tilespmem:$0x1FEA0] =	vst v62;
	v62 =	vld [tilespmem:$0x1F9C0]  }
0x215: {  	v1 =	vadd.f32 v44, v1;
	v44 =	vld [tilespmem:$0x1FA10]  }
0x216: {  	v6 =	vadd.f32 v52, v6;
	v52 =	vld [tilespmem:$0xDA60]  }
0x217: {  	v7 =	vadd.f32 v55, v7;
	v55 =	vld [tilespmem:$0x1F970]  }
0x218: {  	v4 =	vadd.f32 v63, v4;
	v63 =	vld [tilespmem:$0xDA10]  }
0x219: {  	v2 =	vadd.f32 v46, v2;
	v46 =	vld [tilespmem:$0xDA40]  }
0x21a: {  	[tilespmem:$0x1FF00] =	vst v54;
	v54 =	vld [tilespmem:$0x1FA80]  }
0x21b: {  	v0 =	vadd.f32 v57, v0;
	v57 =	vld [tilespmem:$0xD9F0]  }
0x21c: {  	[tilespmem:$0x1FEB0] =	vst v39;
	v39 =	vld [tilespmem:$0x1F9E0]  }
0x21d: {  	v3 =	vadd.f32 v47, v3;
	v47 =	vld [tilespmem:$0x1FA30]  }
0x21e: {  	[tilespmem:$0x1FEE0] =	vst v48;
	v48 =	vld [tilespmem:$0x1FA40]  }
0x21f: {  	v1 =	vadd.f32 v56, v1;
	v56 =	vld [tilespmem:$0x1FA90]  }
0x220: {  	[tilespmem:$0x1FE90] =	vst v59;
	v59 =	vld [tilespmem:$0x1F9A0]  }
0x221: {  	v7 =	vadd.f32 v41, v7;
	v41 =	vld [tilespmem:$0x1F9F0]  }
0x222: {  	v4 =	vadd.f32 v49, v4;
	v49 =	vld [tilespmem:$0xDA50]  }
0x223: {  	v2 =	vadd.f32 v58, v2;
	v58 =	vld [tilespmem:$0xDA80]  }
0x224: {  	[tilespmem:$0x1FF40] =	vst v40;
	v40 =	vld [tilespmem:$0x1FAF0]  }
0x225: {  	v0 =	vadd.f32 v43, v0;
	v43 =	vld [tilespmem:$0xDA30]  }
0x226: {  	[tilespmem:$0x1FEF0] =	vst v51;
	v51 =	vld [tilespmem:$0x1FA60]  }
0x227: {  	v6 =	vadd.f32 v38, v6;
	[tilespmem:$0x1FF20] =	vst v60;
	v60 =	vld [tilespmem:$0x1FAC0]  }
0x228: {  	v1 =	vadd.f32 v42, v1;
	v42 =	vld [tilespmem:$0x1FB10]  }
0x229: {  	v6 =	vadd.f32 v50, v6;
	v50 =	vld [tilespmem:$0x1FB90]  }
0x22a: {  	[tilespmem:$0x1FED0] =	vst v45;
	v45 =	vld [tilespmem:$0x1FA20]  }
0x22b: {  	v7 =	vadd.f32 v53, v7;
	v53 =	vld [tilespmem:$0x1FA70]  }
0x22c: {  	v4 =	vadd.f32 v61, v4;
	v61 =	vld [tilespmem:$0xDA90]  }
0x22d: {  	v5 =	vadd.f32 v62, v5;
	v62 =	vld [tilespmem:$0x1FAD0]  }
0x22e: {  	v2 =	vadd.f32 v44, v2;
	v44 =	vld [tilespmem:$0x1FB30]  }
0x22f: {  	[tilespmem:$0x1FF80] =	vst v52;
	v52 =	vld [tilespmem:$0x1FBB0]  }
0x230: {  	v0 =	vadd.f32 v55, v0;
	v55 =	vld [tilespmem:$0xDA70]  }
0x231: {  	[tilespmem:$0x1FF30] =	vst v63;
	v63 =	vld [tilespmem:$0x1FAE0]  }
0x232: {  	[tilespmem:$0x1FF60] =	vst v46;
	v46 =	vld [tilespmem:$0x1FB50]  }
0x233: {  	v1 =	vadd.f32 v54, v1;
	v54 =	vld [tilespmem:$0xDB20]  }
0x234: {  	[tilespmem:$0x1FF10] =	vst v57;
	v57 =	vld [tilespmem:$0x1FAA0]  }
0x235: {  	v4 =	vadd.f32 v47, v4;
	v47 =	vld [tilespmem:$0x1FB60]  }
0x236: {  	v2 =	vadd.f32 v56, v2;
	v56 =	vld [tilespmem:$0xDB00]  }
0x237: {  	v5 =	vadd.f32 v48, v5;
	v48 =	vld [tilespmem:$0x1FB70]  }
0x238: {  	v3 =	vadd.f32 v59, v3;
	v59 =	vld [tilespmem:$0x1FAB0]  }
0x239: {  	v0 =	vadd.f32 v41, v0;
	v41 =	vld [tilespmem:$0x1FB00]  }
0x23a: {  	[tilespmem:$0x1FFA0] =	vst v58;
	v58 =	vld [tilespmem:$0xDAE0]  }
0x23b: {  	[tilespmem:$0x1FF70] =	vst v49;
	v49 =	vld [tilespmem:$0x1FB80]  }
0x23c: {  	v7 =	vadd.f32 v39, v7;
	v6 =	vadd.f32 v60, v6;
	v60 =	vld [tilespmem:$0xDAC0]  }
0x23d: {  	[tilespmem:$0x1FF50] =	vst v43;
	v43 =	vld [tilespmem:$0x1FB20]  }
0x23e: {  	v7 =	vadd.f32 v51, v7;
	v51 =	vld [tilespmem:$0x1FBA0]  }
0x23f: {  	v5 =	vadd.f32 v62, v5;
	v62 =	vld [tilespmem:$0xDAA0]  }
0x240: {  	[tilespmem:$0x1FFB0] =	vst v61;
	v61 =	vld [tilespmem:$0xDAB0]  }
0x241: {  	v3 =	vadd.f32 v45, v3;
	v45 =	vld [tilespmem:$0x1FB40]  }
0x242: {  	v0 =	vadd.f32 v53, v0;
	v53 =	vld [tilespmem:$0x1FBC0]  }
0x243: {  	[tilespmem:$0x1FF90] =	vst v55;
	v55 =	vld [tilespmem:$0xDB10]  }
0x244: {  	v7 =	vadd.f32 v63, v7;
	v63 =	vld [tilespmem:$0x1FBD0]  }
0x245: {  	v3 =	vadd.f32 v57, v3;
	v57 =	vld [tilespmem:$0xDAF0]  }
0x246: {  	v0 =	vadd.f32 v2, v0;
	v2 =	vadd.f32 $0.0e+00, v42;
	v42 =	vld [tilespmem:$0xDBE0]  }
0x247: {  	v4 =	vadd.f32 v59, v4;
	v59 =	vld [tilespmem:$0xDAD0]  }
0x248: {  	v39 =	vadd.f32 v7, v5;
	v5 =	vadd.f32 $0.0e+00, v49;
	v49 =	vld [tilespmem:$0xDB70]  }
0x249: {  	v7 =	vadd.f32 $0.0e+00, v51;
	v51 =	vld [tilespmem:$0xDB50]  }
0x24a: {  	v2 =	vadd.f32 v46, v2;
	v46 =	vld [tilespmem:$0xDBA0]  }
0x24b: {  	v38 =	vadd.f32 v3, v1;
	v3 =	vadd.f32 $0.0e+00, v43;
	v43 =	vld [tilespmem:$0xDBD0]  }
0x24c: {  	v1 =	vadd.f32 $0.0e+00, v41;
	v41 =	vld [tilespmem:$0xDBF0]  }
0x24d: {  	[tilespmem:$0x1FFC0] =	vst v0;
	v0 =	vadd.f32 $0.0e+00, v40;
	v40 =	vld [tilespmem:$0xDC00]  }
0x24e: {  	v5 =	vadd.f32 v53, v5;
	v53 =	vld [tilespmem:$0xDB30]  }
0x24f: {  	v8 =	vadd.f32 v6, v4;
	v6 =	vadd.f32 $0.0e+00, v50;
	v50 =	vld [tilespmem:$0xDB60]  }
0x250: {  	v4 =	vadd.f32 $0.0e+00, v48;
	v48 =	vld [tilespmem:$0xDB80]  }
0x251: {  	[tilespmem:$0x1FFF0] =	vst v39;
	v39 =	vld [tilespmem:$0xDC10]  }
0x252: {  	v3 =	vadd.f32 v47, v3;
	v47 =	vld [tilespmem:$0xDB90]  }
0x253: {  	v1 =	vadd.f32 v45, v1;
	v45 =	vld [tilespmem:$0xDBB0]  }
0x254: {  	v0 =	vadd.f32 v44, v0;
	v44 =	vld [tilespmem:$0xDBC0]  }
0x255: {  	[tilespmem:$0x1FFE0] =	vst v38;
	v38 =	vld [tilespmem:$0xDC20]  }
0x256: {  	v7 =	vadd.f32 v12, v7;
	v12 =	vld [tilespmem:$0x1FCD0]  }
0x257: {  	v2 =	vadd.f32 v10, v2;
	v10 =	vld [tilespmem:$0xDDE0]  }
0x258: {  	v4 =	vadd.f32 v52, v4;
	v52 =	vld [tilespmem:$0xDB40]  }
0x259: {  	v6 =	vadd.f32 v63, v6;
	v63 =	vld [tilespmem:$0x1FCC0]  }
0x25a: {  	v5 =	vadd.f32 v15, v5;
	v15 =	vld [tilespmem:$0x1FD00]  }
0x25b: {  	[tilespmem:$0x1FFD0] =	vst v8;
	v8 =	vld [tilespmem:$0xDE00]  }
0x25c: {  	v2 =	vadd.f32 v20, v2;
	v20 =	vld [tilespmem:$0x1FC00]  }
0x25d: {  	v0 =	vadd.f32 v13, v0;
	v13 =	vld [tilespmem:$0x1FCE0]  }
0x25e: {  	v7 =	vadd.f32 v17, v7;
	v17 =	vld [tilespmem:$0x1FD20]  }
0x25f: {  	v3 =	vadd.f32 v11, v3;
	v11 =	vld [tilespmem:$0xDDD0]  }
0x260: {  	v1 =	vadd.f32 v9, v1;
	v9 =	vld [tilespmem:$0xDDF0]  }
0x261: {  	v5 =	vadd.f32 v23, v5;
	v23 =	vld [tilespmem:$0x1FC30]  }
0x262: {  	v4 =	vadd.f32 v14, v4;
	v14 =	vld [tilespmem:$0x1FCF0]  }
0x263: {  	v6 =	vadd.f32 v16, v6;
	v16 =	vld [tilespmem:$0x1FD10]  }
0x264: {  	v0 =	vadd.f32 v18, v0;
	v18 =	vld [tilespmem:$0x1FBE0]  }
0x265: {  	v1 =	vadd.f32 v19, v1;
	v19 =	vld [tilespmem:$0x1FBF0]  }
0x266: {  	v3 =	vadd.f32 v21, v3;
	v21 =	vld [tilespmem:$0x1FC10]  }
0x267: {  	v7 =	vadd.f32 v25, v7;
	v25 =	vld [tilespmem:$0x1FC50]  }
0x268: {  	v2 =	vadd.f32 v28, v2;
	v28 =	vld [tilespmem:$0x1FC80]  }
0x269: {  	v4 =	vadd.f32 v22, v4;
	v22 =	vld [tilespmem:$0x1FC20]  }
0x26a: {  	v6 =	vadd.f32 v24, v6;
	v24 =	vld [tilespmem:$0x1FC40]  }
0x26b: {  	v5 =	vadd.f32 v31, v5;
	v31 =	vld [tilespmem:$0x1FCB0]  }
0x26c: {  	v2 =	vadd.f32 v36, v2;
	v36 =	vld [tilespmem:$0xDC40]  }
0x26d: {  	v0 =	vadd.f32 v26, v0;
	v26 =	vld [tilespmem:$0x1FC60]  }
0x26e: {  	v1 =	vadd.f32 v27, v1;
	v27 =	vld [tilespmem:$0x1FC70]  }
0x26f: {  	v7 =	vadd.f32 v33, v7;
	v33 =	vld [tilespmem:$0xDC70]  }
0x270: {  	v3 =	vadd.f32 v29, v3;
	v29 =	vld [tilespmem:$0x1FC90]  }
0x271: {  	v6 =	vadd.f32 v32, v6;
	v32 =	vld [tilespmem:$0xDC80]  }
0x272: {  	v4 =	vadd.f32 v30, v4;
	v30 =	vld [tilespmem:$0x1FCA0]  }
0x273: {  	v3 =	vadd.f32 v37, v3;
	v37 =	vld [tilespmem:$0xDC30]  }
0x274: {  	v1 =	vadd.f32 v35, v1;
	v35 =	vld [tilespmem:$0xDC50]  }
0x275: {  	v0 =	vadd.f32 v34, v0;
	v34 =	vld [tilespmem:$0xDC60]  }
0x276: {  	v4 =	vadd.f32 v18, v4;
	v18 =	vld [tilespmem:$0x1FD30]  }
0x277: {  	v5 =	vadd.f32 v19, v5;
	v19 =	vld [tilespmem:$0x1FD40]  }
0x278: {  	v6 =	vadd.f32 v20, v6;
	v20 =	vld [tilespmem:$0x1FD50]  }
0x279: {  	v7 =	vadd.f32 v21, v7;
	v21 =	vld [tilespmem:$0x1FD60]  }
0x27a: {  	v0 =	vadd.f32 v22, v0;
	v22 =	vld [tilespmem:$0x1FD70]  }
0x27b: {  	v3 =	vadd.f32 v25, v3;
	v25 =	vld [tilespmem:$0xDCF0]  }
0x27c: {  	v1 =	vadd.f32 v23, v1;
	v23 =	vld [tilespmem:$0x1FD80]  }
0x27d: {  	v2 =	vadd.f32 v24, v2;
	v24 =	vld [tilespmem:$0x1FD90]  }
0x27e: {  	v7 =	vadd.f32 v29, v7;
	v29 =	vld [tilespmem:$0xDCB0]  }
0x27f: {  	v6 =	vadd.f32 v28, v6;
	v28 =	vld [tilespmem:$0xDCC0]  }
0x280: {  	v2 =	vadd.f32 v63, v2;
	v63 =	vld [tilespmem:$0x1FDA0]  }
0x281: {  	v5 =	vadd.f32 v27, v5;
	v27 =	vld [tilespmem:$0xDCD0];
	v0 =	vadd.f32 v30, v0  }
0x282: {  	v4 =	vadd.f32 v26, v4;
	v26 =	vld [tilespmem:$0xDCE0]  }
0x283: {  	v3 =	vadd.f32 v12, v3;
	v12 =	vld [tilespmem:$0x1FDB0];
	v0 =	vadd.f32 v17, v0  }
0x284: {  	v1 =	vadd.f32 v31, v1;
	v31 =	vld [tilespmem:$0xDC90]  }
0x285: {  	v0 =	vadd.f32 v63, v0;
	v63 =	vld [tilespmem:$0x1FE30]  }
0x286: {  	v30 =	vld [tilespmem:$0xDCA0];
	v1 =	vadd.f32 v18, v1  }
0x287: {  	v4 =	vadd.f32 v13, v4;
	v13 =	vld [tilespmem:$0x1FDC0]  }
0x288: {  	v18 =	vld [tilespmem:$0x1FE10];
	v1 =	vadd.f32 v12, v1  }
0x289: {  	v5 =	vadd.f32 v14, v5;
	v7 =	vadd.f32 v16, v7;
	v14 =	vld [tilespmem:$0x1FDD0]  }
0x28a: {  	v6 =	vadd.f32 v15, v6;
	v1 =	vadd.f32 v63, v1;
	v63 =	vld [tilespmem:$0x1FE90]  }
0x28b: {  	v15 =	vld [tilespmem:$0x1FDE0];
	v2 =	vadd.f32 v19, v2;
	v7 =	vadd.f32 v24, v7  }
0x28c: {  	v16 =	vld [tilespmem:$0x1FDF0]  }
0x28d: {  	v2 =	vadd.f32 v13, v2;
	v13 =	vld [tilespmem:$0x1FE50];
	v7 =	vadd.f32 v18, v7  }
0x28e: {  	v3 =	vadd.f32 v20, v3;
	v17 =	vld [tilespmem:$0x1FE00]  }
0x28f: {  	v7 =	vadd.f32 v63, v7;
	v63 =	vld [tilespmem:$0x1FED0]  }
0x290: {  	v20 =	vld [tilespmem:$0xDD40];
	v5 =	vadd.f32 v22, v5;
	v3 =	vadd.f32 v14, v3  }
0x291: {  	v12 =	vld [tilespmem:$0x1FE40]  }
0x292: {  	v5 =	vadd.f32 v16, v5;
	v16 =	vld [tilespmem:$0x1FE80];
	v3 =	vadd.f32 v13, v3  }
0x293: {  	v19 =	vld [tilespmem:$0x1FE20];
	v6 =	vadd.f32 v23, v6  }
0x294: {  	v3 =	vadd.f32 v63, v3;
	v63 =	vld [tilespmem:$0x1FF00]  }
0x295: {  	v24 =	vld [tilespmem:$0xDD00];
	v6 =	vadd.f32 v17, v6  }
0x296: {  	v23 =	vld [tilespmem:$0xDD10]  }
0x297: {  	v2 =	vadd.f32 v12, v2;
	v12 =	vld [tilespmem:$0x1FEA0];
	v6 =	vadd.f32 v16, v6  }
0x298: {  	v22 =	vld [tilespmem:$0xDD20]  }
0x299: {  	v6 =	vadd.f32 v63, v6;
	v63 =	vld [tilespmem:$0x1FF20]  }
0x29a: {  	v4 =	vadd.f32 v21, v4;
	v21 =	vld [tilespmem:$0xDD30];
	v0 =	vadd.f32 v19, v0  }
0x29b: {  	v14 =	vld [tilespmem:$0x1FE60]  }
0x29c: {  	v13 =	vld [tilespmem:$0x1FEB0];
	v0 =	vadd.f32 v12, v0  }
0x29d: {  	v4 =	vadd.f32 v15, v4;
	v15 =	vld [tilespmem:$0x1FE70]  }
0x29e: {  	v0 =	vadd.f32 v63, v0;
	v63 =	vld [tilespmem:$0x1FF30]  }
0x29f: {  	v19 =	vld [tilespmem:$0xDD50]  }
0x2a0: {  	v18 =	vld [tilespmem:$0xDD60]  }
0x2a1: {  	v4 =	vadd.f32 v14, v4;
	v14 =	vld [tilespmem:$0x1FEC0];
	v1 =	vadd.f32 v13, v1  }
0x2a2: {  	v12 =	vld [tilespmem:$0x1FEE0]  }
0x2a3: {  	v1 =	vadd.f32 v63, v1;
	v63 =	vld [tilespmem:$0x1FF40]  }
0x2a4: {  	v17 =	vld [tilespmem:$0xDD70]  }
0x2a5: {  	v16 =	vld [tilespmem:$0xDD80]  }
0x2a6: {  	v2 =	vadd.f32 v14, v2;
	v13 =	vld [tilespmem:$0x1FEF0]  }
0x2a7: {  	v4 =	vadd.f32 v12, v4;
	v12 =	vld [tilespmem:$0x1FF10]  }
0x2a8: {  	v2 =	vadd.f32 v63, v2;
	v63 =	vld [tilespmem:$0x1FF50]  }
0x2a9: {  	v5 =	vadd.f32 v15, v5;
	v15 =	vld [tilespmem:$0xDD90]  }
0x2aa: {  	v14 =	vld [tilespmem:$0xDDA0]  }
0x2ab: {  	v5 =	vadd.f32 v13, v5;
	v13 =	vld [tilespmem:$0xDDB0];
	v2 =	vadd.f32 v62, v2  }
0x2ac: {  	v7 =	vadd.f32 v12, v7;
	v12 =	vld [tilespmem:$0xDDC0]  }
0x2ad: {  	v2 =	vadd.f32 v54, v2;
	v3 =	vadd.f32 v63, v3;
	v63 =	vld [tilespmem:$0x1FF60]  }
0x2ae: {  	v62 =	vld [tilespmem:$0xDF90]  }
0x2af: {  	v54 =	vld [tilespmem:$0xDF50];
	v2 =	vadd.f32 v46, v2  }
0x2b0: {  	v46 =	vld [tilespmem:$0xDEF0];
	v3 =	vadd.f32 v61, v3  }
0x2b1: {  	v61 =	vld [tilespmem:$0xDE20];
	v2 =	vadd.f32 v38, v2  }
0x2b2: {  	v3 =	vadd.f32 v53, v3;
	v4 =	vadd.f32 v63, v4;
	v63 =	vld [tilespmem:$0x1FF70]  }
0x2b3: {  	v38 =	vld [tilespmem:$0xDFF0]  }
0x2b4: {  	v53 =	vld [tilespmem:$0xDE60];
	v2 =	vadd.f32 v30, v2;
	v3 =	vadd.f32 v45, v3  }
0x2b5: {  	v30 =	vld [tilespmem:$0xDFB0];
	v4 =	vadd.f32 v60, v4  }
0x2b6: {  	v45 =	vld [tilespmem:$0xDEA0];
	v2 =	vadd.f32 v22, v2;
	v3 =	vadd.f32 v37, v3  }
0x2b7: {  	v4 =	vadd.f32 v52, v4;
	v5 =	vadd.f32 v63, v5;
	v63 =	vld [tilespmem:$0x1FF80]  }
0x2b8: {  	v60 =	vld [tilespmem:$0xDF80];
	v2 =	vadd.f32 v14, v2;
	v3 =	vadd.f32 v29, v3  }
0x2b9: {  	v37 =	vld [tilespmem:$0xDEE0];
	v4 =	vadd.f32 v44, v4;
	v5 =	vadd.f32 v59, v5  }
0x2ba: {  	v52 =	vld [tilespmem:$0xDF40];
	v2 =	vadd.f32 v61, v2;
	v3 =	vadd.f32 v21, v3  }
0x2bb: {  	v59 =	vld [tilespmem:$0xDE30];
	v4 =	vadd.f32 v36, v4;
	v5 =	vadd.f32 v51, v5  }
0x2bc: {  	v2 =	vadd.f32 v45, v2;
	v6 =	vadd.f32 v63, v6;
	v63 =	vld [tilespmem:$0x1FF90]  }
0x2bd: {  	v44 =	vld [tilespmem:$0xE020];
	v4 =	vadd.f32 v28, v4;
	v5 =	vadd.f32 v43, v5  }
0x2be: {  	v36 =	vld [tilespmem:$0xDFE0];
	v3 =	vadd.f32 v13, v3;
	v6 =	vadd.f32 v58, v6  }
0x2bf: {  	v43 =	vld [tilespmem:$0xDEB0];
	v4 =	vadd.f32 v20, v4;
	v5 =	vadd.f32 v35, v5  }
0x2c0: {  	v3 =	vadd.f32 v59, v3;
	v6 =	vadd.f32 v50, v6;
	v50 =	vld [tilespmem:$0xDF30]  }
0x2c1: {  	v7 =	vadd.f32 v63, v7;
	v63 =	vld [tilespmem:$0x1FFA0];
	v5 =	vadd.f32 v27, v5  }
0x2c2: {  	v45 =	vld [tilespmem:$0xE030];
	v4 =	vadd.f32 v12, v4;
	v6 =	vadd.f32 v42, v6  }
0x2c3: {  	v51 =	vld [tilespmem:$0xDE70];
	v7 =	vadd.f32 v57, v7;
	v5 =	vadd.f32 v19, v5  }
0x2c4: {  	v3 =	vadd.f32 v43, v3;
	v57 =	vld [tilespmem:$0xDE40];
	v6 =	vadd.f32 v34, v6  }
0x2c5: {  	v28 =	vld [tilespmem:$0xDFA0];
	v7 =	vadd.f32 v49, v7;
	v5 =	vadd.f32 v11, v5  }
0x2c6: {  	v58 =	vld [tilespmem:$0xDF70];
	v3 =	vadd.f32 v50, v3;
	v0 =	vadd.f32 v63, v0  }
0x2c7: {  	v63 =	vld [tilespmem:$0x1FFB0];
	v6 =	vadd.f32 v26, v6;
	v7 =	vadd.f32 v41, v7  }
0x2c8: {  	v42 =	vld [tilespmem:$0xE010];
	v3 =	vadd.f32 v30, v3;
	v0 =	vadd.f32 v56, v0  }
0x2c9: {  	v41 =	vld [tilespmem:$0xDEC0];
	v6 =	vadd.f32 v18, v6;
	v4 =	vadd.f32 v57, v4  }
0x2ca: {  	v34 =	vld [tilespmem:$0xDFD0];
	v7 =	vadd.f32 v33, v7;
	v3 =	vadd.f32 v45, v3  }
0x2cb: {  	v49 =	vld [tilespmem:$0xDE80];
	v0 =	vadd.f32 v48, v0;
	v6 =	vadd.f32 v10, v6  }
0x2cc: {  	v50 =	vld [tilespmem:$0xE080];
	v1 =	vadd.f32 v63, v1;
	v7 =	vadd.f32 v25, v7  }
0x2cd: {  	v48 =	vld [tilespmem:$0xDF20];
	v0 =	vadd.f32 v40, v0;
	v6 =	vadd.f32 v53, v6  }
0x2ce: {  	v56 =	vld [tilespmem:$0xDF60];
	v4 =	vadd.f32 v41, v4;
	v1 =	vadd.f32 v55, v1  }
0x2cf: {  	v57 =	vld [tilespmem:$0xE0F0];
	v7 =	vadd.f32 v17, v7;
	v0 =	vadd.f32 v32, v0  }
0x2d0: {  	v53 =	vld [tilespmem:$0xE0B0];
	v6 =	vadd.f32 v37, v6;
	v4 =	vadd.f32 v52, v4  }
0x2d1: {  	v55 =	vld [tilespmem:$0xDE50];
	v1 =	vadd.f32 v47, v1;
	v7 =	vadd.f32 v9, v7  }
0x2d2: {  	v33 =	vld [tilespmem:$0xDF00];
	v2 =	vadd.f32 v48, v2;
	v0 =	vadd.f32 v24, v0  }
0x2d3: {  	v32 =	vld [tilespmem:$0xDFC0];
	v6 =	vadd.f32 v56, v6;
	v1 =	vadd.f32 v39, v1  }
0x2d4: {  	v63 =	vld [tilespmem:$0xDE10];
	v7 =	vadd.f32 v51, v7;
	v2 =	vadd.f32 v28, v2  }
0x2d5: {  	v48 =	vld [tilespmem:$0xE060];
	v3 =	vadd.f32 v53, v3;
	v0 =	vadd.f32 v16, v0  }
0x2d6: {  	v52 =	vld [tilespmem:$0xE0A0];
	v5 =	vadd.f32 v55, v5;
	v1 =	vadd.f32 v31, v1  }
0x2d7: {  	v39 =	vld [tilespmem:$0xDED0];
	v6 =	vadd.f32 v36, v6;
	v7 =	vadd.f32 v46, v7  }
0x2d8: {  	v56 =	vld [tilespmem:$0xE0E0];
	v4 =	vadd.f32 v32, v4;
	v1 =	vadd.f32 v23, v1  }
0x2d9: {  	v47 =	vld [tilespmem:$0xDE90];
	v2 =	vadd.f32 v44, v2;
	v0 =	vadd.f32 v8, v0  }
0x2da: {  	v31 =	vld [tilespmem:$0xDF10];
	v6 =	vadd.f32 v48, v6;
	v1 =	vadd.f32 v15, v1  }
0x2db: {  	v46 =	vld [tilespmem:$0xE040];
	v7 =	vadd.f32 v58, v7;
	v2 =	vadd.f32 v52, v2  }
0x2dc: {  	v40 =	vld [tilespmem:$0xE000];
	v5 =	vadd.f32 v39, v5;
	v1 =	vadd.f32 v63, v1  }
0x2dd: {  	v0 =	vadd.f32 v49, v0;
	v49 =	vld [tilespmem:$0xE070];
	v6 =	vadd.f32 v56, v6  }
0x2de: {  	v5 =	vadd.f32 v54, v5;
	v54 =	vld [tilespmem:$0xE0C0];
	v1 =	vadd.f32 v47, v1  }
0x2df: {  	v7 =	vadd.f32 v38, v7;
	v0 =	vadd.f32 v33, v0;
	v47 =	vld [tilespmem:$0xE050]  }
0x2e0: {  	v51 =	vld [tilespmem:$0xE090];
	v4 =	vadd.f32 v46, v4;
	v1 =	vadd.f32 v31, v1  }
0x2e1: {  	v55 =	vld [tilespmem:$0xE0D0];
	v0 =	vadd.f32 v60, v0;
	v5 =	vadd.f32 v34, v5  }
0x2e2: {  	v61 =	vld [tilespmem:$0x1FFD0];
	v7 =	vadd.f32 v49, v7;
	v1 =	vadd.f32 v62, v1  }
0x2e3: {  	v63 =	vld [tilespmem:$0x1FFF0];
	v0 =	vadd.f32 v40, v0;
	v4 =	vadd.f32 v54, v4  }
0x2e4: {  	v60 =	vld [tilespmem:$0x1FFC0];
	v5 =	vadd.f32 v47, v5;
	v1 =	vadd.f32 v42, v1  }
0x2e5: {  	v7 =	vadd.f32 v57, v7;
	v0 =	vadd.f32 v50, v0;
	v62 =	vld [tilespmem:$0x1FFE0]  }
0x2e6: {  	v5 =	vadd.f32 v55, v5;
	v1 =	vadd.f32 v51, v1  }
0x2e7: {  	v58 =	vadd.f32 v6, v4;
	v0 =	vadd.f32 v2, v0  }
0x2e8: {  	s31 =	sshra.s32 s17, $0x2;
	s17 =	sadd.s32 $0x80, s17;
	v59 =	vadd.f32 v7, v5;
	v1 =	vadd.f32 v3, v1  }
0x2e9: {  	p0 =	sne.s32 s17, $0x4000;
	v4 =	vadd.f32 v61, v60;
	v0 =	vadd.f32 v58, v0  }
.Ltmp1:
0x2ea: {  	v2 =	vadd.f32 v63, v62;
	v1 =	vadd.f32 v59, v1;
	(pc) =	sbr.rel @p0 .LBB2_4-.Ltmp1, $4  }
0x2eb: {  	v0 =	vadd.f32 v0, v4  }
0x2ec: {  	v1 =	vadd.f32 v1, v2  }
0x2ed: {  	[tilespmem:s31+$0xE100] =	vst v0  }
0x2ee: {  	s18 =	sadd.s32 $0xC8, s18;
	[tilespmem:s31+$0xE110] =	vst v1  }
0x2ef: {  	s16 =	sadd.s32 $0x1, s16  }
0x2f0: {  	p0 =	sne.s32 s16, s6  }
.Ltmp2:
0x2f1: {  	_ = 	snop;
	(pc) =	sbr.rel @p0 .LBB2_1-.Ltmp2, $4  }
0x2f2: {  	[hbm4b:s5+s2] =	stream.linear.scatter [tilespmem:s15], [sflag:$0x3], $0x1000, $0x38;
	[tilespmem:$0xF100] =	vst v63  }
0x2f3: {  	_ =	swait.ge [sflag:s7], $0x1000  }
0x2f4: {  	[sflag:s7] =	ssyncset.done $0x0  }
0x2f5: {  	[sflag:s7] =	ssyncadd.s32 $0xFFFFF000  }
0x2f6: {  	_ =	sfence.sel $0x180000  }
0x2f7: {  	[bflag:$0x0] =	sbarrier.arrive $0xFFFF  }
0x2f8: {  	p0 =	sne.s32 s0, $0x0;
	_ =	strace $0x90000047  }
0x2f9: {  	s0 =	sadd.s32 @!p0 $0x100000, s1;
	[bflag:$0x2] =	sbarrier.arrive $0xFFFF  }
0x2fa: {  	[sflag:s0] =	ssyncadd.tile.s32 @!p0 $0x1;
	_ =	shalt  }
.Lfunc_end2:
_tile_overlayer_lowered:
.L_overlay_start_2:
0x2fb: {  	(tag) =	ssettag $0x2  }
0x2fc: {  	s0 =	rddreg [dreg:$0x0];
	s2 =	stileid.u32  }
0x2fd: {  	s1 =	rddreg [dreg:$0x1];
	p0 =	sne.s32 s2, $0x0  }
0x2fe: {  	s3 =	rddreg [dreg:$0x2];
	[bflag:$0x3] =	sbarrier.arrive $0xFFFF;
	s2 =	simm.s32 @!p0 $0x1C03  }
0x2ff: {  	[timem:s3], [sflag:s2] =	dma.local @!p0 [hbm:s0], s1  }
0x300: {  	s0 =	simm.s32 @!p0 $0x3  }
0x301: {  	_ =	swait.ge @!p0 [sflag:s0], s1  }
0x302: {  	s1 =	ssub.s32 @!p0 $0x0, s1;
	[sflag:s0] =	ssyncset.done @!p0 $0x0  }
0x303: {  	[sflag:s0] =	ssyncadd.s32 @!p0 s1  }
0x304: {  	[bflag:$0x3] =	sbarrier.arrive $0xFFFF  }
0x305: {  	_ =	shalt  }

</sc_bundles>
